<compile_context>
chip_gen: v7x
topology: tpu7x:2x2x1
jax: 0.10.2.dev20260603
libtpu: 0.0.44.dev20260713+nightly
codegen_flags: <defaults>
</compile_context>

<pallas_src>
import dataclasses
import functools

import jax
import jax.numpy as jnp
from jax import lax
from jax.experimental import pallas as pl
from jax.experimental.pallas import tpu as pltpu
from jax.experimental.pallas import tpu_sc as plsc

N = 10000
E = 160000
F = 256

NC = 2
NS = 16
NT = NC * NS
L = 16
CPT = F // NT

NPAD = 10240
WIN = 1024
NW = 158
EPAD = WIN * NW
EPT = EPAD // NT
GRP = EPT // L

_mesh = plsc.VectorSubcoreMesh(core_axis_name="c", subcore_axis_name="s")

_sc_params = pltpu.CompilerParams()
if "needs_layout_passes" in pltpu.CompilerParams.__dataclass_fields__:
    _sc_params = dataclasses.replace(_sc_params, needs_layout_passes=False)
_sc_main_params = dataclasses.replace(_sc_params, use_tc_tiling_on_sc=False)


EPSC = EPAD // NS
GRP1 = EPSC // L
SNOD = NPAD // NS


@functools.partial(
    pl.kernel,
    mesh=_mesh,
    compiler_params=_sc_main_params,
    out_type=[jax.ShapeDtypeStruct((EPAD,), jnp.float32),
              jax.ShapeDtypeStruct((EPAD,), jnp.int32)],
    scratch_types=[
        pltpu.VMEM((EPSC,), jnp.int32),
        pltpu.VMEM((EPSC,), jnp.int32),
        pltpu.VMEM((EPSC,), jnp.float32),
        pltpu.VMEM((EPT,), jnp.float32),
        pltpu.VMEM((EPT,), jnp.int32),
        pltpu.VMEM((NPAD,), jnp.float32),
        pltpu.VMEM((SNOD,), jnp.float32),
        pltpu.VMEM((SNOD,), jnp.float32),
        pltpu.VMEM_SHARED((NS, NPAD), jnp.float32),
        pltpu.VMEM_SHARED((NPAD,), jnp.float32),
    ],
)
def _sc_prep(src_hbm, dst_hbm, attr_hbm, lam_out, dv8_out,
             src_v, dst_v, attr_v, lam_v, dv8_v, deg_v, rsum, rin,
             deg_sh, dis_sh):
    cid = lax.axis_index("c")
    sid = lax.axis_index("s")
    zero = jnp.zeros((L,), jnp.float32)

    base1 = sid * EPSC
    pltpu.sync_copy(src_hbm.at[pl.ds(base1, EPSC)], src_v)
    pltpu.sync_copy(dst_hbm.at[pl.ds(base1, EPSC)], dst_v)
    pltpu.sync_copy(attr_hbm.at[pl.ds(base1, EPSC)], attr_v)

    @pl.loop(0, NPAD // (8 * L))
    def _(i):
        for u in range(8):
            deg_v[pl.ds((i * 8 + u) * L, L)] = zero

    @pl.loop(0, GRP1)
    def _(g):
        sv = src_v[pl.ds(g * L, L)]
        dv = dst_v[pl.ds(g * L, L)]
        wv = attr_v[pl.ds(g * L, L)]
        w = jnp.where(sv == dv, 0.0, wv)
        plsc.addupdate_scatter(deg_v, [sv], w)

    pltpu.sync_copy(deg_v, deg_sh.at[sid])
    plsc.subcore_barrier()

    nb = sid * SNOD
    pltpu.sync_copy(deg_sh.at[0, pl.ds(nb, SNOD)], rsum)
    for k in range(1, NS):
        pltpu.sync_copy(deg_sh.at[k, pl.ds(nb, SNOD)], rin)

        @pl.loop(0, SNOD // L)
        def _(i):
            rsum[pl.ds(i * L, L)] = rsum[pl.ds(i * L, L)] + rin[pl.ds(i * L, L)]

    magic = jnp.full((L,), 0x5F3759DF, jnp.int32)

    @pl.loop(0, SNOD // L)
    def _(i):
        d = rsum[pl.ds(i * L, L)]
        y = plsc.bitcast(magic - (plsc.bitcast(d, jnp.int32) >> 1),
                         jnp.float32)
        for _ in range(3):
            y = y * (1.5 - 0.5 * d * y * y)
        rsum[pl.ds(i * L, L)] = jnp.where(d > 0, y, 0.0)

    pltpu.sync_copy(rsum, dis_sh.at[pl.ds(nb, SNOD)])
    plsc.subcore_barrier()
    pltpu.sync_copy(dis_sh, deg_v)

    base3 = (cid * NS + sid) * EPT
    pltpu.sync_copy(src_hbm.at[pl.ds(base3, EPT)], src_v.at[pl.ds(0, EPT)])
    pltpu.sync_copy(dst_hbm.at[pl.ds(base3, EPT)], dst_v.at[pl.ds(0, EPT)])
    pltpu.sync_copy(attr_hbm.at[pl.ds(base3, EPT)], attr_v.at[pl.ds(0, EPT)])

    @pl.loop(0, GRP)
    def _(g):
        sv = src_v[pl.ds(g * L, L)]
        dv = dst_v[pl.ds(g * L, L)]
        wv = attr_v[pl.ds(g * L, L)]
        w = jnp.where(sv == dv, 0.0, wv)
        dis_s = plsc.load_gather(deg_v, [sv])
        dis_d = plsc.load_gather(deg_v, [dv])
        lam_v[pl.ds(g * L, L)] = -(dis_s * w * dis_d)
        dv8_v[pl.ds(g * L, L)] = dv << 3

    pltpu.sync_copy(lam_v, lam_out.at[pl.ds(base3, EPT)])
    pltpu.sync_copy(dv8_v, dv8_out.at[pl.ds(base3, EPT)])


@functools.partial(
    pl.kernel,
    mesh=_mesh,
    compiler_params=_sc_main_params,
    out_type=jax.ShapeDtypeStruct((NT, NPAD * CPT), jnp.float32),
    scratch_types=[
        pltpu.VMEM((NPAD * CPT,), jnp.float32),
        pltpu.VMEM((8, 128), jnp.int32),
        pltpu.VMEM((8, 128), jnp.int32),
        pltpu.VMEM((WIN,), jnp.int32),
        pltpu.VMEM((WIN,), jnp.int32),
        pltpu.VMEM((WIN,), jnp.float32),
        pltpu.VMEM((WIN,), jnp.float32),
        pltpu.VMEM((WIN, CPT), jnp.float32),
        pltpu.VMEM((WIN, CPT), jnp.float32),
        pltpu.SemaphoreType.DMA,
        pltpu.SemaphoreType.DMA,
        pltpu.SemaphoreType.DMA,
        pltpu.SemaphoreType.DMA,
    ],
)
def _sc_main(xt_hbm, src2d_hbm, dst_hbm, lam_hbm, tx_out,
             acc, sw0, sw1, dw0, dw1, lw0, lw1, gb0, gb1,
             ms0, ms1, gs0, gs1):
    cid = lax.axis_index("c")
    sid = lax.axis_index("s")
    tile = cid * NS + sid
    roff = tile * N

    sw = (sw0, sw1)
    dw = (dw0, dw1)
    lw = (lw0, lw1)
    gb = (gb0, gb1)
    ms = (ms0, ms1)
    gs = (gs0, gs1)

    zero = jnp.zeros((L,), jnp.float32)
    iota = lax.iota(jnp.int32, L)
    io8 = iota >> 3
    col8 = iota & 7

    @pl.loop(0, NPAD * CPT // (8 * L))
    def _(i):
        for u in range(8):
            acc[pl.ds((i * 8 + u) * L, L)] = zero

    def issue_meta(w, p):
        pltpu.async_copy(src2d_hbm.at[pl.ds(w * 8, 8)], sw[p], ms[p])
        pltpu.async_copy(dst_hbm.at[pl.ds(w * WIN, WIN)], dw[p], ms[p])
        pltpu.async_copy(lam_hbm.at[pl.ds(w * WIN, WIN)], lw[p], ms[p])

    def wait_meta(w, p):
        pltpu.make_async_copy(src2d_hbm.at[pl.ds(w * 8, 8)], sw[p], ms[p]).wait()
        pltpu.make_async_copy(dst_hbm.at[pl.ds(w * WIN, WIN)], dw[p], ms[p]).wait()
        pltpu.make_async_copy(lam_hbm.at[pl.ds(w * WIN, WIN)], lw[p], ms[p]).wait()

    def issue_gathers(p):
        for j in range(8):
            for k in range(8):
                sl = (j, pl.ds(k * L, L))
                sw[p][sl] = sw[p][sl] + roff
        for j in range(8):
            pltpu.async_copy(xt_hbm.at[sw[p].at[j]],
                             gb[p].at[pl.ds(j * 128, 128)], gs[p])

    def wait_gathers(p):
        pltpu.make_async_copy(xt_hbm.at[pl.ds(0, WIN)], gb[p], gs[p]).wait()

    issue_meta(0, 0)
    wait_meta(0, 0)
    issue_gathers(0)
    issue_meta(1, 1)

    @pl.loop(0, NW, step=2)
    def _(i):
        for par in (0, 1):
            w = i + par
            q = 1 - par

            @pl.when(w + 1 < NW)
            def _():
                wait_meta(w + 1, q)
                issue_gathers(q)

            wait_gathers(par)
            gflat = gb[par]
            dvw = dw[par]
            lmw = lw[par]

            @plsc.parallel_loop(0, WIN // 2, unroll=8)
            def _(p):
                pvec = jnp.full((L,), 2 * p, jnp.int32) + io8
                g = plsc.load_gather(gflat, [pvec, col8])
                lm = plsc.load_gather(lmw, [pvec])
                dv8 = plsc.load_gather(dvw, [pvec])
                plsc.addupdate_scatter(acc, [dv8 | col8], g * lm)

            @pl.when(w + 2 < NW)
            def _():
                issue_meta(w + 2, par)

    pltpu.sync_copy(acc, tx_out.at[tile])


def _m0_body(x_ref, w0t_ref, b_ref, o_ref):
    o_ref[...] = jnp.dot(x_ref[...], w0t_ref[...],
                         precision=lax.Precision.HIGHEST,
                         preferred_element_type=jnp.float32) + b_ref[...]


def _tc_m0(x, w0t, b2):
    blk = 1000
    return pl.pallas_call(
        _m0_body,
        grid=(N // blk,),
        in_specs=[
            pl.BlockSpec((blk, F), lambda i: (i, 0)),
            pl.BlockSpec((F, F), lambda i: (0, 0)),
            pl.BlockSpec((1, F), lambda i: (0, 0)),
        ],
        out_specs=pl.BlockSpec((blk, F), lambda i: (i, 0)),
        out_shape=jax.ShapeDtypeStruct((N, F), jnp.float32),
    )(x, w0t, b2)


def _out_body(m0_ref, tx_ref, w1t_ref, o_ref):
    acc = m0_ref[...] + jnp.dot(tx_ref[...], w1t_ref[...],
                                precision=lax.Precision.HIGHEST,
                                preferred_element_type=jnp.float32)
    o_ref[...] = jnp.where(acc >= 0, acc, 0.01 * acc)


def _tc_out(m0, tx1, w1t):
    blk = 1000
    return pl.pallas_call(
        _out_body,
        grid=(N // blk,),
        in_specs=[
            pl.BlockSpec((blk, F), lambda i: (i, 0)),
            pl.BlockSpec((blk, F), lambda i: (i, 0)),
            pl.BlockSpec((F, F), lambda i: (0, 0)),
        ],
        out_specs=pl.BlockSpec((blk, F), lambda i: (i, 0)),
        out_shape=jax.ShapeDtypeStruct((N, F), jnp.float32),
    )(m0, tx1, w1t)


def kernel(x, edge_index, edge_attr, nroi, W0, W1, b):
    del nroi
    src = edge_index[0].astype(jnp.int32)
    dst = edge_index[1].astype(jnp.int32)
    pad = EPAD - E
    spread = (jnp.arange(pad, dtype=jnp.int32) * 61) % N
    src_p = jnp.concatenate([src, spread])
    dst_p = jnp.concatenate([dst, spread])
    attr_p = jnp.concatenate([edge_attr, jnp.zeros((pad,), jnp.float32)])

    lam, dv8 = _sc_prep(src_p, dst_p, attr_p)

    xt = x.reshape(N, NT, CPT).transpose(1, 0, 2).reshape(NT * N, CPT)
    src2d = src_p.reshape(NW * 8, 128)

    tx_parts = _sc_main(xt, src2d, dv8, lam)

    tx1 = tx_parts.reshape(NT, NPAD, CPT).transpose(1, 0, 2).reshape(NPAD, F)[:N]

    m0 = _tc_m0(x, W0.T, b.reshape(1, F))
    return _tc_out(m0, tx1, W1.T)

# --- scband reference (transcript-rebuilt; emitter-appended) ---
"""Pipeline reference for scband-gcn-unit-48473000903442 (READ-ONLY COPY).

The authoritative reference and input builder live on the scoring server;
editing this copy changes nothing except your own understanding.
"""

import jax, jax.numpy as jnp
import numpy as np

N, E, F = 10000, 160000, 256

def setup_inputs(seed: int = 0):
    key = jax.random.key(seed)
    ks = jax.random.split(key, 6)
    x = jax.random.normal(ks[0], (N, F), dtype=jnp.float32)
    edge_index = jax.random.randint(ks[1], (2, E), 0, N)
    edge_attr = jax.random.uniform(ks[2], (E,), dtype=jnp.float32)
    W0 = jax.random.normal(ks[3], (F, F), dtype=jnp.float32) / np.sqrt(F)
    W1 = jax.random.normal(ks[4], (F, F), dtype=jnp.float32) / np.sqrt(F)
    b = jnp.zeros((F,), dtype=jnp.float32)
    return {"x": x, "edge_index": edge_index, "edge_attr": edge_attr, "nroi": 100, "W0": W0, "W1": W1, "b": b}

def reference(x, edge_index, edge_attr, nroi, W0, W1, b):
    # GCN_Unit with base_layer='cheb', K=2, normalization_f=None, activation_f='lrelu'
    # ChebConv sym normalization, lambda_max=2.0 => scaled Laplacian L_hat = -D^{-1/2} A D^{-1/2}
    src = edge_index[0]
    dst = edge_index[1]
    w = jnp.where(src == dst, 0.0, edge_attr)  # remove_self_loops
    deg = jax.ops.segment_sum(w, src, num_segments=N)
    deg_safe = jnp.where(deg > 0, deg, 1.0)
    dis = jnp.where(deg > 0, 1.0 / jnp.sqrt(deg_safe), 0.0)
    w_norm = dis[src] * w * dis[dst]
    lam = -w_norm  # off-diagonal weights of scaled Laplacian (diag cancels to 0)
    # T_0(L)x = x ; T_1(L)x = L_hat x
    Tx1 = jax.ops.segment_sum(lam[:, None] * x[src], dst, num_segments=N)
    out = x @ W0.T + Tx1 @ W1.T + b
    # LeakyReLU(negative_slope=0.01)
    out = jnp.where(out >= 0, out, 0.01 * out)
    return out

if __name__ == "__main__":
    import jax
    _d = setup_inputs()
    print(jax.jit(kernel)(*tuple(_d.values())))

</pallas_src>

<mosaic_0001>
#map = affine_map<(d0, d1) -> (0)>
module attributes {stable_mosaic.version = 14 : i64} {
  func.func @_sc_prep(%arg0: i32, %arg1: i32, %arg2: memref<161792xi32, #tpu.memory_space<hbm>>, %arg3: memref<161792xi32, #tpu.memory_space<hbm>>, %arg4: memref<161792xf32, #tpu.memory_space<hbm>>, %arg5: memref<161792xf32, #tpu.memory_space<hbm>>, %arg6: memref<161792xi32, #tpu.memory_space<hbm>>, %arg7: memref<10112xi32, #tpu.memory_space<vmem>>, %arg8: memref<10112xi32, #tpu.memory_space<vmem>>, %arg9: memref<10112xf32, #tpu.memory_space<vmem>>, %arg10: memref<5056xf32, #tpu.memory_space<vmem>>, %arg11: memref<5056xi32, #tpu.memory_space<vmem>>, %arg12: memref<10240xf32, #tpu.memory_space<vmem>>, %arg13: memref<640xf32, #tpu.memory_space<vmem>>, %arg14: memref<640xf32, #tpu.memory_space<vmem>>, %arg15: memref<16x10240xf32, #tpu.memory_space<vmem_shared>>, %arg16: memref<10240xf32, #tpu.memory_space<vmem_shared>>) attributes {dimension_semantics = [#tpu.dimension_semantics<core_parallel>, #tpu.dimension_semantics<subcore_parallel>], iteration_bounds = array<i64: 2, 16>, scalar_prefetch = 0 : i64, scratch_operands = 10 : i64, tpu.core_type = #tpu.core_type<sc_vector_subcore>, window_params = [{transform_indices = #map}, {transform_indices = #map}, {transform_indices = #map}, {transform_indices = #map}, {transform_indices = #map}]} {
    %broadcast_in_dim3A = arith.constant 0.000000e+00 : f32
    %broadcast_in_dim3A_0 = vector.broadcast %broadcast_in_dim3A : f32 to vector<16xf32>
    %mul3A = arith.constant 10112 : i32
    %mul3A_1 = arith.muli %arg1, %mul3A : i32
    "tpu.region"() ({
      %run_scoped3A_120 = tpu.sem_alloc : memref<!tpu.dma_semaphore, #tpu.memory_space<semaphore_mem>>
      %dma_start3A = tpu.memref_slice %arg2[%mul3A_1] : memref<161792xi32, #tpu.memory_space<hbm>> -> memref<10112xi32, #tpu.memory_space<hbm>>
      %dma_start3A_121 = tpu.memref_slice %arg2[%mul3A_1] : memref<161792xi32, #tpu.memory_space<hbm>> -> memref<10112xi32, #tpu.memory_space<hbm>>
      tpu.enqueue_dma source(%dma_start3A_121 : memref<10112xi32, #tpu.memory_space<hbm>>) target(%arg7 : memref<10112xi32, #tpu.memory_space<vmem>>) target_semaphore(%run_scoped3A_120 : memref<!tpu.dma_semaphore, #tpu.memory_space<semaphore_mem>>)
      %dma_wait3A = tpu.memref_slice %arg2[%mul3A_1] : memref<161792xi32, #tpu.memory_space<hbm>> -> memref<10112xi32, #tpu.memory_space<hbm>>
      %dma_wait3A_122 = tpu.memref_slice %arg2[%mul3A_1] : memref<161792xi32, #tpu.memory_space<hbm>> -> memref<10112xi32, #tpu.memory_space<hbm>>
      tpu.wait_dma2 semaphore(%run_scoped3A_120 : memref<!tpu.dma_semaphore, #tpu.memory_space<semaphore_mem>>) src(%dma_wait3A_122 : memref<10112xi32, #tpu.memory_space<hbm>>) dst(%arg7 : memref<10112xi32, #tpu.memory_space<vmem>>)
      tpu.yield
    }) : () -> ()
    "tpu.region"() ({
      %run_scoped3A_120 = tpu.sem_alloc : memref<!tpu.dma_semaphore, #tpu.memory_space<semaphore_mem>>
      %dma_start3A = tpu.memref_slice %arg3[%mul3A_1] : memref<161792xi32, #tpu.memory_space<hbm>> -> memref<10112xi32, #tpu.memory_space<hbm>>
      %dma_start3A_121 = tpu.memref_slice %arg3[%mul3A_1] : memref<161792xi32, #tpu.memory_space<hbm>> -> memref<10112xi32, #tpu.memory_space<hbm>>
      tpu.enqueue_dma source(%dma_start3A_121 : memref<10112xi32, #tpu.memory_space<hbm>>) target(%arg8 : memref<10112xi32, #tpu.memory_space<vmem>>) target_semaphore(%run_scoped3A_120 : memref<!tpu.dma_semaphore, #tpu.memory_space<semaphore_mem>>)
      %dma_wait3A = tpu.memref_slice %arg3[%mul3A_1] : memref<161792xi32, #tpu.memory_space<hbm>> -> memref<10112xi32, #tpu.memory_space<hbm>>
      %dma_wait3A_122 = tpu.memref_slice %arg3[%mul3A_1] : memref<161792xi32, #tpu.memory_space<hbm>> -> memref<10112xi32, #tpu.memory_space<hbm>>
      tpu.wait_dma2 semaphore(%run_scoped3A_120 : memref<!tpu.dma_semaphore, #tpu.memory_space<semaphore_mem>>) src(%dma_wait3A_122 : memref<10112xi32, #tpu.memory_space<hbm>>) dst(%arg8 : memref<10112xi32, #tpu.memory_space<vmem>>)
      tpu.yield
    }) : () -> ()
    "tpu.region"() ({
      %run_scoped3A_120 = tpu.sem_alloc : memref<!tpu.dma_semaphore, #tpu.memory_space<semaphore_mem>>
      %dma_start3A = tpu.memref_slice %arg4[%mul3A_1] : memref<161792xf32, #tpu.memory_space<hbm>> -> memref<10112xf32, #tpu.memory_space<hbm>>
      %dma_start3A_121 = tpu.memref_slice %arg4[%mul3A_1] : memref<161792xf32, #tpu.memory_space<hbm>> -> memref<10112xf32, #tpu.memory_space<hbm>>
      tpu.enqueue_dma source(%dma_start3A_121 : memref<10112xf32, #tpu.memory_space<hbm>>) target(%arg9 : memref<10112xf32, #tpu.memory_space<vmem>>) target_semaphore(%run_scoped3A_120 : memref<!tpu.dma_semaphore, #tpu.memory_space<semaphore_mem>>)
      %dma_wait3A = tpu.memref_slice %arg4[%mul3A_1] : memref<161792xf32, #tpu.memory_space<hbm>> -> memref<10112xf32, #tpu.memory_space<hbm>>
      %dma_wait3A_122 = tpu.memref_slice %arg4[%mul3A_1] : memref<161792xf32, #tpu.memory_space<hbm>> -> memref<10112xf32, #tpu.memory_space<hbm>>
      tpu.wait_dma2 semaphore(%run_scoped3A_120 : memref<!tpu.dma_semaphore, #tpu.memory_space<semaphore_mem>>) src(%dma_wait3A_122 : memref<10112xf32, #tpu.memory_space<hbm>>) dst(%arg9 : memref<10112xf32, #tpu.memory_space<vmem>>)
      tpu.yield
    }) : () -> ()
    %scan3A = arith.constant 0 : i32
    %scan3A_2 = arith.constant 80 : i32
    %scan3A_3 = arith.addi %scan3A, %scan3A_2 : i32
    %scan3A_4 = arith.constant 1 : i32
    scf.for %scan3A_120 = %scan3A to %scan3A_3 step %scan3A_4  : i32 {
      %mul3A_121 = arith.constant 1 : i32
      %mul3A_122 = arith.muli %scan3A_120, %mul3A_121 : i32
      %add3A_123 = arith.constant 0 : i32
      %add3A_124 = arith.addi %add3A_123, %mul3A_122 : i32
      %mul3A_125 = arith.constant 8 : i32
      %mul3A_126 = arith.muli %add3A_124, %mul3A_125 : i32
      %add3A_127 = arith.constant 0 : i32
      %add3A_128 = arith.addi %mul3A_126, %add3A_127 : i32
      %mul3A_129 = arith.constant 16 : i32
      %mul3A_130 = arith.muli %add3A_128, %mul3A_129 : i32
      %swap3A = arith.index_cast %mul3A_130 : i32 to index
      %swap3A_131 = tpu.vector_load %arg12[%swap3A] {strides = array<i32>} : memref<10240xf32, #tpu.memory_space<vmem>>, vector<16xf32>,
      tpu.vector_store %arg12[%swap3A], %broadcast_in_dim3A_0 {strides = array<i32>} : memref<10240xf32, #tpu.memory_space<vmem>>, vector<16xf32>,
      %mul3A_132 = arith.constant 8 : i32
      %mul3A_133 = arith.muli %add3A_124, %mul3A_132 : i32
      %add3A_134 = arith.constant 1 : i32
      %add3A_135 = arith.addi %mul3A_133, %add3A_134 : i32
      %mul3A_136 = arith.constant 16 : i32
      %mul3A_137 = arith.muli %add3A_135, %mul3A_136 : i32
      %swap3A_138 = arith.index_cast %mul3A_137 : i32 to index
      %swap3A_139 = tpu.vector_load %arg12[%swap3A_138] {strides = array<i32>} : memref<10240xf32, #tpu.memory_space<vmem>>, vector<16xf32>,
      tpu.vector_store %arg12[%swap3A_138], %broadcast_in_dim3A_0 {strides = array<i32>} : memref<10240xf32, #tpu.memory_space<vmem>>, vector<16xf32>,
      %mul3A_140 = arith.constant 8 : i32
      %mul3A_141 = arith.muli %add3A_124, %mul3A_140 : i32
      %add3A_142 = arith.constant 2 : i32
      %add3A_143 = arith.addi %mul3A_141, %add3A_142 : i32
      %mul3A_144 = arith.constant 16 : i32
      %mul3A_145 = arith.muli %add3A_143, %mul3A_144 : i32
      %swap3A_146 = arith.index_cast %mul3A_145 : i32 to index
      %swap3A_147 = tpu.vector_load %arg12[%swap3A_146] {strides = array<i32>} : memref<10240xf32, #tpu.memory_space<vmem>>, vector<16xf32>,
      tpu.vector_store %arg12[%swap3A_146], %broadcast_in_dim3A_0 {strides = array<i32>} : memref<10240xf32, #tpu.memory_space<vmem>>, vector<16xf32>,
      %mul3A_148 = arith.constant 8 : i32
      %mul3A_149 = arith.muli %add3A_124, %mul3A_148 : i32
      %add3A_150 = arith.constant 3 : i32
      %add3A_151 = arith.addi %mul3A_149, %add3A_150 : i32
      %mul3A_152 = arith.constant 16 : i32
      %mul3A_153 = arith.muli %add3A_151, %mul3A_152 : i32
      %swap3A_154 = arith.index_cast %mul3A_153 : i32 to index
      %swap3A_155 = tpu.vector_load %arg12[%swap3A_154] {strides = array<i32>} : memref<10240xf32, #tpu.memory_space<vmem>>, vector<16xf32>,
      tpu.vector_store %arg12[%swap3A_154], %broadcast_in_dim3A_0 {strides = array<i32>} : memref<10240xf32, #tpu.memory_space<vmem>>, vector<16xf32>,
      %mul3A_156 = arith.constant 8 : i32
      %mul3A_157 = arith.muli %add3A_124, %mul3A_156 : i32
      %add3A_158 = arith.constant 4 : i32
      %add3A_159 = arith.addi %mul3A_157, %add3A_158 : i32
      %mul3A_160 = arith.constant 16 : i32
      %mul3A_161 = arith.muli %add3A_159, %mul3A_160 : i32
      %swap3A_162 = arith.index_cast %mul3A_161 : i32 to index
      %swap3A_163 = tpu.vector_load %arg12[%swap3A_162] {strides = array<i32>} : memref<10240xf32, #tpu.memory_space<vmem>>, vector<16xf32>,
      tpu.vector_store %arg12[%swap3A_162], %broadcast_in_dim3A_0 {strides = array<i32>} : memref<10240xf32, #tpu.memory_space<vmem>>, vector<16xf32>,
      %mul3A_164 = arith.constant 8 : i32
      %mul3A_165 = arith.muli %add3A_124, %mul3A_164 : i32
      %add3A_166 = arith.constant 5 : i32
      %add3A_167 = arith.addi %mul3A_165, %add3A_166 : i32
      %mul3A_168 = arith.constant 16 : i32
      %mul3A_169 = arith.muli %add3A_167, %mul3A_168 : i32
      %swap3A_170 = arith.index_cast %mul3A_169 : i32 to index
      %swap3A_171 = tpu.vector_load %arg12[%swap3A_170] {strides = array<i32>} : memref<10240xf32, #tpu.memory_space<vmem>>, vector<16xf32>,
      tpu.vector_store %arg12[%swap3A_170], %broadcast_in_dim3A_0 {strides = array<i32>} : memref<10240xf32, #tpu.memory_space<vmem>>, vector<16xf32>,
      %mul3A_172 = arith.constant 8 : i32
      %mul3A_173 = arith.muli %add3A_124, %mul3A_172 : i32
      %add3A_174 = arith.constant 6 : i32
      %add3A_175 = arith.addi %mul3A_173, %add3A_174 : i32
      %mul3A_176 = arith.constant 16 : i32
      %mul3A_177 = arith.muli %add3A_175, %mul3A_176 : i32
      %swap3A_178 = arith.index_cast %mul3A_177 : i32 to index
      %swap3A_179 = tpu.vector_load %arg12[%swap3A_178] {strides = array<i32>} : memref<10240xf32, #tpu.memory_space<vmem>>, vector<16xf32>,
      tpu.vector_store %arg12[%swap3A_178], %broadcast_in_dim3A_0 {strides = array<i32>} : memref<10240xf32, #tpu.memory_space<vmem>>, vector<16xf32>,
      %mul3A_180 = arith.constant 8 : i32
      %mul3A_181 = arith.muli %add3A_124, %mul3A_180 : i32
      %add3A_182 = arith.constant 7 : i32
      %add3A_183 = arith.addi %mul3A_181, %add3A_182 : i32
      %mul3A_184 = arith.constant 16 : i32
      %mul3A_185 = arith.muli %add3A_183, %mul3A_184 : i32
      %swap3A_186 = arith.index_cast %mul3A_185 : i32 to index
      %swap3A_187 = tpu.vector_load %arg12[%swap3A_186] {strides = array<i32>} : memref<10240xf32, #tpu.memory_space<vmem>>, vector<16xf32>,
      tpu.vector_store %arg12[%swap3A_186], %broadcast_in_dim3A_0 {strides = array<i32>} : memref<10240xf32, #tpu.memory_space<vmem>>, vector<16xf32>,
    }
    %scan3A_5 = arith.constant 80 : i32
    %scan3A_6 = arith.constant 0 : i32
    %scan3A_7 = arith.constant 632 : i32
    %scan3A_8 = arith.addi %scan3A_6, %scan3A_7 : i32
    %scan3A_9 = arith.constant 1 : i32
    scf.for %scan3A_120 = %scan3A_6 to %scan3A_8 step %scan3A_9  : i32 {
      %mul3A_121 = arith.constant 1 : i32
      %mul3A_122 = arith.muli %scan3A_120, %mul3A_121 : i32
      %add3A_123 = arith.constant 0 : i32
      %add3A_124 = arith.addi %add3A_123, %mul3A_122 : i32
      %mul3A_125 = arith.constant 16 : i32
      %mul3A_126 = arith.muli %add3A_124, %mul3A_125 : i32
      %get3A = arith.index_cast %mul3A_126 : i32 to index
      %get3A_127 = tpu.vector_load %arg7[%get3A] {strides = array<i32>} : memref<10112xi32, #tpu.memory_space<vmem>>, vector<16xi32>,
      %mul3A_128 = arith.constant 16 : i32
      %mul3A_129 = arith.muli %add3A_124, %mul3A_128 : i32
      %get3A_130 = arith.index_cast %mul3A_129 : i32 to index
      %get3A_131 = tpu.vector_load %arg8[%get3A_130] {strides = array<i32>} : memref<10112xi32, #tpu.memory_space<vmem>>, vector<16xi32>,
      %mul3A_132 = arith.constant 16 : i32
      %mul3A_133 = arith.muli %add3A_124, %mul3A_132 : i32
      %get3A_134 = arith.index_cast %mul3A_133 : i32 to index
      %get3A_135 = tpu.vector_load %arg9[%get3A_134] {strides = array<i32>} : memref<10112xf32, #tpu.memory_space<vmem>>, vector<16xf32>,
      %eq3A = arith.cmpi eq, %get3A_127, %get3A_131 : vector<16xi32>
      %jit3A = arith.constant 0.000000e+00 : f32
      %broadcast_in_dim3A_136 = vector.broadcast %jit3A : f32 to vector<16xf32>
      %select_n3A = arith.select %eq3A, %broadcast_in_dim3A_136, %get3A_135 : vector<16xi1>, vector<16xf32>
      tpu.vector_store_idx %arg12[%get3A_127], %select_n3A {add = true} : memref<10240xf32, #tpu.memory_space<vmem>>[vector<16xi32>], vector<16xf32>,
    }
    %scan3A_10 = arith.constant 632 : i32
    "tpu.region"() ({
      %run_scoped3A_120 = tpu.sem_alloc : memref<!tpu.dma_semaphore, #tpu.memory_space<semaphore_mem>>
      %dma_start3A = arith.constant 0 : i32
      %dma_start3A_121 = tpu.memref_slice %arg15[%arg1, %dma_start3A] : memref<16x10240xf32, #tpu.memory_space<vmem_shared>> -> memref<1x10240xf32, #tpu.memory_space<vmem_shared>>
      %dma_start3A_122 = tpu.memref_squeeze %dma_start3A_121 : memref<1x10240xf32, #tpu.memory_space<vmem_shared>> -> memref<10240xf32, #tpu.memory_space<vmem_shared>>
      %dma_start3A_123 = arith.constant 0 : i32
      %dma_start3A_124 = tpu.memref_slice %arg15[%arg1, %dma_start3A_123] : memref<16x10240xf32, #tpu.memory_space<vmem_shared>> -> memref<1x10240xf32, #tpu.memory_space<vmem_shared>>
      %dma_start3A_125 = tpu.memref_squeeze %dma_start3A_124 : memref<1x10240xf32, #tpu.memory_space<vmem_shared>> -> memref<10240xf32, #tpu.memory_space<vmem_shared>>
      tpu.enqueue_dma source(%arg12 : memref<10240xf32, #tpu.memory_space<vmem>>) target(%dma_start3A_125 : memref<10240xf32, #tpu.memory_space<vmem_shared>>) target_semaphore(%run_scoped3A_120 : memref<!tpu.dma_semaphore, #tpu.memory_space<semaphore_mem>>)
      %dma_wait3A = arith.constant 0 : i32
      %dma_wait3A_126 = tpu.memref_slice %arg15[%arg1, %dma_wait3A] : memref<16x10240xf32, #tpu.memory_space<vmem_shared>> -> memref<1x10240xf32, #tpu.memory_space<vmem_shared>>
      %dma_wait3A_127 = tpu.memref_squeeze %dma_wait3A_126 : memref<1x10240xf32, #tpu.memory_space<vmem_shared>> -> memref<10240xf32, #tpu.memory_space<vmem_shared>>
      %dma_wait3A_128 = arith.constant 0 : i32
      %dma_wait3A_129 = tpu.memref_slice %arg15[%arg1, %dma_wait3A_128] : memref<16x10240xf32, #tpu.memory_space<vmem_shared>> -> memref<1x10240xf32, #tpu.memory_space<vmem_shared>>
      %dma_wait3A_130 = tpu.memref_squeeze %dma_wait3A_129 : memref<1x10240xf32, #tpu.memory_space<vmem_shared>> -> memref<10240xf32, #tpu.memory_space<vmem_shared>>
      tpu.wait_dma2 semaphore(%run_scoped3A_120 : memref<!tpu.dma_semaphore, #tpu.memory_space<semaphore_mem>>) src(%arg12 : memref<10240xf32, #tpu.memory_space<vmem>>) dst(%dma_wait3A_130 : memref<10240xf32, #tpu.memory_space<vmem_shared>>)
      tpu.yield
    }) : () -> ()
    %barrier3A = arith.constant 0 : index
    tpu.barrier barrier_id(%barrier3A)
    %mul3A_11 = arith.constant 640 : i32
    %mul3A_12 = arith.muli %arg1, %mul3A_11 : i32
    %run_scoped3A = arith.constant 0 : i32
    "tpu.region"() ({
      %run_scoped3A_120 = tpu.sem_alloc : memref<!tpu.dma_semaphore, #tpu.memory_space<semaphore_mem>>
      %dma_start3A = tpu.memref_slice %arg15[%run_scoped3A, %mul3A_12] : memref<16x10240xf32, #tpu.memory_space<vmem_shared>> -> memref<1x640xf32, #tpu.memory_space<vmem_shared>>
      %dma_start3A_121 = tpu.memref_squeeze %dma_start3A : memref<1x640xf32, #tpu.memory_space<vmem_shared>> -> memref<640xf32, #tpu.memory_space<vmem_shared>>
      %dma_start3A_122 = tpu.memref_slice %arg15[%run_scoped3A, %mul3A_12] : memref<16x10240xf32, #tpu.memory_space<vmem_shared>> -> memref<1x640xf32, #tpu.memory_space<vmem_shared>>
      %dma_start3A_123 = tpu.memref_squeeze %dma_start3A_122 : memref<1x640xf32, #tpu.memory_space<vmem_shared>> -> memref<640xf32, #tpu.memory_space<vmem_shared>>
      tpu.enqueue_dma source(%dma_start3A_123 : memref<640xf32, #tpu.memory_space<vmem_shared>>) target(%arg13 : memref<640xf32, #tpu.memory_space<vmem>>) target_semaphore(%run_scoped3A_120 : memref<!tpu.dma_semaphore, #tpu.memory_space<semaphore_mem>>)
      %dma_wait3A = tpu.memref_slice %arg15[%run_scoped3A, %mul3A_12] : memref<16x10240xf32, #tpu.memory_space<vmem_shared>> -> memref<1x640xf32, #tpu.memory_space<vmem_shared>>
      %dma_wait3A_124 = tpu.memref_squeeze %dma_wait3A : memref<1x640xf32, #tpu.memory_space<vmem_shared>> -> memref<640xf32, #tpu.memory_space<vmem_shared>>
      %dma_wait3A_125 = tpu.memref_slice %arg15[%run_scoped3A, %mul3A_12] : memref<16x10240xf32, #tpu.memory_space<vmem_shared>> -> memref<1x640xf32, #tpu.memory_space<vmem_shared>>
      %dma_wait3A_126 = tpu.memref_squeeze %dma_wait3A_125 : memref<1x640xf32, #tpu.memory_space<vmem_shared>> -> memref<640xf32, #tpu.memory_space<vmem_shared>>
      tpu.wait_dma2 semaphore(%run_scoped3A_120 : memref<!tpu.dma_semaphore, #tpu.memory_space<semaphore_mem>>) src(%dma_wait3A_126 : memref<640xf32, #tpu.memory_space<vmem_shared>>) dst(%arg13 : memref<640xf32, #tpu.memory_space<vmem>>)
      tpu.yield
    }) : () -> ()
    %run_scoped3A_13 = arith.constant 1 : i32
    "tpu.region"() ({
      %run_scoped3A_120 = tpu.sem_alloc : memref<!tpu.dma_semaphore, #tpu.memory_space<semaphore_mem>>
      %dma_start3A = tpu.memref_slice %arg15[%run_scoped3A_13, %mul3A_12] : memref<16x10240xf32, #tpu.memory_space<vmem_shared>> -> memref<1x640xf32, #tpu.memory_space<vmem_shared>>
      %dma_start3A_121 = tpu.memref_squeeze %dma_start3A : memref<1x640xf32, #tpu.memory_space<vmem_shared>> -> memref<640xf32, #tpu.memory_space<vmem_shared>>
      %dma_start3A_122 = tpu.memref_slice %arg15[%run_scoped3A_13, %mul3A_12] : memref<16x10240xf32, #tpu.memory_space<vmem_shared>> -> memref<1x640xf32, #tpu.memory_space<vmem_shared>>
      %dma_start3A_123 = tpu.memref_squeeze %dma_start3A_122 : memref<1x640xf32, #tpu.memory_space<vmem_shared>> -> memref<640xf32, #tpu.memory_space<vmem_shared>>
      tpu.enqueue_dma source(%dma_start3A_123 : memref<640xf32, #tpu.memory_space<vmem_shared>>) target(%arg14 : memref<640xf32, #tpu.memory_space<vmem>>) target_semaphore(%run_scoped3A_120 : memref<!tpu.dma_semaphore, #tpu.memory_space<semaphore_mem>>)
      %dma_wait3A = tpu.memref_slice %arg15[%run_scoped3A_13, %mul3A_12] : memref<16x10240xf32, #tpu.memory_space<vmem_shared>> -> memref<1x640xf32, #tpu.memory_space<vmem_shared>>
      %dma_wait3A_124 = tpu.memref_squeeze %dma_wait3A : memref<1x640xf32, #tpu.memory_space<vmem_shared>> -> memref<640xf32, #tpu.memory_space<vmem_shared>>
      %dma_wait3A_125 = tpu.memref_slice %arg15[%run_scoped3A_13, %mul3A_12] : memref<16x10240xf32, #tpu.memory_space<vmem_shared>> -> memref<1x640xf32, #tpu.memory_space<vmem_shared>>
      %dma_wait3A_126 = tpu.memref_squeeze %dma_wait3A_125 : memref<1x640xf32, #tpu.memory_space<vmem_shared>> -> memref<640xf32, #tpu.memory_space<vmem_shared>>
      tpu.wait_dma2 semaphore(%run_scoped3A_120 : memref<!tpu.dma_semaphore, #tpu.memory_space<semaphore_mem>>) src(%dma_wait3A_126 : memref<640xf32, #tpu.memory_space<vmem_shared>>) dst(%arg14 : memref<640xf32, #tpu.memory_space<vmem>>)
      tpu.yield
    }) : () -> ()
    %scan3A_14 = arith.constant 0 : i32
    %scan3A_15 = arith.constant 40 : i32
    %scan3A_16 = arith.addi %scan3A_14, %scan3A_15 : i32
    %scan3A_17 = arith.constant 1 : i32
    scf.for %scan3A_120 = %scan3A_14 to %scan3A_16 step %scan3A_17  : i32 {
      %mul3A_121 = arith.constant 1 : i32
      %mul3A_122 = arith.muli %scan3A_120, %mul3A_121 : i32
      %add3A_123 = arith.constant 0 : i32
      %add3A_124 = arith.addi %add3A_123, %mul3A_122 : i32
      %mul3A_125 = arith.constant 16 : i32
      %mul3A_126 = arith.muli %add3A_124, %mul3A_125 : i32
      %get3A = arith.index_cast %mul3A_126 : i32 to index
      %get3A_127 = tpu.vector_load %arg13[%get3A] {strides = array<i32>} : memref<640xf32, #tpu.memory_space<vmem>>, vector<16xf32>,
      %mul3A_128 = arith.constant 16 : i32
      %mul3A_129 = arith.muli %add3A_124, %mul3A_128 : i32
      %get3A_130 = arith.index_cast %mul3A_129 : i32 to index
      %get3A_131 = tpu.vector_load %arg14[%get3A_130] {strides = array<i32>} : memref<640xf32, #tpu.memory_space<vmem>>, vector<16xf32>,
      %add3A_132 = arith.addf %get3A_127, %get3A_131 : vector<16xf32>
      %mul3A_133 = arith.constant 16 : i32
      %mul3A_134 = arith.muli %add3A_124, %mul3A_133 : i32
      %swap3A = arith.index_cast %mul3A_134 : i32 to index
      %swap3A_135 = tpu.vector_load %arg13[%swap3A] {strides = array<i32>} : memref<640xf32, #tpu.memory_space<vmem>>, vector<16xf32>,
      tpu.vector_store %arg13[%swap3A], %add3A_132 {strides = array<i32>} : memref<640xf32, #tpu.memory_space<vmem>>, vector<16xf32>,
    }
    %scan3A_18 = arith.constant 40 : i32
    %run_scoped3A_19 = arith.constant 2 : i32
    "tpu.region"() ({
      %run_scoped3A_120 = tpu.sem_alloc : memref<!tpu.dma_semaphore, #tpu.memory_space<semaphore_mem>>
      %dma_start3A = tpu.memref_slice %arg15[%run_scoped3A_19, %mul3A_12] : memref<16x10240xf32, #tpu.memory_space<vmem_shared>> -> memref<1x640xf32, #tpu.memory_space<vmem_shared>>
      %dma_start3A_121 = tpu.memref_squeeze %dma_start3A : memref<1x640xf32, #tpu.memory_space<vmem_shared>> -> memref<640xf32, #tpu.memory_space<vmem_shared>>
      %dma_start3A_122 = tpu.memref_slice %arg15[%run_scoped3A_19, %mul3A_12] : memref<16x10240xf32, #tpu.memory_space<vmem_shared>> -> memref<1x640xf32, #tpu.memory_space<vmem_shared>>
      %dma_start3A_123 = tpu.memref_squeeze %dma_start3A_122 : memref<1x640xf32, #tpu.memory_space<vmem_shared>> -> memref<640xf32, #tpu.memory_space<vmem_shared>>
      tpu.enqueue_dma source(%dma_start3A_123 : memref<640xf32, #tpu.memory_space<vmem_shared>>) target(%arg14 : memref<640xf32, #tpu.memory_space<vmem>>) target_semaphore(%run_scoped3A_120 : memref<!tpu.dma_semaphore, #tpu.memory_space<semaphore_mem>>)
      %dma_wait3A = tpu.memref_slice %arg15[%run_scoped3A_19, %mul3A_12] : memref<16x10240xf32, #tpu.memory_space<vmem_shared>> -> memref<1x640xf32, #tpu.memory_space<vmem_shared>>
      %dma_wait3A_124 = tpu.memref_squeeze %dma_wait3A : memref<1x640xf32, #tpu.memory_space<vmem_shared>> -> memref<640xf32, #tpu.memory_space<vmem_shared>>
      %dma_wait3A_125 = tpu.memref_slice %arg15[%run_scoped3A_19, %mul3A_12] : memref<16x10240xf32, #tpu.memory_space<vmem_shared>> -> memref<1x640xf32, #tpu.memory_space<vmem_shared>>
      %dma_wait3A_126 = tpu.memref_squeeze %dma_wait3A_125 : memref<1x640xf32, #tpu.memory_space<vmem_shared>> -> memref<640xf32, #tpu.memory_space<vmem_shared>>
      tpu.wait_dma2 semaphore(%run_scoped3A_120 : memref<!tpu.dma_semaphore, #tpu.memory_space<semaphore_mem>>) src(%dma_wait3A_126 : memref<640xf32, #tpu.memory_space<vmem_shared>>) dst(%arg14 : memref<640xf32, #tpu.memory_space<vmem>>)
      tpu.yield
    }) : () -> ()
    %scan3A_20 = arith.constant 0 : i32
    %scan3A_21 = arith.constant 40 : i32
    %scan3A_22 = arith.addi %scan3A_20, %scan3A_21 : i32
    %scan3A_23 = arith.constant 1 : i32
    scf.for %scan3A_120 = %scan3A_20 to %scan3A_22 step %scan3A_23  : i32 {
      %mul3A_121 = arith.constant 1 : i32
      %mul3A_122 = arith.muli %scan3A_120, %mul3A_121 : i32
      %add3A_123 = arith.constant 0 : i32
      %add3A_124 = arith.addi %add3A_123, %mul3A_122 : i32
      %mul3A_125 = arith.constant 16 : i32
      %mul3A_126 = arith.muli %add3A_124, %mul3A_125 : i32
      %get3A = arith.index_cast %mul3A_126 : i32 to index
      %get3A_127 = tpu.vector_load %arg13[%get3A] {strides = array<i32>} : memref<640xf32, #tpu.memory_space<vmem>>, vector<16xf32>,
      %mul3A_128 = arith.constant 16 : i32
      %mul3A_129 = arith.muli %add3A_124, %mul3A_128 : i32
      %get3A_130 = arith.index_cast %mul3A_129 : i32 to index
      %get3A_131 = tpu.vector_load %arg14[%get3A_130] {strides = array<i32>} : memref<640xf32, #tpu.memory_space<vmem>>, vector<16xf32>,
      %add3A_132 = arith.addf %get3A_127, %get3A_131 : vector<16xf32>
      %mul3A_133 = arith.constant 16 : i32
      %mul3A_134 = arith.muli %add3A_124, %mul3A_133 : i32
      %swap3A = arith.index_cast %mul3A_134 : i32 to index
      %swap3A_135 = tpu.vector_load %arg13[%swap3A] {strides = array<i32>} : memref<640xf32, #tpu.memory_space<vmem>>, vector<16xf32>,
      tpu.vector_store %arg13[%swap3A], %add3A_132 {strides = array<i32>} : memref<640xf32, #tpu.memory_space<vmem>>, vector<16xf32>,
    }
    %scan3A_24 = arith.constant 40 : i32
    %run_scoped3A_25 = arith.constant 3 : i32
    "tpu.region"() ({
      %run_scoped3A_120 = tpu.sem_alloc : memref<!tpu.dma_semaphore, #tpu.memory_space<semaphore_mem>>
      %dma_start3A = tpu.memref_slice %arg15[%run_scoped3A_25, %mul3A_12] : memref<16x10240xf32, #tpu.memory_space<vmem_shared>> -> memref<1x640xf32, #tpu.memory_space<vmem_shared>>
      %dma_start3A_121 = tpu.memref_squeeze %dma_start3A : memref<1x640xf32, #tpu.memory_space<vmem_shared>> -> memref<640xf32, #tpu.memory_space<vmem_shared>>
      %dma_start3A_122 = tpu.memref_slice %arg15[%run_scoped3A_25, %mul3A_12] : memref<16x10240xf32, #tpu.memory_space<vmem_shared>> -> memref<1x640xf32, #tpu.memory_space<vmem_shared>>
      %dma_start3A_123 = tpu.memref_squeeze %dma_start3A_122 : memref<1x640xf32, #tpu.memory_space<vmem_shared>> -> memref<640xf32, #tpu.memory_space<vmem_shared>>
      tpu.enqueue_dma source(%dma_start3A_123 : memref<640xf32, #tpu.memory_space<vmem_shared>>) target(%arg14 : memref<640xf32, #tpu.memory_space<vmem>>) target_semaphore(%run_scoped3A_120 : memref<!tpu.dma_semaphore, #tpu.memory_space<semaphore_mem>>)
      %dma_wait3A = tpu.memref_slice %arg15[%run_scoped3A_25, %mul3A_12] : memref<16x10240xf32, #tpu.memory_space<vmem_shared>> -> memref<1x640xf32, #tpu.memory_space<vmem_shared>>
      %dma_wait3A_124 = tpu.memref_squeeze %dma_wait3A : memref<1x640xf32, #tpu.memory_space<vmem_shared>> -> memref<640xf32, #tpu.memory_space<vmem_shared>>
      %dma_wait3A_125 = tpu.memref_slice %arg15[%run_scoped3A_25, %mul3A_12] : memref<16x10240xf32, #tpu.memory_space<vmem_shared>> -> memref<1x640xf32, #tpu.memory_space<vmem_shared>>
      %dma_wait3A_126 = tpu.memref_squeeze %dma_wait3A_125 : memref<1x640xf32, #tpu.memory_space<vmem_shared>> -> memref<640xf32, #tpu.memory_space<vmem_shared>>
      tpu.wait_dma2 semaphore(%run_scoped3A_120 : memref<!tpu.dma_semaphore, #tpu.memory_space<semaphore_mem>>) src(%dma_wait3A_126 : memref<640xf32, #tpu.memory_space<vmem_shared>>) dst(%arg14 : memref<640xf32, #tpu.memory_space<vmem>>)
      tpu.yield
    }) : () -> ()
    %scan3A_26 = arith.constant 0 : i32
    %scan3A_27 = arith.constant 40 : i32
    %scan3A_28 = arith.addi %scan3A_26, %scan3A_27 : i32
    %scan3A_29 = arith.constant 1 : i32
    scf.for %scan3A_120 = %scan3A_26 to %scan3A_28 step %scan3A_29  : i32 {
      %mul3A_121 = arith.constant 1 : i32
      %mul3A_122 = arith.muli %scan3A_120, %mul3A_121 : i32
      %add3A_123 = arith.constant 0 : i32
      %add3A_124 = arith.addi %add3A_123, %mul3A_122 : i32
      %mul3A_125 = arith.constant 16 : i32
      %mul3A_126 = arith.muli %add3A_124, %mul3A_125 : i32
      %get3A = arith.index_cast %mul3A_126 : i32 to index
      %get3A_127 = tpu.vector_load %arg13[%get3A] {strides = array<i32>} : memref<640xf32, #tpu.memory_space<vmem>>, vector<16xf32>,
      %mul3A_128 = arith.constant 16 : i32
      %mul3A_129 = arith.muli %add3A_124, %mul3A_128 : i32
      %get3A_130 = arith.index_cast %mul3A_129 : i32 to index
      %get3A_131 = tpu.vector_load %arg14[%get3A_130] {strides = array<i32>} : memref<640xf32, #tpu.memory_space<vmem>>, vector<16xf32>,
      %add3A_132 = arith.addf %get3A_127, %get3A_131 : vector<16xf32>
      %mul3A_133 = arith.constant 16 : i32
      %mul3A_134 = arith.muli %add3A_124, %mul3A_133 : i32
      %swap3A = arith.index_cast %mul3A_134 : i32 to index
      %swap3A_135 = tpu.vector_load %arg13[%swap3A] {strides = array<i32>} : memref<640xf32, #tpu.memory_space<vmem>>, vector<16xf32>,
      tpu.vector_store %arg13[%swap3A], %add3A_132 {strides = array<i32>} : memref<640xf32, #tpu.memory_space<vmem>>, vector<16xf32>,
    }
    %scan3A_30 = arith.constant 40 : i32
    %run_scoped3A_31 = arith.constant 4 : i32
    "tpu.region"() ({
      %run_scoped3A_120 = tpu.sem_alloc : memref<!tpu.dma_semaphore, #tpu.memory_space<semaphore_mem>>
      %dma_start3A = tpu.memref_slice %arg15[%run_scoped3A_31, %mul3A_12] : memref<16x10240xf32, #tpu.memory_space<vmem_shared>> -> memref<1x640xf32, #tpu.memory_space<vmem_shared>>
      %dma_start3A_121 = tpu.memref_squeeze %dma_start3A : memref<1x640xf32, #tpu.memory_space<vmem_shared>> -> memref<640xf32, #tpu.memory_space<vmem_shared>>
      %dma_start3A_122 = tpu.memref_slice %arg15[%run_scoped3A_31, %mul3A_12] : memref<16x10240xf32, #tpu.memory_space<vmem_shared>> -> memref<1x640xf32, #tpu.memory_space<vmem_shared>>
      %dma_start3A_123 = tpu.memref_squeeze %dma_start3A_122 : memref<1x640xf32, #tpu.memory_space<vmem_shared>> -> memref<640xf32, #tpu.memory_space<vmem_shared>>
      tpu.enqueue_dma source(%dma_start3A_123 : memref<640xf32, #tpu.memory_space<vmem_shared>>) target(%arg14 : memref<640xf32, #tpu.memory_space<vmem>>) target_semaphore(%run_scoped3A_120 : memref<!tpu.dma_semaphore, #tpu.memory_space<semaphore_mem>>)
      %dma_wait3A = tpu.memref_slice %arg15[%run_scoped3A_31, %mul3A_12] : memref<16x10240xf32, #tpu.memory_space<vmem_shared>> -> memref<1x640xf32, #tpu.memory_space<vmem_shared>>
      %dma_wait3A_124 = tpu.memref_squeeze %dma_wait3A : memref<1x640xf32, #tpu.memory_space<vmem_shared>> -> memref<640xf32, #tpu.memory_space<vmem_shared>>
      %dma_wait3A_125 = tpu.memref_slice %arg15[%run_scoped3A_31, %mul3A_12] : memref<16x10240xf32, #tpu.memory_space<vmem_shared>> -> memref<1x640xf32, #tpu.memory_space<vmem_shared>>
      %dma_wait3A_126 = tpu.memref_squeeze %dma_wait3A_125 : memref<1x640xf32, #tpu.memory_space<vmem_shared>> -> memref<640xf32, #tpu.memory_space<vmem_shared>>
      tpu.wait_dma2 semaphore(%run_scoped3A_120 : memref<!tpu.dma_semaphore, #tpu.memory_space<semaphore_mem>>) src(%dma_wait3A_126 : memref<640xf32, #tpu.memory_space<vmem_shared>>) dst(%arg14 : memref<640xf32, #tpu.memory_space<vmem>>)
      tpu.yield
    }) : () -> ()
    %scan3A_32 = arith.constant 0 : i32
    %scan3A_33 = arith.constant 40 : i32
    %scan3A_34 = arith.addi %scan3A_32, %scan3A_33 : i32
    %scan3A_35 = arith.constant 1 : i32
    scf.for %scan3A_120 = %scan3A_32 to %scan3A_34 step %scan3A_35  : i32 {
      %mul3A_121 = arith.constant 1 : i32
      %mul3A_122 = arith.muli %scan3A_120, %mul3A_121 : i32
      %add3A_123 = arith.constant 0 : i32
      %add3A_124 = arith.addi %add3A_123, %mul3A_122 : i32
      %mul3A_125 = arith.constant 16 : i32
      %mul3A_126 = arith.muli %add3A_124, %mul3A_125 : i32
      %get3A = arith.index_cast %mul3A_126 : i32 to index
      %get3A_127 = tpu.vector_load %arg13[%get3A] {strides = array<i32>} : memref<640xf32, #tpu.memory_space<vmem>>, vector<16xf32>,
      %mul3A_128 = arith.constant 16 : i32
      %mul3A_129 = arith.muli %add3A_124, %mul3A_128 : i32
      %get3A_130 = arith.index_cast %mul3A_129 : i32 to index
      %get3A_131 = tpu.vector_load %arg14[%get3A_130] {strides = array<i32>} : memref<640xf32, #tpu.memory_space<vmem>>, vector<16xf32>,
      %add3A_132 = arith.addf %get3A_127, %get3A_131 : vector<16xf32>
      %mul3A_133 = arith.constant 16 : i32
      %mul3A_134 = arith.muli %add3A_124, %mul3A_133 : i32
      %swap3A = arith.index_cast %mul3A_134 : i32 to index
      %swap3A_135 = tpu.vector_load %arg13[%swap3A] {strides = array<i32>} : memref<640xf32, #tpu.memory_space<vmem>>, vector<16xf32>,
      tpu.vector_store %arg13[%swap3A], %add3A_132 {strides = array<i32>} : memref<640xf32, #tpu.memory_space<vmem>>, vector<16xf32>,
    }
    %scan3A_36 = arith.constant 40 : i32
    %run_scoped3A_37 = arith.constant 5 : i32
    "tpu.region"() ({
      %run_scoped3A_120 = tpu.sem_alloc : memref<!tpu.dma_semaphore, #tpu.memory_space<semaphore_mem>>
      %dma_start3A = tpu.memref_slice %arg15[%run_scoped3A_37, %mul3A_12] : memref<16x10240xf32, #tpu.memory_space<vmem_shared>> -> memref<1x640xf32, #tpu.memory_space<vmem_shared>>
      %dma_start3A_121 = tpu.memref_squeeze %dma_start3A : memref<1x640xf32, #tpu.memory_space<vmem_shared>> -> memref<640xf32, #tpu.memory_space<vmem_shared>>
      %dma_start3A_122 = tpu.memref_slice %arg15[%run_scoped3A_37, %mul3A_12] : memref<16x10240xf32, #tpu.memory_space<vmem_shared>> -> memref<1x640xf32, #tpu.memory_space<vmem_shared>>
      %dma_start3A_123 = tpu.memref_squeeze %dma_start3A_122 : memref<1x640xf32, #tpu.memory_space<vmem_shared>> -> memref<640xf32, #tpu.memory_space<vmem_shared>>
      tpu.enqueue_dma source(%dma_start3A_123 : memref<640xf32, #tpu.memory_space<vmem_shared>>) target(%arg14 : memref<640xf32, #tpu.memory_space<vmem>>) target_semaphore(%run_scoped3A_120 : memref<!tpu.dma_semaphore, #tpu.memory_space<semaphore_mem>>)
      %dma_wait3A = tpu.memref_slice %arg15[%run_scoped3A_37, %mul3A_12] : memref<16x10240xf32, #tpu.memory_space<vmem_shared>> -> memref<1x640xf32, #tpu.memory_space<vmem_shared>>
      %dma_wait3A_124 = tpu.memref_squeeze %dma_wait3A : memref<1x640xf32, #tpu.memory_space<vmem_shared>> -> memref<640xf32, #tpu.memory_space<vmem_shared>>
      %dma_wait3A_125 = tpu.memref_slice %arg15[%run_scoped3A_37, %mul3A_12] : memref<16x10240xf32, #tpu.memory_space<vmem_shared>> -> memref<1x640xf32, #tpu.memory_space<vmem_shared>>
      %dma_wait3A_126 = tpu.memref_squeeze %dma_wait3A_125 : memref<1x640xf32, #tpu.memory_space<vmem_shared>> -> memref<640xf32, #tpu.memory_space<vmem_shared>>
      tpu.wait_dma2 semaphore(%run_scoped3A_120 : memref<!tpu.dma_semaphore, #tpu.memory_space<semaphore_mem>>) src(%dma_wait3A_126 : memref<640xf32, #tpu.memory_space<vmem_shared>>) dst(%arg14 : memref<640xf32, #tpu.memory_space<vmem>>)
      tpu.yield
    }) : () -> ()
    %scan3A_38 = arith.constant 0 : i32
    %scan3A_39 = arith.constant 40 : i32
    %scan3A_40 = arith.addi %scan3A_38, %scan3A_39 : i32
    %scan3A_41 = arith.constant 1 : i32
    scf.for %scan3A_120 = %scan3A_38 to %scan3A_40 step %scan3A_41  : i32 {
      %mul3A_121 = arith.constant 1 : i32
      %mul3A_122 = arith.muli %scan3A_120, %mul3A_121 : i32
      %add3A_123 = arith.constant 0 : i32
      %add3A_124 = arith.addi %add3A_123, %mul3A_122 : i32
      %mul3A_125 = arith.constant 16 : i32
      %mul3A_126 = arith.muli %add3A_124, %mul3A_125 : i32
      %get3A = arith.index_cast %mul3A_126 : i32 to index
      %get3A_127 = tpu.vector_load %arg13[%get3A] {strides = array<i32>} : memref<640xf32, #tpu.memory_space<vmem>>, vector<16xf32>,
      %mul3A_128 = arith.constant 16 : i32
      %mul3A_129 = arith.muli %add3A_124, %mul3A_128 : i32
      %get3A_130 = arith.index_cast %mul3A_129 : i32 to index
      %get3A_131 = tpu.vector_load %arg14[%get3A_130] {strides = array<i32>} : memref<640xf32, #tpu.memory_space<vmem>>, vector<16xf32>,
      %add3A_132 = arith.addf %get3A_127, %get3A_131 : vector<16xf32>
      %mul3A_133 = arith.constant 16 : i32
      %mul3A_134 = arith.muli %add3A_124, %mul3A_133 : i32
      %swap3A = arith.index_cast %mul3A_134 : i32 to index
      %swap3A_135 = tpu.vector_load %arg13[%swap3A] {strides = array<i32>} : memref<640xf32, #tpu.memory_space<vmem>>, vector<16xf32>,
      tpu.vector_store %arg13[%swap3A], %add3A_132 {strides = array<i32>} : memref<640xf32, #tpu.memory_space<vmem>>, vector<16xf32>,
    }
    %scan3A_42 = arith.constant 40 : i32
    %run_scoped3A_43 = arith.constant 6 : i32
    "tpu.region"() ({
      %run_scoped3A_120 = tpu.sem_alloc : memref<!tpu.dma_semaphore, #tpu.memory_space<semaphore_mem>>
      %dma_start3A = tpu.memref_slice %arg15[%run_scoped3A_43, %mul3A_12] : memref<16x10240xf32, #tpu.memory_space<vmem_shared>> -> memref<1x640xf32, #tpu.memory_space<vmem_shared>>
      %dma_start3A_121 = tpu.memref_squeeze %dma_start3A : memref<1x640xf32, #tpu.memory_space<vmem_shared>> -> memref<640xf32, #tpu.memory_space<vmem_shared>>
      %dma_start3A_122 = tpu.memref_slice %arg15[%run_scoped3A_43, %mul3A_12] : memref<16x10240xf32, #tpu.memory_space<vmem_shared>> -> memref<1x640xf32, #tpu.memory_space<vmem_shared>>
      %dma_start3A_123 = tpu.memref_squeeze %dma_start3A_122 : memref<1x640xf32, #tpu.memory_space<vmem_shared>> -> memref<640xf32, #tpu.memory_space<vmem_shared>>
      tpu.enqueue_dma source(%dma_start3A_123 : memref<640xf32, #tpu.memory_space<vmem_shared>>) target(%arg14 : memref<640xf32, #tpu.memory_space<vmem>>) target_semaphore(%run_scoped3A_120 : memref<!tpu.dma_semaphore, #tpu.memory_space<semaphore_mem>>)
      %dma_wait3A = tpu.memref_slice %arg15[%run_scoped3A_43, %mul3A_12] : memref<16x10240xf32, #tpu.memory_space<vmem_shared>> -> memref<1x640xf32, #tpu.memory_space<vmem_shared>>
      %dma_wait3A_124 = tpu.memref_squeeze %dma_wait3A : memref<1x640xf32, #tpu.memory_space<vmem_shared>> -> memref<640xf32, #tpu.memory_space<vmem_shared>>
      %dma_wait3A_125 = tpu.memref_slice %arg15[%run_scoped3A_43, %mul3A_12] : memref<16x10240xf32, #tpu.memory_space<vmem_shared>> -> memref<1x640xf32, #tpu.memory_space<vmem_shared>>
      %dma_wait3A_126 = tpu.memref_squeeze %dma_wait3A_125 : memref<1x640xf32, #tpu.memory_space<vmem_shared>> -> memref<640xf32, #tpu.memory_space<vmem_shared>>
      tpu.wait_dma2 semaphore(%run_scoped3A_120 : memref<!tpu.dma_semaphore, #tpu.memory_space<semaphore_mem>>) src(%dma_wait3A_126 : memref<640xf32, #tpu.memory_space<vmem_shared>>) dst(%arg14 : memref<640xf32, #tpu.memory_space<vmem>>)
      tpu.yield
    }) : () -> ()
    %scan3A_44 = arith.constant 0 : i32
    %scan3A_45 = arith.constant 40 : i32
    %scan3A_46 = arith.addi %scan3A_44, %scan3A_45 : i32
    %scan3A_47 = arith.constant 1 : i32
    scf.for %scan3A_120 = %scan3A_44 to %scan3A_46 step %scan3A_47  : i32 {
      %mul3A_121 = arith.constant 1 : i32
      %mul3A_122 = arith.muli %scan3A_120, %mul3A_121 : i32
      %add3A_123 = arith.constant 0 : i32
      %add3A_124 = arith.addi %add3A_123, %mul3A_122 : i32
      %mul3A_125 = arith.constant 16 : i32
      %mul3A_126 = arith.muli %add3A_124, %mul3A_125 : i32
      %get3A = arith.index_cast %mul3A_126 : i32 to index
      %get3A_127 = tpu.vector_load %arg13[%get3A] {strides = array<i32>} : memref<640xf32, #tpu.memory_space<vmem>>, vector<16xf32>,
      %mul3A_128 = arith.constant 16 : i32
      %mul3A_129 = arith.muli %add3A_124, %mul3A_128 : i32
      %get3A_130 = arith.index_cast %mul3A_129 : i32 to index
      %get3A_131 = tpu.vector_load %arg14[%get3A_130] {strides = array<i32>} : memref<640xf32, #tpu.memory_space<vmem>>, vector<16xf32>,
      %add3A_132 = arith.addf %get3A_127, %get3A_131 : vector<16xf32>
      %mul3A_133 = arith.constant 16 : i32
      %mul3A_134 = arith.muli %add3A_124, %mul3A_133 : i32
      %swap3A = arith.index_cast %mul3A_134 : i32 to index
      %swap3A_135 = tpu.vector_load %arg13[%swap3A] {strides = array<i32>} : memref<640xf32, #tpu.memory_space<vmem>>, vector<16xf32>,
      tpu.vector_store %arg13[%swap3A], %add3A_132 {strides = array<i32>} : memref<640xf32, #tpu.memory_space<vmem>>, vector<16xf32>,
    }
    %scan3A_48 = arith.constant 40 : i32
    %run_scoped3A_49 = arith.constant 7 : i32
    "tpu.region"() ({
      %run_scoped3A_120 = tpu.sem_alloc : memref<!tpu.dma_semaphore, #tpu.memory_space<semaphore_mem>>
      %dma_start3A = tpu.memref_slice %arg15[%run_scoped3A_49, %mul3A_12] : memref<16x10240xf32, #tpu.memory_space<vmem_shared>> -> memref<1x640xf32, #tpu.memory_space<vmem_shared>>
      %dma_start3A_121 = tpu.memref_squeeze %dma_start3A : memref<1x640xf32, #tpu.memory_space<vmem_shared>> -> memref<640xf32, #tpu.memory_space<vmem_shared>>
      %dma_start3A_122 = tpu.memref_slice %arg15[%run_scoped3A_49, %mul3A_12] : memref<16x10240xf32, #tpu.memory_space<vmem_shared>> -> memref<1x640xf32, #tpu.memory_space<vmem_shared>>
      %dma_start3A_123 = tpu.memref_squeeze %dma_start3A_122 : memref<1x640xf32, #tpu.memory_space<vmem_shared>> -> memref<640xf32, #tpu.memory_space<vmem_shared>>
      tpu.enqueue_dma source(%dma_start3A_123 : memref<640xf32, #tpu.memory_space<vmem_shared>>) target(%arg14 : memref<640xf32, #tpu.memory_space<vmem>>) target_semaphore(%run_scoped3A_120 : memref<!tpu.dma_semaphore, #tpu.memory_space<semaphore_mem>>)
      %dma_wait3A = tpu.memref_slice %arg15[%run_scoped3A_49, %mul3A_12] : memref<16x10240xf32, #tpu.memory_space<vmem_shared>> -> memref<1x640xf32, #tpu.memory_space<vmem_shared>>
      %dma_wait3A_124 = tpu.memref_squeeze %dma_wait3A : memref<1x640xf32, #tpu.memory_space<vmem_shared>> -> memref<640xf32, #tpu.memory_space<vmem_shared>>
      %dma_wait3A_125 = tpu.memref_slice %arg15[%run_scoped3A_49, %mul3A_12] : memref<16x10240xf32, #tpu.memory_space<vmem_shared>> -> memref<1x640xf32, #tpu.memory_space<vmem_shared>>
      %dma_wait3A_126 = tpu.memref_squeeze %dma_wait3A_125 : memref<1x640xf32, #tpu.memory_space<vmem_shared>> -> memref<640xf32, #tpu.memory_space<vmem_shared>>
      tpu.wait_dma2 semaphore(%run_scoped3A_120 : memref<!tpu.dma_semaphore, #tpu.memory_space<semaphore_mem>>) src(%dma_wait3A_126 : memref<640xf32, #tpu.memory_space<vmem_shared>>) dst(%arg14 : memref<640xf32, #tpu.memory_space<vmem>>)
      tpu.yield
    }) : () -> ()
    %scan3A_50 = arith.constant 0 : i32
    %scan3A_51 = arith.constant 40 : i32
    %scan3A_52 = arith.addi %scan3A_50, %scan3A_51 : i32
    %scan3A_53 = arith.constant 1 : i32
    scf.for %scan3A_120 = %scan3A_50 to %scan3A_52 step %scan3A_53  : i32 {
      %mul3A_121 = arith.constant 1 : i32
      %mul3A_122 = arith.muli %scan3A_120, %mul3A_121 : i32
      %add3A_123 = arith.constant 0 : i32
      %add3A_124 = arith.addi %add3A_123, %mul3A_122 : i32
      %mul3A_125 = arith.constant 16 : i32
      %mul3A_126 = arith.muli %add3A_124, %mul3A_125 : i32
      %get3A = arith.index_cast %mul3A_126 : i32 to index
      %get3A_127 = tpu.vector_load %arg13[%get3A] {strides = array<i32>} : memref<640xf32, #tpu.memory_space<vmem>>, vector<16xf32>,
      %mul3A_128 = arith.constant 16 : i32
      %mul3A_129 = arith.muli %add3A_124, %mul3A_128 : i32
      %get3A_130 = arith.index_cast %mul3A_129 : i32 to index
      %get3A_131 = tpu.vector_load %arg14[%get3A_130] {strides = array<i32>} : memref<640xf32, #tpu.memory_space<vmem>>, vector<16xf32>,
      %add3A_132 = arith.addf %get3A_127, %get3A_131 : vector<16xf32>
      %mul3A_133 = arith.constant 16 : i32
      %mul3A_134 = arith.muli %add3A_124, %mul3A_133 : i32
      %swap3A = arith.index_cast %mul3A_134 : i32 to index
      %swap3A_135 = tpu.vector_load %arg13[%swap3A] {strides = array<i32>} : memref<640xf32, #tpu.memory_space<vmem>>, vector<16xf32>,
      tpu.vector_store %arg13[%swap3A], %add3A_132 {strides = array<i32>} : memref<640xf32, #tpu.memory_space<vmem>>, vector<16xf32>,
    }
    %scan3A_54 = arith.constant 40 : i32
    %run_scoped3A_55 = arith.constant 8 : i32
    "tpu.region"() ({
      %run_scoped3A_120 = tpu.sem_alloc : memref<!tpu.dma_semaphore, #tpu.memory_space<semaphore_mem>>
      %dma_start3A = tpu.memref_slice %arg15[%run_scoped3A_55, %mul3A_12] : memref<16x10240xf32, #tpu.memory_space<vmem_shared>> -> memref<1x640xf32, #tpu.memory_space<vmem_shared>>
      %dma_start3A_121 = tpu.memref_squeeze %dma_start3A : memref<1x640xf32, #tpu.memory_space<vmem_shared>> -> memref<640xf32, #tpu.memory_space<vmem_shared>>
      %dma_start3A_122 = tpu.memref_slice %arg15[%run_scoped3A_55, %mul3A_12] : memref<16x10240xf32, #tpu.memory_space<vmem_shared>> -> memref<1x640xf32, #tpu.memory_space<vmem_shared>>
      %dma_start3A_123 = tpu.memref_squeeze %dma_start3A_122 : memref<1x640xf32, #tpu.memory_space<vmem_shared>> -> memref<640xf32, #tpu.memory_space<vmem_shared>>
      tpu.enqueue_dma source(%dma_start3A_123 : memref<640xf32, #tpu.memory_space<vmem_shared>>) target(%arg14 : memref<640xf32, #tpu.memory_space<vmem>>) target_semaphore(%run_scoped3A_120 : memref<!tpu.dma_semaphore, #tpu.memory_space<semaphore_mem>>)
      %dma_wait3A = tpu.memref_slice %arg15[%run_scoped3A_55, %mul3A_12] : memref<16x10240xf32, #tpu.memory_space<vmem_shared>> -> memref<1x640xf32, #tpu.memory_space<vmem_shared>>
      %dma_wait3A_124 = tpu.memref_squeeze %dma_wait3A : memref<1x640xf32, #tpu.memory_space<vmem_shared>> -> memref<640xf32, #tpu.memory_space<vmem_shared>>
      %dma_wait3A_125 = tpu.memref_slice %arg15[%run_scoped3A_55, %mul3A_12] : memref<16x10240xf32, #tpu.memory_space<vmem_shared>> -> memref<1x640xf32, #tpu.memory_space<vmem_shared>>
      %dma_wait3A_126 = tpu.memref_squeeze %dma_wait3A_125 : memref<1x640xf32, #tpu.memory_space<vmem_shared>> -> memref<640xf32, #tpu.memory_space<vmem_shared>>
      tpu.wait_dma2 semaphore(%run_scoped3A_120 : memref<!tpu.dma_semaphore, #tpu.memory_space<semaphore_mem>>) src(%dma_wait3A_126 : memref<640xf32, #tpu.memory_space<vmem_shared>>) dst(%arg14 : memref<640xf32, #tpu.memory_space<vmem>>)
      tpu.yield
    }) : () -> ()
    %scan3A_56 = arith.constant 0 : i32
    %scan3A_57 = arith.constant 40 : i32
    %scan3A_58 = arith.addi %scan3A_56, %scan3A_57 : i32
    %scan3A_59 = arith.constant 1 : i32
    scf.for %scan3A_120 = %scan3A_56 to %scan3A_58 step %scan3A_59  : i32 {
      %mul3A_121 = arith.constant 1 : i32
      %mul3A_122 = arith.muli %scan3A_120, %mul3A_121 : i32
      %add3A_123 = arith.constant 0 : i32
      %add3A_124 = arith.addi %add3A_123, %mul3A_122 : i32
      %mul3A_125 = arith.constant 16 : i32
      %mul3A_126 = arith.muli %add3A_124, %mul3A_125 : i32
      %get3A = arith.index_cast %mul3A_126 : i32 to index
      %get3A_127 = tpu.vector_load %arg13[%get3A] {strides = array<i32>} : memref<640xf32, #tpu.memory_space<vmem>>, vector<16xf32>,
      %mul3A_128 = arith.constant 16 : i32
      %mul3A_129 = arith.muli %add3A_124, %mul3A_128 : i32
      %get3A_130 = arith.index_cast %mul3A_129 : i32 to index
      %get3A_131 = tpu.vector_load %arg14[%get3A_130] {strides = array<i32>} : memref<640xf32, #tpu.memory_space<vmem>>, vector<16xf32>,
      %add3A_132 = arith.addf %get3A_127, %get3A_131 : vector<16xf32>
      %mul3A_133 = arith.constant 16 : i32
      %mul3A_134 = arith.muli %add3A_124, %mul3A_133 : i32
      %swap3A = arith.index_cast %mul3A_134 : i32 to index
      %swap3A_135 = tpu.vector_load %arg13[%swap3A] {strides = array<i32>} : memref<640xf32, #tpu.memory_space<vmem>>, vector<16xf32>,
      tpu.vector_store %arg13[%swap3A], %add3A_132 {strides = array<i32>} : memref<640xf32, #tpu.memory_space<vmem>>, vector<16xf32>,
    }
    %scan3A_60 = arith.constant 40 : i32
    %run_scoped3A_61 = arith.constant 9 : i32
    "tpu.region"() ({
      %run_scoped3A_120 = tpu.sem_alloc : memref<!tpu.dma_semaphore, #tpu.memory_space<semaphore_mem>>
      %dma_start3A = tpu.memref_slice %arg15[%run_scoped3A_61, %mul3A_12] : memref<16x10240xf32, #tpu.memory_space<vmem_shared>> -> memref<1x640xf32, #tpu.memory_space<vmem_shared>>
      %dma_start3A_121 = tpu.memref_squeeze %dma_start3A : memref<1x640xf32, #tpu.memory_space<vmem_shared>> -> memref<640xf32, #tpu.memory_space<vmem_shared>>
      %dma_start3A_122 = tpu.memref_slice %arg15[%run_scoped3A_61, %mul3A_12] : memref<16x10240xf32, #tpu.memory_space<vmem_shared>> -> memref<1x640xf32, #tpu.memory_space<vmem_shared>>
      %dma_start3A_123 = tpu.memref_squeeze %dma_start3A_122 : memref<1x640xf32, #tpu.memory_space<vmem_shared>> -> memref<640xf32, #tpu.memory_space<vmem_shared>>
      tpu.enqueue_dma source(%dma_start3A_123 : memref<640xf32, #tpu.memory_space<vmem_shared>>) target(%arg14 : memref<640xf32, #tpu.memory_space<vmem>>) target_semaphore(%run_scoped3A_120 : memref<!tpu.dma_semaphore, #tpu.memory_space<semaphore_mem>>)
      %dma_wait3A = tpu.memref_slice %arg15[%run_scoped3A_61, %mul3A_12] : memref<16x10240xf32, #tpu.memory_space<vmem_shared>> -> memref<1x640xf32, #tpu.memory_space<vmem_shared>>
      %dma_wait3A_124 = tpu.memref_squeeze %dma_wait3A : memref<1x640xf32, #tpu.memory_space<vmem_shared>> -> memref<640xf32, #tpu.memory_space<vmem_shared>>
      %dma_wait3A_125 = tpu.memref_slice %arg15[%run_scoped3A_61, %mul3A_12] : memref<16x10240xf32, #tpu.memory_space<vmem_shared>> -> memref<1x640xf32, #tpu.memory_space<vmem_shared>>
      %dma_wait3A_126 = tpu.memref_squeeze %dma_wait3A_125 : memref<1x640xf32, #tpu.memory_space<vmem_shared>> -> memref<640xf32, #tpu.memory_space<vmem_shared>>
      tpu.wait_dma2 semaphore(%run_scoped3A_120 : memref<!tpu.dma_semaphore, #tpu.memory_space<semaphore_mem>>) src(%dma_wait3A_126 : memref<640xf32, #tpu.memory_space<vmem_shared>>) dst(%arg14 : memref<640xf32, #tpu.memory_space<vmem>>)
      tpu.yield
    }) : () -> ()
    %scan3A_62 = arith.constant 0 : i32
    %scan3A_63 = arith.constant 40 : i32
    %scan3A_64 = arith.addi %scan3A_62, %scan3A_63 : i32
    %scan3A_65 = arith.constant 1 : i32
    scf.for %scan3A_120 = %scan3A_62 to %scan3A_64 step %scan3A_65  : i32 {
      %mul3A_121 = arith.constant 1 : i32
      %mul3A_122 = arith.muli %scan3A_120, %mul3A_121 : i32
      %add3A_123 = arith.constant 0 : i32
      %add3A_124 = arith.addi %add3A_123, %mul3A_122 : i32
      %mul3A_125 = arith.constant 16 : i32
      %mul3A_126 = arith.muli %add3A_124, %mul3A_125 : i32
      %get3A = arith.index_cast %mul3A_126 : i32 to index
      %get3A_127 = tpu.vector_load %arg13[%get3A] {strides = array<i32>} : memref<640xf32, #tpu.memory_space<vmem>>, vector<16xf32>,
      %mul3A_128 = arith.constant 16 : i32
      %mul3A_129 = arith.muli %add3A_124, %mul3A_128 : i32
      %get3A_130 = arith.index_cast %mul3A_129 : i32 to index
      %get3A_131 = tpu.vector_load %arg14[%get3A_130] {strides = array<i32>} : memref<640xf32, #tpu.memory_space<vmem>>, vector<16xf32>,
      %add3A_132 = arith.addf %get3A_127, %get3A_131 : vector<16xf32>
      %mul3A_133 = arith.constant 16 : i32
      %mul3A_134 = arith.muli %add3A_124, %mul3A_133 : i32
      %swap3A = arith.index_cast %mul3A_134 : i32 to index
      %swap3A_135 = tpu.vector_load %arg13[%swap3A] {strides = array<i32>} : memref<640xf32, #tpu.memory_space<vmem>>, vector<16xf32>,
      tpu.vector_store %arg13[%swap3A], %add3A_132 {strides = array<i32>} : memref<640xf32, #tpu.memory_space<vmem>>, vector<16xf32>,
    }
    %scan3A_66 = arith.constant 40 : i32
    %run_scoped3A_67 = arith.constant 10 : i32
    "tpu.region"() ({
      %run_scoped3A_120 = tpu.sem_alloc : memref<!tpu.dma_semaphore, #tpu.memory_space<semaphore_mem>>
      %dma_start3A = tpu.memref_slice %arg15[%run_scoped3A_67, %mul3A_12] : memref<16x10240xf32, #tpu.memory_space<vmem_shared>> -> memref<1x640xf32, #tpu.memory_space<vmem_shared>>
      %dma_start3A_121 = tpu.memref_squeeze %dma_start3A : memref<1x640xf32, #tpu.memory_space<vmem_shared>> -> memref<640xf32, #tpu.memory_space<vmem_shared>>
      %dma_start3A_122 = tpu.memref_slice %arg15[%run_scoped3A_67, %mul3A_12] : memref<16x10240xf32, #tpu.memory_space<vmem_shared>> -> memref<1x640xf32, #tpu.memory_space<vmem_shared>>
      %dma_start3A_123 = tpu.memref_squeeze %dma_start3A_122 : memref<1x640xf32, #tpu.memory_space<vmem_shared>> -> memref<640xf32, #tpu.memory_space<vmem_shared>>
      tpu.enqueue_dma source(%dma_start3A_123 : memref<640xf32, #tpu.memory_space<vmem_shared>>) target(%arg14 : memref<640xf32, #tpu.memory_space<vmem>>) target_semaphore(%run_scoped3A_120 : memref<!tpu.dma_semaphore, #tpu.memory_space<semaphore_mem>>)
      %dma_wait3A = tpu.memref_slice %arg15[%run_scoped3A_67, %mul3A_12] : memref<16x10240xf32, #tpu.memory_space<vmem_shared>> -> memref<1x640xf32, #tpu.memory_space<vmem_shared>>
      %dma_wait3A_124 = tpu.memref_squeeze %dma_wait3A : memref<1x640xf32, #tpu.memory_space<vmem_shared>> -> memref<640xf32, #tpu.memory_space<vmem_shared>>
      %dma_wait3A_125 = tpu.memref_slice %arg15[%run_scoped3A_67, %mul3A_12] : memref<16x10240xf32, #tpu.memory_space<vmem_shared>> -> memref<1x640xf32, #tpu.memory_space<vmem_shared>>
      %dma_wait3A_126 = tpu.memref_squeeze %dma_wait3A_125 : memref<1x640xf32, #tpu.memory_space<vmem_shared>> -> memref<640xf32, #tpu.memory_space<vmem_shared>>
      tpu.wait_dma2 semaphore(%run_scoped3A_120 : memref<!tpu.dma_semaphore, #tpu.memory_space<semaphore_mem>>) src(%dma_wait3A_126 : memref<640xf32, #tpu.memory_space<vmem_shared>>) dst(%arg14 : memref<640xf32, #tpu.memory_space<vmem>>)
      tpu.yield
    }) : () -> ()
    %scan3A_68 = arith.constant 0 : i32
    %scan3A_69 = arith.constant 40 : i32
    %scan3A_70 = arith.addi %scan3A_68, %scan3A_69 : i32
    %scan3A_71 = arith.constant 1 : i32
    scf.for %scan3A_120 = %scan3A_68 to %scan3A_70 step %scan3A_71  : i32 {
      %mul3A_121 = arith.constant 1 : i32
      %mul3A_122 = arith.muli %scan3A_120, %mul3A_121 : i32
      %add3A_123 = arith.constant 0 : i32
      %add3A_124 = arith.addi %add3A_123, %mul3A_122 : i32
      %mul3A_125 = arith.constant 16 : i32
      %mul3A_126 = arith.muli %add3A_124, %mul3A_125 : i32
      %get3A = arith.index_cast %mul3A_126 : i32 to index
      %get3A_127 = tpu.vector_load %arg13[%get3A] {strides = array<i32>} : memref<640xf32, #tpu.memory_space<vmem>>, vector<16xf32>,
      %mul3A_128 = arith.constant 16 : i32
      %mul3A_129 = arith.muli %add3A_124, %mul3A_128 : i32
      %get3A_130 = arith.index_cast %mul3A_129 : i32 to index
      %get3A_131 = tpu.vector_load %arg14[%get3A_130] {strides = array<i32>} : memref<640xf32, #tpu.memory_space<vmem>>, vector<16xf32>,
      %add3A_132 = arith.addf %get3A_127, %get3A_131 : vector<16xf32>
      %mul3A_133 = arith.constant 16 : i32
      %mul3A_134 = arith.muli %add3A_124, %mul3A_133 : i32
      %swap3A = arith.index_cast %mul3A_134 : i32 to index
      %swap3A_135 = tpu.vector_load %arg13[%swap3A] {strides = array<i32>} : memref<640xf32, #tpu.memory_space<vmem>>, vector<16xf32>,
      tpu.vector_store %arg13[%swap3A], %add3A_132 {strides = array<i32>} : memref<640xf32, #tpu.memory_space<vmem>>, vector<16xf32>,
    }
    %scan3A_72 = arith.constant 40 : i32
    %run_scoped3A_73 = arith.constant 11 : i32
    "tpu.region"() ({
      %run_scoped3A_120 = tpu.sem_alloc : memref<!tpu.dma_semaphore, #tpu.memory_space<semaphore_mem>>
      %dma_start3A = tpu.memref_slice %arg15[%run_scoped3A_73, %mul3A_12] : memref<16x10240xf32, #tpu.memory_space<vmem_shared>> -> memref<1x640xf32, #tpu.memory_space<vmem_shared>>
      %dma_start3A_121 = tpu.memref_squeeze %dma_start3A : memref<1x640xf32, #tpu.memory_space<vmem_shared>> -> memref<640xf32, #tpu.memory_space<vmem_shared>>
      %dma_start3A_122 = tpu.memref_slice %arg15[%run_scoped3A_73, %mul3A_12] : memref<16x10240xf32, #tpu.memory_space<vmem_shared>> -> memref<1x640xf32, #tpu.memory_space<vmem_shared>>
      %dma_start3A_123 = tpu.memref_squeeze %dma_start3A_122 : memref<1x640xf32, #tpu.memory_space<vmem_shared>> -> memref<640xf32, #tpu.memory_space<vmem_shared>>
      tpu.enqueue_dma source(%dma_start3A_123 : memref<640xf32, #tpu.memory_space<vmem_shared>>) target(%arg14 : memref<640xf32, #tpu.memory_space<vmem>>) target_semaphore(%run_scoped3A_120 : memref<!tpu.dma_semaphore, #tpu.memory_space<semaphore_mem>>)
      %dma_wait3A = tpu.memref_slice %arg15[%run_scoped3A_73, %mul3A_12] : memref<16x10240xf32, #tpu.memory_space<vmem_shared>> -> memref<1x640xf32, #tpu.memory_space<vmem_shared>>
      %dma_wait3A_124 = tpu.memref_squeeze %dma_wait3A : memref<1x640xf32, #tpu.memory_space<vmem_shared>> -> memref<640xf32, #tpu.memory_space<vmem_shared>>
      %dma_wait3A_125 = tpu.memref_slice %arg15[%run_scoped3A_73, %mul3A_12] : memref<16x10240xf32, #tpu.memory_space<vmem_shared>> -> memref<1x640xf32, #tpu.memory_space<vmem_shared>>
      %dma_wait3A_126 = tpu.memref_squeeze %dma_wait3A_125 : memref<1x640xf32, #tpu.memory_space<vmem_shared>> -> memref<640xf32, #tpu.memory_space<vmem_shared>>
      tpu.wait_dma2 semaphore(%run_scoped3A_120 : memref<!tpu.dma_semaphore, #tpu.memory_space<semaphore_mem>>) src(%dma_wait3A_126 : memref<640xf32, #tpu.memory_space<vmem_shared>>) dst(%arg14 : memref<640xf32, #tpu.memory_space<vmem>>)
      tpu.yield
    }) : () -> ()
    %scan3A_74 = arith.constant 0 : i32
    %scan3A_75 = arith.constant 40 : i32
    %scan3A_76 = arith.addi %scan3A_74, %scan3A_75 : i32
    %scan3A_77 = arith.constant 1 : i32
    scf.for %scan3A_120 = %scan3A_74 to %scan3A_76 step %scan3A_77  : i32 {
      %mul3A_121 = arith.constant 1 : i32
      %mul3A_122 = arith.muli %scan3A_120, %mul3A_121 : i32
      %add3A_123 = arith.constant 0 : i32
      %add3A_124 = arith.addi %add3A_123, %mul3A_122 : i32
      %mul3A_125 = arith.constant 16 : i32
      %mul3A_126 = arith.muli %add3A_124, %mul3A_125 : i32
      %get3A = arith.index_cast %mul3A_126 : i32 to index
      %get3A_127 = tpu.vector_load %arg13[%get3A] {strides = array<i32>} : memref<640xf32, #tpu.memory_space<vmem>>, vector<16xf32>,
      %mul3A_128 = arith.constant 16 : i32
      %mul3A_129 = arith.muli %add3A_124, %mul3A_128 : i32
      %get3A_130 = arith.index_cast %mul3A_129 : i32 to index
      %get3A_131 = tpu.vector_load %arg14[%get3A_130] {strides = array<i32>} : memref<640xf32, #tpu.memory_space<vmem>>, vector<16xf32>,
      %add3A_132 = arith.addf %get3A_127, %get3A_131 : vector<16xf32>
      %mul3A_133 = arith.constant 16 : i32
      %mul3A_134 = arith.muli %add3A_124, %mul3A_133 : i32
      %swap3A = arith.index_cast %mul3A_134 : i32 to index
      %swap3A_135 = tpu.vector_load %arg13[%swap3A] {strides = array<i32>} : memref<640xf32, #tpu.memory_space<vmem>>, vector<16xf32>,
      tpu.vector_store %arg13[%swap3A], %add3A_132 {strides = array<i32>} : memref<640xf32, #tpu.memory_space<vmem>>, vector<16xf32>,
    }
    %scan3A_78 = arith.constant 40 : i32
    %run_scoped3A_79 = arith.constant 12 : i32
    "tpu.region"() ({
      %run_scoped3A_120 = tpu.sem_alloc : memref<!tpu.dma_semaphore, #tpu.memory_space<semaphore_mem>>
      %dma_start3A = tpu.memref_slice %arg15[%run_scoped3A_79, %mul3A_12] : memref<16x10240xf32, #tpu.memory_space<vmem_shared>> -> memref<1x640xf32, #tpu.memory_space<vmem_shared>>
      %dma_start3A_121 = tpu.memref_squeeze %dma_start3A : memref<1x640xf32, #tpu.memory_space<vmem_shared>> -> memref<640xf32, #tpu.memory_space<vmem_shared>>
      %dma_start3A_122 = tpu.memref_slice %arg15[%run_scoped3A_79, %mul3A_12] : memref<16x10240xf32, #tpu.memory_space<vmem_shared>> -> memref<1x640xf32, #tpu.memory_space<vmem_shared>>
      %dma_start3A_123 = tpu.memref_squeeze %dma_start3A_122 : memref<1x640xf32, #tpu.memory_space<vmem_shared>> -> memref<640xf32, #tpu.memory_space<vmem_shared>>
      tpu.enqueue_dma source(%dma_start3A_123 : memref<640xf32, #tpu.memory_space<vmem_shared>>) target(%arg14 : memref<640xf32, #tpu.memory_space<vmem>>) target_semaphore(%run_scoped3A_120 : memref<!tpu.dma_semaphore, #tpu.memory_space<semaphore_mem>>)
      %dma_wait3A = tpu.memref_slice %arg15[%run_scoped3A_79, %mul3A_12] : memref<16x10240xf32, #tpu.memory_space<vmem_shared>> -> memref<1x640xf32, #tpu.memory_space<vmem_shared>>
      %dma_wait3A_124 = tpu.memref_squeeze %dma_wait3A : memref<1x640xf32, #tpu.memory_space<vmem_shared>> -> memref<640xf32, #tpu.memory_space<vmem_shared>>
      %dma_wait3A_125 = tpu.memref_slice %arg15[%run_scoped3A_79, %mul3A_12] : memref<16x10240xf32, #tpu.memory_space<vmem_shared>> -> memref<1x640xf32, #tpu.memory_space<vmem_shared>>
      %dma_wait3A_126 = tpu.memref_squeeze %dma_wait3A_125 : memref<1x640xf32, #tpu.memory_space<vmem_shared>> -> memref<640xf32, #tpu.memory_space<vmem_shared>>
      tpu.wait_dma2 semaphore(%run_scoped3A_120 : memref<!tpu.dma_semaphore, #tpu.memory_space<semaphore_mem>>) src(%dma_wait3A_126 : memref<640xf32, #tpu.memory_space<vmem_shared>>) dst(%arg14 : memref<640xf32, #tpu.memory_space<vmem>>)
      tpu.yield
    }) : () -> ()
    %scan3A_80 = arith.constant 0 : i32
    %scan3A_81 = arith.constant 40 : i32
    %scan3A_82 = arith.addi %scan3A_80, %scan3A_81 : i32
    %scan3A_83 = arith.constant 1 : i32
    scf.for %scan3A_120 = %scan3A_80 to %scan3A_82 step %scan3A_83  : i32 {
      %mul3A_121 = arith.constant 1 : i32
      %mul3A_122 = arith.muli %scan3A_120, %mul3A_121 : i32
      %add3A_123 = arith.constant 0 : i32
      %add3A_124 = arith.addi %add3A_123, %mul3A_122 : i32
      %mul3A_125 = arith.constant 16 : i32
      %mul3A_126 = arith.muli %add3A_124, %mul3A_125 : i32
      %get3A = arith.index_cast %mul3A_126 : i32 to index
      %get3A_127 = tpu.vector_load %arg13[%get3A] {strides = array<i32>} : memref<640xf32, #tpu.memory_space<vmem>>, vector<16xf32>,
      %mul3A_128 = arith.constant 16 : i32
      %mul3A_129 = arith.muli %add3A_124, %mul3A_128 : i32
      %get3A_130 = arith.index_cast %mul3A_129 : i32 to index
      %get3A_131 = tpu.vector_load %arg14[%get3A_130] {strides = array<i32>} : memref<640xf32, #tpu.memory_space<vmem>>, vector<16xf32>,
      %add3A_132 = arith.addf %get3A_127, %get3A_131 : vector<16xf32>
      %mul3A_133 = arith.constant 16 : i32
      %mul3A_134 = arith.muli %add3A_124, %mul3A_133 : i32
      %swap3A = arith.index_cast %mul3A_134 : i32 to index
      %swap3A_135 = tpu.vector_load %arg13[%swap3A] {strides = array<i32>} : memref<640xf32, #tpu.memory_space<vmem>>, vector<16xf32>,
      tpu.vector_store %arg13[%swap3A], %add3A_132 {strides = array<i32>} : memref<640xf32, #tpu.memory_space<vmem>>, vector<16xf32>,
    }
    %scan3A_84 = arith.constant 40 : i32
    %run_scoped3A_85 = arith.constant 13 : i32
    "tpu.region"() ({
      %run_scoped3A_120 = tpu.sem_alloc : memref<!tpu.dma_semaphore, #tpu.memory_space<semaphore_mem>>
      %dma_start3A = tpu.memref_slice %arg15[%run_scoped3A_85, %mul3A_12] : memref<16x10240xf32, #tpu.memory_space<vmem_shared>> -> memref<1x640xf32, #tpu.memory_space<vmem_shared>>
      %dma_start3A_121 = tpu.memref_squeeze %dma_start3A : memref<1x640xf32, #tpu.memory_space<vmem_shared>> -> memref<640xf32, #tpu.memory_space<vmem_shared>>
      %dma_start3A_122 = tpu.memref_slice %arg15[%run_scoped3A_85, %mul3A_12] : memref<16x10240xf32, #tpu.memory_space<vmem_shared>> -> memref<1x640xf32, #tpu.memory_space<vmem_shared>>
      %dma_start3A_123 = tpu.memref_squeeze %dma_start3A_122 : memref<1x640xf32, #tpu.memory_space<vmem_shared>> -> memref<640xf32, #tpu.memory_space<vmem_shared>>
      tpu.enqueue_dma source(%dma_start3A_123 : memref<640xf32, #tpu.memory_space<vmem_shared>>) target(%arg14 : memref<640xf32, #tpu.memory_space<vmem>>) target_semaphore(%run_scoped3A_120 : memref<!tpu.dma_semaphore, #tpu.memory_space<semaphore_mem>>)
      %dma_wait3A = tpu.memref_slice %arg15[%run_scoped3A_85, %mul3A_12] : memref<16x10240xf32, #tpu.memory_space<vmem_shared>> -> memref<1x640xf32, #tpu.memory_space<vmem_shared>>
      %dma_wait3A_124 = tpu.memref_squeeze %dma_wait3A : memref<1x640xf32, #tpu.memory_space<vmem_shared>> -> memref<640xf32, #tpu.memory_space<vmem_shared>>
      %dma_wait3A_125 = tpu.memref_slice %arg15[%run_scoped3A_85, %mul3A_12] : memref<16x10240xf32, #tpu.memory_space<vmem_shared>> -> memref<1x640xf32, #tpu.memory_space<vmem_shared>>
      %dma_wait3A_126 = tpu.memref_squeeze %dma_wait3A_125 : memref<1x640xf32, #tpu.memory_space<vmem_shared>> -> memref<640xf32, #tpu.memory_space<vmem_shared>>
      tpu.wait_dma2 semaphore(%run_scoped3A_120 : memref<!tpu.dma_semaphore, #tpu.memory_space<semaphore_mem>>) src(%dma_wait3A_126 : memref<640xf32, #tpu.memory_space<vmem_shared>>) dst(%arg14 : memref<640xf32, #tpu.memory_space<vmem>>)
      tpu.yield
    }) : () -> ()
    %scan3A_86 = arith.constant 0 : i32
    %scan3A_87 = arith.constant 40 : i32
    %scan3A_88 = arith.addi %scan3A_86, %scan3A_87 : i32
    %scan3A_89 = arith.constant 1 : i32
    scf.for %scan3A_120 = %scan3A_86 to %scan3A_88 step %scan3A_89  : i32 {
      %mul3A_121 = arith.constant 1 : i32
      %mul3A_122 = arith.muli %scan3A_120, %mul3A_121 : i32
      %add3A_123 = arith.constant 0 : i32
      %add3A_124 = arith.addi %add3A_123, %mul3A_122 : i32
      %mul3A_125 = arith.constant 16 : i32
      %mul3A_126 = arith.muli %add3A_124, %mul3A_125 : i32
      %get3A = arith.index_cast %mul3A_126 : i32 to index
      %get3A_127 = tpu.vector_load %arg13[%get3A] {strides = array<i32>} : memref<640xf32, #tpu.memory_space<vmem>>, vector<16xf32>,
      %mul3A_128 = arith.constant 16 : i32
      %mul3A_129 = arith.muli %add3A_124, %mul3A_128 : i32
      %get3A_130 = arith.index_cast %mul3A_129 : i32 to index
      %get3A_131 = tpu.vector_load %arg14[%get3A_130] {strides = array<i32>} : memref<640xf32, #tpu.memory_space<vmem>>, vector<16xf32>,
      %add3A_132 = arith.addf %get3A_127, %get3A_131 : vector<16xf32>
      %mul3A_133 = arith.constant 16 : i32
      %mul3A_134 = arith.muli %add3A_124, %mul3A_133 : i32
      %swap3A = arith.index_cast %mul3A_134 : i32 to index
      %swap3A_135 = tpu.vector_load %arg13[%swap3A] {strides = array<i32>} : memref<640xf32, #tpu.memory_space<vmem>>, vector<16xf32>,
      tpu.vector_store %arg13[%swap3A], %add3A_132 {strides = array<i32>} : memref<640xf32, #tpu.memory_space<vmem>>, vector<16xf32>,
    }
    %scan3A_90 = arith.constant 40 : i32
    %run_scoped3A_91 = arith.constant 14 : i32
    "tpu.region"() ({
      %run_scoped3A_120 = tpu.sem_alloc : memref<!tpu.dma_semaphore, #tpu.memory_space<semaphore_mem>>
      %dma_start3A = tpu.memref_slice %arg15[%run_scoped3A_91, %mul3A_12] : memref<16x10240xf32, #tpu.memory_space<vmem_shared>> -> memref<1x640xf32, #tpu.memory_space<vmem_shared>>
      %dma_start3A_121 = tpu.memref_squeeze %dma_start3A : memref<1x640xf32, #tpu.memory_space<vmem_shared>> -> memref<640xf32, #tpu.memory_space<vmem_shared>>
      %dma_start3A_122 = tpu.memref_slice %arg15[%run_scoped3A_91, %mul3A_12] : memref<16x10240xf32, #tpu.memory_space<vmem_shared>> -> memref<1x640xf32, #tpu.memory_space<vmem_shared>>
      %dma_start3A_123 = tpu.memref_squeeze %dma_start3A_122 : memref<1x640xf32, #tpu.memory_space<vmem_shared>> -> memref<640xf32, #tpu.memory_space<vmem_shared>>
      tpu.enqueue_dma source(%dma_start3A_123 : memref<640xf32, #tpu.memory_space<vmem_shared>>) target(%arg14 : memref<640xf32, #tpu.memory_space<vmem>>) target_semaphore(%run_scoped3A_120 : memref<!tpu.dma_semaphore, #tpu.memory_space<semaphore_mem>>)
      %dma_wait3A = tpu.memref_slice %arg15[%run_scoped3A_91, %mul3A_12] : memref<16x10240xf32, #tpu.memory_space<vmem_shared>> -> memref<1x640xf32, #tpu.memory_space<vmem_shared>>
      %dma_wait3A_124 = tpu.memref_squeeze %dma_wait3A : memref<1x640xf32, #tpu.memory_space<vmem_shared>> -> memref<640xf32, #tpu.memory_space<vmem_shared>>
      %dma_wait3A_125 = tpu.memref_slice %arg15[%run_scoped3A_91, %mul3A_12] : memref<16x10240xf32, #tpu.memory_space<vmem_shared>> -> memref<1x640xf32, #tpu.memory_space<vmem_shared>>
      %dma_wait3A_126 = tpu.memref_squeeze %dma_wait3A_125 : memref<1x640xf32, #tpu.memory_space<vmem_shared>> -> memref<640xf32, #tpu.memory_space<vmem_shared>>
      tpu.wait_dma2 semaphore(%run_scoped3A_120 : memref<!tpu.dma_semaphore, #tpu.memory_space<semaphore_mem>>) src(%dma_wait3A_126 : memref<640xf32, #tpu.memory_space<vmem_shared>>) dst(%arg14 : memref<640xf32, #tpu.memory_space<vmem>>)
      tpu.yield
    }) : () -> ()
    %scan3A_92 = arith.constant 0 : i32
    %scan3A_93 = arith.constant 40 : i32
    %scan3A_94 = arith.addi %scan3A_92, %scan3A_93 : i32
    %scan3A_95 = arith.constant 1 : i32
    scf.for %scan3A_120 = %scan3A_92 to %scan3A_94 step %scan3A_95  : i32 {
      %mul3A_121 = arith.constant 1 : i32
      %mul3A_122 = arith.muli %scan3A_120, %mul3A_121 : i32
      %add3A_123 = arith.constant 0 : i32
      %add3A_124 = arith.addi %add3A_123, %mul3A_122 : i32
      %mul3A_125 = arith.constant 16 : i32
      %mul3A_126 = arith.muli %add3A_124, %mul3A_125 : i32
      %get3A = arith.index_cast %mul3A_126 : i32 to index
      %get3A_127 = tpu.vector_load %arg13[%get3A] {strides = array<i32>} : memref<640xf32, #tpu.memory_space<vmem>>, vector<16xf32>,
      %mul3A_128 = arith.constant 16 : i32
      %mul3A_129 = arith.muli %add3A_124, %mul3A_128 : i32
      %get3A_130 = arith.index_cast %mul3A_129 : i32 to index
      %get3A_131 = tpu.vector_load %arg14[%get3A_130] {strides = array<i32>} : memref<640xf32, #tpu.memory_space<vmem>>, vector<16xf32>,
      %add3A_132 = arith.addf %get3A_127, %get3A_131 : vector<16xf32>
      %mul3A_133 = arith.constant 16 : i32
      %mul3A_134 = arith.muli %add3A_124, %mul3A_133 : i32
      %swap3A = arith.index_cast %mul3A_134 : i32 to index
      %swap3A_135 = tpu.vector_load %arg13[%swap3A] {strides = array<i32>} : memref<640xf32, #tpu.memory_space<vmem>>, vector<16xf32>,
      tpu.vector_store %arg13[%swap3A], %add3A_132 {strides = array<i32>} : memref<640xf32, #tpu.memory_space<vmem>>, vector<16xf32>,
    }
    %scan3A_96 = arith.constant 40 : i32
    %run_scoped3A_97 = arith.constant 15 : i32
    "tpu.region"() ({
      %run_scoped3A_120 = tpu.sem_alloc : memref<!tpu.dma_semaphore, #tpu.memory_space<semaphore_mem>>
      %dma_start3A = tpu.memref_slice %arg15[%run_scoped3A_97, %mul3A_12] : memref<16x10240xf32, #tpu.memory_space<vmem_shared>> -> memref<1x640xf32, #tpu.memory_space<vmem_shared>>
      %dma_start3A_121 = tpu.memref_squeeze %dma_start3A : memref<1x640xf32, #tpu.memory_space<vmem_shared>> -> memref<640xf32, #tpu.memory_space<vmem_shared>>
      %dma_start3A_122 = tpu.memref_slice %arg15[%run_scoped3A_97, %mul3A_12] : memref<16x10240xf32, #tpu.memory_space<vmem_shared>> -> memref<1x640xf32, #tpu.memory_space<vmem_shared>>
      %dma_start3A_123 = tpu.memref_squeeze %dma_start3A_122 : memref<1x640xf32, #tpu.memory_space<vmem_shared>> -> memref<640xf32, #tpu.memory_space<vmem_shared>>
      tpu.enqueue_dma source(%dma_start3A_123 : memref<640xf32, #tpu.memory_space<vmem_shared>>) target(%arg14 : memref<640xf32, #tpu.memory_space<vmem>>) target_semaphore(%run_scoped3A_120 : memref<!tpu.dma_semaphore, #tpu.memory_space<semaphore_mem>>)
      %dma_wait3A = tpu.memref_slice %arg15[%run_scoped3A_97, %mul3A_12] : memref<16x10240xf32, #tpu.memory_space<vmem_shared>> -> memref<1x640xf32, #tpu.memory_space<vmem_shared>>
      %dma_wait3A_124 = tpu.memref_squeeze %dma_wait3A : memref<1x640xf32, #tpu.memory_space<vmem_shared>> -> memref<640xf32, #tpu.memory_space<vmem_shared>>
      %dma_wait3A_125 = tpu.memref_slice %arg15[%run_scoped3A_97, %mul3A_12] : memref<16x10240xf32, #tpu.memory_space<vmem_shared>> -> memref<1x640xf32, #tpu.memory_space<vmem_shared>>
      %dma_wait3A_126 = tpu.memref_squeeze %dma_wait3A_125 : memref<1x640xf32, #tpu.memory_space<vmem_shared>> -> memref<640xf32, #tpu.memory_space<vmem_shared>>
      tpu.wait_dma2 semaphore(%run_scoped3A_120 : memref<!tpu.dma_semaphore, #tpu.memory_space<semaphore_mem>>) src(%dma_wait3A_126 : memref<640xf32, #tpu.memory_space<vmem_shared>>) dst(%arg14 : memref<640xf32, #tpu.memory_space<vmem>>)
      tpu.yield
    }) : () -> ()
    %scan3A_98 = arith.constant 0 : i32
    %scan3A_99 = arith.constant 40 : i32
    %scan3A_100 = arith.addi %scan3A_98, %scan3A_99 : i32
    %scan3A_101 = arith.constant 1 : i32
    scf.for %scan3A_120 = %scan3A_98 to %scan3A_100 step %scan3A_101  : i32 {
      %mul3A_121 = arith.constant 1 : i32
      %mul3A_122 = arith.muli %scan3A_120, %mul3A_121 : i32
      %add3A_123 = arith.constant 0 : i32
      %add3A_124 = arith.addi %add3A_123, %mul3A_122 : i32
      %mul3A_125 = arith.constant 16 : i32
      %mul3A_126 = arith.muli %add3A_124, %mul3A_125 : i32
      %get3A = arith.index_cast %mul3A_126 : i32 to index
      %get3A_127 = tpu.vector_load %arg13[%get3A] {strides = array<i32>} : memref<640xf32, #tpu.memory_space<vmem>>, vector<16xf32>,
      %mul3A_128 = arith.constant 16 : i32
      %mul3A_129 = arith.muli %add3A_124, %mul3A_128 : i32
      %get3A_130 = arith.index_cast %mul3A_129 : i32 to index
      %get3A_131 = tpu.vector_load %arg14[%get3A_130] {strides = array<i32>} : memref<640xf32, #tpu.memory_space<vmem>>, vector<16xf32>,
      %add3A_132 = arith.addf %get3A_127, %get3A_131 : vector<16xf32>
      %mul3A_133 = arith.constant 16 : i32
      %mul3A_134 = arith.muli %add3A_124, %mul3A_133 : i32
      %swap3A = arith.index_cast %mul3A_134 : i32 to index
      %swap3A_135 = tpu.vector_load %arg13[%swap3A] {strides = array<i32>} : memref<640xf32, #tpu.memory_space<vmem>>, vector<16xf32>,
      tpu.vector_store %arg13[%swap3A], %add3A_132 {strides = array<i32>} : memref<640xf32, #tpu.memory_space<vmem>>, vector<16xf32>,
    }
    %scan3A_102 = arith.constant 40 : i32
    %broadcast_in_dim3A_103 = arith.constant 1597463007 : i32
    %broadcast_in_dim3A_104 = vector.broadcast %broadcast_in_dim3A_103 : i32 to vector<16xi32>
    %scan3A_105 = arith.constant 0 : i32
    %scan3A_106 = arith.constant 40 : i32
    %scan3A_107 = arith.addi %scan3A_105, %scan3A_106 : i32
    %scan3A_108 = arith.constant 1 : i32
    scf.for %scan3A_120 = %scan3A_105 to %scan3A_107 step %scan3A_108  : i32 {
      %mul3A_121 = arith.constant 1 : i32
      %mul3A_122 = arith.muli %scan3A_120, %mul3A_121 : i32
      %add3A_123 = arith.constant 0 : i32
      %add3A_124 = arith.addi %add3A_123, %mul3A_122 : i32
      %mul3A_125 = arith.constant 16 : i32
      %mul3A_126 = arith.muli %add3A_124, %mul3A_125 : i32
      %get3A = arith.index_cast %mul3A_126 : i32 to index
      %get3A_127 = tpu.vector_load %arg13[%get3A] {strides = array<i32>} : memref<640xf32, #tpu.memory_space<vmem>>, vector<16xf32>,
      %bitcast3A = vector.bitcast %get3A_127 : vector<16xf32> to vector<16xi32>
      %shift_right_arithmetic3A = arith.constant 1 : i32
      %shift_right_arithmetic3A_128 = vector.broadcast %shift_right_arithmetic3A : i32 to vector<16xi32>
      %shift_right_arithmetic3A_129 = arith.shrsi %bitcast3A, %shift_right_arithmetic3A_128 : vector<16xi32>
      %sub3A = arith.subi %broadcast_in_dim3A_104, %shift_right_arithmetic3A_129 : vector<16xi32>
      %bitcast3A_130 = vector.bitcast %sub3A : vector<16xi32> to vector<16xf32>
      %mul3A_131 = arith.constant 5.000000e-01 : f32
      %mul3A_132 = vector.broadcast %mul3A_131 : f32 to vector<16xf32>
      %mul3A_133 = arith.mulf %mul3A_132, %get3A_127 : vector<16xf32>
      %mul3A_134 = arith.mulf %mul3A_133, %bitcast3A_130 : vector<16xf32>
      %mul3A_135 = arith.mulf %mul3A_134, %bitcast3A_130 : vector<16xf32>
      %sub3A_136 = arith.constant 1.500000e+00 : f32
      %sub3A_137 = vector.broadcast %sub3A_136 : f32 to vector<16xf32>
      %sub3A_138 = arith.subf %sub3A_137, %mul3A_135 : vector<16xf32>
      %mul3A_139 = arith.mulf %bitcast3A_130, %sub3A_138 : vector<16xf32>
      %mul3A_140 = arith.constant 5.000000e-01 : f32
      %mul3A_141 = vector.broadcast %mul3A_140 : f32 to vector<16xf32>
      %mul3A_142 = arith.mulf %mul3A_141, %get3A_127 : vector<16xf32>
      %mul3A_143 = arith.mulf %mul3A_142, %mul3A_139 : vector<16xf32>
      %mul3A_144 = arith.mulf %mul3A_143, %mul3A_139 : vector<16xf32>
      %sub3A_145 = arith.constant 1.500000e+00 : f32
      %sub3A_146 = vector.broadcast %sub3A_145 : f32 to vector<16xf32>
      %sub3A_147 = arith.subf %sub3A_146, %mul3A_144 : vector<16xf32>
      %mul3A_148 = arith.mulf %mul3A_139, %sub3A_147 : vector<16xf32>
      %mul3A_149 = arith.constant 5.000000e-01 : f32
      %mul3A_150 = vector.broadcast %mul3A_149 : f32 to vector<16xf32>
      %mul3A_151 = arith.mulf %mul3A_150, %get3A_127 : vector<16xf32>
      %mul3A_152 = arith.mulf %mul3A_151, %mul3A_148 : vector<16xf32>
      %mul3A_153 = arith.mulf %mul3A_152, %mul3A_148 : vector<16xf32>
      %sub3A_154 = arith.constant 1.500000e+00 : f32
      %sub3A_155 = vector.broadcast %sub3A_154 : f32 to vector<16xf32>
      %sub3A_156 = arith.subf %sub3A_155, %mul3A_153 : vector<16xf32>
      %mul3A_157 = arith.mulf %mul3A_148, %sub3A_156 : vector<16xf32>
      %gt3A = arith.constant 0.000000e+00 : f32
      %gt3A_158 = vector.broadcast %gt3A : f32 to vector<16xf32>
      %gt3A_159 = arith.cmpf ogt, %get3A_127, %gt3A_158 : vector<16xf32>
      %jit3A = arith.constant 0.000000e+00 : f32
      %broadcast_in_dim3A_160 = vector.broadcast %jit3A : f32 to vector<16xf32>
      %select_n3A = arith.select %gt3A_159, %mul3A_157, %broadcast_in_dim3A_160 : vector<16xi1>, vector<16xf32>
      %mul3A_161 = arith.constant 16 : i32
      %mul3A_162 = arith.muli %add3A_124, %mul3A_161 : i32
      %swap3A = arith.index_cast %mul3A_162 : i32 to index
      %swap3A_163 = tpu.vector_load %arg13[%swap3A] {strides = array<i32>} : memref<640xf32, #tpu.memory_space<vmem>>, vector<16xf32>,
      tpu.vector_store %arg13[%swap3A], %select_n3A {strides = array<i32>} : memref<640xf32, #tpu.memory_space<vmem>>, vector<16xf32>,
    }
    %scan3A_109 = arith.constant 40 : i32
    "tpu.region"() ({
      %run_scoped3A_120 = tpu.sem_alloc : memref<!tpu.dma_semaphore, #tpu.memory_space<semaphore_mem>>
      %dma_start3A = tpu.memref_slice %arg16[%mul3A_12] : memref<10240xf32, #tpu.memory_space<vmem_shared>> -> memref<640xf32, #tpu.memory_space<vmem_shared>>
      %dma_start3A_121 = tpu.memref_slice %arg16[%mul3A_12] : memref<10240xf32, #tpu.memory_space<vmem_shared>> -> memref<640xf32, #tpu.memory_space<vmem_shared>>
      tpu.enqueue_dma source(%arg13 : memref<640xf32, #tpu.memory_space<vmem>>) target(%dma_start3A_121 : memref<640xf32, #tpu.memory_space<vmem_shared>>) target_semaphore(%run_scoped3A_120 : memref<!tpu.dma_semaphore, #tpu.memory_space<semaphore_mem>>)
      %dma_wait3A = tpu.memref_slice %arg16[%mul3A_12] : memref<10240xf32, #tpu.memory_space<vmem_shared>> -> memref<640xf32, #tpu.memory_space<vmem_shared>>
      %dma_wait3A_122 = tpu.memref_slice %arg16[%mul3A_12] : memref<10240xf32, #tpu.memory_space<vmem_shared>> -> memref<640xf32, #tpu.memory_space<vmem_shared>>
      tpu.wait_dma2 semaphore(%run_scoped3A_120 : memref<!tpu.dma_semaphore, #tpu.memory_space<semaphore_mem>>) src(%arg13 : memref<640xf32, #tpu.memory_space<vmem>>) dst(%dma_wait3A_122 : memref<640xf32, #tpu.memory_space<vmem_shared>>)
      tpu.yield
    }) : () -> ()
    %barrier3A_110 = arith.constant 0 : index
    tpu.barrier barrier_id(%barrier3A_110)
    "tpu.region"() ({
      %run_scoped3A_120 = tpu.sem_alloc : memref<!tpu.dma_semaphore, #tpu.memory_space<semaphore_mem>>
      tpu.enqueue_dma source(%arg16 : memref<10240xf32, #tpu.memory_space<vmem_shared>>) target(%arg12 : memref<10240xf32, #tpu.memory_space<vmem>>) target_semaphore(%run_scoped3A_120 : memref<!tpu.dma_semaphore, #tpu.memory_space<semaphore_mem>>)
      tpu.wait_dma2 semaphore(%run_scoped3A_120 : memref<!tpu.dma_semaphore, #tpu.memory_space<semaphore_mem>>) src(%arg16 : memref<10240xf32, #tpu.memory_space<vmem_shared>>) dst(%arg12 : memref<10240xf32, #tpu.memory_space<vmem>>)
      tpu.yield
    }) : () -> ()
    %mul3A_111 = arith.constant 16 : i32
    %mul3A_112 = arith.muli %arg0, %mul3A_111 : i32
    %add3A = arith.addi %mul3A_112, %arg1 : i32
    %mul3A_113 = arith.constant 5056 : i32
    %mul3A_114 = arith.muli %add3A, %mul3A_113 : i32
    "tpu.region"() ({
      %run_scoped3A_120 = tpu.sem_alloc : memref<!tpu.dma_semaphore, #tpu.memory_space<semaphore_mem>>
      %dma_start3A = arith.constant 0 : i32
      %dma_start3A_121 = tpu.memref_slice %arg7[%dma_start3A] : memref<10112xi32, #tpu.memory_space<vmem>> -> memref<5056xi32, #tpu.memory_space<vmem>>
      %dma_start3A_122 = tpu.memref_slice %arg2[%mul3A_114] : memref<161792xi32, #tpu.memory_space<hbm>> -> memref<5056xi32, #tpu.memory_space<hbm>>
      %dma_start3A_123 = arith.constant 0 : i32
      %dma_start3A_124 = tpu.memref_slice %arg7[%dma_start3A_123] : memref<10112xi32, #tpu.memory_space<vmem>> -> memref<5056xi32, #tpu.memory_space<vmem>>
      %dma_start3A_125 = tpu.memref_slice %arg2[%mul3A_114] : memref<161792xi32, #tpu.memory_space<hbm>> -> memref<5056xi32, #tpu.memory_space<hbm>>
      tpu.enqueue_dma source(%dma_start3A_125 : memref<5056xi32, #tpu.memory_space<hbm>>) target(%dma_start3A_124 : memref<5056xi32, #tpu.memory_space<vmem>>) target_semaphore(%run_scoped3A_120 : memref<!tpu.dma_semaphore, #tpu.memory_space<semaphore_mem>>)
      %dma_wait3A = arith.constant 0 : i32
      %dma_wait3A_126 = tpu.memref_slice %arg7[%dma_wait3A] : memref<10112xi32, #tpu.memory_space<vmem>> -> memref<5056xi32, #tpu.memory_space<vmem>>
      %dma_wait3A_127 = tpu.memref_slice %arg2[%mul3A_114] : memref<161792xi32, #tpu.memory_space<hbm>> -> memref<5056xi32, #tpu.memory_space<hbm>>
      %dma_wait3A_128 = arith.constant 0 : i32
      %dma_wait3A_129 = tpu.memref_slice %arg7[%dma_wait3A_128] : memref<10112xi32, #tpu.memory_space<vmem>> -> memref<5056xi32, #tpu.memory_space<vmem>>
      %dma_wait3A_130 = tpu.memref_slice %arg2[%mul3A_114] : memref<161792xi32, #tpu.memory_space<hbm>> -> memref<5056xi32, #tpu.memory_space<hbm>>
      tpu.wait_dma2 semaphore(%run_scoped3A_120 : memref<!tpu.dma_semaphore, #tpu.memory_space<semaphore_mem>>) src(%dma_wait3A_130 : memref<5056xi32, #tpu.memory_space<hbm>>) dst(%dma_wait3A_129 : memref<5056xi32, #tpu.memory_space<vmem>>)
      tpu.yield
    }) : () -> ()
    "tpu.region"() ({
      %run_scoped3A_120 = tpu.sem_alloc : memref<!tpu.dma_semaphore, #tpu.memory_space<semaphore_mem>>
      %dma_start3A = arith.constant 0 : i32
      %dma_start3A_121 = tpu.memref_slice %arg8[%dma_start3A] : memref<10112xi32, #tpu.memory_space<vmem>> -> memref<5056xi32, #tpu.memory_space<vmem>>
      %dma_start3A_122 = tpu.memref_slice %arg3[%mul3A_114] : memref<161792xi32, #tpu.memory_space<hbm>> -> memref<5056xi32, #tpu.memory_space<hbm>>
      %dma_start3A_123 = arith.constant 0 : i32
      %dma_start3A_124 = tpu.memref_slice %arg8[%dma_start3A_123] : memref<10112xi32, #tpu.memory_space<vmem>> -> memref<5056xi32, #tpu.memory_space<vmem>>
      %dma_start3A_125 = tpu.memref_slice %arg3[%mul3A_114] : memref<161792xi32, #tpu.memory_space<hbm>> -> memref<5056xi32, #tpu.memory_space<hbm>>
      tpu.enqueue_dma source(%dma_start3A_125 : memref<5056xi32, #tpu.memory_space<hbm>>) target(%dma_start3A_124 : memref<5056xi32, #tpu.memory_space<vmem>>) target_semaphore(%run_scoped3A_120 : memref<!tpu.dma_semaphore, #tpu.memory_space<semaphore_mem>>)
      %dma_wait3A = arith.constant 0 : i32
      %dma_wait3A_126 = tpu.memref_slice %arg8[%dma_wait3A] : memref<10112xi32, #tpu.memory_space<vmem>> -> memref<5056xi32, #tpu.memory_space<vmem>>
      %dma_wait3A_127 = tpu.memref_slice %arg3[%mul3A_114] : memref<161792xi32, #tpu.memory_space<hbm>> -> memref<5056xi32, #tpu.memory_space<hbm>>
      %dma_wait3A_128 = arith.constant 0 : i32
      %dma_wait3A_129 = tpu.memref_slice %arg8[%dma_wait3A_128] : memref<10112xi32, #tpu.memory_space<vmem>> -> memref<5056xi32, #tpu.memory_space<vmem>>
      %dma_wait3A_130 = tpu.memref_slice %arg3[%mul3A_114] : memref<161792xi32, #tpu.memory_space<hbm>> -> memref<5056xi32, #tpu.memory_space<hbm>>
      tpu.wait_dma2 semaphore(%run_scoped3A_120 : memref<!tpu.dma_semaphore, #tpu.memory_space<semaphore_mem>>) src(%dma_wait3A_130 : memref<5056xi32, #tpu.memory_space<hbm>>) dst(%dma_wait3A_129 : memref<5056xi32, #tpu.memory_space<vmem>>)
      tpu.yield
    }) : () -> ()
    "tpu.region"() ({
      %run_scoped3A_120 = tpu.sem_alloc : memref<!tpu.dma_semaphore, #tpu.memory_space<semaphore_mem>>
      %dma_start3A = arith.constant 0 : i32
      %dma_start3A_121 = tpu.memref_slice %arg9[%dma_start3A] : memref<10112xf32, #tpu.memory_space<vmem>> -> memref<5056xf32, #tpu.memory_space<vmem>>
      %dma_start3A_122 = tpu.memref_slice %arg4[%mul3A_114] : memref<161792xf32, #tpu.memory_space<hbm>> -> memref<5056xf32, #tpu.memory_space<hbm>>
      %dma_start3A_123 = arith.constant 0 : i32
      %dma_start3A_124 = tpu.memref_slice %arg9[%dma_start3A_123] : memref<10112xf32, #tpu.memory_space<vmem>> -> memref<5056xf32, #tpu.memory_space<vmem>>
      %dma_start3A_125 = tpu.memref_slice %arg4[%mul3A_114] : memref<161792xf32, #tpu.memory_space<hbm>> -> memref<5056xf32, #tpu.memory_space<hbm>>
      tpu.enqueue_dma source(%dma_start3A_125 : memref<5056xf32, #tpu.memory_space<hbm>>) target(%dma_start3A_124 : memref<5056xf32, #tpu.memory_space<vmem>>) target_semaphore(%run_scoped3A_120 : memref<!tpu.dma_semaphore, #tpu.memory_space<semaphore_mem>>)
      %dma_wait3A = arith.constant 0 : i32
      %dma_wait3A_126 = tpu.memref_slice %arg9[%dma_wait3A] : memref<10112xf32, #tpu.memory_space<vmem>> -> memref<5056xf32, #tpu.memory_space<vmem>>
      %dma_wait3A_127 = tpu.memref_slice %arg4[%mul3A_114] : memref<161792xf32, #tpu.memory_space<hbm>> -> memref<5056xf32, #tpu.memory_space<hbm>>
      %dma_wait3A_128 = arith.constant 0 : i32
      %dma_wait3A_129 = tpu.memref_slice %arg9[%dma_wait3A_128] : memref<10112xf32, #tpu.memory_space<vmem>> -> memref<5056xf32, #tpu.memory_space<vmem>>
      %dma_wait3A_130 = tpu.memref_slice %arg4[%mul3A_114] : memref<161792xf32, #tpu.memory_space<hbm>> -> memref<5056xf32, #tpu.memory_space<hbm>>
      tpu.wait_dma2 semaphore(%run_scoped3A_120 : memref<!tpu.dma_semaphore, #tpu.memory_space<semaphore_mem>>) src(%dma_wait3A_130 : memref<5056xf32, #tpu.memory_space<hbm>>) dst(%dma_wait3A_129 : memref<5056xf32, #tpu.memory_space<vmem>>)
      tpu.yield
    }) : () -> ()
    %scan3A_115 = arith.constant 0 : i32
    %scan3A_116 = arith.constant 316 : i32
    %scan3A_117 = arith.addi %scan3A_115, %scan3A_116 : i32
    %scan3A_118 = arith.constant 1 : i32
    scf.for %scan3A_120 = %scan3A_115 to %scan3A_117 step %scan3A_118  : i32 {
      %mul3A_121 = arith.constant 1 : i32
      %mul3A_122 = arith.muli %scan3A_120, %mul3A_121 : i32
      %add3A_123 = arith.constant 0 : i32
      %add3A_124 = arith.addi %add3A_123, %mul3A_122 : i32
      %mul3A_125 = arith.constant 16 : i32
      %mul3A_126 = arith.muli %add3A_124, %mul3A_125 : i32
      %get3A = arith.index_cast %mul3A_126 : i32 to index
      %get3A_127 = tpu.vector_load %arg7[%get3A] {strides = array<i32>} : memref<10112xi32, #tpu.memory_space<vmem>>, vector<16xi32>,
      %mul3A_128 = arith.constant 16 : i32
      %mul3A_129 = arith.muli %add3A_124, %mul3A_128 : i32
      %get3A_130 = arith.index_cast %mul3A_129 : i32 to index
      %get3A_131 = tpu.vector_load %arg8[%get3A_130] {strides = array<i32>} : memref<10112xi32, #tpu.memory_space<vmem>>, vector<16xi32>,
      %mul3A_132 = arith.constant 16 : i32
      %mul3A_133 = arith.muli %add3A_124, %mul3A_132 : i32
      %get3A_134 = arith.index_cast %mul3A_133 : i32 to index
      %get3A_135 = tpu.vector_load %arg9[%get3A_134] {strides = array<i32>} : memref<10112xf32, #tpu.memory_space<vmem>>, vector<16xf32>,
      %eq3A = arith.cmpi eq, %get3A_127, %get3A_131 : vector<16xi32>
      %jit3A = arith.constant 0.000000e+00 : f32
      %broadcast_in_dim3A_136 = vector.broadcast %jit3A : f32 to vector<16xf32>
      %select_n3A = arith.select %eq3A, %broadcast_in_dim3A_136, %get3A_135 : vector<16xi1>, vector<16xf32>
      %gather3A = tpu.vector_load_idx %arg12[%get3A_127] : memref<10240xf32, #tpu.memory_space<vmem>>[vector<16xi32>], vector<16xf32>,
      %gather3A_137 = tpu.vector_load_idx %arg12[%get3A_131] : memref<10240xf32, #tpu.memory_space<vmem>>[vector<16xi32>], vector<16xf32>,
      %mul3A_138 = arith.mulf %gather3A, %select_n3A : vector<16xf32>
      %mul3A_139 = arith.mulf %mul3A_138, %gather3A_137 : vector<16xf32>
      %neg3A = arith.constant 0.000000e+00 : f32
      %neg3A_140 = vector.broadcast %neg3A : f32 to vector<16xf32>
      %neg3A_141 = arith.subf %neg3A_140, %mul3A_139 : vector<16xf32>
      %mul3A_142 = arith.constant 16 : i32
      %mul3A_143 = arith.muli %add3A_124, %mul3A_142 : i32
      %swap3A = arith.index_cast %mul3A_143 : i32 to index
      %swap3A_144 = tpu.vector_load %arg10[%swap3A] {strides = array<i32>} : memref<5056xf32, #tpu.memory_space<vmem>>, vector<16xf32>,
      tpu.vector_store %arg10[%swap3A], %neg3A_141 {strides = array<i32>} : memref<5056xf32, #tpu.memory_space<vmem>>, vector<16xf32>,
      %shift_left3A = arith.constant 3 : i32
      %shift_left3A_145 = vector.broadcast %shift_left3A : i32 to vector<16xi32>
      %shift_left3A_146 = arith.shli %get3A_131, %shift_left3A_145 : vector<16xi32>
      %mul3A_147 = arith.constant 16 : i32
      %mul3A_148 = arith.muli %add3A_124, %mul3A_147 : i32
      %swap3A_149 = arith.index_cast %mul3A_148 : i32 to index
      %swap3A_150 = tpu.vector_load %arg11[%swap3A_149] {strides = array<i32>} : memref<5056xi32, #tpu.memory_space<vmem>>, vector<16xi32>,
      tpu.vector_store %arg11[%swap3A_149], %shift_left3A_146 {strides = array<i32>} : memref<5056xi32, #tpu.memory_space<vmem>>, vector<16xi32>,
    }
    %scan3A_119 = arith.constant 316 : i32
    "tpu.region"() ({
      %run_scoped3A_120 = tpu.sem_alloc : memref<!tpu.dma_semaphore, #tpu.memory_space<semaphore_mem>>
      %dma_start3A = tpu.memref_slice %arg5[%mul3A_114] : memref<161792xf32, #tpu.memory_space<hbm>> -> memref<5056xf32, #tpu.memory_space<hbm>>
      %dma_start3A_121 = tpu.memref_slice %arg5[%mul3A_114] : memref<161792xf32, #tpu.memory_space<hbm>> -> memref<5056xf32, #tpu.memory_space<hbm>>
      tpu.enqueue_dma source(%arg10 : memref<5056xf32, #tpu.memory_space<vmem>>) target(%dma_start3A_121 : memref<5056xf32, #tpu.memory_space<hbm>>) target_semaphore(%run_scoped3A_120 : memref<!tpu.dma_semaphore, #tpu.memory_space<semaphore_mem>>)
      %dma_wait3A = tpu.memref_slice %arg5[%mul3A_114] : memref<161792xf32, #tpu.memory_space<hbm>> -> memref<5056xf32, #tpu.memory_space<hbm>>
      %dma_wait3A_122 = tpu.memref_slice %arg5[%mul3A_114] : memref<161792xf32, #tpu.memory_space<hbm>> -> memref<5056xf32, #tpu.memory_space<hbm>>
      tpu.wait_dma2 semaphore(%run_scoped3A_120 : memref<!tpu.dma_semaphore, #tpu.memory_space<semaphore_mem>>) src(%arg10 : memref<5056xf32, #tpu.memory_space<vmem>>) dst(%dma_wait3A_122 : memref<5056xf32, #tpu.memory_space<hbm>>)
      tpu.yield
    }) : () -> ()
    "tpu.region"() ({
      %run_scoped3A_120 = tpu.sem_alloc : memref<!tpu.dma_semaphore, #tpu.memory_space<semaphore_mem>>
      %dma_start3A = tpu.memref_slice %arg6[%mul3A_114] : memref<161792xi32, #tpu.memory_space<hbm>> -> memref<5056xi32, #tpu.memory_space<hbm>>
      %dma_start3A_121 = tpu.memref_slice %arg6[%mul3A_114] : memref<161792xi32, #tpu.memory_space<hbm>> -> memref<5056xi32, #tpu.memory_space<hbm>>
      tpu.enqueue_dma source(%arg11 : memref<5056xi32, #tpu.memory_space<vmem>>) target(%dma_start3A_121 : memref<5056xi32, #tpu.memory_space<hbm>>) target_semaphore(%run_scoped3A_120 : memref<!tpu.dma_semaphore, #tpu.memory_space<semaphore_mem>>)
      %dma_wait3A = tpu.memref_slice %arg6[%mul3A_114] : memref<161792xi32, #tpu.memory_space<hbm>> -> memref<5056xi32, #tpu.memory_space<hbm>>
      %dma_wait3A_122 = tpu.memref_slice %arg6[%mul3A_114] : memref<161792xi32, #tpu.memory_space<hbm>> -> memref<5056xi32, #tpu.memory_space<hbm>>
      tpu.wait_dma2 semaphore(%run_scoped3A_120 : memref<!tpu.dma_semaphore, #tpu.memory_space<semaphore_mem>>) src(%arg11 : memref<5056xi32, #tpu.memory_space<vmem>>) dst(%dma_wait3A_122 : memref<5056xi32, #tpu.memory_space<hbm>>)
      tpu.yield
    }) : () -> ()
    return
  }
}

#map = affine_map<(d0, d1) -> (0, 0)>
#map1 = affine_map<(d0, d1) -> (0)>
module attributes {stable_mosaic.version = 14 : i64} {
  func.func @_sc_main(%arg0: i32, %arg1: i32, %arg2: memref<320000x8xf32, #tpu.memory_space<hbm>>, %arg3: memref<1264x128xi32, #tpu.memory_space<hbm>>, %arg4: memref<161792xi32, #tpu.memory_space<hbm>>, %arg5: memref<161792xf32, #tpu.memory_space<hbm>>, %arg6: memref<32x81920xf32, #tpu.memory_space<hbm>>, %arg7: memref<81920xf32, #tpu.memory_space<vmem>>, %arg8: memref<8x128xi32, #tpu.memory_space<vmem>>, %arg9: memref<8x128xi32, #tpu.memory_space<vmem>>, %arg10: memref<1024xi32, #tpu.memory_space<vmem>>, %arg11: memref<1024xi32, #tpu.memory_space<vmem>>, %arg12: memref<1024xf32, #tpu.memory_space<vmem>>, %arg13: memref<1024xf32, #tpu.memory_space<vmem>>, %arg14: memref<1024x8xf32, #tpu.memory_space<vmem>>, %arg15: memref<1024x8xf32, #tpu.memory_space<vmem>>, %arg16: memref<!tpu.dma_semaphore, #tpu.memory_space<semaphore_mem>>, %arg17: memref<!tpu.dma_semaphore, #tpu.memory_space<semaphore_mem>>, %arg18: memref<!tpu.dma_semaphore, #tpu.memory_space<semaphore_mem>>, %arg19: memref<!tpu.dma_semaphore, #tpu.memory_space<semaphore_mem>>) attributes {dimension_semantics = [#tpu.dimension_semantics<core_parallel>, #tpu.dimension_semantics<subcore_parallel>], iteration_bounds = array<i64: 2, 16>, scalar_prefetch = 0 : i64, scratch_operands = 13 : i64, tpu.core_type = #tpu.core_type<sc_vector_subcore>, window_params = [{transform_indices = #map}, {transform_indices = #map}, {transform_indices = #map1}, {transform_indices = #map1}, {transform_indices = #map}]} {
    %mul3A = arith.constant 16 : i32
    %mul3A_0 = arith.muli %arg0, %mul3A : i32
    %add3A = arith.addi %mul3A_0, %arg1 : i32
    %mul3A_1 = arith.constant 10000 : i32
    %mul3A_2 = arith.muli %add3A, %mul3A_1 : i32
    %broadcast_in_dim3A = arith.constant 0.000000e+00 : f32
    %broadcast_in_dim3A_3 = vector.broadcast %broadcast_in_dim3A : f32 to vector<16xf32>
    %iota3A = tpu.iota {dimensions = array<i32: 0>} : vector<16xi32>
    %shift_right_arithmetic3A = arith.constant 3 : i32
    %shift_right_arithmetic3A_4 = vector.broadcast %shift_right_arithmetic3A : i32 to vector<16xi32>
    %shift_right_arithmetic3A_5 = arith.shrsi %iota3A, %shift_right_arithmetic3A_4 : vector<16xi32>
    %and3A = arith.constant 7 : i32
    %and3A_6 = vector.broadcast %and3A : i32 to vector<16xi32>
    %and3A_7 = arith.andi %iota3A, %and3A_6 : vector<16xi32>
    %scan3A = arith.constant 0 : i32
    %scan3A_8 = arith.constant 640 : i32
    %scan3A_9 = arith.addi %scan3A, %scan3A_8 : i32
    %scan3A_10 = arith.constant 1 : i32
    scf.for %scan3A_775 = %scan3A to %scan3A_9 step %scan3A_10  : i32 {
      %mul3A_776 = arith.constant 1 : i32
      %mul3A_777 = arith.muli %scan3A_775, %mul3A_776 : i32
      %add3A_778 = arith.constant 0 : i32
      %add3A_779 = arith.addi %add3A_778, %mul3A_777 : i32
      %mul3A_780 = arith.constant 8 : i32
      %mul3A_781 = arith.muli %add3A_779, %mul3A_780 : i32
      %add3A_782 = arith.constant 0 : i32
      %add3A_783 = arith.addi %mul3A_781, %add3A_782 : i32
      %mul3A_784 = arith.constant 16 : i32
      %mul3A_785 = arith.muli %add3A_783, %mul3A_784 : i32
      %swap3A_786 = arith.index_cast %mul3A_785 : i32 to index
      %swap3A_787 = tpu.vector_load %arg7[%swap3A_786] {strides = array<i32>} : memref<81920xf32, #tpu.memory_space<vmem>>, vector<16xf32>,
      tpu.vector_store %arg7[%swap3A_786], %broadcast_in_dim3A_3 {strides = array<i32>} : memref<81920xf32, #tpu.memory_space<vmem>>, vector<16xf32>,
      %mul3A_788 = arith.constant 8 : i32
      %mul3A_789 = arith.muli %add3A_779, %mul3A_788 : i32
      %add3A_790 = arith.constant 1 : i32
      %add3A_791 = arith.addi %mul3A_789, %add3A_790 : i32
      %mul3A_792 = arith.constant 16 : i32
      %mul3A_793 = arith.muli %add3A_791, %mul3A_792 : i32
      %swap3A_794 = arith.index_cast %mul3A_793 : i32 to index
      %swap3A_795 = tpu.vector_load %arg7[%swap3A_794] {strides = array<i32>} : memref<81920xf32, #tpu.memory_space<vmem>>, vector<16xf32>,
      tpu.vector_store %arg7[%swap3A_794], %broadcast_in_dim3A_3 {strides = array<i32>} : memref<81920xf32, #tpu.memory_space<vmem>>, vector<16xf32>,
      %mul3A_796 = arith.constant 8 : i32
      %mul3A_797 = arith.muli %add3A_779, %mul3A_796 : i32
      %add3A_798 = arith.constant 2 : i32
      %add3A_799 = arith.addi %mul3A_797, %add3A_798 : i32
      %mul3A_800 = arith.constant 16 : i32
      %mul3A_801 = arith.muli %add3A_799, %mul3A_800 : i32
      %swap3A_802 = arith.index_cast %mul3A_801 : i32 to index
      %swap3A_803 = tpu.vector_load %arg7[%swap3A_802] {strides = array<i32>} : memref<81920xf32, #tpu.memory_space<vmem>>, vector<16xf32>,
      tpu.vector_store %arg7[%swap3A_802], %broadcast_in_dim3A_3 {strides = array<i32>} : memref<81920xf32, #tpu.memory_space<vmem>>, vector<16xf32>,
      %mul3A_804 = arith.constant 8 : i32
      %mul3A_805 = arith.muli %add3A_779, %mul3A_804 : i32
      %add3A_806 = arith.constant 3 : i32
      %add3A_807 = arith.addi %mul3A_805, %add3A_806 : i32
      %mul3A_808 = arith.constant 16 : i32
      %mul3A_809 = arith.muli %add3A_807, %mul3A_808 : i32
      %swap3A_810 = arith.index_cast %mul3A_809 : i32 to index
      %swap3A_811 = tpu.vector_load %arg7[%swap3A_810] {strides = array<i32>} : memref<81920xf32, #tpu.memory_space<vmem>>, vector<16xf32>,
      tpu.vector_store %arg7[%swap3A_810], %broadcast_in_dim3A_3 {strides = array<i32>} : memref<81920xf32, #tpu.memory_space<vmem>>, vector<16xf32>,
      %mul3A_812 = arith.constant 8 : i32
      %mul3A_813 = arith.muli %add3A_779, %mul3A_812 : i32
      %add3A_814 = arith.constant 4 : i32
      %add3A_815 = arith.addi %mul3A_813, %add3A_814 : i32
      %mul3A_816 = arith.constant 16 : i32
      %mul3A_817 = arith.muli %add3A_815, %mul3A_816 : i32
      %swap3A_818 = arith.index_cast %mul3A_817 : i32 to index
      %swap3A_819 = tpu.vector_load %arg7[%swap3A_818] {strides = array<i32>} : memref<81920xf32, #tpu.memory_space<vmem>>, vector<16xf32>,
      tpu.vector_store %arg7[%swap3A_818], %broadcast_in_dim3A_3 {strides = array<i32>} : memref<81920xf32, #tpu.memory_space<vmem>>, vector<16xf32>,
      %mul3A_820 = arith.constant 8 : i32
      %mul3A_821 = arith.muli %add3A_779, %mul3A_820 : i32
      %add3A_822 = arith.constant 5 : i32
      %add3A_823 = arith.addi %mul3A_821, %add3A_822 : i32
      %mul3A_824 = arith.constant 16 : i32
      %mul3A_825 = arith.muli %add3A_823, %mul3A_824 : i32
      %swap3A_826 = arith.index_cast %mul3A_825 : i32 to index
      %swap3A_827 = tpu.vector_load %arg7[%swap3A_826] {strides = array<i32>} : memref<81920xf32, #tpu.memory_space<vmem>>, vector<16xf32>,
      tpu.vector_store %arg7[%swap3A_826], %broadcast_in_dim3A_3 {strides = array<i32>} : memref<81920xf32, #tpu.memory_space<vmem>>, vector<16xf32>,
      %mul3A_828 = arith.constant 8 : i32
      %mul3A_829 = arith.muli %add3A_779, %mul3A_828 : i32
      %add3A_830 = arith.constant 6 : i32
      %add3A_831 = arith.addi %mul3A_829, %add3A_830 : i32
      %mul3A_832 = arith.constant 16 : i32
      %mul3A_833 = arith.muli %add3A_831, %mul3A_832 : i32
      %swap3A_834 = arith.index_cast %mul3A_833 : i32 to index
      %swap3A_835 = tpu.vector_load %arg7[%swap3A_834] {strides = array<i32>} : memref<81920xf32, #tpu.memory_space<vmem>>, vector<16xf32>,
      tpu.vector_store %arg7[%swap3A_834], %broadcast_in_dim3A_3 {strides = array<i32>} : memref<81920xf32, #tpu.memory_space<vmem>>, vector<16xf32>,
      %mul3A_836 = arith.constant 8 : i32
      %mul3A_837 = arith.muli %add3A_779, %mul3A_836 : i32
      %add3A_838 = arith.constant 7 : i32
      %add3A_839 = arith.addi %mul3A_837, %add3A_838 : i32
      %mul3A_840 = arith.constant 16 : i32
      %mul3A_841 = arith.muli %add3A_839, %mul3A_840 : i32
      %swap3A_842 = arith.index_cast %mul3A_841 : i32 to index
      %swap3A_843 = tpu.vector_load %arg7[%swap3A_842] {strides = array<i32>} : memref<81920xf32, #tpu.memory_space<vmem>>, vector<16xf32>,
      tpu.vector_store %arg7[%swap3A_842], %broadcast_in_dim3A_3 {strides = array<i32>} : memref<81920xf32, #tpu.memory_space<vmem>>, vector<16xf32>,
    }
    %scan3A_11 = arith.constant 640 : i32
    %dma_start3A = arith.constant 0 : i32
    %dma_start3A_12 = arith.constant 0 : i32
    %dma_start3A_13 = tpu.memref_slice %arg3[%dma_start3A, %dma_start3A_12] : memref<1264x128xi32, #tpu.memory_space<hbm>> -> memref<8x128xi32, #tpu.memory_space<hbm>>
    %dma_start3A_14 = arith.constant 0 : i32
    %dma_start3A_15 = arith.constant 0 : i32
    %dma_start3A_16 = tpu.memref_slice %arg3[%dma_start3A_14, %dma_start3A_15] : memref<1264x128xi32, #tpu.memory_space<hbm>> -> memref<8x128xi32, #tpu.memory_space<hbm>>
    tpu.enqueue_dma source(%dma_start3A_16 : memref<8x128xi32, #tpu.memory_space<hbm>>) target(%arg8 : memref<8x128xi32, #tpu.memory_space<vmem>>) target_semaphore(%arg16 : memref<!tpu.dma_semaphore, #tpu.memory_space<semaphore_mem>>)
    %dma_start3A_17 = arith.constant 0 : i32
    %dma_start3A_18 = tpu.memref_slice %arg4[%dma_start3A_17] : memref<161792xi32, #tpu.memory_space<hbm>> -> memref<1024xi32, #tpu.memory_space<hbm>>
    %dma_start3A_19 = arith.constant 0 : i32
    %dma_start3A_20 = tpu.memref_slice %arg4[%dma_start3A_19] : memref<161792xi32, #tpu.memory_space<hbm>> -> memref<1024xi32, #tpu.memory_space<hbm>>
    tpu.enqueue_dma source(%dma_start3A_20 : memref<1024xi32, #tpu.memory_space<hbm>>) target(%arg10 : memref<1024xi32, #tpu.memory_space<vmem>>) target_semaphore(%arg16 : memref<!tpu.dma_semaphore, #tpu.memory_space<semaphore_mem>>)
    %dma_start3A_21 = arith.constant 0 : i32
    %dma_start3A_22 = tpu.memref_slice %arg5[%dma_start3A_21] : memref<161792xf32, #tpu.memory_space<hbm>> -> memref<1024xf32, #tpu.memory_space<hbm>>
    %dma_start3A_23 = arith.constant 0 : i32
    %dma_start3A_24 = tpu.memref_slice %arg5[%dma_start3A_23] : memref<161792xf32, #tpu.memory_space<hbm>> -> memref<1024xf32, #tpu.memory_space<hbm>>
    tpu.enqueue_dma source(%dma_start3A_24 : memref<1024xf32, #tpu.memory_space<hbm>>) target(%arg12 : memref<1024xf32, #tpu.memory_space<vmem>>) target_semaphore(%arg16 : memref<!tpu.dma_semaphore, #tpu.memory_space<semaphore_mem>>)
    %dma_wait3A = arith.constant 0 : i32
    %dma_wait3A_25 = arith.constant 0 : i32
    %dma_wait3A_26 = tpu.memref_slice %arg3[%dma_wait3A, %dma_wait3A_25] : memref<1264x128xi32, #tpu.memory_space<hbm>> -> memref<8x128xi32, #tpu.memory_space<hbm>>
    %dma_wait3A_27 = arith.constant 0 : i32
    %dma_wait3A_28 = arith.constant 0 : i32
    %dma_wait3A_29 = tpu.memref_slice %arg3[%dma_wait3A_27, %dma_wait3A_28] : memref<1264x128xi32, #tpu.memory_space<hbm>> -> memref<8x128xi32, #tpu.memory_space<hbm>>
    tpu.wait_dma2 semaphore(%arg16 : memref<!tpu.dma_semaphore, #tpu.memory_space<semaphore_mem>>) src(%dma_wait3A_29 : memref<8x128xi32, #tpu.memory_space<hbm>>) dst(%arg8 : memref<8x128xi32, #tpu.memory_space<vmem>>)
    %dma_wait3A_30 = arith.constant 0 : i32
    %dma_wait3A_31 = tpu.memref_slice %arg4[%dma_wait3A_30] : memref<161792xi32, #tpu.memory_space<hbm>> -> memref<1024xi32, #tpu.memory_space<hbm>>
    %dma_wait3A_32 = arith.constant 0 : i32
    %dma_wait3A_33 = tpu.memref_slice %arg4[%dma_wait3A_32] : memref<161792xi32, #tpu.memory_space<hbm>> -> memref<1024xi32, #tpu.memory_space<hbm>>
    tpu.wait_dma2 semaphore(%arg16 : memref<!tpu.dma_semaphore, #tpu.memory_space<semaphore_mem>>) src(%dma_wait3A_33 : memref<1024xi32, #tpu.memory_space<hbm>>) dst(%arg10 : memref<1024xi32, #tpu.memory_space<vmem>>)
    %dma_wait3A_34 = arith.constant 0 : i32
    %dma_wait3A_35 = tpu.memref_slice %arg5[%dma_wait3A_34] : memref<161792xf32, #tpu.memory_space<hbm>> -> memref<1024xf32, #tpu.memory_space<hbm>>
    %dma_wait3A_36 = arith.constant 0 : i32
    %dma_wait3A_37 = tpu.memref_slice %arg5[%dma_wait3A_36] : memref<161792xf32, #tpu.memory_space<hbm>> -> memref<1024xf32, #tpu.memory_space<hbm>>
    tpu.wait_dma2 semaphore(%arg16 : memref<!tpu.dma_semaphore, #tpu.memory_space<semaphore_mem>>) src(%dma_wait3A_37 : memref<1024xf32, #tpu.memory_space<hbm>>) dst(%arg12 : memref<1024xf32, #tpu.memory_space<vmem>>)
    %get3A = arith.constant 0 : i32
    %get3A_38 = arith.index_cast %get3A : i32 to index
    %get3A_39 = arith.constant 0 : index
    %get3A_40 = tpu.vector_load %arg8[%get3A_38, %get3A_39] {strides = array<i32>} : memref<8x128xi32, #tpu.memory_space<vmem>>, vector<16xi32>,
    %add3A_41 = vector.broadcast %mul3A_2 : i32 to vector<16xi32>
    %add3A_42 = arith.addi %get3A_40, %add3A_41 : vector<16xi32>
    %swap3A = arith.constant 0 : i32
    %swap3A_43 = arith.index_cast %swap3A : i32 to index
    %swap3A_44 = arith.constant 0 : index
    %swap3A_45 = tpu.vector_load %arg8[%swap3A_43, %swap3A_44] {strides = array<i32>} : memref<8x128xi32, #tpu.memory_space<vmem>>, vector<16xi32>,
    tpu.vector_store %arg8[%swap3A_43, %swap3A_44], %add3A_42 {strides = array<i32>} : memref<8x128xi32, #tpu.memory_space<vmem>>, vector<16xi32>,
    %get3A_46 = arith.constant 0 : i32
    %get3A_47 = arith.index_cast %get3A_46 : i32 to index
    %get3A_48 = arith.constant 16 : index
    %get3A_49 = tpu.vector_load %arg8[%get3A_47, %get3A_48] {strides = array<i32>} : memref<8x128xi32, #tpu.memory_space<vmem>>, vector<16xi32>,
    %add3A_50 = vector.broadcast %mul3A_2 : i32 to vector<16xi32>
    %add3A_51 = arith.addi %get3A_49, %add3A_50 : vector<16xi32>
    %swap3A_52 = arith.constant 0 : i32
    %swap3A_53 = arith.index_cast %swap3A_52 : i32 to index
    %swap3A_54 = arith.constant 16 : index
    %swap3A_55 = tpu.vector_load %arg8[%swap3A_53, %swap3A_54] {strides = array<i32>} : memref<8x128xi32, #tpu.memory_space<vmem>>, vector<16xi32>,
    tpu.vector_store %arg8[%swap3A_53, %swap3A_54], %add3A_51 {strides = array<i32>} : memref<8x128xi32, #tpu.memory_space<vmem>>, vector<16xi32>,
    %get3A_56 = arith.constant 0 : i32
    %get3A_57 = arith.index_cast %get3A_56 : i32 to index
    %get3A_58 = arith.constant 32 : index
    %get3A_59 = tpu.vector_load %arg8[%get3A_57, %get3A_58] {strides = array<i32>} : memref<8x128xi32, #tpu.memory_space<vmem>>, vector<16xi32>,
    %add3A_60 = vector.broadcast %mul3A_2 : i32 to vector<16xi32>
    %add3A_61 = arith.addi %get3A_59, %add3A_60 : vector<16xi32>
    %swap3A_62 = arith.constant 0 : i32
    %swap3A_63 = arith.index_cast %swap3A_62 : i32 to index
    %swap3A_64 = arith.constant 32 : index
    %swap3A_65 = tpu.vector_load %arg8[%swap3A_63, %swap3A_64] {strides = array<i32>} : memref<8x128xi32, #tpu.memory_space<vmem>>, vector<16xi32>,
    tpu.vector_store %arg8[%swap3A_63, %swap3A_64], %add3A_61 {strides = array<i32>} : memref<8x128xi32, #tpu.memory_space<vmem>>, vector<16xi32>,
    %get3A_66 = arith.constant 0 : i32
    %get3A_67 = arith.index_cast %get3A_66 : i32 to index
    %get3A_68 = arith.constant 48 : index
    %get3A_69 = tpu.vector_load %arg8[%get3A_67, %get3A_68] {strides = array<i32>} : memref<8x128xi32, #tpu.memory_space<vmem>>, vector<16xi32>,
    %add3A_70 = vector.broadcast %mul3A_2 : i32 to vector<16xi32>
    %add3A_71 = arith.addi %get3A_69, %add3A_70 : vector<16xi32>
    %swap3A_72 = arith.constant 0 : i32
    %swap3A_73 = arith.index_cast %swap3A_72 : i32 to index
    %swap3A_74 = arith.constant 48 : index
    %swap3A_75 = tpu.vector_load %arg8[%swap3A_73, %swap3A_74] {strides = array<i32>} : memref<8x128xi32, #tpu.memory_space<vmem>>, vector<16xi32>,
    tpu.vector_store %arg8[%swap3A_73, %swap3A_74], %add3A_71 {strides = array<i32>} : memref<8x128xi32, #tpu.memory_space<vmem>>, vector<16xi32>,
    %get3A_76 = arith.constant 0 : i32
    %get3A_77 = arith.index_cast %get3A_76 : i32 to index
    %get3A_78 = arith.constant 64 : index
    %get3A_79 = tpu.vector_load %arg8[%get3A_77, %get3A_78] {strides = array<i32>} : memref<8x128xi32, #tpu.memory_space<vmem>>, vector<16xi32>,
    %add3A_80 = vector.broadcast %mul3A_2 : i32 to vector<16xi32>
    %add3A_81 = arith.addi %get3A_79, %add3A_80 : vector<16xi32>
    %swap3A_82 = arith.constant 0 : i32
    %swap3A_83 = arith.index_cast %swap3A_82 : i32 to index
    %swap3A_84 = arith.constant 64 : index
    %swap3A_85 = tpu.vector_load %arg8[%swap3A_83, %swap3A_84] {strides = array<i32>} : memref<8x128xi32, #tpu.memory_space<vmem>>, vector<16xi32>,
    tpu.vector_store %arg8[%swap3A_83, %swap3A_84], %add3A_81 {strides = array<i32>} : memref<8x128xi32, #tpu.memory_space<vmem>>, vector<16xi32>,
    %get3A_86 = arith.constant 0 : i32
    %get3A_87 = arith.index_cast %get3A_86 : i32 to index
    %get3A_88 = arith.constant 80 : index
    %get3A_89 = tpu.vector_load %arg8[%get3A_87, %get3A_88] {strides = array<i32>} : memref<8x128xi32, #tpu.memory_space<vmem>>, vector<16xi32>,
    %add3A_90 = vector.broadcast %mul3A_2 : i32 to vector<16xi32>
    %add3A_91 = arith.addi %get3A_89, %add3A_90 : vector<16xi32>
    %swap3A_92 = arith.constant 0 : i32
    %swap3A_93 = arith.index_cast %swap3A_92 : i32 to index
    %swap3A_94 = arith.constant 80 : index
    %swap3A_95 = tpu.vector_load %arg8[%swap3A_93, %swap3A_94] {strides = array<i32>} : memref<8x128xi32, #tpu.memory_space<vmem>>, vector<16xi32>,
    tpu.vector_store %arg8[%swap3A_93, %swap3A_94], %add3A_91 {strides = array<i32>} : memref<8x128xi32, #tpu.memory_space<vmem>>, vector<16xi32>,
    %get3A_96 = arith.constant 0 : i32
    %get3A_97 = arith.index_cast %get3A_96 : i32 to index
    %get3A_98 = arith.constant 96 : index
    %get3A_99 = tpu.vector_load %arg8[%get3A_97, %get3A_98] {strides = array<i32>} : memref<8x128xi32, #tpu.memory_space<vmem>>, vector<16xi32>,
    %add3A_100 = vector.broadcast %mul3A_2 : i32 to vector<16xi32>
    %add3A_101 = arith.addi %get3A_99, %add3A_100 : vector<16xi32>
    %swap3A_102 = arith.constant 0 : i32
    %swap3A_103 = arith.index_cast %swap3A_102 : i32 to index
    %swap3A_104 = arith.constant 96 : index
    %swap3A_105 = tpu.vector_load %arg8[%swap3A_103, %swap3A_104] {strides = array<i32>} : memref<8x128xi32, #tpu.memory_space<vmem>>, vector<16xi32>,
    tpu.vector_store %arg8[%swap3A_103, %swap3A_104], %add3A_101 {strides = array<i32>} : memref<8x128xi32, #tpu.memory_space<vmem>>, vector<16xi32>,
    %get3A_106 = arith.constant 0 : i32
    %get3A_107 = arith.index_cast %get3A_106 : i32 to index
    %get3A_108 = arith.constant 112 : index
    %get3A_109 = tpu.vector_load %arg8[%get3A_107, %get3A_108] {strides = array<i32>} : memref<8x128xi32, #tpu.memory_space<vmem>>, vector<16xi32>,
    %add3A_110 = vector.broadcast %mul3A_2 : i32 to vector<16xi32>
    %add3A_111 = arith.addi %get3A_109, %add3A_110 : vector<16xi32>
    %swap3A_112 = arith.constant 0 : i32
    %swap3A_113 = arith.index_cast %swap3A_112 : i32 to index
    %swap3A_114 = arith.constant 112 : index
    %swap3A_115 = tpu.vector_load %arg8[%swap3A_113, %swap3A_114] {strides = array<i32>} : memref<8x128xi32, #tpu.memory_space<vmem>>, vector<16xi32>,
    tpu.vector_store %arg8[%swap3A_113, %swap3A_114], %add3A_111 {strides = array<i32>} : memref<8x128xi32, #tpu.memory_space<vmem>>, vector<16xi32>,
    %get3A_116 = arith.constant 1 : i32
    %get3A_117 = arith.index_cast %get3A_116 : i32 to index
    %get3A_118 = arith.constant 0 : index
    %get3A_119 = tpu.vector_load %arg8[%get3A_117, %get3A_118] {strides = array<i32>} : memref<8x128xi32, #tpu.memory_space<vmem>>, vector<16xi32>,
    %add3A_120 = vector.broadcast %mul3A_2 : i32 to vector<16xi32>
    %add3A_121 = arith.addi %get3A_119, %add3A_120 : vector<16xi32>
    %swap3A_122 = arith.constant 1 : i32
    %swap3A_123 = arith.index_cast %swap3A_122 : i32 to index
    %swap3A_124 = arith.constant 0 : index
    %swap3A_125 = tpu.vector_load %arg8[%swap3A_123, %swap3A_124] {strides = array<i32>} : memref<8x128xi32, #tpu.memory_space<vmem>>, vector<16xi32>,
    tpu.vector_store %arg8[%swap3A_123, %swap3A_124], %add3A_121 {strides = array<i32>} : memref<8x128xi32, #tpu.memory_space<vmem>>, vector<16xi32>,
    %get3A_126 = arith.constant 1 : i32
    %get3A_127 = arith.index_cast %get3A_126 : i32 to index
    %get3A_128 = arith.constant 16 : index
    %get3A_129 = tpu.vector_load %arg8[%get3A_127, %get3A_128] {strides = array<i32>} : memref<8x128xi32, #tpu.memory_space<vmem>>, vector<16xi32>,
    %add3A_130 = vector.broadcast %mul3A_2 : i32 to vector<16xi32>
    %add3A_131 = arith.addi %get3A_129, %add3A_130 : vector<16xi32>
    %swap3A_132 = arith.constant 1 : i32
    %swap3A_133 = arith.index_cast %swap3A_132 : i32 to index
    %swap3A_134 = arith.constant 16 : index
    %swap3A_135 = tpu.vector_load %arg8[%swap3A_133, %swap3A_134] {strides = array<i32>} : memref<8x128xi32, #tpu.memory_space<vmem>>, vector<16xi32>,
    tpu.vector_store %arg8[%swap3A_133, %swap3A_134], %add3A_131 {strides = array<i32>} : memref<8x128xi32, #tpu.memory_space<vmem>>, vector<16xi32>,
    %get3A_136 = arith.constant 1 : i32
    %get3A_137 = arith.index_cast %get3A_136 : i32 to index
    %get3A_138 = arith.constant 32 : index
    %get3A_139 = tpu.vector_load %arg8[%get3A_137, %get3A_138] {strides = array<i32>} : memref<8x128xi32, #tpu.memory_space<vmem>>, vector<16xi32>,
    %add3A_140 = vector.broadcast %mul3A_2 : i32 to vector<16xi32>
    %add3A_141 = arith.addi %get3A_139, %add3A_140 : vector<16xi32>
    %swap3A_142 = arith.constant 1 : i32
    %swap3A_143 = arith.index_cast %swap3A_142 : i32 to index
    %swap3A_144 = arith.constant 32 : index
    %swap3A_145 = tpu.vector_load %arg8[%swap3A_143, %swap3A_144] {strides = array<i32>} : memref<8x128xi32, #tpu.memory_space<vmem>>, vector<16xi32>,
    tpu.vector_store %arg8[%swap3A_143, %swap3A_144], %add3A_141 {strides = array<i32>} : memref<8x128xi32, #tpu.memory_space<vmem>>, vector<16xi32>,
    %get3A_146 = arith.constant 1 : i32
    %get3A_147 = arith.index_cast %get3A_146 : i32 to index
    %get3A_148 = arith.constant 48 : index
    %get3A_149 = tpu.vector_load %arg8[%get3A_147, %get3A_148] {strides = array<i32>} : memref<8x128xi32, #tpu.memory_space<vmem>>, vector<16xi32>,
    %add3A_150 = vector.broadcast %mul3A_2 : i32 to vector<16xi32>
    %add3A_151 = arith.addi %get3A_149, %add3A_150 : vector<16xi32>
    %swap3A_152 = arith.constant 1 : i32
    %swap3A_153 = arith.index_cast %swap3A_152 : i32 to index
    %swap3A_154 = arith.constant 48 : index
    %swap3A_155 = tpu.vector_load %arg8[%swap3A_153, %swap3A_154] {strides = array<i32>} : memref<8x128xi32, #tpu.memory_space<vmem>>, vector<16xi32>,
    tpu.vector_store %arg8[%swap3A_153, %swap3A_154], %add3A_151 {strides = array<i32>} : memref<8x128xi32, #tpu.memory_space<vmem>>, vector<16xi32>,
    %get3A_156 = arith.constant 1 : i32
    %get3A_157 = arith.index_cast %get3A_156 : i32 to index
    %get3A_158 = arith.constant 64 : index
    %get3A_159 = tpu.vector_load %arg8[%get3A_157, %get3A_158] {strides = array<i32>} : memref<8x128xi32, #tpu.memory_space<vmem>>, vector<16xi32>,
    %add3A_160 = vector.broadcast %mul3A_2 : i32 to vector<16xi32>
    %add3A_161 = arith.addi %get3A_159, %add3A_160 : vector<16xi32>
    %swap3A_162 = arith.constant 1 : i32
    %swap3A_163 = arith.index_cast %swap3A_162 : i32 to index
    %swap3A_164 = arith.constant 64 : index
    %swap3A_165 = tpu.vector_load %arg8[%swap3A_163, %swap3A_164] {strides = array<i32>} : memref<8x128xi32, #tpu.memory_space<vmem>>, vector<16xi32>,
    tpu.vector_store %arg8[%swap3A_163, %swap3A_164], %add3A_161 {strides = array<i32>} : memref<8x128xi32, #tpu.memory_space<vmem>>, vector<16xi32>,
    %get3A_166 = arith.constant 1 : i32
    %get3A_167 = arith.index_cast %get3A_166 : i32 to index
    %get3A_168 = arith.constant 80 : index
    %get3A_169 = tpu.vector_load %arg8[%get3A_167, %get3A_168] {strides = array<i32>} : memref<8x128xi32, #tpu.memory_space<vmem>>, vector<16xi32>,
    %add3A_170 = vector.broadcast %mul3A_2 : i32 to vector<16xi32>
    %add3A_171 = arith.addi %get3A_169, %add3A_170 : vector<16xi32>
    %swap3A_172 = arith.constant 1 : i32
    %swap3A_173 = arith.index_cast %swap3A_172 : i32 to index
    %swap3A_174 = arith.constant 80 : index
    %swap3A_175 = tpu.vector_load %arg8[%swap3A_173, %swap3A_174] {strides = array<i32>} : memref<8x128xi32, #tpu.memory_space<vmem>>, vector<16xi32>,
    tpu.vector_store %arg8[%swap3A_173, %swap3A_174], %add3A_171 {strides = array<i32>} : memref<8x128xi32, #tpu.memory_space<vmem>>, vector<16xi32>,
    %get3A_176 = arith.constant 1 : i32
    %get3A_177 = arith.index_cast %get3A_176 : i32 to index
    %get3A_178 = arith.constant 96 : index
    %get3A_179 = tpu.vector_load %arg8[%get3A_177, %get3A_178] {strides = array<i32>} : memref<8x128xi32, #tpu.memory_space<vmem>>, vector<16xi32>,
    %add3A_180 = vector.broadcast %mul3A_2 : i32 to vector<16xi32>
    %add3A_181 = arith.addi %get3A_179, %add3A_180 : vector<16xi32>
    %swap3A_182 = arith.constant 1 : i32
    %swap3A_183 = arith.index_cast %swap3A_182 : i32 to index
    %swap3A_184 = arith.constant 96 : index
    %swap3A_185 = tpu.vector_load %arg8[%swap3A_183, %swap3A_184] {strides = array<i32>} : memref<8x128xi32, #tpu.memory_space<vmem>>, vector<16xi32>,
    tpu.vector_store %arg8[%swap3A_183, %swap3A_184], %add3A_181 {strides = array<i32>} : memref<8x128xi32, #tpu.memory_space<vmem>>, vector<16xi32>,
    %get3A_186 = arith.constant 1 : i32
    %get3A_187 = arith.index_cast %get3A_186 : i32 to index
    %get3A_188 = arith.constant 112 : index
    %get3A_189 = tpu.vector_load %arg8[%get3A_187, %get3A_188] {strides = array<i32>} : memref<8x128xi32, #tpu.memory_space<vmem>>, vector<16xi32>,
    %add3A_190 = vector.broadcast %mul3A_2 : i32 to vector<16xi32>
    %add3A_191 = arith.addi %get3A_189, %add3A_190 : vector<16xi32>
    %swap3A_192 = arith.constant 1 : i32
    %swap3A_193 = arith.index_cast %swap3A_192 : i32 to index
    %swap3A_194 = arith.constant 112 : index
    %swap3A_195 = tpu.vector_load %arg8[%swap3A_193, %swap3A_194] {strides = array<i32>} : memref<8x128xi32, #tpu.memory_space<vmem>>, vector<16xi32>,
    tpu.vector_store %arg8[%swap3A_193, %swap3A_194], %add3A_191 {strides = array<i32>} : memref<8x128xi32, #tpu.memory_space<vmem>>, vector<16xi32>,
    %get3A_196 = arith.constant 2 : i32
    %get3A_197 = arith.index_cast %get3A_196 : i32 to index
    %get3A_198 = arith.constant 0 : index
    %get3A_199 = tpu.vector_load %arg8[%get3A_197, %get3A_198] {strides = array<i32>} : memref<8x128xi32, #tpu.memory_space<vmem>>, vector<16xi32>,
    %add3A_200 = vector.broadcast %mul3A_2 : i32 to vector<16xi32>
    %add3A_201 = arith.addi %get3A_199, %add3A_200 : vector<16xi32>
    %swap3A_202 = arith.constant 2 : i32
    %swap3A_203 = arith.index_cast %swap3A_202 : i32 to index
    %swap3A_204 = arith.constant 0 : index
    %swap3A_205 = tpu.vector_load %arg8[%swap3A_203, %swap3A_204] {strides = array<i32>} : memref<8x128xi32, #tpu.memory_space<vmem>>, vector<16xi32>,
    tpu.vector_store %arg8[%swap3A_203, %swap3A_204], %add3A_201 {strides = array<i32>} : memref<8x128xi32, #tpu.memory_space<vmem>>, vector<16xi32>,
    %get3A_206 = arith.constant 2 : i32
    %get3A_207 = arith.index_cast %get3A_206 : i32 to index
    %get3A_208 = arith.constant 16 : index
    %get3A_209 = tpu.vector_load %arg8[%get3A_207, %get3A_208] {strides = array<i32>} : memref<8x128xi32, #tpu.memory_space<vmem>>, vector<16xi32>,
    %add3A_210 = vector.broadcast %mul3A_2 : i32 to vector<16xi32>
    %add3A_211 = arith.addi %get3A_209, %add3A_210 : vector<16xi32>
    %swap3A_212 = arith.constant 2 : i32
    %swap3A_213 = arith.index_cast %swap3A_212 : i32 to index
    %swap3A_214 = arith.constant 16 : index
    %swap3A_215 = tpu.vector_load %arg8[%swap3A_213, %swap3A_214] {strides = array<i32>} : memref<8x128xi32, #tpu.memory_space<vmem>>, vector<16xi32>,
    tpu.vector_store %arg8[%swap3A_213, %swap3A_214], %add3A_211 {strides = array<i32>} : memref<8x128xi32, #tpu.memory_space<vmem>>, vector<16xi32>,
    %get3A_216 = arith.constant 2 : i32
    %get3A_217 = arith.index_cast %get3A_216 : i32 to index
    %get3A_218 = arith.constant 32 : index
    %get3A_219 = tpu.vector_load %arg8[%get3A_217, %get3A_218] {strides = array<i32>} : memref<8x128xi32, #tpu.memory_space<vmem>>, vector<16xi32>,
    %add3A_220 = vector.broadcast %mul3A_2 : i32 to vector<16xi32>
    %add3A_221 = arith.addi %get3A_219, %add3A_220 : vector<16xi32>
    %swap3A_222 = arith.constant 2 : i32
    %swap3A_223 = arith.index_cast %swap3A_222 : i32 to index
    %swap3A_224 = arith.constant 32 : index
    %swap3A_225 = tpu.vector_load %arg8[%swap3A_223, %swap3A_224] {strides = array<i32>} : memref<8x128xi32, #tpu.memory_space<vmem>>, vector<16xi32>,
    tpu.vector_store %arg8[%swap3A_223, %swap3A_224], %add3A_221 {strides = array<i32>} : memref<8x128xi32, #tpu.memory_space<vmem>>, vector<16xi32>,
    %get3A_226 = arith.constant 2 : i32
    %get3A_227 = arith.index_cast %get3A_226 : i32 to index
    %get3A_228 = arith.constant 48 : index
    %get3A_229 = tpu.vector_load %arg8[%get3A_227, %get3A_228] {strides = array<i32>} : memref<8x128xi32, #tpu.memory_space<vmem>>, vector<16xi32>,
    %add3A_230 = vector.broadcast %mul3A_2 : i32 to vector<16xi32>
    %add3A_231 = arith.addi %get3A_229, %add3A_230 : vector<16xi32>
    %swap3A_232 = arith.constant 2 : i32
    %swap3A_233 = arith.index_cast %swap3A_232 : i32 to index
    %swap3A_234 = arith.constant 48 : index
    %swap3A_235 = tpu.vector_load %arg8[%swap3A_233, %swap3A_234] {strides = array<i32>} : memref<8x128xi32, #tpu.memory_space<vmem>>, vector<16xi32>,
    tpu.vector_store %arg8[%swap3A_233, %swap3A_234], %add3A_231 {strides = array<i32>} : memref<8x128xi32, #tpu.memory_space<vmem>>, vector<16xi32>,
    %get3A_236 = arith.constant 2 : i32
    %get3A_237 = arith.index_cast %get3A_236 : i32 to index
    %get3A_238 = arith.constant 64 : index
    %get3A_239 = tpu.vector_load %arg8[%get3A_237, %get3A_238] {strides = array<i32>} : memref<8x128xi32, #tpu.memory_space<vmem>>, vector<16xi32>,
    %add3A_240 = vector.broadcast %mul3A_2 : i32 to vector<16xi32>
    %add3A_241 = arith.addi %get3A_239, %add3A_240 : vector<16xi32>
    %swap3A_242 = arith.constant 2 : i32
    %swap3A_243 = arith.index_cast %swap3A_242 : i32 to index
    %swap3A_244 = arith.constant 64 : index
    %swap3A_245 = tpu.vector_load %arg8[%swap3A_243, %swap3A_244] {strides = array<i32>} : memref<8x128xi32, #tpu.memory_space<vmem>>, vector<16xi32>,
    tpu.vector_store %arg8[%swap3A_243, %swap3A_244], %add3A_241 {strides = array<i32>} : memref<8x128xi32, #tpu.memory_space<vmem>>, vector<16xi32>,
    %get3A_246 = arith.constant 2 : i32
    %get3A_247 = arith.index_cast %get3A_246 : i32 to index
    %get3A_248 = arith.constant 80 : index
    %get3A_249 = tpu.vector_load %arg8[%get3A_247, %get3A_248] {strides = array<i32>} : memref<8x128xi32, #tpu.memory_space<vmem>>, vector<16xi32>,
    %add3A_250 = vector.broadcast %mul3A_2 : i32 to vector<16xi32>
    %add3A_251 = arith.addi %get3A_249, %add3A_250 : vector<16xi32>
    %swap3A_252 = arith.constant 2 : i32
    %swap3A_253 = arith.index_cast %swap3A_252 : i32 to index
    %swap3A_254 = arith.constant 80 : index
    %swap3A_255 = tpu.vector_load %arg8[%swap3A_253, %swap3A_254] {strides = array<i32>} : memref<8x128xi32, #tpu.memory_space<vmem>>, vector<16xi32>,
    tpu.vector_store %arg8[%swap3A_253, %swap3A_254], %add3A_251 {strides = array<i32>} : memref<8x128xi32, #tpu.memory_space<vmem>>, vector<16xi32>,
    %get3A_256 = arith.constant 2 : i32
    %get3A_257 = arith.index_cast %get3A_256 : i32 to index
    %get3A_258 = arith.constant 96 : index
    %get3A_259 = tpu.vector_load %arg8[%get3A_257, %get3A_258] {strides = array<i32>} : memref<8x128xi32, #tpu.memory_space<vmem>>, vector<16xi32>,
    %add3A_260 = vector.broadcast %mul3A_2 : i32 to vector<16xi32>
    %add3A_261 = arith.addi %get3A_259, %add3A_260 : vector<16xi32>
    %swap3A_262 = arith.constant 2 : i32
    %swap3A_263 = arith.index_cast %swap3A_262 : i32 to index
    %swap3A_264 = arith.constant 96 : index
    %swap3A_265 = tpu.vector_load %arg8[%swap3A_263, %swap3A_264] {strides = array<i32>} : memref<8x128xi32, #tpu.memory_space<vmem>>, vector<16xi32>,
    tpu.vector_store %arg8[%swap3A_263, %swap3A_264], %add3A_261 {strides = array<i32>} : memref<8x128xi32, #tpu.memory_space<vmem>>, vector<16xi32>,
    %get3A_266 = arith.constant 2 : i32
    %get3A_267 = arith.index_cast %get3A_266 : i32 to index
    %get3A_268 = arith.constant 112 : index
    %get3A_269 = tpu.vector_load %arg8[%get3A_267, %get3A_268] {strides = array<i32>} : memref<8x128xi32, #tpu.memory_space<vmem>>, vector<16xi32>,
    %add3A_270 = vector.broadcast %mul3A_2 : i32 to vector<16xi32>
    %add3A_271 = arith.addi %get3A_269, %add3A_270 : vector<16xi32>
    %swap3A_272 = arith.constant 2 : i32
    %swap3A_273 = arith.index_cast %swap3A_272 : i32 to index
    %swap3A_274 = arith.constant 112 : index
    %swap3A_275 = tpu.vector_load %arg8[%swap3A_273, %swap3A_274] {strides = array<i32>} : memref<8x128xi32, #tpu.memory_space<vmem>>, vector<16xi32>,
    tpu.vector_store %arg8[%swap3A_273, %swap3A_274], %add3A_271 {strides = array<i32>} : memref<8x128xi32, #tpu.memory_space<vmem>>, vector<16xi32>,
    %get3A_276 = arith.constant 3 : i32
    %get3A_277 = arith.index_cast %get3A_276 : i32 to index
    %get3A_278 = arith.constant 0 : index
    %get3A_279 = tpu.vector_load %arg8[%get3A_277, %get3A_278] {strides = array<i32>} : memref<8x128xi32, #tpu.memory_space<vmem>>, vector<16xi32>,
    %add3A_280 = vector.broadcast %mul3A_2 : i32 to vector<16xi32>
    %add3A_281 = arith.addi %get3A_279, %add3A_280 : vector<16xi32>
    %swap3A_282 = arith.constant 3 : i32
    %swap3A_283 = arith.index_cast %swap3A_282 : i32 to index
    %swap3A_284 = arith.constant 0 : index
    %swap3A_285 = tpu.vector_load %arg8[%swap3A_283, %swap3A_284] {strides = array<i32>} : memref<8x128xi32, #tpu.memory_space<vmem>>, vector<16xi32>,
    tpu.vector_store %arg8[%swap3A_283, %swap3A_284], %add3A_281 {strides = array<i32>} : memref<8x128xi32, #tpu.memory_space<vmem>>, vector<16xi32>,
    %get3A_286 = arith.constant 3 : i32
    %get3A_287 = arith.index_cast %get3A_286 : i32 to index
    %get3A_288 = arith.constant 16 : index
    %get3A_289 = tpu.vector_load %arg8[%get3A_287, %get3A_288] {strides = array<i32>} : memref<8x128xi32, #tpu.memory_space<vmem>>, vector<16xi32>,
    %add3A_290 = vector.broadcast %mul3A_2 : i32 to vector<16xi32>
    %add3A_291 = arith.addi %get3A_289, %add3A_290 : vector<16xi32>
    %swap3A_292 = arith.constant 3 : i32
    %swap3A_293 = arith.index_cast %swap3A_292 : i32 to index
    %swap3A_294 = arith.constant 16 : index
    %swap3A_295 = tpu.vector_load %arg8[%swap3A_293, %swap3A_294] {strides = array<i32>} : memref<8x128xi32, #tpu.memory_space<vmem>>, vector<16xi32>,
    tpu.vector_store %arg8[%swap3A_293, %swap3A_294], %add3A_291 {strides = array<i32>} : memref<8x128xi32, #tpu.memory_space<vmem>>, vector<16xi32>,
    %get3A_296 = arith.constant 3 : i32
    %get3A_297 = arith.index_cast %get3A_296 : i32 to index
    %get3A_298 = arith.constant 32 : index
    %get3A_299 = tpu.vector_load %arg8[%get3A_297, %get3A_298] {strides = array<i32>} : memref<8x128xi32, #tpu.memory_space<vmem>>, vector<16xi32>,
    %add3A_300 = vector.broadcast %mul3A_2 : i32 to vector<16xi32>
    %add3A_301 = arith.addi %get3A_299, %add3A_300 : vector<16xi32>
    %swap3A_302 = arith.constant 3 : i32
    %swap3A_303 = arith.index_cast %swap3A_302 : i32 to index
    %swap3A_304 = arith.constant 32 : index
    %swap3A_305 = tpu.vector_load %arg8[%swap3A_303, %swap3A_304] {strides = array<i32>} : memref<8x128xi32, #tpu.memory_space<vmem>>, vector<16xi32>,
    tpu.vector_store %arg8[%swap3A_303, %swap3A_304], %add3A_301 {strides = array<i32>} : memref<8x128xi32, #tpu.memory_space<vmem>>, vector<16xi32>,
    %get3A_306 = arith.constant 3 : i32
    %get3A_307 = arith.index_cast %get3A_306 : i32 to index
    %get3A_308 = arith.constant 48 : index
    %get3A_309 = tpu.vector_load %arg8[%get3A_307, %get3A_308] {strides = array<i32>} : memref<8x128xi32, #tpu.memory_space<vmem>>, vector<16xi32>,
    %add3A_310 = vector.broadcast %mul3A_2 : i32 to vector<16xi32>
    %add3A_311 = arith.addi %get3A_309, %add3A_310 : vector<16xi32>
    %swap3A_312 = arith.constant 3 : i32
    %swap3A_313 = arith.index_cast %swap3A_312 : i32 to index
    %swap3A_314 = arith.constant 48 : index
    %swap3A_315 = tpu.vector_load %arg8[%swap3A_313, %swap3A_314] {strides = array<i32>} : memref<8x128xi32, #tpu.memory_space<vmem>>, vector<16xi32>,
    tpu.vector_store %arg8[%swap3A_313, %swap3A_314], %add3A_311 {strides = array<i32>} : memref<8x128xi32, #tpu.memory_space<vmem>>, vector<16xi32>,
    %get3A_316 = arith.constant 3 : i32
    %get3A_317 = arith.index_cast %get3A_316 : i32 to index
    %get3A_318 = arith.constant 64 : index
    %get3A_319 = tpu.vector_load %arg8[%get3A_317, %get3A_318] {strides = array<i32>} : memref<8x128xi32, #tpu.memory_space<vmem>>, vector<16xi32>,
    %add3A_320 = vector.broadcast %mul3A_2 : i32 to vector<16xi32>
    %add3A_321 = arith.addi %get3A_319, %add3A_320 : vector<16xi32>
    %swap3A_322 = arith.constant 3 : i32
    %swap3A_323 = arith.index_cast %swap3A_322 : i32 to index
    %swap3A_324 = arith.constant 64 : index
    %swap3A_325 = tpu.vector_load %arg8[%swap3A_323, %swap3A_324] {strides = array<i32>} : memref<8x128xi32, #tpu.memory_space<vmem>>, vector<16xi32>,
    tpu.vector_store %arg8[%swap3A_323, %swap3A_324], %add3A_321 {strides = array<i32>} : memref<8x128xi32, #tpu.memory_space<vmem>>, vector<16xi32>,
    %get3A_326 = arith.constant 3 : i32
    %get3A_327 = arith.index_cast %get3A_326 : i32 to index
    %get3A_328 = arith.constant 80 : index
    %get3A_329 = tpu.vector_load %arg8[%get3A_327, %get3A_328] {strides = array<i32>} : memref<8x128xi32, #tpu.memory_space<vmem>>, vector<16xi32>,
    %add3A_330 = vector.broadcast %mul3A_2 : i32 to vector<16xi32>
    %add3A_331 = arith.addi %get3A_329, %add3A_330 : vector<16xi32>
    %swap3A_332 = arith.constant 3 : i32
    %swap3A_333 = arith.index_cast %swap3A_332 : i32 to index
    %swap3A_334 = arith.constant 80 : index
    %swap3A_335 = tpu.vector_load %arg8[%swap3A_333, %swap3A_334] {strides = array<i32>} : memref<8x128xi32, #tpu.memory_space<vmem>>, vector<16xi32>,
    tpu.vector_store %arg8[%swap3A_333, %swap3A_334], %add3A_331 {strides = array<i32>} : memref<8x128xi32, #tpu.memory_space<vmem>>, vector<16xi32>,
    %get3A_336 = arith.constant 3 : i32
    %get3A_337 = arith.index_cast %get3A_336 : i32 to index
    %get3A_338 = arith.constant 96 : index
    %get3A_339 = tpu.vector_load %arg8[%get3A_337, %get3A_338] {strides = array<i32>} : memref<8x128xi32, #tpu.memory_space<vmem>>, vector<16xi32>,
    %add3A_340 = vector.broadcast %mul3A_2 : i32 to vector<16xi32>
    %add3A_341 = arith.addi %get3A_339, %add3A_340 : vector<16xi32>
    %swap3A_342 = arith.constant 3 : i32
    %swap3A_343 = arith.index_cast %swap3A_342 : i32 to index
    %swap3A_344 = arith.constant 96 : index
    %swap3A_345 = tpu.vector_load %arg8[%swap3A_343, %swap3A_344] {strides = array<i32>} : memref<8x128xi32, #tpu.memory_space<vmem>>, vector<16xi32>,
    tpu.vector_store %arg8[%swap3A_343, %swap3A_344], %add3A_341 {strides = array<i32>} : memref<8x128xi32, #tpu.memory_space<vmem>>, vector<16xi32>,
    %get3A_346 = arith.constant 3 : i32
    %get3A_347 = arith.index_cast %get3A_346 : i32 to index
    %get3A_348 = arith.constant 112 : index
    %get3A_349 = tpu.vector_load %arg8[%get3A_347, %get3A_348] {strides = array<i32>} : memref<8x128xi32, #tpu.memory_space<vmem>>, vector<16xi32>,
    %add3A_350 = vector.broadcast %mul3A_2 : i32 to vector<16xi32>
    %add3A_351 = arith.addi %get3A_349, %add3A_350 : vector<16xi32>
    %swap3A_352 = arith.constant 3 : i32
    %swap3A_353 = arith.index_cast %swap3A_352 : i32 to index
    %swap3A_354 = arith.constant 112 : index
    %swap3A_355 = tpu.vector_load %arg8[%swap3A_353, %swap3A_354] {strides = array<i32>} : memref<8x128xi32, #tpu.memory_space<vmem>>, vector<16xi32>,
    tpu.vector_store %arg8[%swap3A_353, %swap3A_354], %add3A_351 {strides = array<i32>} : memref<8x128xi32, #tpu.memory_space<vmem>>, vector<16xi32>,
    %get3A_356 = arith.constant 4 : i32
    %get3A_357 = arith.index_cast %get3A_356 : i32 to index
    %get3A_358 = arith.constant 0 : index
    %get3A_359 = tpu.vector_load %arg8[%get3A_357, %get3A_358] {strides = array<i32>} : memref<8x128xi32, #tpu.memory_space<vmem>>, vector<16xi32>,
    %add3A_360 = vector.broadcast %mul3A_2 : i32 to vector<16xi32>
    %add3A_361 = arith.addi %get3A_359, %add3A_360 : vector<16xi32>
    %swap3A_362 = arith.constant 4 : i32
    %swap3A_363 = arith.index_cast %swap3A_362 : i32 to index
    %swap3A_364 = arith.constant 0 : index
    %swap3A_365 = tpu.vector_load %arg8[%swap3A_363, %swap3A_364] {strides = array<i32>} : memref<8x128xi32, #tpu.memory_space<vmem>>, vector<16xi32>,
    tpu.vector_store %arg8[%swap3A_363, %swap3A_364], %add3A_361 {strides = array<i32>} : memref<8x128xi32, #tpu.memory_space<vmem>>, vector<16xi32>,
    %get3A_366 = arith.constant 4 : i32
    %get3A_367 = arith.index_cast %get3A_366 : i32 to index
    %get3A_368 = arith.constant 16 : index
    %get3A_369 = tpu.vector_load %arg8[%get3A_367, %get3A_368] {strides = array<i32>} : memref<8x128xi32, #tpu.memory_space<vmem>>, vector<16xi32>,
    %add3A_370 = vector.broadcast %mul3A_2 : i32 to vector<16xi32>
    %add3A_371 = arith.addi %get3A_369, %add3A_370 : vector<16xi32>
    %swap3A_372 = arith.constant 4 : i32
    %swap3A_373 = arith.index_cast %swap3A_372 : i32 to index
    %swap3A_374 = arith.constant 16 : index
    %swap3A_375 = tpu.vector_load %arg8[%swap3A_373, %swap3A_374] {strides = array<i32>} : memref<8x128xi32, #tpu.memory_space<vmem>>, vector<16xi32>,
    tpu.vector_store %arg8[%swap3A_373, %swap3A_374], %add3A_371 {strides = array<i32>} : memref<8x128xi32, #tpu.memory_space<vmem>>, vector<16xi32>,
    %get3A_376 = arith.constant 4 : i32
    %get3A_377 = arith.index_cast %get3A_376 : i32 to index
    %get3A_378 = arith.constant 32 : index
    %get3A_379 = tpu.vector_load %arg8[%get3A_377, %get3A_378] {strides = array<i32>} : memref<8x128xi32, #tpu.memory_space<vmem>>, vector<16xi32>,
    %add3A_380 = vector.broadcast %mul3A_2 : i32 to vector<16xi32>
    %add3A_381 = arith.addi %get3A_379, %add3A_380 : vector<16xi32>
    %swap3A_382 = arith.constant 4 : i32
    %swap3A_383 = arith.index_cast %swap3A_382 : i32 to index
    %swap3A_384 = arith.constant 32 : index
    %swap3A_385 = tpu.vector_load %arg8[%swap3A_383, %swap3A_384] {strides = array<i32>} : memref<8x128xi32, #tpu.memory_space<vmem>>, vector<16xi32>,
    tpu.vector_store %arg8[%swap3A_383, %swap3A_384], %add3A_381 {strides = array<i32>} : memref<8x128xi32, #tpu.memory_space<vmem>>, vector<16xi32>,
    %get3A_386 = arith.constant 4 : i32
    %get3A_387 = arith.index_cast %get3A_386 : i32 to index
    %get3A_388 = arith.constant 48 : index
    %get3A_389 = tpu.vector_load %arg8[%get3A_387, %get3A_388] {strides = array<i32>} : memref<8x128xi32, #tpu.memory_space<vmem>>, vector<16xi32>,
    %add3A_390 = vector.broadcast %mul3A_2 : i32 to vector<16xi32>
    %add3A_391 = arith.addi %get3A_389, %add3A_390 : vector<16xi32>
    %swap3A_392 = arith.constant 4 : i32
    %swap3A_393 = arith.index_cast %swap3A_392 : i32 to index
    %swap3A_394 = arith.constant 48 : index
    %swap3A_395 = tpu.vector_load %arg8[%swap3A_393, %swap3A_394] {strides = array<i32>} : memref<8x128xi32, #tpu.memory_space<vmem>>, vector<16xi32>,
    tpu.vector_store %arg8[%swap3A_393, %swap3A_394], %add3A_391 {strides = array<i32>} : memref<8x128xi32, #tpu.memory_space<vmem>>, vector<16xi32>,
    %get3A_396 = arith.constant 4 : i32
    %get3A_397 = arith.index_cast %get3A_396 : i32 to index
    %get3A_398 = arith.constant 64 : index
    %get3A_399 = tpu.vector_load %arg8[%get3A_397, %get3A_398] {strides = array<i32>} : memref<8x128xi32, #tpu.memory_space<vmem>>, vector<16xi32>,
    %add3A_400 = vector.broadcast %mul3A_2 : i32 to vector<16xi32>
    %add3A_401 = arith.addi %get3A_399, %add3A_400 : vector<16xi32>
    %swap3A_402 = arith.constant 4 : i32
    %swap3A_403 = arith.index_cast %swap3A_402 : i32 to index
    %swap3A_404 = arith.constant 64 : index
    %swap3A_405 = tpu.vector_load %arg8[%swap3A_403, %swap3A_404] {strides = array<i32>} : memref<8x128xi32, #tpu.memory_space<vmem>>, vector<16xi32>,
    tpu.vector_store %arg8[%swap3A_403, %swap3A_404], %add3A_401 {strides = array<i32>} : memref<8x128xi32, #tpu.memory_space<vmem>>, vector<16xi32>,
    %get3A_406 = arith.constant 4 : i32
    %get3A_407 = arith.index_cast %get3A_406 : i32 to index
    %get3A_408 = arith.constant 80 : index
    %get3A_409 = tpu.vector_load %arg8[%get3A_407, %get3A_408] {strides = array<i32>} : memref<8x128xi32, #tpu.memory_space<vmem>>, vector<16xi32>,
    %add3A_410 = vector.broadcast %mul3A_2 : i32 to vector<16xi32>
    %add3A_411 = arith.addi %get3A_409, %add3A_410 : vector<16xi32>
    %swap3A_412 = arith.constant 4 : i32
    %swap3A_413 = arith.index_cast %swap3A_412 : i32 to index
    %swap3A_414 = arith.constant 80 : index
    %swap3A_415 = tpu.vector_load %arg8[%swap3A_413, %swap3A_414] {strides = array<i32>} : memref<8x128xi32, #tpu.memory_space<vmem>>, vector<16xi32>,
    tpu.vector_store %arg8[%swap3A_413, %swap3A_414], %add3A_411 {strides = array<i32>} : memref<8x128xi32, #tpu.memory_space<vmem>>, vector<16xi32>,
    %get3A_416 = arith.constant 4 : i32
    %get3A_417 = arith.index_cast %get3A_416 : i32 to index
    %get3A_418 = arith.constant 96 : index
    %get3A_419 = tpu.vector_load %arg8[%get3A_417, %get3A_418] {strides = array<i32>} : memref<8x128xi32, #tpu.memory_space<vmem>>, vector<16xi32>,
    %add3A_420 = vector.broadcast %mul3A_2 : i32 to vector<16xi32>
    %add3A_421 = arith.addi %get3A_419, %add3A_420 : vector<16xi32>
    %swap3A_422 = arith.constant 4 : i32
    %swap3A_423 = arith.index_cast %swap3A_422 : i32 to index
    %swap3A_424 = arith.constant 96 : index
    %swap3A_425 = tpu.vector_load %arg8[%swap3A_423, %swap3A_424] {strides = array<i32>} : memref<8x128xi32, #tpu.memory_space<vmem>>, vector<16xi32>,
    tpu.vector_store %arg8[%swap3A_423, %swap3A_424], %add3A_421 {strides = array<i32>} : memref<8x128xi32, #tpu.memory_space<vmem>>, vector<16xi32>,
    %get3A_426 = arith.constant 4 : i32
    %get3A_427 = arith.index_cast %get3A_426 : i32 to index
    %get3A_428 = arith.constant 112 : index
    %get3A_429 = tpu.vector_load %arg8[%get3A_427, %get3A_428] {strides = array<i32>} : memref<8x128xi32, #tpu.memory_space<vmem>>, vector<16xi32>,
    %add3A_430 = vector.broadcast %mul3A_2 : i32 to vector<16xi32>
    %add3A_431 = arith.addi %get3A_429, %add3A_430 : vector<16xi32>
    %swap3A_432 = arith.constant 4 : i32
    %swap3A_433 = arith.index_cast %swap3A_432 : i32 to index
    %swap3A_434 = arith.constant 112 : index
    %swap3A_435 = tpu.vector_load %arg8[%swap3A_433, %swap3A_434] {strides = array<i32>} : memref<8x128xi32, #tpu.memory_space<vmem>>, vector<16xi32>,
    tpu.vector_store %arg8[%swap3A_433, %swap3A_434], %add3A_431 {strides = array<i32>} : memref<8x128xi32, #tpu.memory_space<vmem>>, vector<16xi32>,
    %get3A_436 = arith.constant 5 : i32
    %get3A_437 = arith.index_cast %get3A_436 : i32 to index
    %get3A_438 = arith.constant 0 : index
    %get3A_439 = tpu.vector_load %arg8[%get3A_437, %get3A_438] {strides = array<i32>} : memref<8x128xi32, #tpu.memory_space<vmem>>, vector<16xi32>,
    %add3A_440 = vector.broadcast %mul3A_2 : i32 to vector<16xi32>
    %add3A_441 = arith.addi %get3A_439, %add3A_440 : vector<16xi32>
    %swap3A_442 = arith.constant 5 : i32
    %swap3A_443 = arith.index_cast %swap3A_442 : i32 to index
    %swap3A_444 = arith.constant 0 : index
    %swap3A_445 = tpu.vector_load %arg8[%swap3A_443, %swap3A_444] {strides = array<i32>} : memref<8x128xi32, #tpu.memory_space<vmem>>, vector<16xi32>,
    tpu.vector_store %arg8[%swap3A_443, %swap3A_444], %add3A_441 {strides = array<i32>} : memref<8x128xi32, #tpu.memory_space<vmem>>, vector<16xi32>,
    %get3A_446 = arith.constant 5 : i32
    %get3A_447 = arith.index_cast %get3A_446 : i32 to index
    %get3A_448 = arith.constant 16 : index
    %get3A_449 = tpu.vector_load %arg8[%get3A_447, %get3A_448] {strides = array<i32>} : memref<8x128xi32, #tpu.memory_space<vmem>>, vector<16xi32>,
    %add3A_450 = vector.broadcast %mul3A_2 : i32 to vector<16xi32>
    %add3A_451 = arith.addi %get3A_449, %add3A_450 : vector<16xi32>
    %swap3A_452 = arith.constant 5 : i32
    %swap3A_453 = arith.index_cast %swap3A_452 : i32 to index
    %swap3A_454 = arith.constant 16 : index
    %swap3A_455 = tpu.vector_load %arg8[%swap3A_453, %swap3A_454] {strides = array<i32>} : memref<8x128xi32, #tpu.memory_space<vmem>>, vector<16xi32>,
    tpu.vector_store %arg8[%swap3A_453, %swap3A_454], %add3A_451 {strides = array<i32>} : memref<8x128xi32, #tpu.memory_space<vmem>>, vector<16xi32>,
    %get3A_456 = arith.constant 5 : i32
    %get3A_457 = arith.index_cast %get3A_456 : i32 to index
    %get3A_458 = arith.constant 32 : index
    %get3A_459 = tpu.vector_load %arg8[%get3A_457, %get3A_458] {strides = array<i32>} : memref<8x128xi32, #tpu.memory_space<vmem>>, vector<16xi32>,
    %add3A_460 = vector.broadcast %mul3A_2 : i32 to vector<16xi32>
    %add3A_461 = arith.addi %get3A_459, %add3A_460 : vector<16xi32>
    %swap3A_462 = arith.constant 5 : i32
    %swap3A_463 = arith.index_cast %swap3A_462 : i32 to index
    %swap3A_464 = arith.constant 32 : index
    %swap3A_465 = tpu.vector_load %arg8[%swap3A_463, %swap3A_464] {strides = array<i32>} : memref<8x128xi32, #tpu.memory_space<vmem>>, vector<16xi32>,
    tpu.vector_store %arg8[%swap3A_463, %swap3A_464], %add3A_461 {strides = array<i32>} : memref<8x128xi32, #tpu.memory_space<vmem>>, vector<16xi32>,
    %get3A_466 = arith.constant 5 : i32
    %get3A_467 = arith.index_cast %get3A_466 : i32 to index
    %get3A_468 = arith.constant 48 : index
    %get3A_469 = tpu.vector_load %arg8[%get3A_467, %get3A_468] {strides = array<i32>} : memref<8x128xi32, #tpu.memory_space<vmem>>, vector<16xi32>,
    %add3A_470 = vector.broadcast %mul3A_2 : i32 to vector<16xi32>
    %add3A_471 = arith.addi %get3A_469, %add3A_470 : vector<16xi32>
    %swap3A_472 = arith.constant 5 : i32
    %swap3A_473 = arith.index_cast %swap3A_472 : i32 to index
    %swap3A_474 = arith.constant 48 : index
    %swap3A_475 = tpu.vector_load %arg8[%swap3A_473, %swap3A_474] {strides = array<i32>} : memref<8x128xi32, #tpu.memory_space<vmem>>, vector<16xi32>,
    tpu.vector_store %arg8[%swap3A_473, %swap3A_474], %add3A_471 {strides = array<i32>} : memref<8x128xi32, #tpu.memory_space<vmem>>, vector<16xi32>,
    %get3A_476 = arith.constant 5 : i32
    %get3A_477 = arith.index_cast %get3A_476 : i32 to index
    %get3A_478 = arith.constant 64 : index
    %get3A_479 = tpu.vector_load %arg8[%get3A_477, %get3A_478] {strides = array<i32>} : memref<8x128xi32, #tpu.memory_space<vmem>>, vector<16xi32>,
    %add3A_480 = vector.broadcast %mul3A_2 : i32 to vector<16xi32>
    %add3A_481 = arith.addi %get3A_479, %add3A_480 : vector<16xi32>
    %swap3A_482 = arith.constant 5 : i32
    %swap3A_483 = arith.index_cast %swap3A_482 : i32 to index
    %swap3A_484 = arith.constant 64 : index
    %swap3A_485 = tpu.vector_load %arg8[%swap3A_483, %swap3A_484] {strides = array<i32>} : memref<8x128xi32, #tpu.memory_space<vmem>>, vector<16xi32>,
    tpu.vector_store %arg8[%swap3A_483, %swap3A_484], %add3A_481 {strides = array<i32>} : memref<8x128xi32, #tpu.memory_space<vmem>>, vector<16xi32>,
    %get3A_486 = arith.constant 5 : i32
    %get3A_487 = arith.index_cast %get3A_486 : i32 to index
    %get3A_488 = arith.constant 80 : index
    %get3A_489 = tpu.vector_load %arg8[%get3A_487, %get3A_488] {strides = array<i32>} : memref<8x128xi32, #tpu.memory_space<vmem>>, vector<16xi32>,
    %add3A_490 = vector.broadcast %mul3A_2 : i32 to vector<16xi32>
    %add3A_491 = arith.addi %get3A_489, %add3A_490 : vector<16xi32>
    %swap3A_492 = arith.constant 5 : i32
    %swap3A_493 = arith.index_cast %swap3A_492 : i32 to index
    %swap3A_494 = arith.constant 80 : index
    %swap3A_495 = tpu.vector_load %arg8[%swap3A_493, %swap3A_494] {strides = array<i32>} : memref<8x128xi32, #tpu.memory_space<vmem>>, vector<16xi32>,
    tpu.vector_store %arg8[%swap3A_493, %swap3A_494], %add3A_491 {strides = array<i32>} : memref<8x128xi32, #tpu.memory_space<vmem>>, vector<16xi32>,
    %get3A_496 = arith.constant 5 : i32
    %get3A_497 = arith.index_cast %get3A_496 : i32 to index
    %get3A_498 = arith.constant 96 : index
    %get3A_499 = tpu.vector_load %arg8[%get3A_497, %get3A_498] {strides = array<i32>} : memref<8x128xi32, #tpu.memory_space<vmem>>, vector<16xi32>,
    %add3A_500 = vector.broadcast %mul3A_2 : i32 to vector<16xi32>
    %add3A_501 = arith.addi %get3A_499, %add3A_500 : vector<16xi32>
    %swap3A_502 = arith.constant 5 : i32
    %swap3A_503 = arith.index_cast %swap3A_502 : i32 to index
    %swap3A_504 = arith.constant 96 : index
    %swap3A_505 = tpu.vector_load %arg8[%swap3A_503, %swap3A_504] {strides = array<i32>} : memref<8x128xi32, #tpu.memory_space<vmem>>, vector<16xi32>,
    tpu.vector_store %arg8[%swap3A_503, %swap3A_504], %add3A_501 {strides = array<i32>} : memref<8x128xi32, #tpu.memory_space<vmem>>, vector<16xi32>,
    %get3A_506 = arith.constant 5 : i32
    %get3A_507 = arith.index_cast %get3A_506 : i32 to index
    %get3A_508 = arith.constant 112 : index
    %get3A_509 = tpu.vector_load %arg8[%get3A_507, %get3A_508] {strides = array<i32>} : memref<8x128xi32, #tpu.memory_space<vmem>>, vector<16xi32>,
    %add3A_510 = vector.broadcast %mul3A_2 : i32 to vector<16xi32>
    %add3A_511 = arith.addi %get3A_509, %add3A_510 : vector<16xi32>
    %swap3A_512 = arith.constant 5 : i32
    %swap3A_513 = arith.index_cast %swap3A_512 : i32 to index
    %swap3A_514 = arith.constant 112 : index
    %swap3A_515 = tpu.vector_load %arg8[%swap3A_513, %swap3A_514] {strides = array<i32>} : memref<8x128xi32, #tpu.memory_space<vmem>>, vector<16xi32>,
    tpu.vector_store %arg8[%swap3A_513, %swap3A_514], %add3A_511 {strides = array<i32>} : memref<8x128xi32, #tpu.memory_space<vmem>>, vector<16xi32>,
    %get3A_516 = arith.constant 6 : i32
    %get3A_517 = arith.index_cast %get3A_516 : i32 to index
    %get3A_518 = arith.constant 0 : index
    %get3A_519 = tpu.vector_load %arg8[%get3A_517, %get3A_518] {strides = array<i32>} : memref<8x128xi32, #tpu.memory_space<vmem>>, vector<16xi32>,
    %add3A_520 = vector.broadcast %mul3A_2 : i32 to vector<16xi32>
    %add3A_521 = arith.addi %get3A_519, %add3A_520 : vector<16xi32>
    %swap3A_522 = arith.constant 6 : i32
    %swap3A_523 = arith.index_cast %swap3A_522 : i32 to index
    %swap3A_524 = arith.constant 0 : index
    %swap3A_525 = tpu.vector_load %arg8[%swap3A_523, %swap3A_524] {strides = array<i32>} : memref<8x128xi32, #tpu.memory_space<vmem>>, vector<16xi32>,
    tpu.vector_store %arg8[%swap3A_523, %swap3A_524], %add3A_521 {strides = array<i32>} : memref<8x128xi32, #tpu.memory_space<vmem>>, vector<16xi32>,
    %get3A_526 = arith.constant 6 : i32
    %get3A_527 = arith.index_cast %get3A_526 : i32 to index
    %get3A_528 = arith.constant 16 : index
    %get3A_529 = tpu.vector_load %arg8[%get3A_527, %get3A_528] {strides = array<i32>} : memref<8x128xi32, #tpu.memory_space<vmem>>, vector<16xi32>,
    %add3A_530 = vector.broadcast %mul3A_2 : i32 to vector<16xi32>
    %add3A_531 = arith.addi %get3A_529, %add3A_530 : vector<16xi32>
    %swap3A_532 = arith.constant 6 : i32
    %swap3A_533 = arith.index_cast %swap3A_532 : i32 to index
    %swap3A_534 = arith.constant 16 : index
    %swap3A_535 = tpu.vector_load %arg8[%swap3A_533, %swap3A_534] {strides = array<i32>} : memref<8x128xi32, #tpu.memory_space<vmem>>, vector<16xi32>,
    tpu.vector_store %arg8[%swap3A_533, %swap3A_534], %add3A_531 {strides = array<i32>} : memref<8x128xi32, #tpu.memory_space<vmem>>, vector<16xi32>,
    %get3A_536 = arith.constant 6 : i32
    %get3A_537 = arith.index_cast %get3A_536 : i32 to index
    %get3A_538 = arith.constant 32 : index
    %get3A_539 = tpu.vector_load %arg8[%get3A_537, %get3A_538] {strides = array<i32>} : memref<8x128xi32, #tpu.memory_space<vmem>>, vector<16xi32>,
    %add3A_540 = vector.broadcast %mul3A_2 : i32 to vector<16xi32>
    %add3A_541 = arith.addi %get3A_539, %add3A_540 : vector<16xi32>
    %swap3A_542 = arith.constant 6 : i32
    %swap3A_543 = arith.index_cast %swap3A_542 : i32 to index
    %swap3A_544 = arith.constant 32 : index
    %swap3A_545 = tpu.vector_load %arg8[%swap3A_543, %swap3A_544] {strides = array<i32>} : memref<8x128xi32, #tpu.memory_space<vmem>>, vector<16xi32>,
    tpu.vector_store %arg8[%swap3A_543, %swap3A_544], %add3A_541 {strides = array<i32>} : memref<8x128xi32, #tpu.memory_space<vmem>>, vector<16xi32>,
    %get3A_546 = arith.constant 6 : i32
    %get3A_547 = arith.index_cast %get3A_546 : i32 to index
    %get3A_548 = arith.constant 48 : index
    %get3A_549 = tpu.vector_load %arg8[%get3A_547, %get3A_548] {strides = array<i32>} : memref<8x128xi32, #tpu.memory_space<vmem>>, vector<16xi32>,
    %add3A_550 = vector.broadcast %mul3A_2 : i32 to vector<16xi32>
    %add3A_551 = arith.addi %get3A_549, %add3A_550 : vector<16xi32>
    %swap3A_552 = arith.constant 6 : i32
    %swap3A_553 = arith.index_cast %swap3A_552 : i32 to index
    %swap3A_554 = arith.constant 48 : index
    %swap3A_555 = tpu.vector_load %arg8[%swap3A_553, %swap3A_554] {strides = array<i32>} : memref<8x128xi32, #tpu.memory_space<vmem>>, vector<16xi32>,
    tpu.vector_store %arg8[%swap3A_553, %swap3A_554], %add3A_551 {strides = array<i32>} : memref<8x128xi32, #tpu.memory_space<vmem>>, vector<16xi32>,
    %get3A_556 = arith.constant 6 : i32
    %get3A_557 = arith.index_cast %get3A_556 : i32 to index
    %get3A_558 = arith.constant 64 : index
    %get3A_559 = tpu.vector_load %arg8[%get3A_557, %get3A_558] {strides = array<i32>} : memref<8x128xi32, #tpu.memory_space<vmem>>, vector<16xi32>,
    %add3A_560 = vector.broadcast %mul3A_2 : i32 to vector<16xi32>
    %add3A_561 = arith.addi %get3A_559, %add3A_560 : vector<16xi32>
    %swap3A_562 = arith.constant 6 : i32
    %swap3A_563 = arith.index_cast %swap3A_562 : i32 to index
    %swap3A_564 = arith.constant 64 : index
    %swap3A_565 = tpu.vector_load %arg8[%swap3A_563, %swap3A_564] {strides = array<i32>} : memref<8x128xi32, #tpu.memory_space<vmem>>, vector<16xi32>,
    tpu.vector_store %arg8[%swap3A_563, %swap3A_564], %add3A_561 {strides = array<i32>} : memref<8x128xi32, #tpu.memory_space<vmem>>, vector<16xi32>,
    %get3A_566 = arith.constant 6 : i32
    %get3A_567 = arith.index_cast %get3A_566 : i32 to index
    %get3A_568 = arith.constant 80 : index
    %get3A_569 = tpu.vector_load %arg8[%get3A_567, %get3A_568] {strides = array<i32>} : memref<8x128xi32, #tpu.memory_space<vmem>>, vector<16xi32>,
    %add3A_570 = vector.broadcast %mul3A_2 : i32 to vector<16xi32>
    %add3A_571 = arith.addi %get3A_569, %add3A_570 : vector<16xi32>
    %swap3A_572 = arith.constant 6 : i32
    %swap3A_573 = arith.index_cast %swap3A_572 : i32 to index
    %swap3A_574 = arith.constant 80 : index
    %swap3A_575 = tpu.vector_load %arg8[%swap3A_573, %swap3A_574] {strides = array<i32>} : memref<8x128xi32, #tpu.memory_space<vmem>>, vector<16xi32>,
    tpu.vector_store %arg8[%swap3A_573, %swap3A_574], %add3A_571 {strides = array<i32>} : memref<8x128xi32, #tpu.memory_space<vmem>>, vector<16xi32>,
    %get3A_576 = arith.constant 6 : i32
    %get3A_577 = arith.index_cast %get3A_576 : i32 to index
    %get3A_578 = arith.constant 96 : index
    %get3A_579 = tpu.vector_load %arg8[%get3A_577, %get3A_578] {strides = array<i32>} : memref<8x128xi32, #tpu.memory_space<vmem>>, vector<16xi32>,
    %add3A_580 = vector.broadcast %mul3A_2 : i32 to vector<16xi32>
    %add3A_581 = arith.addi %get3A_579, %add3A_580 : vector<16xi32>
    %swap3A_582 = arith.constant 6 : i32
    %swap3A_583 = arith.index_cast %swap3A_582 : i32 to index
    %swap3A_584 = arith.constant 96 : index
    %swap3A_585 = tpu.vector_load %arg8[%swap3A_583, %swap3A_584] {strides = array<i32>} : memref<8x128xi32, #tpu.memory_space<vmem>>, vector<16xi32>,
    tpu.vector_store %arg8[%swap3A_583, %swap3A_584], %add3A_581 {strides = array<i32>} : memref<8x128xi32, #tpu.memory_space<vmem>>, vector<16xi32>,
    %get3A_586 = arith.constant 6 : i32
    %get3A_587 = arith.index_cast %get3A_586 : i32 to index
    %get3A_588 = arith.constant 112 : index
    %get3A_589 = tpu.vector_load %arg8[%get3A_587, %get3A_588] {strides = array<i32>} : memref<8x128xi32, #tpu.memory_space<vmem>>, vector<16xi32>,
    %add3A_590 = vector.broadcast %mul3A_2 : i32 to vector<16xi32>
    %add3A_591 = arith.addi %get3A_589, %add3A_590 : vector<16xi32>
    %swap3A_592 = arith.constant 6 : i32
    %swap3A_593 = arith.index_cast %swap3A_592 : i32 to index
    %swap3A_594 = arith.constant 112 : index
    %swap3A_595 = tpu.vector_load %arg8[%swap3A_593, %swap3A_594] {strides = array<i32>} : memref<8x128xi32, #tpu.memory_space<vmem>>, vector<16xi32>,
    tpu.vector_store %arg8[%swap3A_593, %swap3A_594], %add3A_591 {strides = array<i32>} : memref<8x128xi32, #tpu.memory_space<vmem>>, vector<16xi32>,
    %get3A_596 = arith.constant 7 : i32
    %get3A_597 = arith.index_cast %get3A_596 : i32 to index
    %get3A_598 = arith.constant 0 : index
    %get3A_599 = tpu.vector_load %arg8[%get3A_597, %get3A_598] {strides = array<i32>} : memref<8x128xi32, #tpu.memory_space<vmem>>, vector<16xi32>,
    %add3A_600 = vector.broadcast %mul3A_2 : i32 to vector<16xi32>
    %add3A_601 = arith.addi %get3A_599, %add3A_600 : vector<16xi32>
    %swap3A_602 = arith.constant 7 : i32
    %swap3A_603 = arith.index_cast %swap3A_602 : i32 to index
    %swap3A_604 = arith.constant 0 : index
    %swap3A_605 = tpu.vector_load %arg8[%swap3A_603, %swap3A_604] {strides = array<i32>} : memref<8x128xi32, #tpu.memory_space<vmem>>, vector<16xi32>,
    tpu.vector_store %arg8[%swap3A_603, %swap3A_604], %add3A_601 {strides = array<i32>} : memref<8x128xi32, #tpu.memory_space<vmem>>, vector<16xi32>,
    %get3A_606 = arith.constant 7 : i32
    %get3A_607 = arith.index_cast %get3A_606 : i32 to index
    %get3A_608 = arith.constant 16 : index
    %get3A_609 = tpu.vector_load %arg8[%get3A_607, %get3A_608] {strides = array<i32>} : memref<8x128xi32, #tpu.memory_space<vmem>>, vector<16xi32>,
    %add3A_610 = vector.broadcast %mul3A_2 : i32 to vector<16xi32>
    %add3A_611 = arith.addi %get3A_609, %add3A_610 : vector<16xi32>
    %swap3A_612 = arith.constant 7 : i32
    %swap3A_613 = arith.index_cast %swap3A_612 : i32 to index
    %swap3A_614 = arith.constant 16 : index
    %swap3A_615 = tpu.vector_load %arg8[%swap3A_613, %swap3A_614] {strides = array<i32>} : memref<8x128xi32, #tpu.memory_space<vmem>>, vector<16xi32>,
    tpu.vector_store %arg8[%swap3A_613, %swap3A_614], %add3A_611 {strides = array<i32>} : memref<8x128xi32, #tpu.memory_space<vmem>>, vector<16xi32>,
    %get3A_616 = arith.constant 7 : i32
    %get3A_617 = arith.index_cast %get3A_616 : i32 to index
    %get3A_618 = arith.constant 32 : index
    %get3A_619 = tpu.vector_load %arg8[%get3A_617, %get3A_618] {strides = array<i32>} : memref<8x128xi32, #tpu.memory_space<vmem>>, vector<16xi32>,
    %add3A_620 = vector.broadcast %mul3A_2 : i32 to vector<16xi32>
    %add3A_621 = arith.addi %get3A_619, %add3A_620 : vector<16xi32>
    %swap3A_622 = arith.constant 7 : i32
    %swap3A_623 = arith.index_cast %swap3A_622 : i32 to index
    %swap3A_624 = arith.constant 32 : index
    %swap3A_625 = tpu.vector_load %arg8[%swap3A_623, %swap3A_624] {strides = array<i32>} : memref<8x128xi32, #tpu.memory_space<vmem>>, vector<16xi32>,
    tpu.vector_store %arg8[%swap3A_623, %swap3A_624], %add3A_621 {strides = array<i32>} : memref<8x128xi32, #tpu.memory_space<vmem>>, vector<16xi32>,
    %get3A_626 = arith.constant 7 : i32
    %get3A_627 = arith.index_cast %get3A_626 : i32 to index
    %get3A_628 = arith.constant 48 : index
    %get3A_629 = tpu.vector_load %arg8[%get3A_627, %get3A_628] {strides = array<i32>} : memref<8x128xi32, #tpu.memory_space<vmem>>, vector<16xi32>,
    %add3A_630 = vector.broadcast %mul3A_2 : i32 to vector<16xi32>
    %add3A_631 = arith.addi %get3A_629, %add3A_630 : vector<16xi32>
    %swap3A_632 = arith.constant 7 : i32
    %swap3A_633 = arith.index_cast %swap3A_632 : i32 to index
    %swap3A_634 = arith.constant 48 : index
    %swap3A_635 = tpu.vector_load %arg8[%swap3A_633, %swap3A_634] {strides = array<i32>} : memref<8x128xi32, #tpu.memory_space<vmem>>, vector<16xi32>,
    tpu.vector_store %arg8[%swap3A_633, %swap3A_634], %add3A_631 {strides = array<i32>} : memref<8x128xi32, #tpu.memory_space<vmem>>, vector<16xi32>,
    %get3A_636 = arith.constant 7 : i32
    %get3A_637 = arith.index_cast %get3A_636 : i32 to index
    %get3A_638 = arith.constant 64 : index
    %get3A_639 = tpu.vector_load %arg8[%get3A_637, %get3A_638] {strides = array<i32>} : memref<8x128xi32, #tpu.memory_space<vmem>>, vector<16xi32>,
    %add3A_640 = vector.broadcast %mul3A_2 : i32 to vector<16xi32>
    %add3A_641 = arith.addi %get3A_639, %add3A_640 : vector<16xi32>
    %swap3A_642 = arith.constant 7 : i32
    %swap3A_643 = arith.index_cast %swap3A_642 : i32 to index
    %swap3A_644 = arith.constant 64 : index
    %swap3A_645 = tpu.vector_load %arg8[%swap3A_643, %swap3A_644] {strides = array<i32>} : memref<8x128xi32, #tpu.memory_space<vmem>>, vector<16xi32>,
    tpu.vector_store %arg8[%swap3A_643, %swap3A_644], %add3A_641 {strides = array<i32>} : memref<8x128xi32, #tpu.memory_space<vmem>>, vector<16xi32>,
    %get3A_646 = arith.constant 7 : i32
    %get3A_647 = arith.index_cast %get3A_646 : i32 to index
    %get3A_648 = arith.constant 80 : index
    %get3A_649 = tpu.vector_load %arg8[%get3A_647, %get3A_648] {strides = array<i32>} : memref<8x128xi32, #tpu.memory_space<vmem>>, vector<16xi32>,
    %add3A_650 = vector.broadcast %mul3A_2 : i32 to vector<16xi32>
    %add3A_651 = arith.addi %get3A_649, %add3A_650 : vector<16xi32>
    %swap3A_652 = arith.constant 7 : i32
    %swap3A_653 = arith.index_cast %swap3A_652 : i32 to index
    %swap3A_654 = arith.constant 80 : index
    %swap3A_655 = tpu.vector_load %arg8[%swap3A_653, %swap3A_654] {strides = array<i32>} : memref<8x128xi32, #tpu.memory_space<vmem>>, vector<16xi32>,
    tpu.vector_store %arg8[%swap3A_653, %swap3A_654], %add3A_651 {strides = array<i32>} : memref<8x128xi32, #tpu.memory_space<vmem>>, vector<16xi32>,
    %get3A_656 = arith.constant 7 : i32
    %get3A_657 = arith.index_cast %get3A_656 : i32 to index
    %get3A_658 = arith.constant 96 : index
    %get3A_659 = tpu.vector_load %arg8[%get3A_657, %get3A_658] {strides = array<i32>} : memref<8x128xi32, #tpu.memory_space<vmem>>, vector<16xi32>,
    %add3A_660 = vector.broadcast %mul3A_2 : i32 to vector<16xi32>
    %add3A_661 = arith.addi %get3A_659, %add3A_660 : vector<16xi32>
    %swap3A_662 = arith.constant 7 : i32
    %swap3A_663 = arith.index_cast %swap3A_662 : i32 to index
    %swap3A_664 = arith.constant 96 : index
    %swap3A_665 = tpu.vector_load %arg8[%swap3A_663, %swap3A_664] {strides = array<i32>} : memref<8x128xi32, #tpu.memory_space<vmem>>, vector<16xi32>,
    tpu.vector_store %arg8[%swap3A_663, %swap3A_664], %add3A_661 {strides = array<i32>} : memref<8x128xi32, #tpu.memory_space<vmem>>, vector<16xi32>,
    %get3A_666 = arith.constant 7 : i32
    %get3A_667 = arith.index_cast %get3A_666 : i32 to index
    %get3A_668 = arith.constant 112 : index
    %get3A_669 = tpu.vector_load %arg8[%get3A_667, %get3A_668] {strides = array<i32>} : memref<8x128xi32, #tpu.memory_space<vmem>>, vector<16xi32>,
    %add3A_670 = vector.broadcast %mul3A_2 : i32 to vector<16xi32>
    %add3A_671 = arith.addi %get3A_669, %add3A_670 : vector<16xi32>
    %swap3A_672 = arith.constant 7 : i32
    %swap3A_673 = arith.index_cast %swap3A_672 : i32 to index
    %swap3A_674 = arith.constant 112 : index
    %swap3A_675 = tpu.vector_load %arg8[%swap3A_673, %swap3A_674] {strides = array<i32>} : memref<8x128xi32, #tpu.memory_space<vmem>>, vector<16xi32>,
    tpu.vector_store %arg8[%swap3A_673, %swap3A_674], %add3A_671 {strides = array<i32>} : memref<8x128xi32, #tpu.memory_space<vmem>>, vector<16xi32>,
    %dma_start3A_676 = arith.constant 0 : i32
    %dma_start3A_677 = arith.constant 0 : i32
    %dma_start3A_678 = arith.constant 0 : i32
    %dma_start3A_679 = tpu.memref_slice %arg14[%dma_start3A_677, %dma_start3A_678] : memref<1024x8xf32, #tpu.memory_space<vmem>> -> memref<128x8xf32, #tpu.memory_space<vmem>>
    %dma_start3A_680 = arith.constant 0 : i32
    %dma_start3A_681 = tpu.memref_slice %arg8[%dma_start3A_676, %dma_start3A_680] : memref<8x128xi32, #tpu.memory_space<vmem>> -> memref<1x128xi32, #tpu.memory_space<vmem>>
    %dma_start3A_682 = tpu.memref_squeeze %dma_start3A_681 : memref<1x128xi32, #tpu.memory_space<vmem>> -> memref<128xi32, #tpu.memory_space<vmem>>
    %dma_start3A_683 = arith.constant 0 : i32
    %dma_start3A_684 = arith.constant 0 : i32
    %dma_start3A_685 = tpu.memref_slice %arg2[%dma_start3A_683, %dma_start3A_684] : memref<320000x8xf32, #tpu.memory_space<hbm>> -> memref<320000x8xf32, #tpu.memory_space<hbm>>
    tpu.enqueue_indirect_dma source(%dma_start3A_685 : memref<320000x8xf32, #tpu.memory_space<hbm>>) target(%dma_start3A_679 : memref<128x8xf32, #tpu.memory_space<vmem>>) offsets(%dma_start3A_682 : memref<128xi32, #tpu.memory_space<vmem>>) semaphore(%arg18 : memref<!tpu.dma_semaphore, #tpu.memory_space<semaphore_mem>>)
    %dma_start3A_686 = arith.constant 1 : i32
    %dma_start3A_687 = arith.constant 128 : i32
    %dma_start3A_688 = arith.constant 0 : i32
    %dma_start3A_689 = tpu.memref_slice %arg14[%dma_start3A_687, %dma_start3A_688] : memref<1024x8xf32, #tpu.memory_space<vmem>> -> memref<128x8xf32, #tpu.memory_space<vmem>>
    %dma_start3A_690 = arith.constant 0 : i32
    %dma_start3A_691 = tpu.memref_slice %arg8[%dma_start3A_686, %dma_start3A_690] : memref<8x128xi32, #tpu.memory_space<vmem>> -> memref<1x128xi32, #tpu.memory_space<vmem>>
    %dma_start3A_692 = tpu.memref_squeeze %dma_start3A_691 : memref<1x128xi32, #tpu.memory_space<vmem>> -> memref<128xi32, #tpu.memory_space<vmem>>
    %dma_start3A_693 = arith.constant 0 : i32
    %dma_start3A_694 = arith.constant 0 : i32
    %dma_start3A_695 = tpu.memref_slice %arg2[%dma_start3A_693, %dma_start3A_694] : memref<320000x8xf32, #tpu.memory_space<hbm>> -> memref<320000x8xf32, #tpu.memory_space<hbm>>
    tpu.enqueue_indirect_dma source(%dma_start3A_695 : memref<320000x8xf32, #tpu.memory_space<hbm>>) target(%dma_start3A_689 : memref<128x8xf32, #tpu.memory_space<vmem>>) offsets(%dma_start3A_692 : memref<128xi32, #tpu.memory_space<vmem>>) semaphore(%arg18 : memref<!tpu.dma_semaphore, #tpu.memory_space<semaphore_mem>>)
    %dma_start3A_696 = arith.constant 2 : i32
    %dma_start3A_697 = arith.constant 256 : i32
    %dma_start3A_698 = arith.constant 0 : i32
    %dma_start3A_699 = tpu.memref_slice %arg14[%dma_start3A_697, %dma_start3A_698] : memref<1024x8xf32, #tpu.memory_space<vmem>> -> memref<128x8xf32, #tpu.memory_space<vmem>>
    %dma_start3A_700 = arith.constant 0 : i32
    %dma_start3A_701 = tpu.memref_slice %arg8[%dma_start3A_696, %dma_start3A_700] : memref<8x128xi32, #tpu.memory_space<vmem>> -> memref<1x128xi32, #tpu.memory_space<vmem>>
    %dma_start3A_702 = tpu.memref_squeeze %dma_start3A_701 : memref<1x128xi32, #tpu.memory_space<vmem>> -> memref<128xi32, #tpu.memory_space<vmem>>
    %dma_start3A_703 = arith.constant 0 : i32
    %dma_start3A_704 = arith.constant 0 : i32
    %dma_start3A_705 = tpu.memref_slice %arg2[%dma_start3A_703, %dma_start3A_704] : memref<320000x8xf32, #tpu.memory_space<hbm>> -> memref<320000x8xf32, #tpu.memory_space<hbm>>
    tpu.enqueue_indirect_dma source(%dma_start3A_705 : memref<320000x8xf32, #tpu.memory_space<hbm>>) target(%dma_start3A_699 : memref<128x8xf32, #tpu.memory_space<vmem>>) offsets(%dma_start3A_702 : memref<128xi32, #tpu.memory_space<vmem>>) semaphore(%arg18 : memref<!tpu.dma_semaphore, #tpu.memory_space<semaphore_mem>>)
    %dma_start3A_706 = arith.constant 3 : i32
    %dma_start3A_707 = arith.constant 384 : i32
    %dma_start3A_708 = arith.constant 0 : i32
    %dma_start3A_709 = tpu.memref_slice %arg14[%dma_start3A_707, %dma_start3A_708] : memref<1024x8xf32, #tpu.memory_space<vmem>> -> memref<128x8xf32, #tpu.memory_space<vmem>>
    %dma_start3A_710 = arith.constant 0 : i32
    %dma_start3A_711 = tpu.memref_slice %arg8[%dma_start3A_706, %dma_start3A_710] : memref<8x128xi32, #tpu.memory_space<vmem>> -> memref<1x128xi32, #tpu.memory_space<vmem>>
    %dma_start3A_712 = tpu.memref_squeeze %dma_start3A_711 : memref<1x128xi32, #tpu.memory_space<vmem>> -> memref<128xi32, #tpu.memory_space<vmem>>
    %dma_start3A_713 = arith.constant 0 : i32
    %dma_start3A_714 = arith.constant 0 : i32
    %dma_start3A_715 = tpu.memref_slice %arg2[%dma_start3A_713, %dma_start3A_714] : memref<320000x8xf32, #tpu.memory_space<hbm>> -> memref<320000x8xf32, #tpu.memory_space<hbm>>
    tpu.enqueue_indirect_dma source(%dma_start3A_715 : memref<320000x8xf32, #tpu.memory_space<hbm>>) target(%dma_start3A_709 : memref<128x8xf32, #tpu.memory_space<vmem>>) offsets(%dma_start3A_712 : memref<128xi32, #tpu.memory_space<vmem>>) semaphore(%arg18 : memref<!tpu.dma_semaphore, #tpu.memory_space<semaphore_mem>>)
    %dma_start3A_716 = arith.constant 4 : i32
    %dma_start3A_717 = arith.constant 512 : i32
    %dma_start3A_718 = arith.constant 0 : i32
    %dma_start3A_719 = tpu.memref_slice %arg14[%dma_start3A_717, %dma_start3A_718] : memref<1024x8xf32, #tpu.memory_space<vmem>> -> memref<128x8xf32, #tpu.memory_space<vmem>>
    %dma_start3A_720 = arith.constant 0 : i32
    %dma_start3A_721 = tpu.memref_slice %arg8[%dma_start3A_716, %dma_start3A_720] : memref<8x128xi32, #tpu.memory_space<vmem>> -> memref<1x128xi32, #tpu.memory_space<vmem>>
    %dma_start3A_722 = tpu.memref_squeeze %dma_start3A_721 : memref<1x128xi32, #tpu.memory_space<vmem>> -> memref<128xi32, #tpu.memory_space<vmem>>
    %dma_start3A_723 = arith.constant 0 : i32
    %dma_start3A_724 = arith.constant 0 : i32
    %dma_start3A_725 = tpu.memref_slice %arg2[%dma_start3A_723, %dma_start3A_724] : memref<320000x8xf32, #tpu.memory_space<hbm>> -> memref<320000x8xf32, #tpu.memory_space<hbm>>
    tpu.enqueue_indirect_dma source(%dma_start3A_725 : memref<320000x8xf32, #tpu.memory_space<hbm>>) target(%dma_start3A_719 : memref<128x8xf32, #tpu.memory_space<vmem>>) offsets(%dma_start3A_722 : memref<128xi32, #tpu.memory_space<vmem>>) semaphore(%arg18 : memref<!tpu.dma_semaphore, #tpu.memory_space<semaphore_mem>>)
    %dma_start3A_726 = arith.constant 5 : i32
    %dma_start3A_727 = arith.constant 640 : i32
    %dma_start3A_728 = arith.constant 0 : i32
    %dma_start3A_729 = tpu.memref_slice %arg14[%dma_start3A_727, %dma_start3A_728] : memref<1024x8xf32, #tpu.memory_space<vmem>> -> memref<128x8xf32, #tpu.memory_space<vmem>>
    %dma_start3A_730 = arith.constant 0 : i32
    %dma_start3A_731 = tpu.memref_slice %arg8[%dma_start3A_726, %dma_start3A_730] : memref<8x128xi32, #tpu.memory_space<vmem>> -> memref<1x128xi32, #tpu.memory_space<vmem>>
    %dma_start3A_732 = tpu.memref_squeeze %dma_start3A_731 : memref<1x128xi32, #tpu.memory_space<vmem>> -> memref<128xi32, #tpu.memory_space<vmem>>
    %dma_start3A_733 = arith.constant 0 : i32
    %dma_start3A_734 = arith.constant 0 : i32
    %dma_start3A_735 = tpu.memref_slice %arg2[%dma_start3A_733, %dma_start3A_734] : memref<320000x8xf32, #tpu.memory_space<hbm>> -> memref<320000x8xf32, #tpu.memory_space<hbm>>
    tpu.enqueue_indirect_dma source(%dma_start3A_735 : memref<320000x8xf32, #tpu.memory_space<hbm>>) target(%dma_start3A_729 : memref<128x8xf32, #tpu.memory_space<vmem>>) offsets(%dma_start3A_732 : memref<128xi32, #tpu.memory_space<vmem>>) semaphore(%arg18 : memref<!tpu.dma_semaphore, #tpu.memory_space<semaphore_mem>>)
    %dma_start3A_736 = arith.constant 6 : i32
    %dma_start3A_737 = arith.constant 768 : i32
    %dma_start3A_738 = arith.constant 0 : i32
    %dma_start3A_739 = tpu.memref_slice %arg14[%dma_start3A_737, %dma_start3A_738] : memref<1024x8xf32, #tpu.memory_space<vmem>> -> memref<128x8xf32, #tpu.memory_space<vmem>>
    %dma_start3A_740 = arith.constant 0 : i32
    %dma_start3A_741 = tpu.memref_slice %arg8[%dma_start3A_736, %dma_start3A_740] : memref<8x128xi32, #tpu.memory_space<vmem>> -> memref<1x128xi32, #tpu.memory_space<vmem>>
    %dma_start3A_742 = tpu.memref_squeeze %dma_start3A_741 : memref<1x128xi32, #tpu.memory_space<vmem>> -> memref<128xi32, #tpu.memory_space<vmem>>
    %dma_start3A_743 = arith.constant 0 : i32
    %dma_start3A_744 = arith.constant 0 : i32
    %dma_start3A_745 = tpu.memref_slice %arg2[%dma_start3A_743, %dma_start3A_744] : memref<320000x8xf32, #tpu.memory_space<hbm>> -> memref<320000x8xf32, #tpu.memory_space<hbm>>
    tpu.enqueue_indirect_dma source(%dma_start3A_745 : memref<320000x8xf32, #tpu.memory_space<hbm>>) target(%dma_start3A_739 : memref<128x8xf32, #tpu.memory_space<vmem>>) offsets(%dma_start3A_742 : memref<128xi32, #tpu.memory_space<vmem>>) semaphore(%arg18 : memref<!tpu.dma_semaphore, #tpu.memory_space<semaphore_mem>>)
    %dma_start3A_746 = arith.constant 7 : i32
    %dma_start3A_747 = arith.constant 896 : i32
    %dma_start3A_748 = arith.constant 0 : i32
    %dma_start3A_749 = tpu.memref_slice %arg14[%dma_start3A_747, %dma_start3A_748] : memref<1024x8xf32, #tpu.memory_space<vmem>> -> memref<128x8xf32, #tpu.memory_space<vmem>>
    %dma_start3A_750 = arith.constant 0 : i32
    %dma_start3A_751 = tpu.memref_slice %arg8[%dma_start3A_746, %dma_start3A_750] : memref<8x128xi32, #tpu.memory_space<vmem>> -> memref<1x128xi32, #tpu.memory_space<vmem>>
    %dma_start3A_752 = tpu.memref_squeeze %dma_start3A_751 : memref<1x128xi32, #tpu.memory_space<vmem>> -> memref<128xi32, #tpu.memory_space<vmem>>
    %dma_start3A_753 = arith.constant 0 : i32
    %dma_start3A_754 = arith.constant 0 : i32
    %dma_start3A_755 = tpu.memref_slice %arg2[%dma_start3A_753, %dma_start3A_754] : memref<320000x8xf32, #tpu.memory_space<hbm>> -> memref<320000x8xf32, #tpu.memory_space<hbm>>
    tpu.enqueue_indirect_dma source(%dma_start3A_755 : memref<320000x8xf32, #tpu.memory_space<hbm>>) target(%dma_start3A_749 : memref<128x8xf32, #tpu.memory_space<vmem>>) offsets(%dma_start3A_752 : memref<128xi32, #tpu.memory_space<vmem>>) semaphore(%arg18 : memref<!tpu.dma_semaphore, #tpu.memory_space<semaphore_mem>>)
    %dma_start3A_756 = arith.constant 8 : i32
    %dma_start3A_757 = arith.constant 0 : i32
    %dma_start3A_758 = tpu.memref_slice %arg3[%dma_start3A_756, %dma_start3A_757] : memref<1264x128xi32, #tpu.memory_space<hbm>> -> memref<8x128xi32, #tpu.memory_space<hbm>>
    %dma_start3A_759 = arith.constant 8 : i32
    %dma_start3A_760 = arith.constant 0 : i32
    %dma_start3A_761 = tpu.memref_slice %arg3[%dma_start3A_759, %dma_start3A_760] : memref<1264x128xi32, #tpu.memory_space<hbm>> -> memref<8x128xi32, #tpu.memory_space<hbm>>
    tpu.enqueue_dma source(%dma_start3A_761 : memref<8x128xi32, #tpu.memory_space<hbm>>) target(%arg9 : memref<8x128xi32, #tpu.memory_space<vmem>>) target_semaphore(%arg17 : memref<!tpu.dma_semaphore, #tpu.memory_space<semaphore_mem>>)
    %dma_start3A_762 = arith.constant 1024 : i32
    %dma_start3A_763 = tpu.memref_slice %arg4[%dma_start3A_762] : memref<161792xi32, #tpu.memory_space<hbm>> -> memref<1024xi32, #tpu.memory_space<hbm>>
    %dma_start3A_764 = arith.constant 1024 : i32
    %dma_start3A_765 = tpu.memref_slice %arg4[%dma_start3A_764] : memref<161792xi32, #tpu.memory_space<hbm>> -> memref<1024xi32, #tpu.memory_space<hbm>>
    tpu.enqueue_dma source(%dma_start3A_765 : memref<1024xi32, #tpu.memory_space<hbm>>) target(%arg11 : memref<1024xi32, #tpu.memory_space<vmem>>) target_semaphore(%arg17 : memref<!tpu.dma_semaphore, #tpu.memory_space<semaphore_mem>>)
    %dma_start3A_766 = arith.constant 1024 : i32
    %dma_start3A_767 = tpu.memref_slice %arg5[%dma_start3A_766] : memref<161792xf32, #tpu.memory_space<hbm>> -> memref<1024xf32, #tpu.memory_space<hbm>>
    %dma_start3A_768 = arith.constant 1024 : i32
    %dma_start3A_769 = tpu.memref_slice %arg5[%dma_start3A_768] : memref<161792xf32, #tpu.memory_space<hbm>> -> memref<1024xf32, #tpu.memory_space<hbm>>
    tpu.enqueue_dma source(%dma_start3A_769 : memref<1024xf32, #tpu.memory_space<hbm>>) target(%arg13 : memref<1024xf32, #tpu.memory_space<vmem>>) target_semaphore(%arg17 : memref<!tpu.dma_semaphore, #tpu.memory_space<semaphore_mem>>)
    %scan3A_770 = arith.constant 0 : i32
    %scan3A_771 = arith.constant 79 : i32
    %scan3A_772 = arith.addi %scan3A_770, %scan3A_771 : i32
    %scan3A_773 = arith.constant 1 : i32
    scf.for %scan3A_775 = %scan3A_770 to %scan3A_772 step %scan3A_773  : i32 {
      %mul3A_776 = arith.constant 2 : i32
      %mul3A_777 = arith.muli %scan3A_775, %mul3A_776 : i32
      %add3A_778 = arith.constant 0 : i32
      %add3A_779 = arith.addi %add3A_778, %mul3A_777 : i32
      %add3A_780 = arith.constant 0 : i32
      %add3A_781 = arith.addi %add3A_779, %add3A_780 : i32
      %add3A_782 = arith.constant 1 : i32
      %add3A_783 = arith.addi %add3A_781, %add3A_782 : i32
      %lt3A = arith.constant 158 : i32
      %lt3A_784 = arith.cmpi slt, %add3A_783, %lt3A : i32
      %convert_element_type3A = arith.extui %lt3A_784 : i1 to i32
      %cond3A = arith.constant 0 : i32
      %cond3A_785 = arith.cmpi ne, %convert_element_type3A, %cond3A : i32
      scf.if %cond3A_785 {
        %add3A_826 = arith.constant 1 : i32
        %add3A_827 = arith.addi %add3A_781, %add3A_826 : i32
        %mul3A_828 = arith.constant 8 : i32
        %mul3A_829 = arith.muli %add3A_827, %mul3A_828 : i32
        %dma_wait3A_830 = arith.constant 0 : i32
        %dma_wait3A_831 = tpu.memref_slice %arg3[%mul3A_829, %dma_wait3A_830] : memref<1264x128xi32, #tpu.memory_space<hbm>> -> memref<8x128xi32, #tpu.memory_space<hbm>>
        %dma_wait3A_832 = arith.constant 0 : i32
        %dma_wait3A_833 = tpu.memref_slice %arg3[%mul3A_829, %dma_wait3A_832] : memref<1264x128xi32, #tpu.memory_space<hbm>> -> memref<8x128xi32, #tpu.memory_space<hbm>>
        tpu.wait_dma2 semaphore(%arg17 : memref<!tpu.dma_semaphore, #tpu.memory_space<semaphore_mem>>) src(%dma_wait3A_833 : memref<8x128xi32, #tpu.memory_space<hbm>>) dst(%arg9 : memref<8x128xi32, #tpu.memory_space<vmem>>)
        %mul3A_834 = arith.constant 1024 : i32
        %mul3A_835 = arith.muli %add3A_827, %mul3A_834 : i32
        %dma_wait3A_836 = tpu.memref_slice %arg4[%mul3A_835] : memref<161792xi32, #tpu.memory_space<hbm>> -> memref<1024xi32, #tpu.memory_space<hbm>>
        %dma_wait3A_837 = tpu.memref_slice %arg4[%mul3A_835] : memref<161792xi32, #tpu.memory_space<hbm>> -> memref<1024xi32, #tpu.memory_space<hbm>>
        tpu.wait_dma2 semaphore(%arg17 : memref<!tpu.dma_semaphore, #tpu.memory_space<semaphore_mem>>) src(%dma_wait3A_837 : memref<1024xi32, #tpu.memory_space<hbm>>) dst(%arg11 : memref<1024xi32, #tpu.memory_space<vmem>>)
        %mul3A_838 = arith.constant 1024 : i32
        %mul3A_839 = arith.muli %add3A_827, %mul3A_838 : i32
        %dma_wait3A_840 = tpu.memref_slice %arg5[%mul3A_839] : memref<161792xf32, #tpu.memory_space<hbm>> -> memref<1024xf32, #tpu.memory_space<hbm>>
        %dma_wait3A_841 = tpu.memref_slice %arg5[%mul3A_839] : memref<161792xf32, #tpu.memory_space<hbm>> -> memref<1024xf32, #tpu.memory_space<hbm>>
        tpu.wait_dma2 semaphore(%arg17 : memref<!tpu.dma_semaphore, #tpu.memory_space<semaphore_mem>>) src(%dma_wait3A_841 : memref<1024xf32, #tpu.memory_space<hbm>>) dst(%arg13 : memref<1024xf32, #tpu.memory_space<vmem>>)
        %get3A_842 = arith.constant 0 : i32
        %get3A_843 = arith.index_cast %get3A_842 : i32 to index
        %get3A_844 = arith.constant 0 : index
        %get3A_845 = tpu.vector_load %arg9[%get3A_843, %get3A_844] {strides = array<i32>} : memref<8x128xi32, #tpu.memory_space<vmem>>, vector<16xi32>,
        %add3A_846 = vector.broadcast %mul3A_2 : i32 to vector<16xi32>
        %add3A_847 = arith.addi %get3A_845, %add3A_846 : vector<16xi32>
        %swap3A_848 = arith.constant 0 : i32
        %swap3A_849 = arith.index_cast %swap3A_848 : i32 to index
        %swap3A_850 = arith.constant 0 : index
        %swap3A_851 = tpu.vector_load %arg9[%swap3A_849, %swap3A_850] {strides = array<i32>} : memref<8x128xi32, #tpu.memory_space<vmem>>, vector<16xi32>,
        tpu.vector_store %arg9[%swap3A_849, %swap3A_850], %add3A_847 {strides = array<i32>} : memref<8x128xi32, #tpu.memory_space<vmem>>, vector<16xi32>,
        %get3A_852 = arith.constant 0 : i32
        %get3A_853 = arith.index_cast %get3A_852 : i32 to index
        %get3A_854 = arith.constant 16 : index
        %get3A_855 = tpu.vector_load %arg9[%get3A_853, %get3A_854] {strides = array<i32>} : memref<8x128xi32, #tpu.memory_space<vmem>>, vector<16xi32>,
        %add3A_856 = vector.broadcast %mul3A_2 : i32 to vector<16xi32>
        %add3A_857 = arith.addi %get3A_855, %add3A_856 : vector<16xi32>
        %swap3A_858 = arith.constant 0 : i32
        %swap3A_859 = arith.index_cast %swap3A_858 : i32 to index
        %swap3A_860 = arith.constant 16 : index
        %swap3A_861 = tpu.vector_load %arg9[%swap3A_859, %swap3A_860] {strides = array<i32>} : memref<8x128xi32, #tpu.memory_space<vmem>>, vector<16xi32>,
        tpu.vector_store %arg9[%swap3A_859, %swap3A_860], %add3A_857 {strides = array<i32>} : memref<8x128xi32, #tpu.memory_space<vmem>>, vector<16xi32>,
        %get3A_862 = arith.constant 0 : i32
        %get3A_863 = arith.index_cast %get3A_862 : i32 to index
        %get3A_864 = arith.constant 32 : index
        %get3A_865 = tpu.vector_load %arg9[%get3A_863, %get3A_864] {strides = array<i32>} : memref<8x128xi32, #tpu.memory_space<vmem>>, vector<16xi32>,
        %add3A_866 = vector.broadcast %mul3A_2 : i32 to vector<16xi32>
        %add3A_867 = arith.addi %get3A_865, %add3A_866 : vector<16xi32>
        %swap3A_868 = arith.constant 0 : i32
        %swap3A_869 = arith.index_cast %swap3A_868 : i32 to index
        %swap3A_870 = arith.constant 32 : index
        %swap3A_871 = tpu.vector_load %arg9[%swap3A_869, %swap3A_870] {strides = array<i32>} : memref<8x128xi32, #tpu.memory_space<vmem>>, vector<16xi32>,
        tpu.vector_store %arg9[%swap3A_869, %swap3A_870], %add3A_867 {strides = array<i32>} : memref<8x128xi32, #tpu.memory_space<vmem>>, vector<16xi32>,
        %get3A_872 = arith.constant 0 : i32
        %get3A_873 = arith.index_cast %get3A_872 : i32 to index
        %get3A_874 = arith.constant 48 : index
        %get3A_875 = tpu.vector_load %arg9[%get3A_873, %get3A_874] {strides = array<i32>} : memref<8x128xi32, #tpu.memory_space<vmem>>, vector<16xi32>,
        %add3A_876 = vector.broadcast %mul3A_2 : i32 to vector<16xi32>
        %add3A_877 = arith.addi %get3A_875, %add3A_876 : vector<16xi32>
        %swap3A_878 = arith.constant 0 : i32
        %swap3A_879 = arith.index_cast %swap3A_878 : i32 to index
        %swap3A_880 = arith.constant 48 : index
        %swap3A_881 = tpu.vector_load %arg9[%swap3A_879, %swap3A_880] {strides = array<i32>} : memref<8x128xi32, #tpu.memory_space<vmem>>, vector<16xi32>,
        tpu.vector_store %arg9[%swap3A_879, %swap3A_880], %add3A_877 {strides = array<i32>} : memref<8x128xi32, #tpu.memory_space<vmem>>, vector<16xi32>,
        %get3A_882 = arith.constant 0 : i32
        %get3A_883 = arith.index_cast %get3A_882 : i32 to index
        %get3A_884 = arith.constant 64 : index
        %get3A_885 = tpu.vector_load %arg9[%get3A_883, %get3A_884] {strides = array<i32>} : memref<8x128xi32, #tpu.memory_space<vmem>>, vector<16xi32>,
        %add3A_886 = vector.broadcast %mul3A_2 : i32 to vector<16xi32>
        %add3A_887 = arith.addi %get3A_885, %add3A_886 : vector<16xi32>
        %swap3A_888 = arith.constant 0 : i32
        %swap3A_889 = arith.index_cast %swap3A_888 : i32 to index
        %swap3A_890 = arith.constant 64 : index
        %swap3A_891 = tpu.vector_load %arg9[%swap3A_889, %swap3A_890] {strides = array<i32>} : memref<8x128xi32, #tpu.memory_space<vmem>>, vector<16xi32>,
        tpu.vector_store %arg9[%swap3A_889, %swap3A_890], %add3A_887 {strides = array<i32>} : memref<8x128xi32, #tpu.memory_space<vmem>>, vector<16xi32>,
        %get3A_892 = arith.constant 0 : i32
        %get3A_893 = arith.index_cast %get3A_892 : i32 to index
        %get3A_894 = arith.constant 80 : index
        %get3A_895 = tpu.vector_load %arg9[%get3A_893, %get3A_894] {strides = array<i32>} : memref<8x128xi32, #tpu.memory_space<vmem>>, vector<16xi32>,
        %add3A_896 = vector.broadcast %mul3A_2 : i32 to vector<16xi32>
        %add3A_897 = arith.addi %get3A_895, %add3A_896 : vector<16xi32>
        %swap3A_898 = arith.constant 0 : i32
        %swap3A_899 = arith.index_cast %swap3A_898 : i32 to index
        %swap3A_900 = arith.constant 80 : index
        %swap3A_901 = tpu.vector_load %arg9[%swap3A_899, %swap3A_900] {strides = array<i32>} : memref<8x128xi32, #tpu.memory_space<vmem>>, vector<16xi32>,
        tpu.vector_store %arg9[%swap3A_899, %swap3A_900], %add3A_897 {strides = array<i32>} : memref<8x128xi32, #tpu.memory_space<vmem>>, vector<16xi32>,
        %get3A_902 = arith.constant 0 : i32
        %get3A_903 = arith.index_cast %get3A_902 : i32 to index
        %get3A_904 = arith.constant 96 : index
        %get3A_905 = tpu.vector_load %arg9[%get3A_903, %get3A_904] {strides = array<i32>} : memref<8x128xi32, #tpu.memory_space<vmem>>, vector<16xi32>,
        %add3A_906 = vector.broadcast %mul3A_2 : i32 to vector<16xi32>
        %add3A_907 = arith.addi %get3A_905, %add3A_906 : vector<16xi32>
        %swap3A_908 = arith.constant 0 : i32
        %swap3A_909 = arith.index_cast %swap3A_908 : i32 to index
        %swap3A_910 = arith.constant 96 : index
        %swap3A_911 = tpu.vector_load %arg9[%swap3A_909, %swap3A_910] {strides = array<i32>} : memref<8x128xi32, #tpu.memory_space<vmem>>, vector<16xi32>,
        tpu.vector_store %arg9[%swap3A_909, %swap3A_910], %add3A_907 {strides = array<i32>} : memref<8x128xi32, #tpu.memory_space<vmem>>, vector<16xi32>,
        %get3A_912 = arith.constant 0 : i32
        %get3A_913 = arith.index_cast %get3A_912 : i32 to index
        %get3A_914 = arith.constant 112 : index
        %get3A_915 = tpu.vector_load %arg9[%get3A_913, %get3A_914] {strides = array<i32>} : memref<8x128xi32, #tpu.memory_space<vmem>>, vector<16xi32>,
        %add3A_916 = vector.broadcast %mul3A_2 : i32 to vector<16xi32>
        %add3A_917 = arith.addi %get3A_915, %add3A_916 : vector<16xi32>
        %swap3A_918 = arith.constant 0 : i32
        %swap3A_919 = arith.index_cast %swap3A_918 : i32 to index
        %swap3A_920 = arith.constant 112 : index
        %swap3A_921 = tpu.vector_load %arg9[%swap3A_919, %swap3A_920] {strides = array<i32>} : memref<8x128xi32, #tpu.memory_space<vmem>>, vector<16xi32>,
        tpu.vector_store %arg9[%swap3A_919, %swap3A_920], %add3A_917 {strides = array<i32>} : memref<8x128xi32, #tpu.memory_space<vmem>>, vector<16xi32>,
        %get3A_922 = arith.constant 1 : i32
        %get3A_923 = arith.index_cast %get3A_922 : i32 to index
        %get3A_924 = arith.constant 0 : index
        %get3A_925 = tpu.vector_load %arg9[%get3A_923, %get3A_924] {strides = array<i32>} : memref<8x128xi32, #tpu.memory_space<vmem>>, vector<16xi32>,
        %add3A_926 = vector.broadcast %mul3A_2 : i32 to vector<16xi32>
        %add3A_927 = arith.addi %get3A_925, %add3A_926 : vector<16xi32>
        %swap3A_928 = arith.constant 1 : i32
        %swap3A_929 = arith.index_cast %swap3A_928 : i32 to index
        %swap3A_930 = arith.constant 0 : index
        %swap3A_931 = tpu.vector_load %arg9[%swap3A_929, %swap3A_930] {strides = array<i32>} : memref<8x128xi32, #tpu.memory_space<vmem>>, vector<16xi32>,
        tpu.vector_store %arg9[%swap3A_929, %swap3A_930], %add3A_927 {strides = array<i32>} : memref<8x128xi32, #tpu.memory_space<vmem>>, vector<16xi32>,
        %get3A_932 = arith.constant 1 : i32
        %get3A_933 = arith.index_cast %get3A_932 : i32 to index
        %get3A_934 = arith.constant 16 : index
        %get3A_935 = tpu.vector_load %arg9[%get3A_933, %get3A_934] {strides = array<i32>} : memref<8x128xi32, #tpu.memory_space<vmem>>, vector<16xi32>,
        %add3A_936 = vector.broadcast %mul3A_2 : i32 to vector<16xi32>
        %add3A_937 = arith.addi %get3A_935, %add3A_936 : vector<16xi32>
        %swap3A_938 = arith.constant 1 : i32
        %swap3A_939 = arith.index_cast %swap3A_938 : i32 to index
        %swap3A_940 = arith.constant 16 : index
        %swap3A_941 = tpu.vector_load %arg9[%swap3A_939, %swap3A_940] {strides = array<i32>} : memref<8x128xi32, #tpu.memory_space<vmem>>, vector<16xi32>,
        tpu.vector_store %arg9[%swap3A_939, %swap3A_940], %add3A_937 {strides = array<i32>} : memref<8x128xi32, #tpu.memory_space<vmem>>, vector<16xi32>,
        %get3A_942 = arith.constant 1 : i32
        %get3A_943 = arith.index_cast %get3A_942 : i32 to index
        %get3A_944 = arith.constant 32 : index
        %get3A_945 = tpu.vector_load %arg9[%get3A_943, %get3A_944] {strides = array<i32>} : memref<8x128xi32, #tpu.memory_space<vmem>>, vector<16xi32>,
        %add3A_946 = vector.broadcast %mul3A_2 : i32 to vector<16xi32>
        %add3A_947 = arith.addi %get3A_945, %add3A_946 : vector<16xi32>
        %swap3A_948 = arith.constant 1 : i32
        %swap3A_949 = arith.index_cast %swap3A_948 : i32 to index
        %swap3A_950 = arith.constant 32 : index
        %swap3A_951 = tpu.vector_load %arg9[%swap3A_949, %swap3A_950] {strides = array<i32>} : memref<8x128xi32, #tpu.memory_space<vmem>>, vector<16xi32>,
        tpu.vector_store %arg9[%swap3A_949, %swap3A_950], %add3A_947 {strides = array<i32>} : memref<8x128xi32, #tpu.memory_space<vmem>>, vector<16xi32>,
        %get3A_952 = arith.constant 1 : i32
        %get3A_953 = arith.index_cast %get3A_952 : i32 to index
        %get3A_954 = arith.constant 48 : index
        %get3A_955 = tpu.vector_load %arg9[%get3A_953, %get3A_954] {strides = array<i32>} : memref<8x128xi32, #tpu.memory_space<vmem>>, vector<16xi32>,
        %add3A_956 = vector.broadcast %mul3A_2 : i32 to vector<16xi32>
        %add3A_957 = arith.addi %get3A_955, %add3A_956 : vector<16xi32>
        %swap3A_958 = arith.constant 1 : i32
        %swap3A_959 = arith.index_cast %swap3A_958 : i32 to index
        %swap3A_960 = arith.constant 48 : index
        %swap3A_961 = tpu.vector_load %arg9[%swap3A_959, %swap3A_960] {strides = array<i32>} : memref<8x128xi32, #tpu.memory_space<vmem>>, vector<16xi32>,
        tpu.vector_store %arg9[%swap3A_959, %swap3A_960], %add3A_957 {strides = array<i32>} : memref<8x128xi32, #tpu.memory_space<vmem>>, vector<16xi32>,
        %get3A_962 = arith.constant 1 : i32
        %get3A_963 = arith.index_cast %get3A_962 : i32 to index
        %get3A_964 = arith.constant 64 : index
        %get3A_965 = tpu.vector_load %arg9[%get3A_963, %get3A_964] {strides = array<i32>} : memref<8x128xi32, #tpu.memory_space<vmem>>, vector<16xi32>,
        %add3A_966 = vector.broadcast %mul3A_2 : i32 to vector<16xi32>
        %add3A_967 = arith.addi %get3A_965, %add3A_966 : vector<16xi32>
        %swap3A_968 = arith.constant 1 : i32
        %swap3A_969 = arith.index_cast %swap3A_968 : i32 to index
        %swap3A_970 = arith.constant 64 : index
        %swap3A_971 = tpu.vector_load %arg9[%swap3A_969, %swap3A_970] {strides = array<i32>} : memref<8x128xi32, #tpu.memory_space<vmem>>, vector<16xi32>,
        tpu.vector_store %arg9[%swap3A_969, %swap3A_970], %add3A_967 {strides = array<i32>} : memref<8x128xi32, #tpu.memory_space<vmem>>, vector<16xi32>,
        %get3A_972 = arith.constant 1 : i32
        %get3A_973 = arith.index_cast %get3A_972 : i32 to index
        %get3A_974 = arith.constant 80 : index
        %get3A_975 = tpu.vector_load %arg9[%get3A_973, %get3A_974] {strides = array<i32>} : memref<8x128xi32, #tpu.memory_space<vmem>>, vector<16xi32>,
        %add3A_976 = vector.broadcast %mul3A_2 : i32 to vector<16xi32>
        %add3A_977 = arith.addi %get3A_975, %add3A_976 : vector<16xi32>
        %swap3A_978 = arith.constant 1 : i32
        %swap3A_979 = arith.index_cast %swap3A_978 : i32 to index
        %swap3A_980 = arith.constant 80 : index
        %swap3A_981 = tpu.vector_load %arg9[%swap3A_979, %swap3A_980] {strides = array<i32>} : memref<8x128xi32, #tpu.memory_space<vmem>>, vector<16xi32>,
        tpu.vector_store %arg9[%swap3A_979, %swap3A_980], %add3A_977 {strides = array<i32>} : memref<8x128xi32, #tpu.memory_space<vmem>>, vector<16xi32>,
        %get3A_982 = arith.constant 1 : i32
        %get3A_983 = arith.index_cast %get3A_982 : i32 to index
        %get3A_984 = arith.constant 96 : index
        %get3A_985 = tpu.vector_load %arg9[%get3A_983, %get3A_984] {strides = array<i32>} : memref<8x128xi32, #tpu.memory_space<vmem>>, vector<16xi32>,
        %add3A_986 = vector.broadcast %mul3A_2 : i32 to vector<16xi32>
        %add3A_987 = arith.addi %get3A_985, %add3A_986 : vector<16xi32>
        %swap3A_988 = arith.constant 1 : i32
        %swap3A_989 = arith.index_cast %swap3A_988 : i32 to index
        %swap3A_990 = arith.constant 96 : index
        %swap3A_991 = tpu.vector_load %arg9[%swap3A_989, %swap3A_990] {strides = array<i32>} : memref<8x128xi32, #tpu.memory_space<vmem>>, vector<16xi32>,
        tpu.vector_store %arg9[%swap3A_989, %swap3A_990], %add3A_987 {strides = array<i32>} : memref<8x128xi32, #tpu.memory_space<vmem>>, vector<16xi32>,
        %get3A_992 = arith.constant 1 : i32
        %get3A_993 = arith.index_cast %get3A_992 : i32 to index
        %get3A_994 = arith.constant 112 : index
        %get3A_995 = tpu.vector_load %arg9[%get3A_993, %get3A_994] {strides = array<i32>} : memref<8x128xi32, #tpu.memory_space<vmem>>, vector<16xi32>,
        %add3A_996 = vector.broadcast %mul3A_2 : i32 to vector<16xi32>
        %add3A_997 = arith.addi %get3A_995, %add3A_996 : vector<16xi32>
        %swap3A_998 = arith.constant 1 : i32
        %swap3A_999 = arith.index_cast %swap3A_998 : i32 to index
        %swap3A_1000 = arith.constant 112 : index
        %swap3A_1001 = tpu.vector_load %arg9[%swap3A_999, %swap3A_1000] {strides = array<i32>} : memref<8x128xi32, #tpu.memory_space<vmem>>, vector<16xi32>,
        tpu.vector_store %arg9[%swap3A_999, %swap3A_1000], %add3A_997 {strides = array<i32>} : memref<8x128xi32, #tpu.memory_space<vmem>>, vector<16xi32>,
        %get3A_1002 = arith.constant 2 : i32
        %get3A_1003 = arith.index_cast %get3A_1002 : i32 to index
        %get3A_1004 = arith.constant 0 : index
        %get3A_1005 = tpu.vector_load %arg9[%get3A_1003, %get3A_1004] {strides = array<i32>} : memref<8x128xi32, #tpu.memory_space<vmem>>, vector<16xi32>,
        %add3A_1006 = vector.broadcast %mul3A_2 : i32 to vector<16xi32>
        %add3A_1007 = arith.addi %get3A_1005, %add3A_1006 : vector<16xi32>
        %swap3A_1008 = arith.constant 2 : i32
        %swap3A_1009 = arith.index_cast %swap3A_1008 : i32 to index
        %swap3A_1010 = arith.constant 0 : index
        %swap3A_1011 = tpu.vector_load %arg9[%swap3A_1009, %swap3A_1010] {strides = array<i32>} : memref<8x128xi32, #tpu.memory_space<vmem>>, vector<16xi32>,
        tpu.vector_store %arg9[%swap3A_1009, %swap3A_1010], %add3A_1007 {strides = array<i32>} : memref<8x128xi32, #tpu.memory_space<vmem>>, vector<16xi32>,
        %get3A_1012 = arith.constant 2 : i32
        %get3A_1013 = arith.index_cast %get3A_1012 : i32 to index
        %get3A_1014 = arith.constant 16 : index
        %get3A_1015 = tpu.vector_load %arg9[%get3A_1013, %get3A_1014] {strides = array<i32>} : memref<8x128xi32, #tpu.memory_space<vmem>>, vector<16xi32>,
        %add3A_1016 = vector.broadcast %mul3A_2 : i32 to vector<16xi32>
        %add3A_1017 = arith.addi %get3A_1015, %add3A_1016 : vector<16xi32>
        %swap3A_1018 = arith.constant 2 : i32
        %swap3A_1019 = arith.index_cast %swap3A_1018 : i32 to index
        %swap3A_1020 = arith.constant 16 : index
        %swap3A_1021 = tpu.vector_load %arg9[%swap3A_1019, %swap3A_1020] {strides = array<i32>} : memref<8x128xi32, #tpu.memory_space<vmem>>, vector<16xi32>,
        tpu.vector_store %arg9[%swap3A_1019, %swap3A_1020], %add3A_1017 {strides = array<i32>} : memref<8x128xi32, #tpu.memory_space<vmem>>, vector<16xi32>,
        %get3A_1022 = arith.constant 2 : i32
        %get3A_1023 = arith.index_cast %get3A_1022 : i32 to index
        %get3A_1024 = arith.constant 32 : index
        %get3A_1025 = tpu.vector_load %arg9[%get3A_1023, %get3A_1024] {strides = array<i32>} : memref<8x128xi32, #tpu.memory_space<vmem>>, vector<16xi32>,
        %add3A_1026 = vector.broadcast %mul3A_2 : i32 to vector<16xi32>
        %add3A_1027 = arith.addi %get3A_1025, %add3A_1026 : vector<16xi32>
        %swap3A_1028 = arith.constant 2 : i32
        %swap3A_1029 = arith.index_cast %swap3A_1028 : i32 to index
        %swap3A_1030 = arith.constant 32 : index
        %swap3A_1031 = tpu.vector_load %arg9[%swap3A_1029, %swap3A_1030] {strides = array<i32>} : memref<8x128xi32, #tpu.memory_space<vmem>>, vector<16xi32>,
        tpu.vector_store %arg9[%swap3A_1029, %swap3A_1030], %add3A_1027 {strides = array<i32>} : memref<8x128xi32, #tpu.memory_space<vmem>>, vector<16xi32>,
        %get3A_1032 = arith.constant 2 : i32
        %get3A_1033 = arith.index_cast %get3A_1032 : i32 to index
        %get3A_1034 = arith.constant 48 : index
        %get3A_1035 = tpu.vector_load %arg9[%get3A_1033, %get3A_1034] {strides = array<i32>} : memref<8x128xi32, #tpu.memory_space<vmem>>, vector<16xi32>,
        %add3A_1036 = vector.broadcast %mul3A_2 : i32 to vector<16xi32>
        %add3A_1037 = arith.addi %get3A_1035, %add3A_1036 : vector<16xi32>
        %swap3A_1038 = arith.constant 2 : i32
        %swap3A_1039 = arith.index_cast %swap3A_1038 : i32 to index
        %swap3A_1040 = arith.constant 48 : index
        %swap3A_1041 = tpu.vector_load %arg9[%swap3A_1039, %swap3A_1040] {strides = array<i32>} : memref<8x128xi32, #tpu.memory_space<vmem>>, vector<16xi32>,
        tpu.vector_store %arg9[%swap3A_1039, %swap3A_1040], %add3A_1037 {strides = array<i32>} : memref<8x128xi32, #tpu.memory_space<vmem>>, vector<16xi32>,
        %get3A_1042 = arith.constant 2 : i32
        %get3A_1043 = arith.index_cast %get3A_1042 : i32 to index
        %get3A_1044 = arith.constant 64 : index
        %get3A_1045 = tpu.vector_load %arg9[%get3A_1043, %get3A_1044] {strides = array<i32>} : memref<8x128xi32, #tpu.memory_space<vmem>>, vector<16xi32>,
        %add3A_1046 = vector.broadcast %mul3A_2 : i32 to vector<16xi32>
        %add3A_1047 = arith.addi %get3A_1045, %add3A_1046 : vector<16xi32>
        %swap3A_1048 = arith.constant 2 : i32
        %swap3A_1049 = arith.index_cast %swap3A_1048 : i32 to index
        %swap3A_1050 = arith.constant 64 : index
        %swap3A_1051 = tpu.vector_load %arg9[%swap3A_1049, %swap3A_1050] {strides = array<i32>} : memref<8x128xi32, #tpu.memory_space<vmem>>, vector<16xi32>,
        tpu.vector_store %arg9[%swap3A_1049, %swap3A_1050], %add3A_1047 {strides = array<i32>} : memref<8x128xi32, #tpu.memory_space<vmem>>, vector<16xi32>,
        %get3A_1052 = arith.constant 2 : i32
        %get3A_1053 = arith.index_cast %get3A_1052 : i32 to index
        %get3A_1054 = arith.constant 80 : index
        %get3A_1055 = tpu.vector_load %arg9[%get3A_1053, %get3A_1054] {strides = array<i32>} : memref<8x128xi32, #tpu.memory_space<vmem>>, vector<16xi32>,
        %add3A_1056 = vector.broadcast %mul3A_2 : i32 to vector<16xi32>
        %add3A_1057 = arith.addi %get3A_1055, %add3A_1056 : vector<16xi32>
        %swap3A_1058 = arith.constant 2 : i32
        %swap3A_1059 = arith.index_cast %swap3A_1058 : i32 to index
        %swap3A_1060 = arith.constant 80 : index
        %swap3A_1061 = tpu.vector_load %arg9[%swap3A_1059, %swap3A_1060] {strides = array<i32>} : memref<8x128xi32, #tpu.memory_space<vmem>>, vector<16xi32>,
        tpu.vector_store %arg9[%swap3A_1059, %swap3A_1060], %add3A_1057 {strides = array<i32>} : memref<8x128xi32, #tpu.memory_space<vmem>>, vector<16xi32>,
        %get3A_1062 = arith.constant 2 : i32
        %get3A_1063 = arith.index_cast %get3A_1062 : i32 to index
        %get3A_1064 = arith.constant 96 : index
        %get3A_1065 = tpu.vector_load %arg9[%get3A_1063, %get3A_1064] {strides = array<i32>} : memref<8x128xi32, #tpu.memory_space<vmem>>, vector<16xi32>,
        %add3A_1066 = vector.broadcast %mul3A_2 : i32 to vector<16xi32>
        %add3A_1067 = arith.addi %get3A_1065, %add3A_1066 : vector<16xi32>
        %swap3A_1068 = arith.constant 2 : i32
        %swap3A_1069 = arith.index_cast %swap3A_1068 : i32 to index
        %swap3A_1070 = arith.constant 96 : index
        %swap3A_1071 = tpu.vector_load %arg9[%swap3A_1069, %swap3A_1070] {strides = array<i32>} : memref<8x128xi32, #tpu.memory_space<vmem>>, vector<16xi32>,
        tpu.vector_store %arg9[%swap3A_1069, %swap3A_1070], %add3A_1067 {strides = array<i32>} : memref<8x128xi32, #tpu.memory_space<vmem>>, vector<16xi32>,
        %get3A_1072 = arith.constant 2 : i32
        %get3A_1073 = arith.index_cast %get3A_1072 : i32 to index
        %get3A_1074 = arith.constant 112 : index
        %get3A_1075 = tpu.vector_load %arg9[%get3A_1073, %get3A_1074] {strides = array<i32>} : memref<8x128xi32, #tpu.memory_space<vmem>>, vector<16xi32>,
        %add3A_1076 = vector.broadcast %mul3A_2 : i32 to vector<16xi32>
        %add3A_1077 = arith.addi %get3A_1075, %add3A_1076 : vector<16xi32>
        %swap3A_1078 = arith.constant 2 : i32
        %swap3A_1079 = arith.index_cast %swap3A_1078 : i32 to index
        %swap3A_1080 = arith.constant 112 : index
        %swap3A_1081 = tpu.vector_load %arg9[%swap3A_1079, %swap3A_1080] {strides = array<i32>} : memref<8x128xi32, #tpu.memory_space<vmem>>, vector<16xi32>,
        tpu.vector_store %arg9[%swap3A_1079, %swap3A_1080], %add3A_1077 {strides = array<i32>} : memref<8x128xi32, #tpu.memory_space<vmem>>, vector<16xi32>,
        %get3A_1082 = arith.constant 3 : i32
        %get3A_1083 = arith.index_cast %get3A_1082 : i32 to index
        %get3A_1084 = arith.constant 0 : index
        %get3A_1085 = tpu.vector_load %arg9[%get3A_1083, %get3A_1084] {strides = array<i32>} : memref<8x128xi32, #tpu.memory_space<vmem>>, vector<16xi32>,
        %add3A_1086 = vector.broadcast %mul3A_2 : i32 to vector<16xi32>
        %add3A_1087 = arith.addi %get3A_1085, %add3A_1086 : vector<16xi32>
        %swap3A_1088 = arith.constant 3 : i32
        %swap3A_1089 = arith.index_cast %swap3A_1088 : i32 to index
        %swap3A_1090 = arith.constant 0 : index
        %swap3A_1091 = tpu.vector_load %arg9[%swap3A_1089, %swap3A_1090] {strides = array<i32>} : memref<8x128xi32, #tpu.memory_space<vmem>>, vector<16xi32>,
        tpu.vector_store %arg9[%swap3A_1089, %swap3A_1090], %add3A_1087 {strides = array<i32>} : memref<8x128xi32, #tpu.memory_space<vmem>>, vector<16xi32>,
        %get3A_1092 = arith.constant 3 : i32
        %get3A_1093 = arith.index_cast %get3A_1092 : i32 to index
        %get3A_1094 = arith.constant 16 : index
        %get3A_1095 = tpu.vector_load %arg9[%get3A_1093, %get3A_1094] {strides = array<i32>} : memref<8x128xi32, #tpu.memory_space<vmem>>, vector<16xi32>,
        %add3A_1096 = vector.broadcast %mul3A_2 : i32 to vector<16xi32>
        %add3A_1097 = arith.addi %get3A_1095, %add3A_1096 : vector<16xi32>
        %swap3A_1098 = arith.constant 3 : i32
        %swap3A_1099 = arith.index_cast %swap3A_1098 : i32 to index
        %swap3A_1100 = arith.constant 16 : index
        %swap3A_1101 = tpu.vector_load %arg9[%swap3A_1099, %swap3A_1100] {strides = array<i32>} : memref<8x128xi32, #tpu.memory_space<vmem>>, vector<16xi32>,
        tpu.vector_store %arg9[%swap3A_1099, %swap3A_1100], %add3A_1097 {strides = array<i32>} : memref<8x128xi32, #tpu.memory_space<vmem>>, vector<16xi32>,
        %get3A_1102 = arith.constant 3 : i32
        %get3A_1103 = arith.index_cast %get3A_1102 : i32 to index
        %get3A_1104 = arith.constant 32 : index
        %get3A_1105 = tpu.vector_load %arg9[%get3A_1103, %get3A_1104] {strides = array<i32>} : memref<8x128xi32, #tpu.memory_space<vmem>>, vector<16xi32>,
        %add3A_1106 = vector.broadcast %mul3A_2 : i32 to vector<16xi32>
        %add3A_1107 = arith.addi %get3A_1105, %add3A_1106 : vector<16xi32>
        %swap3A_1108 = arith.constant 3 : i32
        %swap3A_1109 = arith.index_cast %swap3A_1108 : i32 to index
        %swap3A_1110 = arith.constant 32 : index
        %swap3A_1111 = tpu.vector_load %arg9[%swap3A_1109, %swap3A_1110] {strides = array<i32>} : memref<8x128xi32, #tpu.memory_space<vmem>>, vector<16xi32>,
        tpu.vector_store %arg9[%swap3A_1109, %swap3A_1110], %add3A_1107 {strides = array<i32>} : memref<8x128xi32, #tpu.memory_space<vmem>>, vector<16xi32>,
        %get3A_1112 = arith.constant 3 : i32
        %get3A_1113 = arith.index_cast %get3A_1112 : i32 to index
        %get3A_1114 = arith.constant 48 : index
        %get3A_1115 = tpu.vector_load %arg9[%get3A_1113, %get3A_1114] {strides = array<i32>} : memref<8x128xi32, #tpu.memory_space<vmem>>, vector<16xi32>,
        %add3A_1116 = vector.broadcast %mul3A_2 : i32 to vector<16xi32>
        %add3A_1117 = arith.addi %get3A_1115, %add3A_1116 : vector<16xi32>
        %swap3A_1118 = arith.constant 3 : i32
        %swap3A_1119 = arith.index_cast %swap3A_1118 : i32 to index
        %swap3A_1120 = arith.constant 48 : index
        %swap3A_1121 = tpu.vector_load %arg9[%swap3A_1119, %swap3A_1120] {strides = array<i32>} : memref<8x128xi32, #tpu.memory_space<vmem>>, vector<16xi32>,
        tpu.vector_store %arg9[%swap3A_1119, %swap3A_1120], %add3A_1117 {strides = array<i32>} : memref<8x128xi32, #tpu.memory_space<vmem>>, vector<16xi32>,
        %get3A_1122 = arith.constant 3 : i32
        %get3A_1123 = arith.index_cast %get3A_1122 : i32 to index
        %get3A_1124 = arith.constant 64 : index
        %get3A_1125 = tpu.vector_load %arg9[%get3A_1123, %get3A_1124] {strides = array<i32>} : memref<8x128xi32, #tpu.memory_space<vmem>>, vector<16xi32>,
        %add3A_1126 = vector.broadcast %mul3A_2 : i32 to vector<16xi32>
        %add3A_1127 = arith.addi %get3A_1125, %add3A_1126 : vector<16xi32>
        %swap3A_1128 = arith.constant 3 : i32
        %swap3A_1129 = arith.index_cast %swap3A_1128 : i32 to index
        %swap3A_1130 = arith.constant 64 : index
        %swap3A_1131 = tpu.vector_load %arg9[%swap3A_1129, %swap3A_1130] {strides = array<i32>} : memref<8x128xi32, #tpu.memory_space<vmem>>, vector<16xi32>,
        tpu.vector_store %arg9[%swap3A_1129, %swap3A_1130], %add3A_1127 {strides = array<i32>} : memref<8x128xi32, #tpu.memory_space<vmem>>, vector<16xi32>,
        %get3A_1132 = arith.constant 3 : i32
        %get3A_1133 = arith.index_cast %get3A_1132 : i32 to index
        %get3A_1134 = arith.constant 80 : index
        %get3A_1135 = tpu.vector_load %arg9[%get3A_1133, %get3A_1134] {strides = array<i32>} : memref<8x128xi32, #tpu.memory_space<vmem>>, vector<16xi32>,
        %add3A_1136 = vector.broadcast %mul3A_2 : i32 to vector<16xi32>
        %add3A_1137 = arith.addi %get3A_1135, %add3A_1136 : vector<16xi32>
        %swap3A_1138 = arith.constant 3 : i32
        %swap3A_1139 = arith.index_cast %swap3A_1138 : i32 to index
        %swap3A_1140 = arith.constant 80 : index
        %swap3A_1141 = tpu.vector_load %arg9[%swap3A_1139, %swap3A_1140] {strides = array<i32>} : memref<8x128xi32, #tpu.memory_space<vmem>>, vector<16xi32>,
        tpu.vector_store %arg9[%swap3A_1139, %swap3A_1140], %add3A_1137 {strides = array<i32>} : memref<8x128xi32, #tpu.memory_space<vmem>>, vector<16xi32>,
        %get3A_1142 = arith.constant 3 : i32
        %get3A_1143 = arith.index_cast %get3A_1142 : i32 to index
        %get3A_1144 = arith.constant 96 : index
        %get3A_1145 = tpu.vector_load %arg9[%get3A_1143, %get3A_1144] {strides = array<i32>} : memref<8x128xi32, #tpu.memory_space<vmem>>, vector<16xi32>,
        %add3A_1146 = vector.broadcast %mul3A_2 : i32 to vector<16xi32>
        %add3A_1147 = arith.addi %get3A_1145, %add3A_1146 : vector<16xi32>
        %swap3A_1148 = arith.constant 3 : i32
        %swap3A_1149 = arith.index_cast %swap3A_1148 : i32 to index
        %swap3A_1150 = arith.constant 96 : index
        %swap3A_1151 = tpu.vector_load %arg9[%swap3A_1149, %swap3A_1150] {strides = array<i32>} : memref<8x128xi32, #tpu.memory_space<vmem>>, vector<16xi32>,
        tpu.vector_store %arg9[%swap3A_1149, %swap3A_1150], %add3A_1147 {strides = array<i32>} : memref<8x128xi32, #tpu.memory_space<vmem>>, vector<16xi32>,
        %get3A_1152 = arith.constant 3 : i32
        %get3A_1153 = arith.index_cast %get3A_1152 : i32 to index
        %get3A_1154 = arith.constant 112 : index
        %get3A_1155 = tpu.vector_load %arg9[%get3A_1153, %get3A_1154] {strides = array<i32>} : memref<8x128xi32, #tpu.memory_space<vmem>>, vector<16xi32>,
        %add3A_1156 = vector.broadcast %mul3A_2 : i32 to vector<16xi32>
        %add3A_1157 = arith.addi %get3A_1155, %add3A_1156 : vector<16xi32>
        %swap3A_1158 = arith.constant 3 : i32
        %swap3A_1159 = arith.index_cast %swap3A_1158 : i32 to index
        %swap3A_1160 = arith.constant 112 : index
        %swap3A_1161 = tpu.vector_load %arg9[%swap3A_1159, %swap3A_1160] {strides = array<i32>} : memref<8x128xi32, #tpu.memory_space<vmem>>, vector<16xi32>,
        tpu.vector_store %arg9[%swap3A_1159, %swap3A_1160], %add3A_1157 {strides = array<i32>} : memref<8x128xi32, #tpu.memory_space<vmem>>, vector<16xi32>,
        %get3A_1162 = arith.constant 4 : i32
        %get3A_1163 = arith.index_cast %get3A_1162 : i32 to index
        %get3A_1164 = arith.constant 0 : index
        %get3A_1165 = tpu.vector_load %arg9[%get3A_1163, %get3A_1164] {strides = array<i32>} : memref<8x128xi32, #tpu.memory_space<vmem>>, vector<16xi32>,
        %add3A_1166 = vector.broadcast %mul3A_2 : i32 to vector<16xi32>
        %add3A_1167 = arith.addi %get3A_1165, %add3A_1166 : vector<16xi32>
        %swap3A_1168 = arith.constant 4 : i32
        %swap3A_1169 = arith.index_cast %swap3A_1168 : i32 to index
        %swap3A_1170 = arith.constant 0 : index
        %swap3A_1171 = tpu.vector_load %arg9[%swap3A_1169, %swap3A_1170] {strides = array<i32>} : memref<8x128xi32, #tpu.memory_space<vmem>>, vector<16xi32>,
        tpu.vector_store %arg9[%swap3A_1169, %swap3A_1170], %add3A_1167 {strides = array<i32>} : memref<8x128xi32, #tpu.memory_space<vmem>>, vector<16xi32>,
        %get3A_1172 = arith.constant 4 : i32
        %get3A_1173 = arith.index_cast %get3A_1172 : i32 to index
        %get3A_1174 = arith.constant 16 : index
        %get3A_1175 = tpu.vector_load %arg9[%get3A_1173, %get3A_1174] {strides = array<i32>} : memref<8x128xi32, #tpu.memory_space<vmem>>, vector<16xi32>,
        %add3A_1176 = vector.broadcast %mul3A_2 : i32 to vector<16xi32>
        %add3A_1177 = arith.addi %get3A_1175, %add3A_1176 : vector<16xi32>
        %swap3A_1178 = arith.constant 4 : i32
        %swap3A_1179 = arith.index_cast %swap3A_1178 : i32 to index
        %swap3A_1180 = arith.constant 16 : index
        %swap3A_1181 = tpu.vector_load %arg9[%swap3A_1179, %swap3A_1180] {strides = array<i32>} : memref<8x128xi32, #tpu.memory_space<vmem>>, vector<16xi32>,
        tpu.vector_store %arg9[%swap3A_1179, %swap3A_1180], %add3A_1177 {strides = array<i32>} : memref<8x128xi32, #tpu.memory_space<vmem>>, vector<16xi32>,
        %get3A_1182 = arith.constant 4 : i32
        %get3A_1183 = arith.index_cast %get3A_1182 : i32 to index
        %get3A_1184 = arith.constant 32 : index
        %get3A_1185 = tpu.vector_load %arg9[%get3A_1183, %get3A_1184] {strides = array<i32>} : memref<8x128xi32, #tpu.memory_space<vmem>>, vector<16xi32>,
        %add3A_1186 = vector.broadcast %mul3A_2 : i32 to vector<16xi32>
        %add3A_1187 = arith.addi %get3A_1185, %add3A_1186 : vector<16xi32>
        %swap3A_1188 = arith.constant 4 : i32
        %swap3A_1189 = arith.index_cast %swap3A_1188 : i32 to index
        %swap3A_1190 = arith.constant 32 : index
        %swap3A_1191 = tpu.vector_load %arg9[%swap3A_1189, %swap3A_1190] {strides = array<i32>} : memref<8x128xi32, #tpu.memory_space<vmem>>, vector<16xi32>,
        tpu.vector_store %arg9[%swap3A_1189, %swap3A_1190], %add3A_1187 {strides = array<i32>} : memref<8x128xi32, #tpu.memory_space<vmem>>, vector<16xi32>,
        %get3A_1192 = arith.constant 4 : i32
        %get3A_1193 = arith.index_cast %get3A_1192 : i32 to index
        %get3A_1194 = arith.constant 48 : index
        %get3A_1195 = tpu.vector_load %arg9[%get3A_1193, %get3A_1194] {strides = array<i32>} : memref<8x128xi32, #tpu.memory_space<vmem>>, vector<16xi32>,
        %add3A_1196 = vector.broadcast %mul3A_2 : i32 to vector<16xi32>
        %add3A_1197 = arith.addi %get3A_1195, %add3A_1196 : vector<16xi32>
        %swap3A_1198 = arith.constant 4 : i32
        %swap3A_1199 = arith.index_cast %swap3A_1198 : i32 to index
        %swap3A_1200 = arith.constant 48 : index
        %swap3A_1201 = tpu.vector_load %arg9[%swap3A_1199, %swap3A_1200] {strides = array<i32>} : memref<8x128xi32, #tpu.memory_space<vmem>>, vector<16xi32>,
        tpu.vector_store %arg9[%swap3A_1199, %swap3A_1200], %add3A_1197 {strides = array<i32>} : memref<8x128xi32, #tpu.memory_space<vmem>>, vector<16xi32>,
        %get3A_1202 = arith.constant 4 : i32
        %get3A_1203 = arith.index_cast %get3A_1202 : i32 to index
        %get3A_1204 = arith.constant 64 : index
        %get3A_1205 = tpu.vector_load %arg9[%get3A_1203, %get3A_1204] {strides = array<i32>} : memref<8x128xi32, #tpu.memory_space<vmem>>, vector<16xi32>,
        %add3A_1206 = vector.broadcast %mul3A_2 : i32 to vector<16xi32>
        %add3A_1207 = arith.addi %get3A_1205, %add3A_1206 : vector<16xi32>
        %swap3A_1208 = arith.constant 4 : i32
        %swap3A_1209 = arith.index_cast %swap3A_1208 : i32 to index
        %swap3A_1210 = arith.constant 64 : index
        %swap3A_1211 = tpu.vector_load %arg9[%swap3A_1209, %swap3A_1210] {strides = array<i32>} : memref<8x128xi32, #tpu.memory_space<vmem>>, vector<16xi32>,
        tpu.vector_store %arg9[%swap3A_1209, %swap3A_1210], %add3A_1207 {strides = array<i32>} : memref<8x128xi32, #tpu.memory_space<vmem>>, vector<16xi32>,
        %get3A_1212 = arith.constant 4 : i32
        %get3A_1213 = arith.index_cast %get3A_1212 : i32 to index
        %get3A_1214 = arith.constant 80 : index
        %get3A_1215 = tpu.vector_load %arg9[%get3A_1213, %get3A_1214] {strides = array<i32>} : memref<8x128xi32, #tpu.memory_space<vmem>>, vector<16xi32>,
        %add3A_1216 = vector.broadcast %mul3A_2 : i32 to vector<16xi32>
        %add3A_1217 = arith.addi %get3A_1215, %add3A_1216 : vector<16xi32>
        %swap3A_1218 = arith.constant 4 : i32
        %swap3A_1219 = arith.index_cast %swap3A_1218 : i32 to index
        %swap3A_1220 = arith.constant 80 : index
        %swap3A_1221 = tpu.vector_load %arg9[%swap3A_1219, %swap3A_1220] {strides = array<i32>} : memref<8x128xi32, #tpu.memory_space<vmem>>, vector<16xi32>,
        tpu.vector_store %arg9[%swap3A_1219, %swap3A_1220], %add3A_1217 {strides = array<i32>} : memref<8x128xi32, #tpu.memory_space<vmem>>, vector<16xi32>,
        %get3A_1222 = arith.constant 4 : i32
        %get3A_1223 = arith.index_cast %get3A_1222 : i32 to index
        %get3A_1224 = arith.constant 96 : index
        %get3A_1225 = tpu.vector_load %arg9[%get3A_1223, %get3A_1224] {strides = array<i32>} : memref<8x128xi32, #tpu.memory_space<vmem>>, vector<16xi32>,
        %add3A_1226 = vector.broadcast %mul3A_2 : i32 to vector<16xi32>
        %add3A_1227 = arith.addi %get3A_1225, %add3A_1226 : vector<16xi32>
        %swap3A_1228 = arith.constant 4 : i32
        %swap3A_1229 = arith.index_cast %swap3A_1228 : i32 to index
        %swap3A_1230 = arith.constant 96 : index
        %swap3A_1231 = tpu.vector_load %arg9[%swap3A_1229, %swap3A_1230] {strides = array<i32>} : memref<8x128xi32, #tpu.memory_space<vmem>>, vector<16xi32>,
        tpu.vector_store %arg9[%swap3A_1229, %swap3A_1230], %add3A_1227 {strides = array<i32>} : memref<8x128xi32, #tpu.memory_space<vmem>>, vector<16xi32>,
        %get3A_1232 = arith.constant 4 : i32
        %get3A_1233 = arith.index_cast %get3A_1232 : i32 to index
        %get3A_1234 = arith.constant 112 : index
        %get3A_1235 = tpu.vector_load %arg9[%get3A_1233, %get3A_1234] {strides = array<i32>} : memref<8x128xi32, #tpu.memory_space<vmem>>, vector<16xi32>,
        %add3A_1236 = vector.broadcast %mul3A_2 : i32 to vector<16xi32>
        %add3A_1237 = arith.addi %get3A_1235, %add3A_1236 : vector<16xi32>
        %swap3A_1238 = arith.constant 4 : i32
        %swap3A_1239 = arith.index_cast %swap3A_1238 : i32 to index
        %swap3A_1240 = arith.constant 112 : index
        %swap3A_1241 = tpu.vector_load %arg9[%swap3A_1239, %swap3A_1240] {strides = array<i32>} : memref<8x128xi32, #tpu.memory_space<vmem>>, vector<16xi32>,
        tpu.vector_store %arg9[%swap3A_1239, %swap3A_1240], %add3A_1237 {strides = array<i32>} : memref<8x128xi32, #tpu.memory_space<vmem>>, vector<16xi32>,
        %get3A_1242 = arith.constant 5 : i32
        %get3A_1243 = arith.index_cast %get3A_1242 : i32 to index
        %get3A_1244 = arith.constant 0 : index
        %get3A_1245 = tpu.vector_load %arg9[%get3A_1243, %get3A_1244] {strides = array<i32>} : memref<8x128xi32, #tpu.memory_space<vmem>>, vector<16xi32>,
        %add3A_1246 = vector.broadcast %mul3A_2 : i32 to vector<16xi32>
        %add3A_1247 = arith.addi %get3A_1245, %add3A_1246 : vector<16xi32>
        %swap3A_1248 = arith.constant 5 : i32
        %swap3A_1249 = arith.index_cast %swap3A_1248 : i32 to index
        %swap3A_1250 = arith.constant 0 : index
        %swap3A_1251 = tpu.vector_load %arg9[%swap3A_1249, %swap3A_1250] {strides = array<i32>} : memref<8x128xi32, #tpu.memory_space<vmem>>, vector<16xi32>,
        tpu.vector_store %arg9[%swap3A_1249, %swap3A_1250], %add3A_1247 {strides = array<i32>} : memref<8x128xi32, #tpu.memory_space<vmem>>, vector<16xi32>,
        %get3A_1252 = arith.constant 5 : i32
        %get3A_1253 = arith.index_cast %get3A_1252 : i32 to index
        %get3A_1254 = arith.constant 16 : index
        %get3A_1255 = tpu.vector_load %arg9[%get3A_1253, %get3A_1254] {strides = array<i32>} : memref<8x128xi32, #tpu.memory_space<vmem>>, vector<16xi32>,
        %add3A_1256 = vector.broadcast %mul3A_2 : i32 to vector<16xi32>
        %add3A_1257 = arith.addi %get3A_1255, %add3A_1256 : vector<16xi32>
        %swap3A_1258 = arith.constant 5 : i32
        %swap3A_1259 = arith.index_cast %swap3A_1258 : i32 to index
        %swap3A_1260 = arith.constant 16 : index
        %swap3A_1261 = tpu.vector_load %arg9[%swap3A_1259, %swap3A_1260] {strides = array<i32>} : memref<8x128xi32, #tpu.memory_space<vmem>>, vector<16xi32>,
        tpu.vector_store %arg9[%swap3A_1259, %swap3A_1260], %add3A_1257 {strides = array<i32>} : memref<8x128xi32, #tpu.memory_space<vmem>>, vector<16xi32>,
        %get3A_1262 = arith.constant 5 : i32
        %get3A_1263 = arith.index_cast %get3A_1262 : i32 to index
        %get3A_1264 = arith.constant 32 : index
        %get3A_1265 = tpu.vector_load %arg9[%get3A_1263, %get3A_1264] {strides = array<i32>} : memref<8x128xi32, #tpu.memory_space<vmem>>, vector<16xi32>,
        %add3A_1266 = vector.broadcast %mul3A_2 : i32 to vector<16xi32>
        %add3A_1267 = arith.addi %get3A_1265, %add3A_1266 : vector<16xi32>
        %swap3A_1268 = arith.constant 5 : i32
        %swap3A_1269 = arith.index_cast %swap3A_1268 : i32 to index
        %swap3A_1270 = arith.constant 32 : index
        %swap3A_1271 = tpu.vector_load %arg9[%swap3A_1269, %swap3A_1270] {strides = array<i32>} : memref<8x128xi32, #tpu.memory_space<vmem>>, vector<16xi32>,
        tpu.vector_store %arg9[%swap3A_1269, %swap3A_1270], %add3A_1267 {strides = array<i32>} : memref<8x128xi32, #tpu.memory_space<vmem>>, vector<16xi32>,
        %get3A_1272 = arith.constant 5 : i32
        %get3A_1273 = arith.index_cast %get3A_1272 : i32 to index
        %get3A_1274 = arith.constant 48 : index
        %get3A_1275 = tpu.vector_load %arg9[%get3A_1273, %get3A_1274] {strides = array<i32>} : memref<8x128xi32, #tpu.memory_space<vmem>>, vector<16xi32>,
        %add3A_1276 = vector.broadcast %mul3A_2 : i32 to vector<16xi32>
        %add3A_1277 = arith.addi %get3A_1275, %add3A_1276 : vector<16xi32>
        %swap3A_1278 = arith.constant 5 : i32
        %swap3A_1279 = arith.index_cast %swap3A_1278 : i32 to index
        %swap3A_1280 = arith.constant 48 : index
        %swap3A_1281 = tpu.vector_load %arg9[%swap3A_1279, %swap3A_1280] {strides = array<i32>} : memref<8x128xi32, #tpu.memory_space<vmem>>, vector<16xi32>,
        tpu.vector_store %arg9[%swap3A_1279, %swap3A_1280], %add3A_1277 {strides = array<i32>} : memref<8x128xi32, #tpu.memory_space<vmem>>, vector<16xi32>,
        %get3A_1282 = arith.constant 5 : i32
        %get3A_1283 = arith.index_cast %get3A_1282 : i32 to index
        %get3A_1284 = arith.constant 64 : index
        %get3A_1285 = tpu.vector_load %arg9[%get3A_1283, %get3A_1284] {strides = array<i32>} : memref<8x128xi32, #tpu.memory_space<vmem>>, vector<16xi32>,
        %add3A_1286 = vector.broadcast %mul3A_2 : i32 to vector<16xi32>
        %add3A_1287 = arith.addi %get3A_1285, %add3A_1286 : vector<16xi32>
        %swap3A_1288 = arith.constant 5 : i32
        %swap3A_1289 = arith.index_cast %swap3A_1288 : i32 to index
        %swap3A_1290 = arith.constant 64 : index
        %swap3A_1291 = tpu.vector_load %arg9[%swap3A_1289, %swap3A_1290] {strides = array<i32>} : memref<8x128xi32, #tpu.memory_space<vmem>>, vector<16xi32>,
        tpu.vector_store %arg9[%swap3A_1289, %swap3A_1290], %add3A_1287 {strides = array<i32>} : memref<8x128xi32, #tpu.memory_space<vmem>>, vector<16xi32>,
        %get3A_1292 = arith.constant 5 : i32
        %get3A_1293 = arith.index_cast %get3A_1292 : i32 to index
        %get3A_1294 = arith.constant 80 : index
        %get3A_1295 = tpu.vector_load %arg9[%get3A_1293, %get3A_1294] {strides = array<i32>} : memref<8x128xi32, #tpu.memory_space<vmem>>, vector<16xi32>,
        %add3A_1296 = vector.broadcast %mul3A_2 : i32 to vector<16xi32>
        %add3A_1297 = arith.addi %get3A_1295, %add3A_1296 : vector<16xi32>
        %swap3A_1298 = arith.constant 5 : i32
        %swap3A_1299 = arith.index_cast %swap3A_1298 : i32 to index
        %swap3A_1300 = arith.constant 80 : index
        %swap3A_1301 = tpu.vector_load %arg9[%swap3A_1299, %swap3A_1300] {strides = array<i32>} : memref<8x128xi32, #tpu.memory_space<vmem>>, vector<16xi32>,
        tpu.vector_store %arg9[%swap3A_1299, %swap3A_1300], %add3A_1297 {strides = array<i32>} : memref<8x128xi32, #tpu.memory_space<vmem>>, vector<16xi32>,
        %get3A_1302 = arith.constant 5 : i32
        %get3A_1303 = arith.index_cast %get3A_1302 : i32 to index
        %get3A_1304 = arith.constant 96 : index
        %get3A_1305 = tpu.vector_load %arg9[%get3A_1303, %get3A_1304] {strides = array<i32>} : memref<8x128xi32, #tpu.memory_space<vmem>>, vector<16xi32>,
        %add3A_1306 = vector.broadcast %mul3A_2 : i32 to vector<16xi32>
        %add3A_1307 = arith.addi %get3A_1305, %add3A_1306 : vector<16xi32>
        %swap3A_1308 = arith.constant 5 : i32
        %swap3A_1309 = arith.index_cast %swap3A_1308 : i32 to index
        %swap3A_1310 = arith.constant 96 : index
        %swap3A_1311 = tpu.vector_load %arg9[%swap3A_1309, %swap3A_1310] {strides = array<i32>} : memref<8x128xi32, #tpu.memory_space<vmem>>, vector<16xi32>,
        tpu.vector_store %arg9[%swap3A_1309, %swap3A_1310], %add3A_1307 {strides = array<i32>} : memref<8x128xi32, #tpu.memory_space<vmem>>, vector<16xi32>,
        %get3A_1312 = arith.constant 5 : i32
        %get3A_1313 = arith.index_cast %get3A_1312 : i32 to index
        %get3A_1314 = arith.constant 112 : index
        %get3A_1315 = tpu.vector_load %arg9[%get3A_1313, %get3A_1314] {strides = array<i32>} : memref<8x128xi32, #tpu.memory_space<vmem>>, vector<16xi32>,
        %add3A_1316 = vector.broadcast %mul3A_2 : i32 to vector<16xi32>
        %add3A_1317 = arith.addi %get3A_1315, %add3A_1316 : vector<16xi32>
        %swap3A_1318 = arith.constant 5 : i32
        %swap3A_1319 = arith.index_cast %swap3A_1318 : i32 to index
        %swap3A_1320 = arith.constant 112 : index
        %swap3A_1321 = tpu.vector_load %arg9[%swap3A_1319, %swap3A_1320] {strides = array<i32>} : memref<8x128xi32, #tpu.memory_space<vmem>>, vector<16xi32>,
        tpu.vector_store %arg9[%swap3A_1319, %swap3A_1320], %add3A_1317 {strides = array<i32>} : memref<8x128xi32, #tpu.memory_space<vmem>>, vector<16xi32>,
        %get3A_1322 = arith.constant 6 : i32
        %get3A_1323 = arith.index_cast %get3A_1322 : i32 to index
        %get3A_1324 = arith.constant 0 : index
        %get3A_1325 = tpu.vector_load %arg9[%get3A_1323, %get3A_1324] {strides = array<i32>} : memref<8x128xi32, #tpu.memory_space<vmem>>, vector<16xi32>,
        %add3A_1326 = vector.broadcast %mul3A_2 : i32 to vector<16xi32>
        %add3A_1327 = arith.addi %get3A_1325, %add3A_1326 : vector<16xi32>
        %swap3A_1328 = arith.constant 6 : i32
        %swap3A_1329 = arith.index_cast %swap3A_1328 : i32 to index
        %swap3A_1330 = arith.constant 0 : index
        %swap3A_1331 = tpu.vector_load %arg9[%swap3A_1329, %swap3A_1330] {strides = array<i32>} : memref<8x128xi32, #tpu.memory_space<vmem>>, vector<16xi32>,
        tpu.vector_store %arg9[%swap3A_1329, %swap3A_1330], %add3A_1327 {strides = array<i32>} : memref<8x128xi32, #tpu.memory_space<vmem>>, vector<16xi32>,
        %get3A_1332 = arith.constant 6 : i32
        %get3A_1333 = arith.index_cast %get3A_1332 : i32 to index
        %get3A_1334 = arith.constant 16 : index
        %get3A_1335 = tpu.vector_load %arg9[%get3A_1333, %get3A_1334] {strides = array<i32>} : memref<8x128xi32, #tpu.memory_space<vmem>>, vector<16xi32>,
        %add3A_1336 = vector.broadcast %mul3A_2 : i32 to vector<16xi32>
        %add3A_1337 = arith.addi %get3A_1335, %add3A_1336 : vector<16xi32>
        %swap3A_1338 = arith.constant 6 : i32
        %swap3A_1339 = arith.index_cast %swap3A_1338 : i32 to index
        %swap3A_1340 = arith.constant 16 : index
        %swap3A_1341 = tpu.vector_load %arg9[%swap3A_1339, %swap3A_1340] {strides = array<i32>} : memref<8x128xi32, #tpu.memory_space<vmem>>, vector<16xi32>,
        tpu.vector_store %arg9[%swap3A_1339, %swap3A_1340], %add3A_1337 {strides = array<i32>} : memref<8x128xi32, #tpu.memory_space<vmem>>, vector<16xi32>,
        %get3A_1342 = arith.constant 6 : i32
        %get3A_1343 = arith.index_cast %get3A_1342 : i32 to index
        %get3A_1344 = arith.constant 32 : index
        %get3A_1345 = tpu.vector_load %arg9[%get3A_1343, %get3A_1344] {strides = array<i32>} : memref<8x128xi32, #tpu.memory_space<vmem>>, vector<16xi32>,
        %add3A_1346 = vector.broadcast %mul3A_2 : i32 to vector<16xi32>
        %add3A_1347 = arith.addi %get3A_1345, %add3A_1346 : vector<16xi32>
        %swap3A_1348 = arith.constant 6 : i32
        %swap3A_1349 = arith.index_cast %swap3A_1348 : i32 to index
        %swap3A_1350 = arith.constant 32 : index
        %swap3A_1351 = tpu.vector_load %arg9[%swap3A_1349, %swap3A_1350] {strides = array<i32>} : memref<8x128xi32, #tpu.memory_space<vmem>>, vector<16xi32>,
        tpu.vector_store %arg9[%swap3A_1349, %swap3A_1350], %add3A_1347 {strides = array<i32>} : memref<8x128xi32, #tpu.memory_space<vmem>>, vector<16xi32>,
        %get3A_1352 = arith.constant 6 : i32
        %get3A_1353 = arith.index_cast %get3A_1352 : i32 to index
        %get3A_1354 = arith.constant 48 : index
        %get3A_1355 = tpu.vector_load %arg9[%get3A_1353, %get3A_1354] {strides = array<i32>} : memref<8x128xi32, #tpu.memory_space<vmem>>, vector<16xi32>,
        %add3A_1356 = vector.broadcast %mul3A_2 : i32 to vector<16xi32>
        %add3A_1357 = arith.addi %get3A_1355, %add3A_1356 : vector<16xi32>
        %swap3A_1358 = arith.constant 6 : i32
        %swap3A_1359 = arith.index_cast %swap3A_1358 : i32 to index
        %swap3A_1360 = arith.constant 48 : index
        %swap3A_1361 = tpu.vector_load %arg9[%swap3A_1359, %swap3A_1360] {strides = array<i32>} : memref<8x128xi32, #tpu.memory_space<vmem>>, vector<16xi32>,
        tpu.vector_store %arg9[%swap3A_1359, %swap3A_1360], %add3A_1357 {strides = array<i32>} : memref<8x128xi32, #tpu.memory_space<vmem>>, vector<16xi32>,
        %get3A_1362 = arith.constant 6 : i32
        %get3A_1363 = arith.index_cast %get3A_1362 : i32 to index
        %get3A_1364 = arith.constant 64 : index
        %get3A_1365 = tpu.vector_load %arg9[%get3A_1363, %get3A_1364] {strides = array<i32>} : memref<8x128xi32, #tpu.memory_space<vmem>>, vector<16xi32>,
        %add3A_1366 = vector.broadcast %mul3A_2 : i32 to vector<16xi32>
        %add3A_1367 = arith.addi %get3A_1365, %add3A_1366 : vector<16xi32>
        %swap3A_1368 = arith.constant 6 : i32
        %swap3A_1369 = arith.index_cast %swap3A_1368 : i32 to index
        %swap3A_1370 = arith.constant 64 : index
        %swap3A_1371 = tpu.vector_load %arg9[%swap3A_1369, %swap3A_1370] {strides = array<i32>} : memref<8x128xi32, #tpu.memory_space<vmem>>, vector<16xi32>,
        tpu.vector_store %arg9[%swap3A_1369, %swap3A_1370], %add3A_1367 {strides = array<i32>} : memref<8x128xi32, #tpu.memory_space<vmem>>, vector<16xi32>,
        %get3A_1372 = arith.constant 6 : i32
        %get3A_1373 = arith.index_cast %get3A_1372 : i32 to index
        %get3A_1374 = arith.constant 80 : index
        %get3A_1375 = tpu.vector_load %arg9[%get3A_1373, %get3A_1374] {strides = array<i32>} : memref<8x128xi32, #tpu.memory_space<vmem>>, vector<16xi32>,
        %add3A_1376 = vector.broadcast %mul3A_2 : i32 to vector<16xi32>
        %add3A_1377 = arith.addi %get3A_1375, %add3A_1376 : vector<16xi32>
        %swap3A_1378 = arith.constant 6 : i32
        %swap3A_1379 = arith.index_cast %swap3A_1378 : i32 to index
        %swap3A_1380 = arith.constant 80 : index
        %swap3A_1381 = tpu.vector_load %arg9[%swap3A_1379, %swap3A_1380] {strides = array<i32>} : memref<8x128xi32, #tpu.memory_space<vmem>>, vector<16xi32>,
        tpu.vector_store %arg9[%swap3A_1379, %swap3A_1380], %add3A_1377 {strides = array<i32>} : memref<8x128xi32, #tpu.memory_space<vmem>>, vector<16xi32>,
        %get3A_1382 = arith.constant 6 : i32
        %get3A_1383 = arith.index_cast %get3A_1382 : i32 to index
        %get3A_1384 = arith.constant 96 : index
        %get3A_1385 = tpu.vector_load %arg9[%get3A_1383, %get3A_1384] {strides = array<i32>} : memref<8x128xi32, #tpu.memory_space<vmem>>, vector<16xi32>,
        %add3A_1386 = vector.broadcast %mul3A_2 : i32 to vector<16xi32>
        %add3A_1387 = arith.addi %get3A_1385, %add3A_1386 : vector<16xi32>
        %swap3A_1388 = arith.constant 6 : i32
        %swap3A_1389 = arith.index_cast %swap3A_1388 : i32 to index
        %swap3A_1390 = arith.constant 96 : index
        %swap3A_1391 = tpu.vector_load %arg9[%swap3A_1389, %swap3A_1390] {strides = array<i32>} : memref<8x128xi32, #tpu.memory_space<vmem>>, vector<16xi32>,
        tpu.vector_store %arg9[%swap3A_1389, %swap3A_1390], %add3A_1387 {strides = array<i32>} : memref<8x128xi32, #tpu.memory_space<vmem>>, vector<16xi32>,
        %get3A_1392 = arith.constant 6 : i32
        %get3A_1393 = arith.index_cast %get3A_1392 : i32 to index
        %get3A_1394 = arith.constant 112 : index
        %get3A_1395 = tpu.vector_load %arg9[%get3A_1393, %get3A_1394] {strides = array<i32>} : memref<8x128xi32, #tpu.memory_space<vmem>>, vector<16xi32>,
        %add3A_1396 = vector.broadcast %mul3A_2 : i32 to vector<16xi32>
        %add3A_1397 = arith.addi %get3A_1395, %add3A_1396 : vector<16xi32>
        %swap3A_1398 = arith.constant 6 : i32
        %swap3A_1399 = arith.index_cast %swap3A_1398 : i32 to index
        %swap3A_1400 = arith.constant 112 : index
        %swap3A_1401 = tpu.vector_load %arg9[%swap3A_1399, %swap3A_1400] {strides = array<i32>} : memref<8x128xi32, #tpu.memory_space<vmem>>, vector<16xi32>,
        tpu.vector_store %arg9[%swap3A_1399, %swap3A_1400], %add3A_1397 {strides = array<i32>} : memref<8x128xi32, #tpu.memory_space<vmem>>, vector<16xi32>,
        %get3A_1402 = arith.constant 7 : i32
        %get3A_1403 = arith.index_cast %get3A_1402 : i32 to index
        %get3A_1404 = arith.constant 0 : index
        %get3A_1405 = tpu.vector_load %arg9[%get3A_1403, %get3A_1404] {strides = array<i32>} : memref<8x128xi32, #tpu.memory_space<vmem>>, vector<16xi32>,
        %add3A_1406 = vector.broadcast %mul3A_2 : i32 to vector<16xi32>
        %add3A_1407 = arith.addi %get3A_1405, %add3A_1406 : vector<16xi32>
        %swap3A_1408 = arith.constant 7 : i32
        %swap3A_1409 = arith.index_cast %swap3A_1408 : i32 to index
        %swap3A_1410 = arith.constant 0 : index
        %swap3A_1411 = tpu.vector_load %arg9[%swap3A_1409, %swap3A_1410] {strides = array<i32>} : memref<8x128xi32, #tpu.memory_space<vmem>>, vector<16xi32>,
        tpu.vector_store %arg9[%swap3A_1409, %swap3A_1410], %add3A_1407 {strides = array<i32>} : memref<8x128xi32, #tpu.memory_space<vmem>>, vector<16xi32>,
        %get3A_1412 = arith.constant 7 : i32
        %get3A_1413 = arith.index_cast %get3A_1412 : i32 to index
        %get3A_1414 = arith.constant 16 : index
        %get3A_1415 = tpu.vector_load %arg9[%get3A_1413, %get3A_1414] {strides = array<i32>} : memref<8x128xi32, #tpu.memory_space<vmem>>, vector<16xi32>,
        %add3A_1416 = vector.broadcast %mul3A_2 : i32 to vector<16xi32>
        %add3A_1417 = arith.addi %get3A_1415, %add3A_1416 : vector<16xi32>
        %swap3A_1418 = arith.constant 7 : i32
        %swap3A_1419 = arith.index_cast %swap3A_1418 : i32 to index
        %swap3A_1420 = arith.constant 16 : index
        %swap3A_1421 = tpu.vector_load %arg9[%swap3A_1419, %swap3A_1420] {strides = array<i32>} : memref<8x128xi32, #tpu.memory_space<vmem>>, vector<16xi32>,
        tpu.vector_store %arg9[%swap3A_1419, %swap3A_1420], %add3A_1417 {strides = array<i32>} : memref<8x128xi32, #tpu.memory_space<vmem>>, vector<16xi32>,
        %get3A_1422 = arith.constant 7 : i32
        %get3A_1423 = arith.index_cast %get3A_1422 : i32 to index
        %get3A_1424 = arith.constant 32 : index
        %get3A_1425 = tpu.vector_load %arg9[%get3A_1423, %get3A_1424] {strides = array<i32>} : memref<8x128xi32, #tpu.memory_space<vmem>>, vector<16xi32>,
        %add3A_1426 = vector.broadcast %mul3A_2 : i32 to vector<16xi32>
        %add3A_1427 = arith.addi %get3A_1425, %add3A_1426 : vector<16xi32>
        %swap3A_1428 = arith.constant 7 : i32
        %swap3A_1429 = arith.index_cast %swap3A_1428 : i32 to index
        %swap3A_1430 = arith.constant 32 : index
        %swap3A_1431 = tpu.vector_load %arg9[%swap3A_1429, %swap3A_1430] {strides = array<i32>} : memref<8x128xi32, #tpu.memory_space<vmem>>, vector<16xi32>,
        tpu.vector_store %arg9[%swap3A_1429, %swap3A_1430], %add3A_1427 {strides = array<i32>} : memref<8x128xi32, #tpu.memory_space<vmem>>, vector<16xi32>,
        %get3A_1432 = arith.constant 7 : i32
        %get3A_1433 = arith.index_cast %get3A_1432 : i32 to index
        %get3A_1434 = arith.constant 48 : index
        %get3A_1435 = tpu.vector_load %arg9[%get3A_1433, %get3A_1434] {strides = array<i32>} : memref<8x128xi32, #tpu.memory_space<vmem>>, vector<16xi32>,
        %add3A_1436 = vector.broadcast %mul3A_2 : i32 to vector<16xi32>
        %add3A_1437 = arith.addi %get3A_1435, %add3A_1436 : vector<16xi32>
        %swap3A_1438 = arith.constant 7 : i32
        %swap3A_1439 = arith.index_cast %swap3A_1438 : i32 to index
        %swap3A_1440 = arith.constant 48 : index
        %swap3A_1441 = tpu.vector_load %arg9[%swap3A_1439, %swap3A_1440] {strides = array<i32>} : memref<8x128xi32, #tpu.memory_space<vmem>>, vector<16xi32>,
        tpu.vector_store %arg9[%swap3A_1439, %swap3A_1440], %add3A_1437 {strides = array<i32>} : memref<8x128xi32, #tpu.memory_space<vmem>>, vector<16xi32>,
        %get3A_1442 = arith.constant 7 : i32
        %get3A_1443 = arith.index_cast %get3A_1442 : i32 to index
        %get3A_1444 = arith.constant 64 : index
        %get3A_1445 = tpu.vector_load %arg9[%get3A_1443, %get3A_1444] {strides = array<i32>} : memref<8x128xi32, #tpu.memory_space<vmem>>, vector<16xi32>,
        %add3A_1446 = vector.broadcast %mul3A_2 : i32 to vector<16xi32>
        %add3A_1447 = arith.addi %get3A_1445, %add3A_1446 : vector<16xi32>
        %swap3A_1448 = arith.constant 7 : i32
        %swap3A_1449 = arith.index_cast %swap3A_1448 : i32 to index
        %swap3A_1450 = arith.constant 64 : index
        %swap3A_1451 = tpu.vector_load %arg9[%swap3A_1449, %swap3A_1450] {strides = array<i32>} : memref<8x128xi32, #tpu.memory_space<vmem>>, vector<16xi32>,
        tpu.vector_store %arg9[%swap3A_1449, %swap3A_1450], %add3A_1447 {strides = array<i32>} : memref<8x128xi32, #tpu.memory_space<vmem>>, vector<16xi32>,
        %get3A_1452 = arith.constant 7 : i32
        %get3A_1453 = arith.index_cast %get3A_1452 : i32 to index
        %get3A_1454 = arith.constant 80 : index
        %get3A_1455 = tpu.vector_load %arg9[%get3A_1453, %get3A_1454] {strides = array<i32>} : memref<8x128xi32, #tpu.memory_space<vmem>>, vector<16xi32>,
        %add3A_1456 = vector.broadcast %mul3A_2 : i32 to vector<16xi32>
        %add3A_1457 = arith.addi %get3A_1455, %add3A_1456 : vector<16xi32>
        %swap3A_1458 = arith.constant 7 : i32
        %swap3A_1459 = arith.index_cast %swap3A_1458 : i32 to index
        %swap3A_1460 = arith.constant 80 : index
        %swap3A_1461 = tpu.vector_load %arg9[%swap3A_1459, %swap3A_1460] {strides = array<i32>} : memref<8x128xi32, #tpu.memory_space<vmem>>, vector<16xi32>,
        tpu.vector_store %arg9[%swap3A_1459, %swap3A_1460], %add3A_1457 {strides = array<i32>} : memref<8x128xi32, #tpu.memory_space<vmem>>, vector<16xi32>,
        %get3A_1462 = arith.constant 7 : i32
        %get3A_1463 = arith.index_cast %get3A_1462 : i32 to index
        %get3A_1464 = arith.constant 96 : index
        %get3A_1465 = tpu.vector_load %arg9[%get3A_1463, %get3A_1464] {strides = array<i32>} : memref<8x128xi32, #tpu.memory_space<vmem>>, vector<16xi32>,
        %add3A_1466 = vector.broadcast %mul3A_2 : i32 to vector<16xi32>
        %add3A_1467 = arith.addi %get3A_1465, %add3A_1466 : vector<16xi32>
        %swap3A_1468 = arith.constant 7 : i32
        %swap3A_1469 = arith.index_cast %swap3A_1468 : i32 to index
        %swap3A_1470 = arith.constant 96 : index
        %swap3A_1471 = tpu.vector_load %arg9[%swap3A_1469, %swap3A_1470] {strides = array<i32>} : memref<8x128xi32, #tpu.memory_space<vmem>>, vector<16xi32>,
        tpu.vector_store %arg9[%swap3A_1469, %swap3A_1470], %add3A_1467 {strides = array<i32>} : memref<8x128xi32, #tpu.memory_space<vmem>>, vector<16xi32>,
        %get3A_1472 = arith.constant 7 : i32
        %get3A_1473 = arith.index_cast %get3A_1472 : i32 to index
        %get3A_1474 = arith.constant 112 : index
        %get3A_1475 = tpu.vector_load %arg9[%get3A_1473, %get3A_1474] {strides = array<i32>} : memref<8x128xi32, #tpu.memory_space<vmem>>, vector<16xi32>,
        %add3A_1476 = vector.broadcast %mul3A_2 : i32 to vector<16xi32>
        %add3A_1477 = arith.addi %get3A_1475, %add3A_1476 : vector<16xi32>
        %swap3A_1478 = arith.constant 7 : i32
        %swap3A_1479 = arith.index_cast %swap3A_1478 : i32 to index
        %swap3A_1480 = arith.constant 112 : index
        %swap3A_1481 = tpu.vector_load %arg9[%swap3A_1479, %swap3A_1480] {strides = array<i32>} : memref<8x128xi32, #tpu.memory_space<vmem>>, vector<16xi32>,
        tpu.vector_store %arg9[%swap3A_1479, %swap3A_1480], %add3A_1477 {strides = array<i32>} : memref<8x128xi32, #tpu.memory_space<vmem>>, vector<16xi32>,
        %dma_start3A_1482 = arith.constant 0 : i32
        %dma_start3A_1483 = arith.constant 0 : i32
        %dma_start3A_1484 = arith.constant 0 : i32
        %dma_start3A_1485 = tpu.memref_slice %arg15[%dma_start3A_1483, %dma_start3A_1484] : memref<1024x8xf32, #tpu.memory_space<vmem>> -> memref<128x8xf32, #tpu.memory_space<vmem>>
        %dma_start3A_1486 = arith.constant 0 : i32
        %dma_start3A_1487 = tpu.memref_slice %arg9[%dma_start3A_1482, %dma_start3A_1486] : memref<8x128xi32, #tpu.memory_space<vmem>> -> memref<1x128xi32, #tpu.memory_space<vmem>>
        %dma_start3A_1488 = tpu.memref_squeeze %dma_start3A_1487 : memref<1x128xi32, #tpu.memory_space<vmem>> -> memref<128xi32, #tpu.memory_space<vmem>>
        %dma_start3A_1489 = arith.constant 0 : i32
        %dma_start3A_1490 = arith.constant 0 : i32
        %dma_start3A_1491 = tpu.memref_slice %arg2[%dma_start3A_1489, %dma_start3A_1490] : memref<320000x8xf32, #tpu.memory_space<hbm>> -> memref<320000x8xf32, #tpu.memory_space<hbm>>
        tpu.enqueue_indirect_dma source(%dma_start3A_1491 : memref<320000x8xf32, #tpu.memory_space<hbm>>) target(%dma_start3A_1485 : memref<128x8xf32, #tpu.memory_space<vmem>>) offsets(%dma_start3A_1488 : memref<128xi32, #tpu.memory_space<vmem>>) semaphore(%arg19 : memref<!tpu.dma_semaphore, #tpu.memory_space<semaphore_mem>>)
        %dma_start3A_1492 = arith.constant 1 : i32
        %dma_start3A_1493 = arith.constant 128 : i32
        %dma_start3A_1494 = arith.constant 0 : i32
        %dma_start3A_1495 = tpu.memref_slice %arg15[%dma_start3A_1493, %dma_start3A_1494] : memref<1024x8xf32, #tpu.memory_space<vmem>> -> memref<128x8xf32, #tpu.memory_space<vmem>>
        %dma_start3A_1496 = arith.constant 0 : i32
        %dma_start3A_1497 = tpu.memref_slice %arg9[%dma_start3A_1492, %dma_start3A_1496] : memref<8x128xi32, #tpu.memory_space<vmem>> -> memref<1x128xi32, #tpu.memory_space<vmem>>
        %dma_start3A_1498 = tpu.memref_squeeze %dma_start3A_1497 : memref<1x128xi32, #tpu.memory_space<vmem>> -> memref<128xi32, #tpu.memory_space<vmem>>
        %dma_start3A_1499 = arith.constant 0 : i32
        %dma_start3A_1500 = arith.constant 0 : i32
        %dma_start3A_1501 = tpu.memref_slice %arg2[%dma_start3A_1499, %dma_start3A_1500] : memref<320000x8xf32, #tpu.memory_space<hbm>> -> memref<320000x8xf32, #tpu.memory_space<hbm>>
        tpu.enqueue_indirect_dma source(%dma_start3A_1501 : memref<320000x8xf32, #tpu.memory_space<hbm>>) target(%dma_start3A_1495 : memref<128x8xf32, #tpu.memory_space<vmem>>) offsets(%dma_start3A_1498 : memref<128xi32, #tpu.memory_space<vmem>>) semaphore(%arg19 : memref<!tpu.dma_semaphore, #tpu.memory_space<semaphore_mem>>)
        %dma_start3A_1502 = arith.constant 2 : i32
        %dma_start3A_1503 = arith.constant 256 : i32
        %dma_start3A_1504 = arith.constant 0 : i32
        %dma_start3A_1505 = tpu.memref_slice %arg15[%dma_start3A_1503, %dma_start3A_1504] : memref<1024x8xf32, #tpu.memory_space<vmem>> -> memref<128x8xf32, #tpu.memory_space<vmem>>
        %dma_start3A_1506 = arith.constant 0 : i32
        %dma_start3A_1507 = tpu.memref_slice %arg9[%dma_start3A_1502, %dma_start3A_1506] : memref<8x128xi32, #tpu.memory_space<vmem>> -> memref<1x128xi32, #tpu.memory_space<vmem>>
        %dma_start3A_1508 = tpu.memref_squeeze %dma_start3A_1507 : memref<1x128xi32, #tpu.memory_space<vmem>> -> memref<128xi32, #tpu.memory_space<vmem>>
        %dma_start3A_1509 = arith.constant 0 : i32
        %dma_start3A_1510 = arith.constant 0 : i32
        %dma_start3A_1511 = tpu.memref_slice %arg2[%dma_start3A_1509, %dma_start3A_1510] : memref<320000x8xf32, #tpu.memory_space<hbm>> -> memref<320000x8xf32, #tpu.memory_space<hbm>>
        tpu.enqueue_indirect_dma source(%dma_start3A_1511 : memref<320000x8xf32, #tpu.memory_space<hbm>>) target(%dma_start3A_1505 : memref<128x8xf32, #tpu.memory_space<vmem>>) offsets(%dma_start3A_1508 : memref<128xi32, #tpu.memory_space<vmem>>) semaphore(%arg19 : memref<!tpu.dma_semaphore, #tpu.memory_space<semaphore_mem>>)
        %dma_start3A_1512 = arith.constant 3 : i32
        %dma_start3A_1513 = arith.constant 384 : i32
        %dma_start3A_1514 = arith.constant 0 : i32
        %dma_start3A_1515 = tpu.memref_slice %arg15[%dma_start3A_1513, %dma_start3A_1514] : memref<1024x8xf32, #tpu.memory_space<vmem>> -> memref<128x8xf32, #tpu.memory_space<vmem>>
        %dma_start3A_1516 = arith.constant 0 : i32
        %dma_start3A_1517 = tpu.memref_slice %arg9[%dma_start3A_1512, %dma_start3A_1516] : memref<8x128xi32, #tpu.memory_space<vmem>> -> memref<1x128xi32, #tpu.memory_space<vmem>>
        %dma_start3A_1518 = tpu.memref_squeeze %dma_start3A_1517 : memref<1x128xi32, #tpu.memory_space<vmem>> -> memref<128xi32, #tpu.memory_space<vmem>>
        %dma_start3A_1519 = arith.constant 0 : i32
        %dma_start3A_1520 = arith.constant 0 : i32
        %dma_start3A_1521 = tpu.memref_slice %arg2[%dma_start3A_1519, %dma_start3A_1520] : memref<320000x8xf32, #tpu.memory_space<hbm>> -> memref<320000x8xf32, #tpu.memory_space<hbm>>
        tpu.enqueue_indirect_dma source(%dma_start3A_1521 : memref<320000x8xf32, #tpu.memory_space<hbm>>) target(%dma_start3A_1515 : memref<128x8xf32, #tpu.memory_space<vmem>>) offsets(%dma_start3A_1518 : memref<128xi32, #tpu.memory_space<vmem>>) semaphore(%arg19 : memref<!tpu.dma_semaphore, #tpu.memory_space<semaphore_mem>>)
        %dma_start3A_1522 = arith.constant 4 : i32
        %dma_start3A_1523 = arith.constant 512 : i32
        %dma_start3A_1524 = arith.constant 0 : i32
        %dma_start3A_1525 = tpu.memref_slice %arg15[%dma_start3A_1523, %dma_start3A_1524] : memref<1024x8xf32, #tpu.memory_space<vmem>> -> memref<128x8xf32, #tpu.memory_space<vmem>>
        %dma_start3A_1526 = arith.constant 0 : i32
        %dma_start3A_1527 = tpu.memref_slice %arg9[%dma_start3A_1522, %dma_start3A_1526] : memref<8x128xi32, #tpu.memory_space<vmem>> -> memref<1x128xi32, #tpu.memory_space<vmem>>
        %dma_start3A_1528 = tpu.memref_squeeze %dma_start3A_1527 : memref<1x128xi32, #tpu.memory_space<vmem>> -> memref<128xi32, #tpu.memory_space<vmem>>
        %dma_start3A_1529 = arith.constant 0 : i32
        %dma_start3A_1530 = arith.constant 0 : i32
        %dma_start3A_1531 = tpu.memref_slice %arg2[%dma_start3A_1529, %dma_start3A_1530] : memref<320000x8xf32, #tpu.memory_space<hbm>> -> memref<320000x8xf32, #tpu.memory_space<hbm>>
        tpu.enqueue_indirect_dma source(%dma_start3A_1531 : memref<320000x8xf32, #tpu.memory_space<hbm>>) target(%dma_start3A_1525 : memref<128x8xf32, #tpu.memory_space<vmem>>) offsets(%dma_start3A_1528 : memref<128xi32, #tpu.memory_space<vmem>>) semaphore(%arg19 : memref<!tpu.dma_semaphore, #tpu.memory_space<semaphore_mem>>)
        %dma_start3A_1532 = arith.constant 5 : i32
        %dma_start3A_1533 = arith.constant 640 : i32
        %dma_start3A_1534 = arith.constant 0 : i32
        %dma_start3A_1535 = tpu.memref_slice %arg15[%dma_start3A_1533, %dma_start3A_1534] : memref<1024x8xf32, #tpu.memory_space<vmem>> -> memref<128x8xf32, #tpu.memory_space<vmem>>
        %dma_start3A_1536 = arith.constant 0 : i32
        %dma_start3A_1537 = tpu.memref_slice %arg9[%dma_start3A_1532, %dma_start3A_1536] : memref<8x128xi32, #tpu.memory_space<vmem>> -> memref<1x128xi32, #tpu.memory_space<vmem>>
        %dma_start3A_1538 = tpu.memref_squeeze %dma_start3A_1537 : memref<1x128xi32, #tpu.memory_space<vmem>> -> memref<128xi32, #tpu.memory_space<vmem>>
        %dma_start3A_1539 = arith.constant 0 : i32
        %dma_start3A_1540 = arith.constant 0 : i32
        %dma_start3A_1541 = tpu.memref_slice %arg2[%dma_start3A_1539, %dma_start3A_1540] : memref<320000x8xf32, #tpu.memory_space<hbm>> -> memref<320000x8xf32, #tpu.memory_space<hbm>>
        tpu.enqueue_indirect_dma source(%dma_start3A_1541 : memref<320000x8xf32, #tpu.memory_space<hbm>>) target(%dma_start3A_1535 : memref<128x8xf32, #tpu.memory_space<vmem>>) offsets(%dma_start3A_1538 : memref<128xi32, #tpu.memory_space<vmem>>) semaphore(%arg19 : memref<!tpu.dma_semaphore, #tpu.memory_space<semaphore_mem>>)
        %dma_start3A_1542 = arith.constant 6 : i32
        %dma_start3A_1543 = arith.constant 768 : i32
        %dma_start3A_1544 = arith.constant 0 : i32
        %dma_start3A_1545 = tpu.memref_slice %arg15[%dma_start3A_1543, %dma_start3A_1544] : memref<1024x8xf32, #tpu.memory_space<vmem>> -> memref<128x8xf32, #tpu.memory_space<vmem>>
        %dma_start3A_1546 = arith.constant 0 : i32
        %dma_start3A_1547 = tpu.memref_slice %arg9[%dma_start3A_1542, %dma_start3A_1546] : memref<8x128xi32, #tpu.memory_space<vmem>> -> memref<1x128xi32, #tpu.memory_space<vmem>>
        %dma_start3A_1548 = tpu.memref_squeeze %dma_start3A_1547 : memref<1x128xi32, #tpu.memory_space<vmem>> -> memref<128xi32, #tpu.memory_space<vmem>>
        %dma_start3A_1549 = arith.constant 0 : i32
        %dma_start3A_1550 = arith.constant 0 : i32
        %dma_start3A_1551 = tpu.memref_slice %arg2[%dma_start3A_1549, %dma_start3A_1550] : memref<320000x8xf32, #tpu.memory_space<hbm>> -> memref<320000x8xf32, #tpu.memory_space<hbm>>
        tpu.enqueue_indirect_dma source(%dma_start3A_1551 : memref<320000x8xf32, #tpu.memory_space<hbm>>) target(%dma_start3A_1545 : memref<128x8xf32, #tpu.memory_space<vmem>>) offsets(%dma_start3A_1548 : memref<128xi32, #tpu.memory_space<vmem>>) semaphore(%arg19 : memref<!tpu.dma_semaphore, #tpu.memory_space<semaphore_mem>>)
        %dma_start3A_1552 = arith.constant 7 : i32
        %dma_start3A_1553 = arith.constant 896 : i32
        %dma_start3A_1554 = arith.constant 0 : i32
        %dma_start3A_1555 = tpu.memref_slice %arg15[%dma_start3A_1553, %dma_start3A_1554] : memref<1024x8xf32, #tpu.memory_space<vmem>> -> memref<128x8xf32, #tpu.memory_space<vmem>>
        %dma_start3A_1556 = arith.constant 0 : i32
        %dma_start3A_1557 = tpu.memref_slice %arg9[%dma_start3A_1552, %dma_start3A_1556] : memref<8x128xi32, #tpu.memory_space<vmem>> -> memref<1x128xi32, #tpu.memory_space<vmem>>
        %dma_start3A_1558 = tpu.memref_squeeze %dma_start3A_1557 : memref<1x128xi32, #tpu.memory_space<vmem>> -> memref<128xi32, #tpu.memory_space<vmem>>
        %dma_start3A_1559 = arith.constant 0 : i32
        %dma_start3A_1560 = arith.constant 0 : i32
        %dma_start3A_1561 = tpu.memref_slice %arg2[%dma_start3A_1559, %dma_start3A_1560] : memref<320000x8xf32, #tpu.memory_space<hbm>> -> memref<320000x8xf32, #tpu.memory_space<hbm>>
        tpu.enqueue_indirect_dma source(%dma_start3A_1561 : memref<320000x8xf32, #tpu.memory_space<hbm>>) target(%dma_start3A_1555 : memref<128x8xf32, #tpu.memory_space<vmem>>) offsets(%dma_start3A_1558 : memref<128xi32, #tpu.memory_space<vmem>>) semaphore(%arg19 : memref<!tpu.dma_semaphore, #tpu.memory_space<semaphore_mem>>)
      } else {
      }
      %dma_wait3A_786 = arith.constant 0 : i32
      %dma_wait3A_787 = arith.constant 0 : i32
      %dma_wait3A_788 = tpu.memref_slice %arg2[%dma_wait3A_786, %dma_wait3A_787] : memref<320000x8xf32, #tpu.memory_space<hbm>> -> memref<1024x8xf32, #tpu.memory_space<hbm>>
      %dma_wait3A_789 = arith.constant 0 : i32
      %dma_wait3A_790 = arith.constant 0 : i32
      %dma_wait3A_791 = tpu.memref_slice %arg2[%dma_wait3A_789, %dma_wait3A_790] : memref<320000x8xf32, #tpu.memory_space<hbm>> -> memref<1024x8xf32, #tpu.memory_space<hbm>>
      tpu.wait_dma2 semaphore(%arg18 : memref<!tpu.dma_semaphore, #tpu.memory_space<semaphore_mem>>) src(%dma_wait3A_791 : memref<1024x8xf32, #tpu.memory_space<hbm>>) dst(%arg14 : memref<1024x8xf32, #tpu.memory_space<vmem>>)
      %parallel_loop3A = arith.constant 0 : i32
      %parallel_loop3A_792 = arith.constant 512 : i32
      %parallel_loop3A_793 = arith.constant 1 : i32
      scf.for %parallel_loop3A_826 = %parallel_loop3A to %parallel_loop3A_792 step %parallel_loop3A_793  : i32 {
        %parallel_loop3A_827 = arith.constant 2 : i32
        %parallel_loop3A_828 = arith.muli %parallel_loop3A_827, %parallel_loop3A_826 : i32
        %parallel_loop3A_829 = vector.broadcast %parallel_loop3A_828 : i32 to vector<16xi32>
        %parallel_loop3A_830 = arith.addi %parallel_loop3A_829, %shift_right_arithmetic3A_5 : vector<16xi32>
        %parallel_loop3A_831 = tpu.vector_load_idx %arg14[%parallel_loop3A_830, %and3A_7] : memref<1024x8xf32, #tpu.memory_space<vmem>>[vector<16xi32>, vector<16xi32>], vector<16xf32>,
        %parallel_loop3A_832 = tpu.vector_load_idx %arg12[%parallel_loop3A_830] : memref<1024xf32, #tpu.memory_space<vmem>>[vector<16xi32>], vector<16xf32>,
        %parallel_loop3A_833 = tpu.vector_load_idx %arg10[%parallel_loop3A_830] : memref<1024xi32, #tpu.memory_space<vmem>>[vector<16xi32>], vector<16xi32>,
        %parallel_loop3A_834 = arith.ori %parallel_loop3A_833, %and3A_7 : vector<16xi32>
        %parallel_loop3A_835 = arith.mulf %parallel_loop3A_831, %parallel_loop3A_832 : vector<16xf32>
        tpu.vector_store_idx %arg7[%parallel_loop3A_834], %parallel_loop3A_835 {add = true} : memref<81920xf32, #tpu.memory_space<vmem>>[vector<16xi32>], vector<16xf32>,
      } {sc.loop_unroll_factor = 8 : i64, sc.parallel_access}
      %add3A_794 = arith.constant 2 : i32
      %add3A_795 = arith.addi %add3A_781, %add3A_794 : i32
      %lt3A_796 = arith.constant 158 : i32
      %lt3A_797 = arith.cmpi slt, %add3A_795, %lt3A_796 : i32
      %convert_element_type3A_798 = arith.extui %lt3A_797 : i1 to i32
      %cond3A_799 = arith.constant 0 : i32
      %cond3A_800 = arith.cmpi ne, %convert_element_type3A_798, %cond3A_799 : i32
      scf.if %cond3A_800 {
        %add3A_826 = arith.constant 2 : i32
        %add3A_827 = arith.addi %add3A_781, %add3A_826 : i32
        %mul3A_828 = arith.constant 8 : i32
        %mul3A_829 = arith.muli %add3A_827, %mul3A_828 : i32
        %dma_start3A_830 = arith.constant 0 : i32
        %dma_start3A_831 = tpu.memref_slice %arg3[%mul3A_829, %dma_start3A_830] : memref<1264x128xi32, #tpu.memory_space<hbm>> -> memref<8x128xi32, #tpu.memory_space<hbm>>
        %dma_start3A_832 = arith.constant 0 : i32
        %dma_start3A_833 = tpu.memref_slice %arg3[%mul3A_829, %dma_start3A_832] : memref<1264x128xi32, #tpu.memory_space<hbm>> -> memref<8x128xi32, #tpu.memory_space<hbm>>
        tpu.enqueue_dma source(%dma_start3A_833 : memref<8x128xi32, #tpu.memory_space<hbm>>) target(%arg8 : memref<8x128xi32, #tpu.memory_space<vmem>>) target_semaphore(%arg16 : memref<!tpu.dma_semaphore, #tpu.memory_space<semaphore_mem>>)
        %mul3A_834 = arith.constant 1024 : i32
        %mul3A_835 = arith.muli %add3A_827, %mul3A_834 : i32
        %dma_start3A_836 = tpu.memref_slice %arg4[%mul3A_835] : memref<161792xi32, #tpu.memory_space<hbm>> -> memref<1024xi32, #tpu.memory_space<hbm>>
        %dma_start3A_837 = tpu.memref_slice %arg4[%mul3A_835] : memref<161792xi32, #tpu.memory_space<hbm>> -> memref<1024xi32, #tpu.memory_space<hbm>>
        tpu.enqueue_dma source(%dma_start3A_837 : memref<1024xi32, #tpu.memory_space<hbm>>) target(%arg10 : memref<1024xi32, #tpu.memory_space<vmem>>) target_semaphore(%arg16 : memref<!tpu.dma_semaphore, #tpu.memory_space<semaphore_mem>>)
        %mul3A_838 = arith.constant 1024 : i32
        %mul3A_839 = arith.muli %add3A_827, %mul3A_838 : i32
        %dma_start3A_840 = tpu.memref_slice %arg5[%mul3A_839] : memref<161792xf32, #tpu.memory_space<hbm>> -> memref<1024xf32, #tpu.memory_space<hbm>>
        %dma_start3A_841 = tpu.memref_slice %arg5[%mul3A_839] : memref<161792xf32, #tpu.memory_space<hbm>> -> memref<1024xf32, #tpu.memory_space<hbm>>
        tpu.enqueue_dma source(%dma_start3A_841 : memref<1024xf32, #tpu.memory_space<hbm>>) target(%arg12 : memref<1024xf32, #tpu.memory_space<vmem>>) target_semaphore(%arg16 : memref<!tpu.dma_semaphore, #tpu.memory_space<semaphore_mem>>)
      } else {
      }
      %add3A_801 = arith.constant 1 : i32
      %add3A_802 = arith.addi %add3A_779, %add3A_801 : i32
      %add3A_803 = arith.constant 1 : i32
      %add3A_804 = arith.addi %add3A_802, %add3A_803 : i32
      %lt3A_805 = arith.constant 158 : i32
      %lt3A_806 = arith.cmpi slt, %add3A_804, %lt3A_805 : i32
      %convert_element_type3A_807 = arith.extui %lt3A_806 : i1 to i32
      %cond3A_808 = arith.constant 0 : i32
      %cond3A_809 = arith.cmpi ne, %convert_element_type3A_807, %cond3A_808 : i32
      scf.if %cond3A_809 {
        %add3A_826 = arith.constant 1 : i32
        %add3A_827 = arith.addi %add3A_802, %add3A_826 : i32
        %mul3A_828 = arith.constant 8 : i32
        %mul3A_829 = arith.muli %add3A_827, %mul3A_828 : i32
        %dma_wait3A_830 = arith.constant 0 : i32
        %dma_wait3A_831 = tpu.memref_slice %arg3[%mul3A_829, %dma_wait3A_830] : memref<1264x128xi32, #tpu.memory_space<hbm>> -> memref<8x128xi32, #tpu.memory_space<hbm>>
        %dma_wait3A_832 = arith.constant 0 : i32
        %dma_wait3A_833 = tpu.memref_slice %arg3[%mul3A_829, %dma_wait3A_832] : memref<1264x128xi32, #tpu.memory_space<hbm>> -> memref<8x128xi32, #tpu.memory_space<hbm>>
        tpu.wait_dma2 semaphore(%arg16 : memref<!tpu.dma_semaphore, #tpu.memory_space<semaphore_mem>>) src(%dma_wait3A_833 : memref<8x128xi32, #tpu.memory_space<hbm>>) dst(%arg8 : memref<8x128xi32, #tpu.memory_space<vmem>>)
        %mul3A_834 = arith.constant 1024 : i32
        %mul3A_835 = arith.muli %add3A_827, %mul3A_834 : i32
        %dma_wait3A_836 = tpu.memref_slice %arg4[%mul3A_835] : memref<161792xi32, #tpu.memory_space<hbm>> -> memref<1024xi32, #tpu.memory_space<hbm>>
        %dma_wait3A_837 = tpu.memref_slice %arg4[%mul3A_835] : memref<161792xi32, #tpu.memory_space<hbm>> -> memref<1024xi32, #tpu.memory_space<hbm>>
        tpu.wait_dma2 semaphore(%arg16 : memref<!tpu.dma_semaphore, #tpu.memory_space<semaphore_mem>>) src(%dma_wait3A_837 : memref<1024xi32, #tpu.memory_space<hbm>>) dst(%arg10 : memref<1024xi32, #tpu.memory_space<vmem>>)
        %mul3A_838 = arith.constant 1024 : i32
        %mul3A_839 = arith.muli %add3A_827, %mul3A_838 : i32
        %dma_wait3A_840 = tpu.memref_slice %arg5[%mul3A_839] : memref<161792xf32, #tpu.memory_space<hbm>> -> memref<1024xf32, #tpu.memory_space<hbm>>
        %dma_wait3A_841 = tpu.memref_slice %arg5[%mul3A_839] : memref<161792xf32, #tpu.memory_space<hbm>> -> memref<1024xf32, #tpu.memory_space<hbm>>
        tpu.wait_dma2 semaphore(%arg16 : memref<!tpu.dma_semaphore, #tpu.memory_space<semaphore_mem>>) src(%dma_wait3A_841 : memref<1024xf32, #tpu.memory_space<hbm>>) dst(%arg12 : memref<1024xf32, #tpu.memory_space<vmem>>)
        %get3A_842 = arith.constant 0 : i32
        %get3A_843 = arith.index_cast %get3A_842 : i32 to index
        %get3A_844 = arith.constant 0 : index
        %get3A_845 = tpu.vector_load %arg8[%get3A_843, %get3A_844] {strides = array<i32>} : memref<8x128xi32, #tpu.memory_space<vmem>>, vector<16xi32>,
        %add3A_846 = vector.broadcast %mul3A_2 : i32 to vector<16xi32>
        %add3A_847 = arith.addi %get3A_845, %add3A_846 : vector<16xi32>
        %swap3A_848 = arith.constant 0 : i32
        %swap3A_849 = arith.index_cast %swap3A_848 : i32 to index
        %swap3A_850 = arith.constant 0 : index
        %swap3A_851 = tpu.vector_load %arg8[%swap3A_849, %swap3A_850] {strides = array<i32>} : memref<8x128xi32, #tpu.memory_space<vmem>>, vector<16xi32>,
        tpu.vector_store %arg8[%swap3A_849, %swap3A_850], %add3A_847 {strides = array<i32>} : memref<8x128xi32, #tpu.memory_space<vmem>>, vector<16xi32>,
        %get3A_852 = arith.constant 0 : i32
        %get3A_853 = arith.index_cast %get3A_852 : i32 to index
        %get3A_854 = arith.constant 16 : index
        %get3A_855 = tpu.vector_load %arg8[%get3A_853, %get3A_854] {strides = array<i32>} : memref<8x128xi32, #tpu.memory_space<vmem>>, vector<16xi32>,
        %add3A_856 = vector.broadcast %mul3A_2 : i32 to vector<16xi32>
        %add3A_857 = arith.addi %get3A_855, %add3A_856 : vector<16xi32>
        %swap3A_858 = arith.constant 0 : i32
        %swap3A_859 = arith.index_cast %swap3A_858 : i32 to index
        %swap3A_860 = arith.constant 16 : index
        %swap3A_861 = tpu.vector_load %arg8[%swap3A_859, %swap3A_860] {strides = array<i32>} : memref<8x128xi32, #tpu.memory_space<vmem>>, vector<16xi32>,
        tpu.vector_store %arg8[%swap3A_859, %swap3A_860], %add3A_857 {strides = array<i32>} : memref<8x128xi32, #tpu.memory_space<vmem>>, vector<16xi32>,
        %get3A_862 = arith.constant 0 : i32
        %get3A_863 = arith.index_cast %get3A_862 : i32 to index
        %get3A_864 = arith.constant 32 : index
        %get3A_865 = tpu.vector_load %arg8[%get3A_863, %get3A_864] {strides = array<i32>} : memref<8x128xi32, #tpu.memory_space<vmem>>, vector<16xi32>,
        %add3A_866 = vector.broadcast %mul3A_2 : i32 to vector<16xi32>
        %add3A_867 = arith.addi %get3A_865, %add3A_866 : vector<16xi32>
        %swap3A_868 = arith.constant 0 : i32
        %swap3A_869 = arith.index_cast %swap3A_868 : i32 to index
        %swap3A_870 = arith.constant 32 : index
        %swap3A_871 = tpu.vector_load %arg8[%swap3A_869, %swap3A_870] {strides = array<i32>} : memref<8x128xi32, #tpu.memory_space<vmem>>, vector<16xi32>,
        tpu.vector_store %arg8[%swap3A_869, %swap3A_870], %add3A_867 {strides = array<i32>} : memref<8x128xi32, #tpu.memory_space<vmem>>, vector<16xi32>,
        %get3A_872 = arith.constant 0 : i32
        %get3A_873 = arith.index_cast %get3A_872 : i32 to index
        %get3A_874 = arith.constant 48 : index
        %get3A_875 = tpu.vector_load %arg8[%get3A_873, %get3A_874] {strides = array<i32>} : memref<8x128xi32, #tpu.memory_space<vmem>>, vector<16xi32>,
        %add3A_876 = vector.broadcast %mul3A_2 : i32 to vector<16xi32>
        %add3A_877 = arith.addi %get3A_875, %add3A_876 : vector<16xi32>
        %swap3A_878 = arith.constant 0 : i32
        %swap3A_879 = arith.index_cast %swap3A_878 : i32 to index
        %swap3A_880 = arith.constant 48 : index
        %swap3A_881 = tpu.vector_load %arg8[%swap3A_879, %swap3A_880] {strides = array<i32>} : memref<8x128xi32, #tpu.memory_space<vmem>>, vector<16xi32>,
        tpu.vector_store %arg8[%swap3A_879, %swap3A_880], %add3A_877 {strides = array<i32>} : memref<8x128xi32, #tpu.memory_space<vmem>>, vector<16xi32>,
        %get3A_882 = arith.constant 0 : i32
        %get3A_883 = arith.index_cast %get3A_882 : i32 to index
        %get3A_884 = arith.constant 64 : index
        %get3A_885 = tpu.vector_load %arg8[%get3A_883, %get3A_884] {strides = array<i32>} : memref<8x128xi32, #tpu.memory_space<vmem>>, vector<16xi32>,
        %add3A_886 = vector.broadcast %mul3A_2 : i32 to vector<16xi32>
        %add3A_887 = arith.addi %get3A_885, %add3A_886 : vector<16xi32>
        %swap3A_888 = arith.constant 0 : i32
        %swap3A_889 = arith.index_cast %swap3A_888 : i32 to index
        %swap3A_890 = arith.constant 64 : index
        %swap3A_891 = tpu.vector_load %arg8[%swap3A_889, %swap3A_890] {strides = array<i32>} : memref<8x128xi32, #tpu.memory_space<vmem>>, vector<16xi32>,
        tpu.vector_store %arg8[%swap3A_889, %swap3A_890], %add3A_887 {strides = array<i32>} : memref<8x128xi32, #tpu.memory_space<vmem>>, vector<16xi32>,
        %get3A_892 = arith.constant 0 : i32
        %get3A_893 = arith.index_cast %get3A_892 : i32 to index
        %get3A_894 = arith.constant 80 : index
        %get3A_895 = tpu.vector_load %arg8[%get3A_893, %get3A_894] {strides = array<i32>} : memref<8x128xi32, #tpu.memory_space<vmem>>, vector<16xi32>,
        %add3A_896 = vector.broadcast %mul3A_2 : i32 to vector<16xi32>
        %add3A_897 = arith.addi %get3A_895, %add3A_896 : vector<16xi32>
        %swap3A_898 = arith.constant 0 : i32
        %swap3A_899 = arith.index_cast %swap3A_898 : i32 to index
        %swap3A_900 = arith.constant 80 : index
        %swap3A_901 = tpu.vector_load %arg8[%swap3A_899, %swap3A_900] {strides = array<i32>} : memref<8x128xi32, #tpu.memory_space<vmem>>, vector<16xi32>,
        tpu.vector_store %arg8[%swap3A_899, %swap3A_900], %add3A_897 {strides = array<i32>} : memref<8x128xi32, #tpu.memory_space<vmem>>, vector<16xi32>,
        %get3A_902 = arith.constant 0 : i32
        %get3A_903 = arith.index_cast %get3A_902 : i32 to index
        %get3A_904 = arith.constant 96 : index
        %get3A_905 = tpu.vector_load %arg8[%get3A_903, %get3A_904] {strides = array<i32>} : memref<8x128xi32, #tpu.memory_space<vmem>>, vector<16xi32>,
        %add3A_906 = vector.broadcast %mul3A_2 : i32 to vector<16xi32>
        %add3A_907 = arith.addi %get3A_905, %add3A_906 : vector<16xi32>
        %swap3A_908 = arith.constant 0 : i32
        %swap3A_909 = arith.index_cast %swap3A_908 : i32 to index
        %swap3A_910 = arith.constant 96 : index
        %swap3A_911 = tpu.vector_load %arg8[%swap3A_909, %swap3A_910] {strides = array<i32>} : memref<8x128xi32, #tpu.memory_space<vmem>>, vector<16xi32>,
        tpu.vector_store %arg8[%swap3A_909, %swap3A_910], %add3A_907 {strides = array<i32>} : memref<8x128xi32, #tpu.memory_space<vmem>>, vector<16xi32>,
        %get3A_912 = arith.constant 0 : i32
        %get3A_913 = arith.index_cast %get3A_912 : i32 to index
        %get3A_914 = arith.constant 112 : index
        %get3A_915 = tpu.vector_load %arg8[%get3A_913, %get3A_914] {strides = array<i32>} : memref<8x128xi32, #tpu.memory_space<vmem>>, vector<16xi32>,
        %add3A_916 = vector.broadcast %mul3A_2 : i32 to vector<16xi32>
        %add3A_917 = arith.addi %get3A_915, %add3A_916 : vector<16xi32>
        %swap3A_918 = arith.constant 0 : i32
        %swap3A_919 = arith.index_cast %swap3A_918 : i32 to index
        %swap3A_920 = arith.constant 112 : index
        %swap3A_921 = tpu.vector_load %arg8[%swap3A_919, %swap3A_920] {strides = array<i32>} : memref<8x128xi32, #tpu.memory_space<vmem>>, vector<16xi32>,
        tpu.vector_store %arg8[%swap3A_919, %swap3A_920], %add3A_917 {strides = array<i32>} : memref<8x128xi32, #tpu.memory_space<vmem>>, vector<16xi32>,
        %get3A_922 = arith.constant 1 : i32
        %get3A_923 = arith.index_cast %get3A_922 : i32 to index
        %get3A_924 = arith.constant 0 : index
        %get3A_925 = tpu.vector_load %arg8[%get3A_923, %get3A_924] {strides = array<i32>} : memref<8x128xi32, #tpu.memory_space<vmem>>, vector<16xi32>,
        %add3A_926 = vector.broadcast %mul3A_2 : i32 to vector<16xi32>
        %add3A_927 = arith.addi %get3A_925, %add3A_926 : vector<16xi32>
        %swap3A_928 = arith.constant 1 : i32
        %swap3A_929 = arith.index_cast %swap3A_928 : i32 to index
        %swap3A_930 = arith.constant 0 : index
        %swap3A_931 = tpu.vector_load %arg8[%swap3A_929, %swap3A_930] {strides = array<i32>} : memref<8x128xi32, #tpu.memory_space<vmem>>, vector<16xi32>,
        tpu.vector_store %arg8[%swap3A_929, %swap3A_930], %add3A_927 {strides = array<i32>} : memref<8x128xi32, #tpu.memory_space<vmem>>, vector<16xi32>,
        %get3A_932 = arith.constant 1 : i32
        %get3A_933 = arith.index_cast %get3A_932 : i32 to index
        %get3A_934 = arith.constant 16 : index
        %get3A_935 = tpu.vector_load %arg8[%get3A_933, %get3A_934] {strides = array<i32>} : memref<8x128xi32, #tpu.memory_space<vmem>>, vector<16xi32>,
        %add3A_936 = vector.broadcast %mul3A_2 : i32 to vector<16xi32>
        %add3A_937 = arith.addi %get3A_935, %add3A_936 : vector<16xi32>
        %swap3A_938 = arith.constant 1 : i32
        %swap3A_939 = arith.index_cast %swap3A_938 : i32 to index
        %swap3A_940 = arith.constant 16 : index
        %swap3A_941 = tpu.vector_load %arg8[%swap3A_939, %swap3A_940] {strides = array<i32>} : memref<8x128xi32, #tpu.memory_space<vmem>>, vector<16xi32>,
        tpu.vector_store %arg8[%swap3A_939, %swap3A_940], %add3A_937 {strides = array<i32>} : memref<8x128xi32, #tpu.memory_space<vmem>>, vector<16xi32>,
        %get3A_942 = arith.constant 1 : i32
        %get3A_943 = arith.index_cast %get3A_942 : i32 to index
        %get3A_944 = arith.constant 32 : index
        %get3A_945 = tpu.vector_load %arg8[%get3A_943, %get3A_944] {strides = array<i32>} : memref<8x128xi32, #tpu.memory_space<vmem>>, vector<16xi32>,
        %add3A_946 = vector.broadcast %mul3A_2 : i32 to vector<16xi32>
        %add3A_947 = arith.addi %get3A_945, %add3A_946 : vector<16xi32>
        %swap3A_948 = arith.constant 1 : i32
        %swap3A_949 = arith.index_cast %swap3A_948 : i32 to index
        %swap3A_950 = arith.constant 32 : index
        %swap3A_951 = tpu.vector_load %arg8[%swap3A_949, %swap3A_950] {strides = array<i32>} : memref<8x128xi32, #tpu.memory_space<vmem>>, vector<16xi32>,
        tpu.vector_store %arg8[%swap3A_949, %swap3A_950], %add3A_947 {strides = array<i32>} : memref<8x128xi32, #tpu.memory_space<vmem>>, vector<16xi32>,
        %get3A_952 = arith.constant 1 : i32
        %get3A_953 = arith.index_cast %get3A_952 : i32 to index
        %get3A_954 = arith.constant 48 : index
        %get3A_955 = tpu.vector_load %arg8[%get3A_953, %get3A_954] {strides = array<i32>} : memref<8x128xi32, #tpu.memory_space<vmem>>, vector<16xi32>,
        %add3A_956 = vector.broadcast %mul3A_2 : i32 to vector<16xi32>
        %add3A_957 = arith.addi %get3A_955, %add3A_956 : vector<16xi32>
        %swap3A_958 = arith.constant 1 : i32
        %swap3A_959 = arith.index_cast %swap3A_958 : i32 to index
        %swap3A_960 = arith.constant 48 : index
        %swap3A_961 = tpu.vector_load %arg8[%swap3A_959, %swap3A_960] {strides = array<i32>} : memref<8x128xi32, #tpu.memory_space<vmem>>, vector<16xi32>,
        tpu.vector_store %arg8[%swap3A_959, %swap3A_960], %add3A_957 {strides = array<i32>} : memref<8x128xi32, #tpu.memory_space<vmem>>, vector<16xi32>,
        %get3A_962 = arith.constant 1 : i32
        %get3A_963 = arith.index_cast %get3A_962 : i32 to index
        %get3A_964 = arith.constant 64 : index
        %get3A_965 = tpu.vector_load %arg8[%get3A_963, %get3A_964] {strides = array<i32>} : memref<8x128xi32, #tpu.memory_space<vmem>>, vector<16xi32>,
        %add3A_966 = vector.broadcast %mul3A_2 : i32 to vector<16xi32>
        %add3A_967 = arith.addi %get3A_965, %add3A_966 : vector<16xi32>
        %swap3A_968 = arith.constant 1 : i32
        %swap3A_969 = arith.index_cast %swap3A_968 : i32 to index
        %swap3A_970 = arith.constant 64 : index
        %swap3A_971 = tpu.vector_load %arg8[%swap3A_969, %swap3A_970] {strides = array<i32>} : memref<8x128xi32, #tpu.memory_space<vmem>>, vector<16xi32>,
        tpu.vector_store %arg8[%swap3A_969, %swap3A_970], %add3A_967 {strides = array<i32>} : memref<8x128xi32, #tpu.memory_space<vmem>>, vector<16xi32>,
        %get3A_972 = arith.constant 1 : i32
        %get3A_973 = arith.index_cast %get3A_972 : i32 to index
        %get3A_974 = arith.constant 80 : index
        %get3A_975 = tpu.vector_load %arg8[%get3A_973, %get3A_974] {strides = array<i32>} : memref<8x128xi32, #tpu.memory_space<vmem>>, vector<16xi32>,
        %add3A_976 = vector.broadcast %mul3A_2 : i32 to vector<16xi32>
        %add3A_977 = arith.addi %get3A_975, %add3A_976 : vector<16xi32>
        %swap3A_978 = arith.constant 1 : i32
        %swap3A_979 = arith.index_cast %swap3A_978 : i32 to index
        %swap3A_980 = arith.constant 80 : index
        %swap3A_981 = tpu.vector_load %arg8[%swap3A_979, %swap3A_980] {strides = array<i32>} : memref<8x128xi32, #tpu.memory_space<vmem>>, vector<16xi32>,
        tpu.vector_store %arg8[%swap3A_979, %swap3A_980], %add3A_977 {strides = array<i32>} : memref<8x128xi32, #tpu.memory_space<vmem>>, vector<16xi32>,
        %get3A_982 = arith.constant 1 : i32
        %get3A_983 = arith.index_cast %get3A_982 : i32 to index
        %get3A_984 = arith.constant 96 : index
        %get3A_985 = tpu.vector_load %arg8[%get3A_983, %get3A_984] {strides = array<i32>} : memref<8x128xi32, #tpu.memory_space<vmem>>, vector<16xi32>,
        %add3A_986 = vector.broadcast %mul3A_2 : i32 to vector<16xi32>
        %add3A_987 = arith.addi %get3A_985, %add3A_986 : vector<16xi32>
        %swap3A_988 = arith.constant 1 : i32
        %swap3A_989 = arith.index_cast %swap3A_988 : i32 to index
        %swap3A_990 = arith.constant 96 : index
        %swap3A_991 = tpu.vector_load %arg8[%swap3A_989, %swap3A_990] {strides = array<i32>} : memref<8x128xi32, #tpu.memory_space<vmem>>, vector<16xi32>,
        tpu.vector_store %arg8[%swap3A_989, %swap3A_990], %add3A_987 {strides = array<i32>} : memref<8x128xi32, #tpu.memory_space<vmem>>, vector<16xi32>,
        %get3A_992 = arith.constant 1 : i32
        %get3A_993 = arith.index_cast %get3A_992 : i32 to index
        %get3A_994 = arith.constant 112 : index
        %get3A_995 = tpu.vector_load %arg8[%get3A_993, %get3A_994] {strides = array<i32>} : memref<8x128xi32, #tpu.memory_space<vmem>>, vector<16xi32>,
        %add3A_996 = vector.broadcast %mul3A_2 : i32 to vector<16xi32>
        %add3A_997 = arith.addi %get3A_995, %add3A_996 : vector<16xi32>
        %swap3A_998 = arith.constant 1 : i32
        %swap3A_999 = arith.index_cast %swap3A_998 : i32 to index
        %swap3A_1000 = arith.constant 112 : index
        %swap3A_1001 = tpu.vector_load %arg8[%swap3A_999, %swap3A_1000] {strides = array<i32>} : memref<8x128xi32, #tpu.memory_space<vmem>>, vector<16xi32>,
        tpu.vector_store %arg8[%swap3A_999, %swap3A_1000], %add3A_997 {strides = array<i32>} : memref<8x128xi32, #tpu.memory_space<vmem>>, vector<16xi32>,
        %get3A_1002 = arith.constant 2 : i32
        %get3A_1003 = arith.index_cast %get3A_1002 : i32 to index
        %get3A_1004 = arith.constant 0 : index
        %get3A_1005 = tpu.vector_load %arg8[%get3A_1003, %get3A_1004] {strides = array<i32>} : memref<8x128xi32, #tpu.memory_space<vmem>>, vector<16xi32>,
        %add3A_1006 = vector.broadcast %mul3A_2 : i32 to vector<16xi32>
        %add3A_1007 = arith.addi %get3A_1005, %add3A_1006 : vector<16xi32>
        %swap3A_1008 = arith.constant 2 : i32
        %swap3A_1009 = arith.index_cast %swap3A_1008 : i32 to index
        %swap3A_1010 = arith.constant 0 : index
        %swap3A_1011 = tpu.vector_load %arg8[%swap3A_1009, %swap3A_1010] {strides = array<i32>} : memref<8x128xi32, #tpu.memory_space<vmem>>, vector<16xi32>,
        tpu.vector_store %arg8[%swap3A_1009, %swap3A_1010], %add3A_1007 {strides = array<i32>} : memref<8x128xi32, #tpu.memory_space<vmem>>, vector<16xi32>,
        %get3A_1012 = arith.constant 2 : i32
        %get3A_1013 = arith.index_cast %get3A_1012 : i32 to index
        %get3A_1014 = arith.constant 16 : index
        %get3A_1015 = tpu.vector_load %arg8[%get3A_1013, %get3A_1014] {strides = array<i32>} : memref<8x128xi32, #tpu.memory_space<vmem>>, vector<16xi32>,
        %add3A_1016 = vector.broadcast %mul3A_2 : i32 to vector<16xi32>
        %add3A_1017 = arith.addi %get3A_1015, %add3A_1016 : vector<16xi32>
        %swap3A_1018 = arith.constant 2 : i32
        %swap3A_1019 = arith.index_cast %swap3A_1018 : i32 to index
        %swap3A_1020 = arith.constant 16 : index
        %swap3A_1021 = tpu.vector_load %arg8[%swap3A_1019, %swap3A_1020] {strides = array<i32>} : memref<8x128xi32, #tpu.memory_space<vmem>>, vector<16xi32>,
        tpu.vector_store %arg8[%swap3A_1019, %swap3A_1020], %add3A_1017 {strides = array<i32>} : memref<8x128xi32, #tpu.memory_space<vmem>>, vector<16xi32>,
        %get3A_1022 = arith.constant 2 : i32
        %get3A_1023 = arith.index_cast %get3A_1022 : i32 to index
        %get3A_1024 = arith.constant 32 : index
        %get3A_1025 = tpu.vector_load %arg8[%get3A_1023, %get3A_1024] {strides = array<i32>} : memref<8x128xi32, #tpu.memory_space<vmem>>, vector<16xi32>,
        %add3A_1026 = vector.broadcast %mul3A_2 : i32 to vector<16xi32>
        %add3A_1027 = arith.addi %get3A_1025, %add3A_1026 : vector<16xi32>
        %swap3A_1028 = arith.constant 2 : i32
        %swap3A_1029 = arith.index_cast %swap3A_1028 : i32 to index
        %swap3A_1030 = arith.constant 32 : index
        %swap3A_1031 = tpu.vector_load %arg8[%swap3A_1029, %swap3A_1030] {strides = array<i32>} : memref<8x128xi32, #tpu.memory_space<vmem>>, vector<16xi32>,
        tpu.vector_store %arg8[%swap3A_1029, %swap3A_1030], %add3A_1027 {strides = array<i32>} : memref<8x128xi32, #tpu.memory_space<vmem>>, vector<16xi32>,
        %get3A_1032 = arith.constant 2 : i32
        %get3A_1033 = arith.index_cast %get3A_1032 : i32 to index
        %get3A_1034 = arith.constant 48 : index
        %get3A_1035 = tpu.vector_load %arg8[%get3A_1033, %get3A_1034] {strides = array<i32>} : memref<8x128xi32, #tpu.memory_space<vmem>>, vector<16xi32>,
        %add3A_1036 = vector.broadcast %mul3A_2 : i32 to vector<16xi32>
        %add3A_1037 = arith.addi %get3A_1035, %add3A_1036 : vector<16xi32>
        %swap3A_1038 = arith.constant 2 : i32
        %swap3A_1039 = arith.index_cast %swap3A_1038 : i32 to index
        %swap3A_1040 = arith.constant 48 : index
        %swap3A_1041 = tpu.vector_load %arg8[%swap3A_1039, %swap3A_1040] {strides = array<i32>} : memref<8x128xi32, #tpu.memory_space<vmem>>, vector<16xi32>,
        tpu.vector_store %arg8[%swap3A_1039, %swap3A_1040], %add3A_1037 {strides = array<i32>} : memref<8x128xi32, #tpu.memory_space<vmem>>, vector<16xi32>,
        %get3A_1042 = arith.constant 2 : i32
        %get3A_1043 = arith.index_cast %get3A_1042 : i32 to index
        %get3A_1044 = arith.constant 64 : index
        %get3A_1045 = tpu.vector_load %arg8[%get3A_1043, %get3A_1044] {strides = array<i32>} : memref<8x128xi32, #tpu.memory_space<vmem>>, vector<16xi32>,
        %add3A_1046 = vector.broadcast %mul3A_2 : i32 to vector<16xi32>
        %add3A_1047 = arith.addi %get3A_1045, %add3A_1046 : vector<16xi32>
        %swap3A_1048 = arith.constant 2 : i32
        %swap3A_1049 = arith.index_cast %swap3A_1048 : i32 to index
        %swap3A_1050 = arith.constant 64 : index
        %swap3A_1051 = tpu.vector_load %arg8[%swap3A_1049, %swap3A_1050] {strides = array<i32>} : memref<8x128xi32, #tpu.memory_space<vmem>>, vector<16xi32>,
        tpu.vector_store %arg8[%swap3A_1049, %swap3A_1050], %add3A_1047 {strides = array<i32>} : memref<8x128xi32, #tpu.memory_space<vmem>>, vector<16xi32>,
        %get3A_1052 = arith.constant 2 : i32
        %get3A_1053 = arith.index_cast %get3A_1052 : i32 to index
        %get3A_1054 = arith.constant 80 : index
        %get3A_1055 = tpu.vector_load %arg8[%get3A_1053, %get3A_1054] {strides = array<i32>} : memref<8x128xi32, #tpu.memory_space<vmem>>, vector<16xi32>,
        %add3A_1056 = vector.broadcast %mul3A_2 : i32 to vector<16xi32>
        %add3A_1057 = arith.addi %get3A_1055, %add3A_1056 : vector<16xi32>
        %swap3A_1058 = arith.constant 2 : i32
        %swap3A_1059 = arith.index_cast %swap3A_1058 : i32 to index
        %swap3A_1060 = arith.constant 80 : index
        %swap3A_1061 = tpu.vector_load %arg8[%swap3A_1059, %swap3A_1060] {strides = array<i32>} : memref<8x128xi32, #tpu.memory_space<vmem>>, vector<16xi32>,
        tpu.vector_store %arg8[%swap3A_1059, %swap3A_1060], %add3A_1057 {strides = array<i32>} : memref<8x128xi32, #tpu.memory_space<vmem>>, vector<16xi32>,
        %get3A_1062 = arith.constant 2 : i32
        %get3A_1063 = arith.index_cast %get3A_1062 : i32 to index
        %get3A_1064 = arith.constant 96 : index
        %get3A_1065 = tpu.vector_load %arg8[%get3A_1063, %get3A_1064] {strides = array<i32>} : memref<8x128xi32, #tpu.memory_space<vmem>>, vector<16xi32>,
        %add3A_1066 = vector.broadcast %mul3A_2 : i32 to vector<16xi32>
        %add3A_1067 = arith.addi %get3A_1065, %add3A_1066 : vector<16xi32>
        %swap3A_1068 = arith.constant 2 : i32
        %swap3A_1069 = arith.index_cast %swap3A_1068 : i32 to index
        %swap3A_1070 = arith.constant 96 : index
        %swap3A_1071 = tpu.vector_load %arg8[%swap3A_1069, %swap3A_1070] {strides = array<i32>} : memref<8x128xi32, #tpu.memory_space<vmem>>, vector<16xi32>,
        tpu.vector_store %arg8[%swap3A_1069, %swap3A_1070], %add3A_1067 {strides = array<i32>} : memref<8x128xi32, #tpu.memory_space<vmem>>, vector<16xi32>,
        %get3A_1072 = arith.constant 2 : i32
        %get3A_1073 = arith.index_cast %get3A_1072 : i32 to index
        %get3A_1074 = arith.constant 112 : index
        %get3A_1075 = tpu.vector_load %arg8[%get3A_1073, %get3A_1074] {strides = array<i32>} : memref<8x128xi32, #tpu.memory_space<vmem>>, vector<16xi32>,
        %add3A_1076 = vector.broadcast %mul3A_2 : i32 to vector<16xi32>
        %add3A_1077 = arith.addi %get3A_1075, %add3A_1076 : vector<16xi32>
        %swap3A_1078 = arith.constant 2 : i32
        %swap3A_1079 = arith.index_cast %swap3A_1078 : i32 to index
        %swap3A_1080 = arith.constant 112 : index
        %swap3A_1081 = tpu.vector_load %arg8[%swap3A_1079, %swap3A_1080] {strides = array<i32>} : memref<8x128xi32, #tpu.memory_space<vmem>>, vector<16xi32>,
        tpu.vector_store %arg8[%swap3A_1079, %swap3A_1080], %add3A_1077 {strides = array<i32>} : memref<8x128xi32, #tpu.memory_space<vmem>>, vector<16xi32>,
        %get3A_1082 = arith.constant 3 : i32
        %get3A_1083 = arith.index_cast %get3A_1082 : i32 to index
        %get3A_1084 = arith.constant 0 : index
        %get3A_1085 = tpu.vector_load %arg8[%get3A_1083, %get3A_1084] {strides = array<i32>} : memref<8x128xi32, #tpu.memory_space<vmem>>, vector<16xi32>,
        %add3A_1086 = vector.broadcast %mul3A_2 : i32 to vector<16xi32>
        %add3A_1087 = arith.addi %get3A_1085, %add3A_1086 : vector<16xi32>
        %swap3A_1088 = arith.constant 3 : i32
        %swap3A_1089 = arith.index_cast %swap3A_1088 : i32 to index
        %swap3A_1090 = arith.constant 0 : index
        %swap3A_1091 = tpu.vector_load %arg8[%swap3A_1089, %swap3A_1090] {strides = array<i32>} : memref<8x128xi32, #tpu.memory_space<vmem>>, vector<16xi32>,
        tpu.vector_store %arg8[%swap3A_1089, %swap3A_1090], %add3A_1087 {strides = array<i32>} : memref<8x128xi32, #tpu.memory_space<vmem>>, vector<16xi32>,
        %get3A_1092 = arith.constant 3 : i32
        %get3A_1093 = arith.index_cast %get3A_1092 : i32 to index
        %get3A_1094 = arith.constant 16 : index
        %get3A_1095 = tpu.vector_load %arg8[%get3A_1093, %get3A_1094] {strides = array<i32>} : memref<8x128xi32, #tpu.memory_space<vmem>>, vector<16xi32>,
        %add3A_1096 = vector.broadcast %mul3A_2 : i32 to vector<16xi32>
        %add3A_1097 = arith.addi %get3A_1095, %add3A_1096 : vector<16xi32>
        %swap3A_1098 = arith.constant 3 : i32
        %swap3A_1099 = arith.index_cast %swap3A_1098 : i32 to index
        %swap3A_1100 = arith.constant 16 : index
        %swap3A_1101 = tpu.vector_load %arg8[%swap3A_1099, %swap3A_1100] {strides = array<i32>} : memref<8x128xi32, #tpu.memory_space<vmem>>, vector<16xi32>,
        tpu.vector_store %arg8[%swap3A_1099, %swap3A_1100], %add3A_1097 {strides = array<i32>} : memref<8x128xi32, #tpu.memory_space<vmem>>, vector<16xi32>,
        %get3A_1102 = arith.constant 3 : i32
        %get3A_1103 = arith.index_cast %get3A_1102 : i32 to index
        %get3A_1104 = arith.constant 32 : index
        %get3A_1105 = tpu.vector_load %arg8[%get3A_1103, %get3A_1104] {strides = array<i32>} : memref<8x128xi32, #tpu.memory_space<vmem>>, vector<16xi32>,
        %add3A_1106 = vector.broadcast %mul3A_2 : i32 to vector<16xi32>
        %add3A_1107 = arith.addi %get3A_1105, %add3A_1106 : vector<16xi32>
        %swap3A_1108 = arith.constant 3 : i32
        %swap3A_1109 = arith.index_cast %swap3A_1108 : i32 to index
        %swap3A_1110 = arith.constant 32 : index
        %swap3A_1111 = tpu.vector_load %arg8[%swap3A_1109, %swap3A_1110] {strides = array<i32>} : memref<8x128xi32, #tpu.memory_space<vmem>>, vector<16xi32>,
        tpu.vector_store %arg8[%swap3A_1109, %swap3A_1110], %add3A_1107 {strides = array<i32>} : memref<8x128xi32, #tpu.memory_space<vmem>>, vector<16xi32>,
        %get3A_1112 = arith.constant 3 : i32
        %get3A_1113 = arith.index_cast %get3A_1112 : i32 to index
        %get3A_1114 = arith.constant 48 : index
        %get3A_1115 = tpu.vector_load %arg8[%get3A_1113, %get3A_1114] {strides = array<i32>} : memref<8x128xi32, #tpu.memory_space<vmem>>, vector<16xi32>,
        %add3A_1116 = vector.broadcast %mul3A_2 : i32 to vector<16xi32>
        %add3A_1117 = arith.addi %get3A_1115, %add3A_1116 : vector<16xi32>
        %swap3A_1118 = arith.constant 3 : i32
        %swap3A_1119 = arith.index_cast %swap3A_1118 : i32 to index
        %swap3A_1120 = arith.constant 48 : index
        %swap3A_1121 = tpu.vector_load %arg8[%swap3A_1119, %swap3A_1120] {strides = array<i32>} : memref<8x128xi32, #tpu.memory_space<vmem>>, vector<16xi32>,
        tpu.vector_store %arg8[%swap3A_1119, %swap3A_1120], %add3A_1117 {strides = array<i32>} : memref<8x128xi32, #tpu.memory_space<vmem>>, vector<16xi32>,
        %get3A_1122 = arith.constant 3 : i32
        %get3A_1123 = arith.index_cast %get3A_1122 : i32 to index
        %get3A_1124 = arith.constant 64 : index
        %get3A_1125 = tpu.vector_load %arg8[%get3A_1123, %get3A_1124] {strides = array<i32>} : memref<8x128xi32, #tpu.memory_space<vmem>>, vector<16xi32>,
        %add3A_1126 = vector.broadcast %mul3A_2 : i32 to vector<16xi32>
        %add3A_1127 = arith.addi %get3A_1125, %add3A_1126 : vector<16xi32>
        %swap3A_1128 = arith.constant 3 : i32
        %swap3A_1129 = arith.index_cast %swap3A_1128 : i32 to index
        %swap3A_1130 = arith.constant 64 : index
        %swap3A_1131 = tpu.vector_load %arg8[%swap3A_1129, %swap3A_1130] {strides = array<i32>} : memref<8x128xi32, #tpu.memory_space<vmem>>, vector<16xi32>,
        tpu.vector_store %arg8[%swap3A_1129, %swap3A_1130], %add3A_1127 {strides = array<i32>} : memref<8x128xi32, #tpu.memory_space<vmem>>, vector<16xi32>,
        %get3A_1132 = arith.constant 3 : i32
        %get3A_1133 = arith.index_cast %get3A_1132 : i32 to index
        %get3A_1134 = arith.constant 80 : index
        %get3A_1135 = tpu.vector_load %arg8[%get3A_1133, %get3A_1134] {strides = array<i32>} : memref<8x128xi32, #tpu.memory_space<vmem>>, vector<16xi32>,
        %add3A_1136 = vector.broadcast %mul3A_2 : i32 to vector<16xi32>
        %add3A_1137 = arith.addi %get3A_1135, %add3A_1136 : vector<16xi32>
        %swap3A_1138 = arith.constant 3 : i32
        %swap3A_1139 = arith.index_cast %swap3A_1138 : i32 to index
        %swap3A_1140 = arith.constant 80 : index
        %swap3A_1141 = tpu.vector_load %arg8[%swap3A_1139, %swap3A_1140] {strides = array<i32>} : memref<8x128xi32, #tpu.memory_space<vmem>>, vector<16xi32>,
        tpu.vector_store %arg8[%swap3A_1139, %swap3A_1140], %add3A_1137 {strides = array<i32>} : memref<8x128xi32, #tpu.memory_space<vmem>>, vector<16xi32>,
        %get3A_1142 = arith.constant 3 : i32
        %get3A_1143 = arith.index_cast %get3A_1142 : i32 to index
        %get3A_1144 = arith.constant 96 : index
        %get3A_1145 = tpu.vector_load %arg8[%get3A_1143, %get3A_1144] {strides = array<i32>} : memref<8x128xi32, #tpu.memory_space<vmem>>, vector<16xi32>,
        %add3A_1146 = vector.broadcast %mul3A_2 : i32 to vector<16xi32>
        %add3A_1147 = arith.addi %get3A_1145, %add3A_1146 : vector<16xi32>
        %swap3A_1148 = arith.constant 3 : i32
        %swap3A_1149 = arith.index_cast %swap3A_1148 : i32 to index
        %swap3A_1150 = arith.constant 96 : index
        %swap3A_1151 = tpu.vector_load %arg8[%swap3A_1149, %swap3A_1150] {strides = array<i32>} : memref<8x128xi32, #tpu.memory_space<vmem>>, vector<16xi32>,
        tpu.vector_store %arg8[%swap3A_1149, %swap3A_1150], %add3A_1147 {strides = array<i32>} : memref<8x128xi32, #tpu.memory_space<vmem>>, vector<16xi32>,
        %get3A_1152 = arith.constant 3 : i32
        %get3A_1153 = arith.index_cast %get3A_1152 : i32 to index
        %get3A_1154 = arith.constant 112 : index
        %get3A_1155 = tpu.vector_load %arg8[%get3A_1153, %get3A_1154] {strides = array<i32>} : memref<8x128xi32, #tpu.memory_space<vmem>>, vector<16xi32>,
        %add3A_1156 = vector.broadcast %mul3A_2 : i32 to vector<16xi32>
        %add3A_1157 = arith.addi %get3A_1155, %add3A_1156 : vector<16xi32>
        %swap3A_1158 = arith.constant 3 : i32
        %swap3A_1159 = arith.index_cast %swap3A_1158 : i32 to index
        %swap3A_1160 = arith.constant 112 : index
        %swap3A_1161 = tpu.vector_load %arg8[%swap3A_1159, %swap3A_1160] {strides = array<i32>} : memref<8x128xi32, #tpu.memory_space<vmem>>, vector<16xi32>,
        tpu.vector_store %arg8[%swap3A_1159, %swap3A_1160], %add3A_1157 {strides = array<i32>} : memref<8x128xi32, #tpu.memory_space<vmem>>, vector<16xi32>,
        %get3A_1162 = arith.constant 4 : i32
        %get3A_1163 = arith.index_cast %get3A_1162 : i32 to index
        %get3A_1164 = arith.constant 0 : index
        %get3A_1165 = tpu.vector_load %arg8[%get3A_1163, %get3A_1164] {strides = array<i32>} : memref<8x128xi32, #tpu.memory_space<vmem>>, vector<16xi32>,
        %add3A_1166 = vector.broadcast %mul3A_2 : i32 to vector<16xi32>
        %add3A_1167 = arith.addi %get3A_1165, %add3A_1166 : vector<16xi32>
        %swap3A_1168 = arith.constant 4 : i32
        %swap3A_1169 = arith.index_cast %swap3A_1168 : i32 to index
        %swap3A_1170 = arith.constant 0 : index
        %swap3A_1171 = tpu.vector_load %arg8[%swap3A_1169, %swap3A_1170] {strides = array<i32>} : memref<8x128xi32, #tpu.memory_space<vmem>>, vector<16xi32>,
        tpu.vector_store %arg8[%swap3A_1169, %swap3A_1170], %add3A_1167 {strides = array<i32>} : memref<8x128xi32, #tpu.memory_space<vmem>>, vector<16xi32>,
        %get3A_1172 = arith.constant 4 : i32
        %get3A_1173 = arith.index_cast %get3A_1172 : i32 to index
        %get3A_1174 = arith.constant 16 : index
        %get3A_1175 = tpu.vector_load %arg8[%get3A_1173, %get3A_1174] {strides = array<i32>} : memref<8x128xi32, #tpu.memory_space<vmem>>, vector<16xi32>,
        %add3A_1176 = vector.broadcast %mul3A_2 : i32 to vector<16xi32>
        %add3A_1177 = arith.addi %get3A_1175, %add3A_1176 : vector<16xi32>
        %swap3A_1178 = arith.constant 4 : i32
        %swap3A_1179 = arith.index_cast %swap3A_1178 : i32 to index
        %swap3A_1180 = arith.constant 16 : index
        %swap3A_1181 = tpu.vector_load %arg8[%swap3A_1179, %swap3A_1180] {strides = array<i32>} : memref<8x128xi32, #tpu.memory_space<vmem>>, vector<16xi32>,
        tpu.vector_store %arg8[%swap3A_1179, %swap3A_1180], %add3A_1177 {strides = array<i32>} : memref<8x128xi32, #tpu.memory_space<vmem>>, vector<16xi32>,
        %get3A_1182 = arith.constant 4 : i32
        %get3A_1183 = arith.index_cast %get3A_1182 : i32 to index
        %get3A_1184 = arith.constant 32 : index
        %get3A_1185 = tpu.vector_load %arg8[%get3A_1183, %get3A_1184] {strides = array<i32>} : memref<8x128xi32, #tpu.memory_space<vmem>>, vector<16xi32>,
        %add3A_1186 = vector.broadcast %mul3A_2 : i32 to vector<16xi32>
        %add3A_1187 = arith.addi %get3A_1185, %add3A_1186 : vector<16xi32>
        %swap3A_1188 = arith.constant 4 : i32
        %swap3A_1189 = arith.index_cast %swap3A_1188 : i32 to index
        %swap3A_1190 = arith.constant 32 : index
        %swap3A_1191 = tpu.vector_load %arg8[%swap3A_1189, %swap3A_1190] {strides = array<i32>} : memref<8x128xi32, #tpu.memory_space<vmem>>, vector<16xi32>,
        tpu.vector_store %arg8[%swap3A_1189, %swap3A_1190], %add3A_1187 {strides = array<i32>} : memref<8x128xi32, #tpu.memory_space<vmem>>, vector<16xi32>,
        %get3A_1192 = arith.constant 4 : i32
        %get3A_1193 = arith.index_cast %get3A_1192 : i32 to index
        %get3A_1194 = arith.constant 48 : index
        %get3A_1195 = tpu.vector_load %arg8[%get3A_1193, %get3A_1194] {strides = array<i32>} : memref<8x128xi32, #tpu.memory_space<vmem>>, vector<16xi32>,
        %add3A_1196 = vector.broadcast %mul3A_2 : i32 to vector<16xi32>
        %add3A_1197 = arith.addi %get3A_1195, %add3A_1196 : vector<16xi32>
        %swap3A_1198 = arith.constant 4 : i32
        %swap3A_1199 = arith.index_cast %swap3A_1198 : i32 to index
        %swap3A_1200 = arith.constant 48 : index
        %swap3A_1201 = tpu.vector_load %arg8[%swap3A_1199, %swap3A_1200] {strides = array<i32>} : memref<8x128xi32, #tpu.memory_space<vmem>>, vector<16xi32>,
        tpu.vector_store %arg8[%swap3A_1199, %swap3A_1200], %add3A_1197 {strides = array<i32>} : memref<8x128xi32, #tpu.memory_space<vmem>>, vector<16xi32>,
        %get3A_1202 = arith.constant 4 : i32
        %get3A_1203 = arith.index_cast %get3A_1202 : i32 to index
        %get3A_1204 = arith.constant 64 : index
        %get3A_1205 = tpu.vector_load %arg8[%get3A_1203, %get3A_1204] {strides = array<i32>} : memref<8x128xi32, #tpu.memory_space<vmem>>, vector<16xi32>,
        %add3A_1206 = vector.broadcast %mul3A_2 : i32 to vector<16xi32>
        %add3A_1207 = arith.addi %get3A_1205, %add3A_1206 : vector<16xi32>
        %swap3A_1208 = arith.constant 4 : i32
        %swap3A_1209 = arith.index_cast %swap3A_1208 : i32 to index
        %swap3A_1210 = arith.constant 64 : index
        %swap3A_1211 = tpu.vector_load %arg8[%swap3A_1209, %swap3A_1210] {strides = array<i32>} : memref<8x128xi32, #tpu.memory_space<vmem>>, vector<16xi32>,
        tpu.vector_store %arg8[%swap3A_1209, %swap3A_1210], %add3A_1207 {strides = array<i32>} : memref<8x128xi32, #tpu.memory_space<vmem>>, vector<16xi32>,
        %get3A_1212 = arith.constant 4 : i32
        %get3A_1213 = arith.index_cast %get3A_1212 : i32 to index
        %get3A_1214 = arith.constant 80 : index
        %get3A_1215 = tpu.vector_load %arg8[%get3A_1213, %get3A_1214] {strides = array<i32>} : memref<8x128xi32, #tpu.memory_space<vmem>>, vector<16xi32>,
        %add3A_1216 = vector.broadcast %mul3A_2 : i32 to vector<16xi32>
        %add3A_1217 = arith.addi %get3A_1215, %add3A_1216 : vector<16xi32>
        %swap3A_1218 = arith.constant 4 : i32
        %swap3A_1219 = arith.index_cast %swap3A_1218 : i32 to index
        %swap3A_1220 = arith.constant 80 : index
        %swap3A_1221 = tpu.vector_load %arg8[%swap3A_1219, %swap3A_1220] {strides = array<i32>} : memref<8x128xi32, #tpu.memory_space<vmem>>, vector<16xi32>,
        tpu.vector_store %arg8[%swap3A_1219, %swap3A_1220], %add3A_1217 {strides = array<i32>} : memref<8x128xi32, #tpu.memory_space<vmem>>, vector<16xi32>,
        %get3A_1222 = arith.constant 4 : i32
        %get3A_1223 = arith.index_cast %get3A_1222 : i32 to index
        %get3A_1224 = arith.constant 96 : index
        %get3A_1225 = tpu.vector_load %arg8[%get3A_1223, %get3A_1224] {strides = array<i32>} : memref<8x128xi32, #tpu.memory_space<vmem>>, vector<16xi32>,
        %add3A_1226 = vector.broadcast %mul3A_2 : i32 to vector<16xi32>
        %add3A_1227 = arith.addi %get3A_1225, %add3A_1226 : vector<16xi32>
        %swap3A_1228 = arith.constant 4 : i32
        %swap3A_1229 = arith.index_cast %swap3A_1228 : i32 to index
        %swap3A_1230 = arith.constant 96 : index
        %swap3A_1231 = tpu.vector_load %arg8[%swap3A_1229, %swap3A_1230] {strides = array<i32>} : memref<8x128xi32, #tpu.memory_space<vmem>>, vector<16xi32>,
        tpu.vector_store %arg8[%swap3A_1229, %swap3A_1230], %add3A_1227 {strides = array<i32>} : memref<8x128xi32, #tpu.memory_space<vmem>>, vector<16xi32>,
        %get3A_1232 = arith.constant 4 : i32
        %get3A_1233 = arith.index_cast %get3A_1232 : i32 to index
        %get3A_1234 = arith.constant 112 : index
        %get3A_1235 = tpu.vector_load %arg8[%get3A_1233, %get3A_1234] {strides = array<i32>} : memref<8x128xi32, #tpu.memory_space<vmem>>, vector<16xi32>,
        %add3A_1236 = vector.broadcast %mul3A_2 : i32 to vector<16xi32>
        %add3A_1237 = arith.addi %get3A_1235, %add3A_1236 : vector<16xi32>
        %swap3A_1238 = arith.constant 4 : i32
        %swap3A_1239 = arith.index_cast %swap3A_1238 : i32 to index
        %swap3A_1240 = arith.constant 112 : index
        %swap3A_1241 = tpu.vector_load %arg8[%swap3A_1239, %swap3A_1240] {strides = array<i32>} : memref<8x128xi32, #tpu.memory_space<vmem>>, vector<16xi32>,
        tpu.vector_store %arg8[%swap3A_1239, %swap3A_1240], %add3A_1237 {strides = array<i32>} : memref<8x128xi32, #tpu.memory_space<vmem>>, vector<16xi32>,
        %get3A_1242 = arith.constant 5 : i32
        %get3A_1243 = arith.index_cast %get3A_1242 : i32 to index
        %get3A_1244 = arith.constant 0 : index
        %get3A_1245 = tpu.vector_load %arg8[%get3A_1243, %get3A_1244] {strides = array<i32>} : memref<8x128xi32, #tpu.memory_space<vmem>>, vector<16xi32>,
        %add3A_1246 = vector.broadcast %mul3A_2 : i32 to vector<16xi32>
        %add3A_1247 = arith.addi %get3A_1245, %add3A_1246 : vector<16xi32>
        %swap3A_1248 = arith.constant 5 : i32
        %swap3A_1249 = arith.index_cast %swap3A_1248 : i32 to index
        %swap3A_1250 = arith.constant 0 : index
        %swap3A_1251 = tpu.vector_load %arg8[%swap3A_1249, %swap3A_1250] {strides = array<i32>} : memref<8x128xi32, #tpu.memory_space<vmem>>, vector<16xi32>,
        tpu.vector_store %arg8[%swap3A_1249, %swap3A_1250], %add3A_1247 {strides = array<i32>} : memref<8x128xi32, #tpu.memory_space<vmem>>, vector<16xi32>,
        %get3A_1252 = arith.constant 5 : i32
        %get3A_1253 = arith.index_cast %get3A_1252 : i32 to index
        %get3A_1254 = arith.constant 16 : index
        %get3A_1255 = tpu.vector_load %arg8[%get3A_1253, %get3A_1254] {strides = array<i32>} : memref<8x128xi32, #tpu.memory_space<vmem>>, vector<16xi32>,
        %add3A_1256 = vector.broadcast %mul3A_2 : i32 to vector<16xi32>
        %add3A_1257 = arith.addi %get3A_1255, %add3A_1256 : vector<16xi32>
        %swap3A_1258 = arith.constant 5 : i32
        %swap3A_1259 = arith.index_cast %swap3A_1258 : i32 to index
        %swap3A_1260 = arith.constant 16 : index
        %swap3A_1261 = tpu.vector_load %arg8[%swap3A_1259, %swap3A_1260] {strides = array<i32>} : memref<8x128xi32, #tpu.memory_space<vmem>>, vector<16xi32>,
        tpu.vector_store %arg8[%swap3A_1259, %swap3A_1260], %add3A_1257 {strides = array<i32>} : memref<8x128xi32, #tpu.memory_space<vmem>>, vector<16xi32>,
        %get3A_1262 = arith.constant 5 : i32
        %get3A_1263 = arith.index_cast %get3A_1262 : i32 to index
        %get3A_1264 = arith.constant 32 : index
        %get3A_1265 = tpu.vector_load %arg8[%get3A_1263, %get3A_1264] {strides = array<i32>} : memref<8x128xi32, #tpu.memory_space<vmem>>, vector<16xi32>,
        %add3A_1266 = vector.broadcast %mul3A_2 : i32 to vector<16xi32>
        %add3A_1267 = arith.addi %get3A_1265, %add3A_1266 : vector<16xi32>
        %swap3A_1268 = arith.constant 5 : i32
        %swap3A_1269 = arith.index_cast %swap3A_1268 : i32 to index
        %swap3A_1270 = arith.constant 32 : index
        %swap3A_1271 = tpu.vector_load %arg8[%swap3A_1269, %swap3A_1270] {strides = array<i32>} : memref<8x128xi32, #tpu.memory_space<vmem>>, vector<16xi32>,
        tpu.vector_store %arg8[%swap3A_1269, %swap3A_1270], %add3A_1267 {strides = array<i32>} : memref<8x128xi32, #tpu.memory_space<vmem>>, vector<16xi32>,
        %get3A_1272 = arith.constant 5 : i32
        %get3A_1273 = arith.index_cast %get3A_1272 : i32 to index
        %get3A_1274 = arith.constant 48 : index
        %get3A_1275 = tpu.vector_load %arg8[%get3A_1273, %get3A_1274] {strides = array<i32>} : memref<8x128xi32, #tpu.memory_space<vmem>>, vector<16xi32>,
        %add3A_1276 = vector.broadcast %mul3A_2 : i32 to vector<16xi32>
        %add3A_1277 = arith.addi %get3A_1275, %add3A_1276 : vector<16xi32>
        %swap3A_1278 = arith.constant 5 : i32
        %swap3A_1279 = arith.index_cast %swap3A_1278 : i32 to index
        %swap3A_1280 = arith.constant 48 : index
        %swap3A_1281 = tpu.vector_load %arg8[%swap3A_1279, %swap3A_1280] {strides = array<i32>} : memref<8x128xi32, #tpu.memory_space<vmem>>, vector<16xi32>,
        tpu.vector_store %arg8[%swap3A_1279, %swap3A_1280], %add3A_1277 {strides = array<i32>} : memref<8x128xi32, #tpu.memory_space<vmem>>, vector<16xi32>,
        %get3A_1282 = arith.constant 5 : i32
        %get3A_1283 = arith.index_cast %get3A_1282 : i32 to index
        %get3A_1284 = arith.constant 64 : index
        %get3A_1285 = tpu.vector_load %arg8[%get3A_1283, %get3A_1284] {strides = array<i32>} : memref<8x128xi32, #tpu.memory_space<vmem>>, vector<16xi32>,
        %add3A_1286 = vector.broadcast %mul3A_2 : i32 to vector<16xi32>
        %add3A_1287 = arith.addi %get3A_1285, %add3A_1286 : vector<16xi32>
        %swap3A_1288 = arith.constant 5 : i32
        %swap3A_1289 = arith.index_cast %swap3A_1288 : i32 to index
        %swap3A_1290 = arith.constant 64 : index
        %swap3A_1291 = tpu.vector_load %arg8[%swap3A_1289, %swap3A_1290] {strides = array<i32>} : memref<8x128xi32, #tpu.memory_space<vmem>>, vector<16xi32>,
        tpu.vector_store %arg8[%swap3A_1289, %swap3A_1290], %add3A_1287 {strides = array<i32>} : memref<8x128xi32, #tpu.memory_space<vmem>>, vector<16xi32>,
        %get3A_1292 = arith.constant 5 : i32
        %get3A_1293 = arith.index_cast %get3A_1292 : i32 to index
        %get3A_1294 = arith.constant 80 : index
        %get3A_1295 = tpu.vector_load %arg8[%get3A_1293, %get3A_1294] {strides = array<i32>} : memref<8x128xi32, #tpu.memory_space<vmem>>, vector<16xi32>,
        %add3A_1296 = vector.broadcast %mul3A_2 : i32 to vector<16xi32>
        %add3A_1297 = arith.addi %get3A_1295, %add3A_1296 : vector<16xi32>
        %swap3A_1298 = arith.constant 5 : i32
        %swap3A_1299 = arith.index_cast %swap3A_1298 : i32 to index
        %swap3A_1300 = arith.constant 80 : index
        %swap3A_1301 = tpu.vector_load %arg8[%swap3A_1299, %swap3A_1300] {strides = array<i32>} : memref<8x128xi32, #tpu.memory_space<vmem>>, vector<16xi32>,
        tpu.vector_store %arg8[%swap3A_1299, %swap3A_1300], %add3A_1297 {strides = array<i32>} : memref<8x128xi32, #tpu.memory_space<vmem>>, vector<16xi32>,
        %get3A_1302 = arith.constant 5 : i32
        %get3A_1303 = arith.index_cast %get3A_1302 : i32 to index
        %get3A_1304 = arith.constant 96 : index
        %get3A_1305 = tpu.vector_load %arg8[%get3A_1303, %get3A_1304] {strides = array<i32>} : memref<8x128xi32, #tpu.memory_space<vmem>>, vector<16xi32>,
        %add3A_1306 = vector.broadcast %mul3A_2 : i32 to vector<16xi32>
        %add3A_1307 = arith.addi %get3A_1305, %add3A_1306 : vector<16xi32>
        %swap3A_1308 = arith.constant 5 : i32
        %swap3A_1309 = arith.index_cast %swap3A_1308 : i32 to index
        %swap3A_1310 = arith.constant 96 : index
        %swap3A_1311 = tpu.vector_load %arg8[%swap3A_1309, %swap3A_1310] {strides = array<i32>} : memref<8x128xi32, #tpu.memory_space<vmem>>, vector<16xi32>,
        tpu.vector_store %arg8[%swap3A_1309, %swap3A_1310], %add3A_1307 {strides = array<i32>} : memref<8x128xi32, #tpu.memory_space<vmem>>, vector<16xi32>,
        %get3A_1312 = arith.constant 5 : i32
        %get3A_1313 = arith.index_cast %get3A_1312 : i32 to index
        %get3A_1314 = arith.constant 112 : index
        %get3A_1315 = tpu.vector_load %arg8[%get3A_1313, %get3A_1314] {strides = array<i32>} : memref<8x128xi32, #tpu.memory_space<vmem>>, vector<16xi32>,
        %add3A_1316 = vector.broadcast %mul3A_2 : i32 to vector<16xi32>
        %add3A_1317 = arith.addi %get3A_1315, %add3A_1316 : vector<16xi32>
        %swap3A_1318 = arith.constant 5 : i32
        %swap3A_1319 = arith.index_cast %swap3A_1318 : i32 to index
        %swap3A_1320 = arith.constant 112 : index
        %swap3A_1321 = tpu.vector_load %arg8[%swap3A_1319, %swap3A_1320] {strides = array<i32>} : memref<8x128xi32, #tpu.memory_space<vmem>>, vector<16xi32>,
        tpu.vector_store %arg8[%swap3A_1319, %swap3A_1320], %add3A_1317 {strides = array<i32>} : memref<8x128xi32, #tpu.memory_space<vmem>>, vector<16xi32>,
        %get3A_1322 = arith.constant 6 : i32
        %get3A_1323 = arith.index_cast %get3A_1322 : i32 to index
        %get3A_1324 = arith.constant 0 : index
        %get3A_1325 = tpu.vector_load %arg8[%get3A_1323, %get3A_1324] {strides = array<i32>} : memref<8x128xi32, #tpu.memory_space<vmem>>, vector<16xi32>,
        %add3A_1326 = vector.broadcast %mul3A_2 : i32 to vector<16xi32>
        %add3A_1327 = arith.addi %get3A_1325, %add3A_1326 : vector<16xi32>
        %swap3A_1328 = arith.constant 6 : i32
        %swap3A_1329 = arith.index_cast %swap3A_1328 : i32 to index
        %swap3A_1330 = arith.constant 0 : index
        %swap3A_1331 = tpu.vector_load %arg8[%swap3A_1329, %swap3A_1330] {strides = array<i32>} : memref<8x128xi32, #tpu.memory_space<vmem>>, vector<16xi32>,
        tpu.vector_store %arg8[%swap3A_1329, %swap3A_1330], %add3A_1327 {strides = array<i32>} : memref<8x128xi32, #tpu.memory_space<vmem>>, vector<16xi32>,
        %get3A_1332 = arith.constant 6 : i32
        %get3A_1333 = arith.index_cast %get3A_1332 : i32 to index
        %get3A_1334 = arith.constant 16 : index
        %get3A_1335 = tpu.vector_load %arg8[%get3A_1333, %get3A_1334] {strides = array<i32>} : memref<8x128xi32, #tpu.memory_space<vmem>>, vector<16xi32>,
        %add3A_1336 = vector.broadcast %mul3A_2 : i32 to vector<16xi32>
        %add3A_1337 = arith.addi %get3A_1335, %add3A_1336 : vector<16xi32>
        %swap3A_1338 = arith.constant 6 : i32
        %swap3A_1339 = arith.index_cast %swap3A_1338 : i32 to index
        %swap3A_1340 = arith.constant 16 : index
        %swap3A_1341 = tpu.vector_load %arg8[%swap3A_1339, %swap3A_1340] {strides = array<i32>} : memref<8x128xi32, #tpu.memory_space<vmem>>, vector<16xi32>,
        tpu.vector_store %arg8[%swap3A_1339, %swap3A_1340], %add3A_1337 {strides = array<i32>} : memref<8x128xi32, #tpu.memory_space<vmem>>, vector<16xi32>,
        %get3A_1342 = arith.constant 6 : i32
        %get3A_1343 = arith.index_cast %get3A_1342 : i32 to index
        %get3A_1344 = arith.constant 32 : index
        %get3A_1345 = tpu.vector_load %arg8[%get3A_1343, %get3A_1344] {strides = array<i32>} : memref<8x128xi32, #tpu.memory_space<vmem>>, vector<16xi32>,
        %add3A_1346 = vector.broadcast %mul3A_2 : i32 to vector<16xi32>
        %add3A_1347 = arith.addi %get3A_1345, %add3A_1346 : vector<16xi32>
        %swap3A_1348 = arith.constant 6 : i32
        %swap3A_1349 = arith.index_cast %swap3A_1348 : i32 to index
        %swap3A_1350 = arith.constant 32 : index
        %swap3A_1351 = tpu.vector_load %arg8[%swap3A_1349, %swap3A_1350] {strides = array<i32>} : memref<8x128xi32, #tpu.memory_space<vmem>>, vector<16xi32>,
        tpu.vector_store %arg8[%swap3A_1349, %swap3A_1350], %add3A_1347 {strides = array<i32>} : memref<8x128xi32, #tpu.memory_space<vmem>>, vector<16xi32>,
        %get3A_1352 = arith.constant 6 : i32
        %get3A_1353 = arith.index_cast %get3A_1352 : i32 to index
        %get3A_1354 = arith.constant 48 : index
        %get3A_1355 = tpu.vector_load %arg8[%get3A_1353, %get3A_1354] {strides = array<i32>} : memref<8x128xi32, #tpu.memory_space<vmem>>, vector<16xi32>,
        %add3A_1356 = vector.broadcast %mul3A_2 : i32 to vector<16xi32>
        %add3A_1357 = arith.addi %get3A_1355, %add3A_1356 : vector<16xi32>
        %swap3A_1358 = arith.constant 6 : i32
        %swap3A_1359 = arith.index_cast %swap3A_1358 : i32 to index
        %swap3A_1360 = arith.constant 48 : index
        %swap3A_1361 = tpu.vector_load %arg8[%swap3A_1359, %swap3A_1360] {strides = array<i32>} : memref<8x128xi32, #tpu.memory_space<vmem>>, vector<16xi32>,
        tpu.vector_store %arg8[%swap3A_1359, %swap3A_1360], %add3A_1357 {strides = array<i32>} : memref<8x128xi32, #tpu.memory_space<vmem>>, vector<16xi32>,
        %get3A_1362 = arith.constant 6 : i32
        %get3A_1363 = arith.index_cast %get3A_1362 : i32 to index
        %get3A_1364 = arith.constant 64 : index
        %get3A_1365 = tpu.vector_load %arg8[%get3A_1363, %get3A_1364] {strides = array<i32>} : memref<8x128xi32, #tpu.memory_space<vmem>>, vector<16xi32>,
        %add3A_1366 = vector.broadcast %mul3A_2 : i32 to vector<16xi32>
        %add3A_1367 = arith.addi %get3A_1365, %add3A_1366 : vector<16xi32>
        %swap3A_1368 = arith.constant 6 : i32
        %swap3A_1369 = arith.index_cast %swap3A_1368 : i32 to index
        %swap3A_1370 = arith.constant 64 : index
        %swap3A_1371 = tpu.vector_load %arg8[%swap3A_1369, %swap3A_1370] {strides = array<i32>} : memref<8x128xi32, #tpu.memory_space<vmem>>, vector<16xi32>,
        tpu.vector_store %arg8[%swap3A_1369, %swap3A_1370], %add3A_1367 {strides = array<i32>} : memref<8x128xi32, #tpu.memory_space<vmem>>, vector<16xi32>,
        %get3A_1372 = arith.constant 6 : i32
        %get3A_1373 = arith.index_cast %get3A_1372 : i32 to index
        %get3A_1374 = arith.constant 80 : index
        %get3A_1375 = tpu.vector_load %arg8[%get3A_1373, %get3A_1374] {strides = array<i32>} : memref<8x128xi32, #tpu.memory_space<vmem>>, vector<16xi32>,
        %add3A_1376 = vector.broadcast %mul3A_2 : i32 to vector<16xi32>
        %add3A_1377 = arith.addi %get3A_1375, %add3A_1376 : vector<16xi32>
        %swap3A_1378 = arith.constant 6 : i32
        %swap3A_1379 = arith.index_cast %swap3A_1378 : i32 to index
        %swap3A_1380 = arith.constant 80 : index
        %swap3A_1381 = tpu.vector_load %arg8[%swap3A_1379, %swap3A_1380] {strides = array<i32>} : memref<8x128xi32, #tpu.memory_space<vmem>>, vector<16xi32>,
        tpu.vector_store %arg8[%swap3A_1379, %swap3A_1380], %add3A_1377 {strides = array<i32>} : memref<8x128xi32, #tpu.memory_space<vmem>>, vector<16xi32>,
        %get3A_1382 = arith.constant 6 : i32
        %get3A_1383 = arith.index_cast %get3A_1382 : i32 to index
        %get3A_1384 = arith.constant 96 : index
        %get3A_1385 = tpu.vector_load %arg8[%get3A_1383, %get3A_1384] {strides = array<i32>} : memref<8x128xi32, #tpu.memory_space<vmem>>, vector<16xi32>,
        %add3A_1386 = vector.broadcast %mul3A_2 : i32 to vector<16xi32>
        %add3A_1387 = arith.addi %get3A_1385, %add3A_1386 : vector<16xi32>
        %swap3A_1388 = arith.constant 6 : i32
        %swap3A_1389 = arith.index_cast %swap3A_1388 : i32 to index
        %swap3A_1390 = arith.constant 96 : index
        %swap3A_1391 = tpu.vector_load %arg8[%swap3A_1389, %swap3A_1390] {strides = array<i32>} : memref<8x128xi32, #tpu.memory_space<vmem>>, vector<16xi32>,
        tpu.vector_store %arg8[%swap3A_1389, %swap3A_1390], %add3A_1387 {strides = array<i32>} : memref<8x128xi32, #tpu.memory_space<vmem>>, vector<16xi32>,
        %get3A_1392 = arith.constant 6 : i32
        %get3A_1393 = arith.index_cast %get3A_1392 : i32 to index
        %get3A_1394 = arith.constant 112 : index
        %get3A_1395 = tpu.vector_load %arg8[%get3A_1393, %get3A_1394] {strides = array<i32>} : memref<8x128xi32, #tpu.memory_space<vmem>>, vector<16xi32>,
        %add3A_1396 = vector.broadcast %mul3A_2 : i32 to vector<16xi32>
        %add3A_1397 = arith.addi %get3A_1395, %add3A_1396 : vector<16xi32>
        %swap3A_1398 = arith.constant 6 : i32
        %swap3A_1399 = arith.index_cast %swap3A_1398 : i32 to index
        %swap3A_1400 = arith.constant 112 : index
        %swap3A_1401 = tpu.vector_load %arg8[%swap3A_1399, %swap3A_1400] {strides = array<i32>} : memref<8x128xi32, #tpu.memory_space<vmem>>, vector<16xi32>,
        tpu.vector_store %arg8[%swap3A_1399, %swap3A_1400], %add3A_1397 {strides = array<i32>} : memref<8x128xi32, #tpu.memory_space<vmem>>, vector<16xi32>,
        %get3A_1402 = arith.constant 7 : i32
        %get3A_1403 = arith.index_cast %get3A_1402 : i32 to index
        %get3A_1404 = arith.constant 0 : index
        %get3A_1405 = tpu.vector_load %arg8[%get3A_1403, %get3A_1404] {strides = array<i32>} : memref<8x128xi32, #tpu.memory_space<vmem>>, vector<16xi32>,
        %add3A_1406 = vector.broadcast %mul3A_2 : i32 to vector<16xi32>
        %add3A_1407 = arith.addi %get3A_1405, %add3A_1406 : vector<16xi32>
        %swap3A_1408 = arith.constant 7 : i32
        %swap3A_1409 = arith.index_cast %swap3A_1408 : i32 to index
        %swap3A_1410 = arith.constant 0 : index
        %swap3A_1411 = tpu.vector_load %arg8[%swap3A_1409, %swap3A_1410] {strides = array<i32>} : memref<8x128xi32, #tpu.memory_space<vmem>>, vector<16xi32>,
        tpu.vector_store %arg8[%swap3A_1409, %swap3A_1410], %add3A_1407 {strides = array<i32>} : memref<8x128xi32, #tpu.memory_space<vmem>>, vector<16xi32>,
        %get3A_1412 = arith.constant 7 : i32
        %get3A_1413 = arith.index_cast %get3A_1412 : i32 to index
        %get3A_1414 = arith.constant 16 : index
        %get3A_1415 = tpu.vector_load %arg8[%get3A_1413, %get3A_1414] {strides = array<i32>} : memref<8x128xi32, #tpu.memory_space<vmem>>, vector<16xi32>,
        %add3A_1416 = vector.broadcast %mul3A_2 : i32 to vector<16xi32>
        %add3A_1417 = arith.addi %get3A_1415, %add3A_1416 : vector<16xi32>
        %swap3A_1418 = arith.constant 7 : i32
        %swap3A_1419 = arith.index_cast %swap3A_1418 : i32 to index
        %swap3A_1420 = arith.constant 16 : index
        %swap3A_1421 = tpu.vector_load %arg8[%swap3A_1419, %swap3A_1420] {strides = array<i32>} : memref<8x128xi32, #tpu.memory_space<vmem>>, vector<16xi32>,
        tpu.vector_store %arg8[%swap3A_1419, %swap3A_1420], %add3A_1417 {strides = array<i32>} : memref<8x128xi32, #tpu.memory_space<vmem>>, vector<16xi32>,
        %get3A_1422 = arith.constant 7 : i32
        %get3A_1423 = arith.index_cast %get3A_1422 : i32 to index
        %get3A_1424 = arith.constant 32 : index
        %get3A_1425 = tpu.vector_load %arg8[%get3A_1423, %get3A_1424] {strides = array<i32>} : memref<8x128xi32, #tpu.memory_space<vmem>>, vector<16xi32>,
        %add3A_1426 = vector.broadcast %mul3A_2 : i32 to vector<16xi32>
        %add3A_1427 = arith.addi %get3A_1425, %add3A_1426 : vector<16xi32>
        %swap3A_1428 = arith.constant 7 : i32
        %swap3A_1429 = arith.index_cast %swap3A_1428 : i32 to index
        %swap3A_1430 = arith.constant 32 : index
        %swap3A_1431 = tpu.vector_load %arg8[%swap3A_1429, %swap3A_1430] {strides = array<i32>} : memref<8x128xi32, #tpu.memory_space<vmem>>, vector<16xi32>,
        tpu.vector_store %arg8[%swap3A_1429, %swap3A_1430], %add3A_1427 {strides = array<i32>} : memref<8x128xi32, #tpu.memory_space<vmem>>, vector<16xi32>,
        %get3A_1432 = arith.constant 7 : i32
        %get3A_1433 = arith.index_cast %get3A_1432 : i32 to index
        %get3A_1434 = arith.constant 48 : index
        %get3A_1435 = tpu.vector_load %arg8[%get3A_1433, %get3A_1434] {strides = array<i32>} : memref<8x128xi32, #tpu.memory_space<vmem>>, vector<16xi32>,
        %add3A_1436 = vector.broadcast %mul3A_2 : i32 to vector<16xi32>
        %add3A_1437 = arith.addi %get3A_1435, %add3A_1436 : vector<16xi32>
        %swap3A_1438 = arith.constant 7 : i32
        %swap3A_1439 = arith.index_cast %swap3A_1438 : i32 to index
        %swap3A_1440 = arith.constant 48 : index
        %swap3A_1441 = tpu.vector_load %arg8[%swap3A_1439, %swap3A_1440] {strides = array<i32>} : memref<8x128xi32, #tpu.memory_space<vmem>>, vector<16xi32>,
        tpu.vector_store %arg8[%swap3A_1439, %swap3A_1440], %add3A_1437 {strides = array<i32>} : memref<8x128xi32, #tpu.memory_space<vmem>>, vector<16xi32>,
        %get3A_1442 = arith.constant 7 : i32
        %get3A_1443 = arith.index_cast %get3A_1442 : i32 to index
        %get3A_1444 = arith.constant 64 : index
        %get3A_1445 = tpu.vector_load %arg8[%get3A_1443, %get3A_1444] {strides = array<i32>} : memref<8x128xi32, #tpu.memory_space<vmem>>, vector<16xi32>,
        %add3A_1446 = vector.broadcast %mul3A_2 : i32 to vector<16xi32>
        %add3A_1447 = arith.addi %get3A_1445, %add3A_1446 : vector<16xi32>
        %swap3A_1448 = arith.constant 7 : i32
        %swap3A_1449 = arith.index_cast %swap3A_1448 : i32 to index
        %swap3A_1450 = arith.constant 64 : index
        %swap3A_1451 = tpu.vector_load %arg8[%swap3A_1449, %swap3A_1450] {strides = array<i32>} : memref<8x128xi32, #tpu.memory_space<vmem>>, vector<16xi32>,
        tpu.vector_store %arg8[%swap3A_1449, %swap3A_1450], %add3A_1447 {strides = array<i32>} : memref<8x128xi32, #tpu.memory_space<vmem>>, vector<16xi32>,
        %get3A_1452 = arith.constant 7 : i32
        %get3A_1453 = arith.index_cast %get3A_1452 : i32 to index
        %get3A_1454 = arith.constant 80 : index
        %get3A_1455 = tpu.vector_load %arg8[%get3A_1453, %get3A_1454] {strides = array<i32>} : memref<8x128xi32, #tpu.memory_space<vmem>>, vector<16xi32>,
        %add3A_1456 = vector.broadcast %mul3A_2 : i32 to vector<16xi32>
        %add3A_1457 = arith.addi %get3A_1455, %add3A_1456 : vector<16xi32>
        %swap3A_1458 = arith.constant 7 : i32
        %swap3A_1459 = arith.index_cast %swap3A_1458 : i32 to index
        %swap3A_1460 = arith.constant 80 : index
        %swap3A_1461 = tpu.vector_load %arg8[%swap3A_1459, %swap3A_1460] {strides = array<i32>} : memref<8x128xi32, #tpu.memory_space<vmem>>, vector<16xi32>,
        tpu.vector_store %arg8[%swap3A_1459, %swap3A_1460], %add3A_1457 {strides = array<i32>} : memref<8x128xi32, #tpu.memory_space<vmem>>, vector<16xi32>,
        %get3A_1462 = arith.constant 7 : i32
        %get3A_1463 = arith.index_cast %get3A_1462 : i32 to index
        %get3A_1464 = arith.constant 96 : index
        %get3A_1465 = tpu.vector_load %arg8[%get3A_1463, %get3A_1464] {strides = array<i32>} : memref<8x128xi32, #tpu.memory_space<vmem>>, vector<16xi32>,
        %add3A_1466 = vector.broadcast %mul3A_2 : i32 to vector<16xi32>
        %add3A_1467 = arith.addi %get3A_1465, %add3A_1466 : vector<16xi32>
        %swap3A_1468 = arith.constant 7 : i32
        %swap3A_1469 = arith.index_cast %swap3A_1468 : i32 to index
        %swap3A_1470 = arith.constant 96 : index
        %swap3A_1471 = tpu.vector_load %arg8[%swap3A_1469, %swap3A_1470] {strides = array<i32>} : memref<8x128xi32, #tpu.memory_space<vmem>>, vector<16xi32>,
        tpu.vector_store %arg8[%swap3A_1469, %swap3A_1470], %add3A_1467 {strides = array<i32>} : memref<8x128xi32, #tpu.memory_space<vmem>>, vector<16xi32>,
        %get3A_1472 = arith.constant 7 : i32
        %get3A_1473 = arith.index_cast %get3A_1472 : i32 to index
        %get3A_1474 = arith.constant 112 : index
        %get3A_1475 = tpu.vector_load %arg8[%get3A_1473, %get3A_1474] {strides = array<i32>} : memref<8x128xi32, #tpu.memory_space<vmem>>, vector<16xi32>,
        %add3A_1476 = vector.broadcast %mul3A_2 : i32 to vector<16xi32>
        %add3A_1477 = arith.addi %get3A_1475, %add3A_1476 : vector<16xi32>
        %swap3A_1478 = arith.constant 7 : i32
        %swap3A_1479 = arith.index_cast %swap3A_1478 : i32 to index
        %swap3A_1480 = arith.constant 112 : index
        %swap3A_1481 = tpu.vector_load %arg8[%swap3A_1479, %swap3A_1480] {strides = array<i32>} : memref<8x128xi32, #tpu.memory_space<vmem>>, vector<16xi32>,
        tpu.vector_store %arg8[%swap3A_1479, %swap3A_1480], %add3A_1477 {strides = array<i32>} : memref<8x128xi32, #tpu.memory_space<vmem>>, vector<16xi32>,
        %dma_start3A_1482 = arith.constant 0 : i32
        %dma_start3A_1483 = arith.constant 0 : i32
        %dma_start3A_1484 = arith.constant 0 : i32
        %dma_start3A_1485 = tpu.memref_slice %arg14[%dma_start3A_1483, %dma_start3A_1484] : memref<1024x8xf32, #tpu.memory_space<vmem>> -> memref<128x8xf32, #tpu.memory_space<vmem>>
        %dma_start3A_1486 = arith.constant 0 : i32
        %dma_start3A_1487 = tpu.memref_slice %arg8[%dma_start3A_1482, %dma_start3A_1486] : memref<8x128xi32, #tpu.memory_space<vmem>> -> memref<1x128xi32, #tpu.memory_space<vmem>>
        %dma_start3A_1488 = tpu.memref_squeeze %dma_start3A_1487 : memref<1x128xi32, #tpu.memory_space<vmem>> -> memref<128xi32, #tpu.memory_space<vmem>>
        %dma_start3A_1489 = arith.constant 0 : i32
        %dma_start3A_1490 = arith.constant 0 : i32
        %dma_start3A_1491 = tpu.memref_slice %arg2[%dma_start3A_1489, %dma_start3A_1490] : memref<320000x8xf32, #tpu.memory_space<hbm>> -> memref<320000x8xf32, #tpu.memory_space<hbm>>
        tpu.enqueue_indirect_dma source(%dma_start3A_1491 : memref<320000x8xf32, #tpu.memory_space<hbm>>) target(%dma_start3A_1485 : memref<128x8xf32, #tpu.memory_space<vmem>>) offsets(%dma_start3A_1488 : memref<128xi32, #tpu.memory_space<vmem>>) semaphore(%arg18 : memref<!tpu.dma_semaphore, #tpu.memory_space<semaphore_mem>>)
        %dma_start3A_1492 = arith.constant 1 : i32
        %dma_start3A_1493 = arith.constant 128 : i32
        %dma_start3A_1494 = arith.constant 0 : i32
        %dma_start3A_1495 = tpu.memref_slice %arg14[%dma_start3A_1493, %dma_start3A_1494] : memref<1024x8xf32, #tpu.memory_space<vmem>> -> memref<128x8xf32, #tpu.memory_space<vmem>>
        %dma_start3A_1496 = arith.constant 0 : i32
        %dma_start3A_1497 = tpu.memref_slice %arg8[%dma_start3A_1492, %dma_start3A_1496] : memref<8x128xi32, #tpu.memory_space<vmem>> -> memref<1x128xi32, #tpu.memory_space<vmem>>
        %dma_start3A_1498 = tpu.memref_squeeze %dma_start3A_1497 : memref<1x128xi32, #tpu.memory_space<vmem>> -> memref<128xi32, #tpu.memory_space<vmem>>
        %dma_start3A_1499 = arith.constant 0 : i32
        %dma_start3A_1500 = arith.constant 0 : i32
        %dma_start3A_1501 = tpu.memref_slice %arg2[%dma_start3A_1499, %dma_start3A_1500] : memref<320000x8xf32, #tpu.memory_space<hbm>> -> memref<320000x8xf32, #tpu.memory_space<hbm>>
        tpu.enqueue_indirect_dma source(%dma_start3A_1501 : memref<320000x8xf32, #tpu.memory_space<hbm>>) target(%dma_start3A_1495 : memref<128x8xf32, #tpu.memory_space<vmem>>) offsets(%dma_start3A_1498 : memref<128xi32, #tpu.memory_space<vmem>>) semaphore(%arg18 : memref<!tpu.dma_semaphore, #tpu.memory_space<semaphore_mem>>)
        %dma_start3A_1502 = arith.constant 2 : i32
        %dma_start3A_1503 = arith.constant 256 : i32
        %dma_start3A_1504 = arith.constant 0 : i32
        %dma_start3A_1505 = tpu.memref_slice %arg14[%dma_start3A_1503, %dma_start3A_1504] : memref<1024x8xf32, #tpu.memory_space<vmem>> -> memref<128x8xf32, #tpu.memory_space<vmem>>
        %dma_start3A_1506 = arith.constant 0 : i32
        %dma_start3A_1507 = tpu.memref_slice %arg8[%dma_start3A_1502, %dma_start3A_1506] : memref<8x128xi32, #tpu.memory_space<vmem>> -> memref<1x128xi32, #tpu.memory_space<vmem>>
        %dma_start3A_1508 = tpu.memref_squeeze %dma_start3A_1507 : memref<1x128xi32, #tpu.memory_space<vmem>> -> memref<128xi32, #tpu.memory_space<vmem>>
        %dma_start3A_1509 = arith.constant 0 : i32
        %dma_start3A_1510 = arith.constant 0 : i32
        %dma_start3A_1511 = tpu.memref_slice %arg2[%dma_start3A_1509, %dma_start3A_1510] : memref<320000x8xf32, #tpu.memory_space<hbm>> -> memref<320000x8xf32, #tpu.memory_space<hbm>>
        tpu.enqueue_indirect_dma source(%dma_start3A_1511 : memref<320000x8xf32, #tpu.memory_space<hbm>>) target(%dma_start3A_1505 : memref<128x8xf32, #tpu.memory_space<vmem>>) offsets(%dma_start3A_1508 : memref<128xi32, #tpu.memory_space<vmem>>) semaphore(%arg18 : memref<!tpu.dma_semaphore, #tpu.memory_space<semaphore_mem>>)
        %dma_start3A_1512 = arith.constant 3 : i32
        %dma_start3A_1513 = arith.constant 384 : i32
        %dma_start3A_1514 = arith.constant 0 : i32
        %dma_start3A_1515 = tpu.memref_slice %arg14[%dma_start3A_1513, %dma_start3A_1514] : memref<1024x8xf32, #tpu.memory_space<vmem>> -> memref<128x8xf32, #tpu.memory_space<vmem>>
        %dma_start3A_1516 = arith.constant 0 : i32
        %dma_start3A_1517 = tpu.memref_slice %arg8[%dma_start3A_1512, %dma_start3A_1516] : memref<8x128xi32, #tpu.memory_space<vmem>> -> memref<1x128xi32, #tpu.memory_space<vmem>>
        %dma_start3A_1518 = tpu.memref_squeeze %dma_start3A_1517 : memref<1x128xi32, #tpu.memory_space<vmem>> -> memref<128xi32, #tpu.memory_space<vmem>>
        %dma_start3A_1519 = arith.constant 0 : i32
        %dma_start3A_1520 = arith.constant 0 : i32
        %dma_start3A_1521 = tpu.memref_slice %arg2[%dma_start3A_1519, %dma_start3A_1520] : memref<320000x8xf32, #tpu.memory_space<hbm>> -> memref<320000x8xf32, #tpu.memory_space<hbm>>
        tpu.enqueue_indirect_dma source(%dma_start3A_1521 : memref<320000x8xf32, #tpu.memory_space<hbm>>) target(%dma_start3A_1515 : memref<128x8xf32, #tpu.memory_space<vmem>>) offsets(%dma_start3A_1518 : memref<128xi32, #tpu.memory_space<vmem>>) semaphore(%arg18 : memref<!tpu.dma_semaphore, #tpu.memory_space<semaphore_mem>>)
        %dma_start3A_1522 = arith.constant 4 : i32
        %dma_start3A_1523 = arith.constant 512 : i32
        %dma_start3A_1524 = arith.constant 0 : i32
        %dma_start3A_1525 = tpu.memref_slice %arg14[%dma_start3A_1523, %dma_start3A_1524] : memref<1024x8xf32, #tpu.memory_space<vmem>> -> memref<128x8xf32, #tpu.memory_space<vmem>>
        %dma_start3A_1526 = arith.constant 0 : i32
        %dma_start3A_1527 = tpu.memref_slice %arg8[%dma_start3A_1522, %dma_start3A_1526] : memref<8x128xi32, #tpu.memory_space<vmem>> -> memref<1x128xi32, #tpu.memory_space<vmem>>
        %dma_start3A_1528 = tpu.memref_squeeze %dma_start3A_1527 : memref<1x128xi32, #tpu.memory_space<vmem>> -> memref<128xi32, #tpu.memory_space<vmem>>
        %dma_start3A_1529 = arith.constant 0 : i32
        %dma_start3A_1530 = arith.constant 0 : i32
        %dma_start3A_1531 = tpu.memref_slice %arg2[%dma_start3A_1529, %dma_start3A_1530] : memref<320000x8xf32, #tpu.memory_space<hbm>> -> memref<320000x8xf32, #tpu.memory_space<hbm>>
        tpu.enqueue_indirect_dma source(%dma_start3A_1531 : memref<320000x8xf32, #tpu.memory_space<hbm>>) target(%dma_start3A_1525 : memref<128x8xf32, #tpu.memory_space<vmem>>) offsets(%dma_start3A_1528 : memref<128xi32, #tpu.memory_space<vmem>>) semaphore(%arg18 : memref<!tpu.dma_semaphore, #tpu.memory_space<semaphore_mem>>)
        %dma_start3A_1532 = arith.constant 5 : i32
        %dma_start3A_1533 = arith.constant 640 : i32
        %dma_start3A_1534 = arith.constant 0 : i32
        %dma_start3A_1535 = tpu.memref_slice %arg14[%dma_start3A_1533, %dma_start3A_1534] : memref<1024x8xf32, #tpu.memory_space<vmem>> -> memref<128x8xf32, #tpu.memory_space<vmem>>
        %dma_start3A_1536 = arith.constant 0 : i32
        %dma_start3A_1537 = tpu.memref_slice %arg8[%dma_start3A_1532, %dma_start3A_1536] : memref<8x128xi32, #tpu.memory_space<vmem>> -> memref<1x128xi32, #tpu.memory_space<vmem>>
        %dma_start3A_1538 = tpu.memref_squeeze %dma_start3A_1537 : memref<1x128xi32, #tpu.memory_space<vmem>> -> memref<128xi32, #tpu.memory_space<vmem>>
        %dma_start3A_1539 = arith.constant 0 : i32
        %dma_start3A_1540 = arith.constant 0 : i32
        %dma_start3A_1541 = tpu.memref_slice %arg2[%dma_start3A_1539, %dma_start3A_1540] : memref<320000x8xf32, #tpu.memory_space<hbm>> -> memref<320000x8xf32, #tpu.memory_space<hbm>>
        tpu.enqueue_indirect_dma source(%dma_start3A_1541 : memref<320000x8xf32, #tpu.memory_space<hbm>>) target(%dma_start3A_1535 : memref<128x8xf32, #tpu.memory_space<vmem>>) offsets(%dma_start3A_1538 : memref<128xi32, #tpu.memory_space<vmem>>) semaphore(%arg18 : memref<!tpu.dma_semaphore, #tpu.memory_space<semaphore_mem>>)
        %dma_start3A_1542 = arith.constant 6 : i32
        %dma_start3A_1543 = arith.constant 768 : i32
        %dma_start3A_1544 = arith.constant 0 : i32
        %dma_start3A_1545 = tpu.memref_slice %arg14[%dma_start3A_1543, %dma_start3A_1544] : memref<1024x8xf32, #tpu.memory_space<vmem>> -> memref<128x8xf32, #tpu.memory_space<vmem>>
        %dma_start3A_1546 = arith.constant 0 : i32
        %dma_start3A_1547 = tpu.memref_slice %arg8[%dma_start3A_1542, %dma_start3A_1546] : memref<8x128xi32, #tpu.memory_space<vmem>> -> memref<1x128xi32, #tpu.memory_space<vmem>>
        %dma_start3A_1548 = tpu.memref_squeeze %dma_start3A_1547 : memref<1x128xi32, #tpu.memory_space<vmem>> -> memref<128xi32, #tpu.memory_space<vmem>>
        %dma_start3A_1549 = arith.constant 0 : i32
        %dma_start3A_1550 = arith.constant 0 : i32
        %dma_start3A_1551 = tpu.memref_slice %arg2[%dma_start3A_1549, %dma_start3A_1550] : memref<320000x8xf32, #tpu.memory_space<hbm>> -> memref<320000x8xf32, #tpu.memory_space<hbm>>
        tpu.enqueue_indirect_dma source(%dma_start3A_1551 : memref<320000x8xf32, #tpu.memory_space<hbm>>) target(%dma_start3A_1545 : memref<128x8xf32, #tpu.memory_space<vmem>>) offsets(%dma_start3A_1548 : memref<128xi32, #tpu.memory_space<vmem>>) semaphore(%arg18 : memref<!tpu.dma_semaphore, #tpu.memory_space<semaphore_mem>>)
        %dma_start3A_1552 = arith.constant 7 : i32
        %dma_start3A_1553 = arith.constant 896 : i32
        %dma_start3A_1554 = arith.constant 0 : i32
        %dma_start3A_1555 = tpu.memref_slice %arg14[%dma_start3A_1553, %dma_start3A_1554] : memref<1024x8xf32, #tpu.memory_space<vmem>> -> memref<128x8xf32, #tpu.memory_space<vmem>>
        %dma_start3A_1556 = arith.constant 0 : i32
        %dma_start3A_1557 = tpu.memref_slice %arg8[%dma_start3A_1552, %dma_start3A_1556] : memref<8x128xi32, #tpu.memory_space<vmem>> -> memref<1x128xi32, #tpu.memory_space<vmem>>
        %dma_start3A_1558 = tpu.memref_squeeze %dma_start3A_1557 : memref<1x128xi32, #tpu.memory_space<vmem>> -> memref<128xi32, #tpu.memory_space<vmem>>
        %dma_start3A_1559 = arith.constant 0 : i32
        %dma_start3A_1560 = arith.constant 0 : i32
        %dma_start3A_1561 = tpu.memref_slice %arg2[%dma_start3A_1559, %dma_start3A_1560] : memref<320000x8xf32, #tpu.memory_space<hbm>> -> memref<320000x8xf32, #tpu.memory_space<hbm>>
        tpu.enqueue_indirect_dma source(%dma_start3A_1561 : memref<320000x8xf32, #tpu.memory_space<hbm>>) target(%dma_start3A_1555 : memref<128x8xf32, #tpu.memory_space<vmem>>) offsets(%dma_start3A_1558 : memref<128xi32, #tpu.memory_space<vmem>>) semaphore(%arg18 : memref<!tpu.dma_semaphore, #tpu.memory_space<semaphore_mem>>)
      } else {
      }
      %dma_wait3A_810 = arith.constant 0 : i32
      %dma_wait3A_811 = arith.constant 0 : i32
      %dma_wait3A_812 = tpu.memref_slice %arg2[%dma_wait3A_810, %dma_wait3A_811] : memref<320000x8xf32, #tpu.memory_space<hbm>> -> memref<1024x8xf32, #tpu.memory_space<hbm>>
      %dma_wait3A_813 = arith.constant 0 : i32
      %dma_wait3A_814 = arith.constant 0 : i32
      %dma_wait3A_815 = tpu.memref_slice %arg2[%dma_wait3A_813, %dma_wait3A_814] : memref<320000x8xf32, #tpu.memory_space<hbm>> -> memref<1024x8xf32, #tpu.memory_space<hbm>>
      tpu.wait_dma2 semaphore(%arg19 : memref<!tpu.dma_semaphore, #tpu.memory_space<semaphore_mem>>) src(%dma_wait3A_815 : memref<1024x8xf32, #tpu.memory_space<hbm>>) dst(%arg15 : memref<1024x8xf32, #tpu.memory_space<vmem>>)
      %parallel_loop3A_816 = arith.constant 0 : i32
      %parallel_loop3A_817 = arith.constant 512 : i32
      %parallel_loop3A_818 = arith.constant 1 : i32
      scf.for %parallel_loop3A_826 = %parallel_loop3A_816 to %parallel_loop3A_817 step %parallel_loop3A_818  : i32 {
        %parallel_loop3A_827 = arith.constant 2 : i32
        %parallel_loop3A_828 = arith.muli %parallel_loop3A_827, %parallel_loop3A_826 : i32
        %parallel_loop3A_829 = vector.broadcast %parallel_loop3A_828 : i32 to vector<16xi32>
        %parallel_loop3A_830 = arith.addi %parallel_loop3A_829, %shift_right_arithmetic3A_5 : vector<16xi32>
        %parallel_loop3A_831 = tpu.vector_load_idx %arg15[%parallel_loop3A_830, %and3A_7] : memref<1024x8xf32, #tpu.memory_space<vmem>>[vector<16xi32>, vector<16xi32>], vector<16xf32>,
        %parallel_loop3A_832 = tpu.vector_load_idx %arg13[%parallel_loop3A_830] : memref<1024xf32, #tpu.memory_space<vmem>>[vector<16xi32>], vector<16xf32>,
        %parallel_loop3A_833 = tpu.vector_load_idx %arg11[%parallel_loop3A_830] : memref<1024xi32, #tpu.memory_space<vmem>>[vector<16xi32>], vector<16xi32>,
        %parallel_loop3A_834 = arith.ori %parallel_loop3A_833, %and3A_7 : vector<16xi32>
        %parallel_loop3A_835 = arith.mulf %parallel_loop3A_831, %parallel_loop3A_832 : vector<16xf32>
        tpu.vector_store_idx %arg7[%parallel_loop3A_834], %parallel_loop3A_835 {add = true} : memref<81920xf32, #tpu.memory_space<vmem>>[vector<16xi32>], vector<16xf32>,
      } {sc.loop_unroll_factor = 8 : i64, sc.parallel_access}
      %add3A_819 = arith.constant 2 : i32
      %add3A_820 = arith.addi %add3A_802, %add3A_819 : i32
      %lt3A_821 = arith.constant 158 : i32
      %lt3A_822 = arith.cmpi slt, %add3A_820, %lt3A_821 : i32
      %convert_element_type3A_823 = arith.extui %lt3A_822 : i1 to i32
      %cond3A_824 = arith.constant 0 : i32
      %cond3A_825 = arith.cmpi ne, %convert_element_type3A_823, %cond3A_824 : i32
      scf.if %cond3A_825 {
        %add3A_826 = arith.constant 2 : i32
        %add3A_827 = arith.addi %add3A_802, %add3A_826 : i32
        %mul3A_828 = arith.constant 8 : i32
        %mul3A_829 = arith.muli %add3A_827, %mul3A_828 : i32
        %dma_start3A_830 = arith.constant 0 : i32
        %dma_start3A_831 = tpu.memref_slice %arg3[%mul3A_829, %dma_start3A_830] : memref<1264x128xi32, #tpu.memory_space<hbm>> -> memref<8x128xi32, #tpu.memory_space<hbm>>
        %dma_start3A_832 = arith.constant 0 : i32
        %dma_start3A_833 = tpu.memref_slice %arg3[%mul3A_829, %dma_start3A_832] : memref<1264x128xi32, #tpu.memory_space<hbm>> -> memref<8x128xi32, #tpu.memory_space<hbm>>
        tpu.enqueue_dma source(%dma_start3A_833 : memref<8x128xi32, #tpu.memory_space<hbm>>) target(%arg9 : memref<8x128xi32, #tpu.memory_space<vmem>>) target_semaphore(%arg17 : memref<!tpu.dma_semaphore, #tpu.memory_space<semaphore_mem>>)
        %mul3A_834 = arith.constant 1024 : i32
        %mul3A_835 = arith.muli %add3A_827, %mul3A_834 : i32
        %dma_start3A_836 = tpu.memref_slice %arg4[%mul3A_835] : memref<161792xi32, #tpu.memory_space<hbm>> -> memref<1024xi32, #tpu.memory_space<hbm>>
        %dma_start3A_837 = tpu.memref_slice %arg4[%mul3A_835] : memref<161792xi32, #tpu.memory_space<hbm>> -> memref<1024xi32, #tpu.memory_space<hbm>>
        tpu.enqueue_dma source(%dma_start3A_837 : memref<1024xi32, #tpu.memory_space<hbm>>) target(%arg11 : memref<1024xi32, #tpu.memory_space<vmem>>) target_semaphore(%arg17 : memref<!tpu.dma_semaphore, #tpu.memory_space<semaphore_mem>>)
        %mul3A_838 = arith.constant 1024 : i32
        %mul3A_839 = arith.muli %add3A_827, %mul3A_838 : i32
        %dma_start3A_840 = tpu.memref_slice %arg5[%mul3A_839] : memref<161792xf32, #tpu.memory_space<hbm>> -> memref<1024xf32, #tpu.memory_space<hbm>>
        %dma_start3A_841 = tpu.memref_slice %arg5[%mul3A_839] : memref<161792xf32, #tpu.memory_space<hbm>> -> memref<1024xf32, #tpu.memory_space<hbm>>
        tpu.enqueue_dma source(%dma_start3A_841 : memref<1024xf32, #tpu.memory_space<hbm>>) target(%arg13 : memref<1024xf32, #tpu.memory_space<vmem>>) target_semaphore(%arg17 : memref<!tpu.dma_semaphore, #tpu.memory_space<semaphore_mem>>)
      } else {
      }
    }
    %scan3A_774 = arith.constant 79 : i32
    "tpu.region"() ({
      %run_scoped3A = tpu.sem_alloc : memref<!tpu.dma_semaphore, #tpu.memory_space<semaphore_mem>>
      %dma_start3A_775 = arith.constant 0 : i32
      %dma_start3A_776 = tpu.memref_slice %arg6[%add3A, %dma_start3A_775] : memref<32x81920xf32, #tpu.memory_space<hbm>> -> memref<1x81920xf32, #tpu.memory_space<hbm>>
      %dma_start3A_777 = tpu.memref_squeeze %dma_start3A_776 : memref<1x81920xf32, #tpu.memory_space<hbm>> -> memref<81920xf32, #tpu.memory_space<hbm>>
      %dma_start3A_778 = arith.constant 0 : i32
      %dma_start3A_779 = tpu.memref_slice %arg6[%add3A, %dma_start3A_778] : memref<32x81920xf32, #tpu.memory_space<hbm>> -> memref<1x81920xf32, #tpu.memory_space<hbm>>
      %dma_start3A_780 = tpu.memref_squeeze %dma_start3A_779 : memref<1x81920xf32, #tpu.memory_space<hbm>> -> memref<81920xf32, #tpu.memory_space<hbm>>
      tpu.enqueue_dma source(%arg7 : memref<81920xf32, #tpu.memory_space<vmem>>) target(%dma_start3A_780 : memref<81920xf32, #tpu.memory_space<hbm>>) target_semaphore(%run_scoped3A : memref<!tpu.dma_semaphore, #tpu.memory_space<semaphore_mem>>)
      %dma_wait3A_781 = arith.constant 0 : i32
      %dma_wait3A_782 = tpu.memref_slice %arg6[%add3A, %dma_wait3A_781] : memref<32x81920xf32, #tpu.memory_space<hbm>> -> memref<1x81920xf32, #tpu.memory_space<hbm>>
      %dma_wait3A_783 = tpu.memref_squeeze %dma_wait3A_782 : memref<1x81920xf32, #tpu.memory_space<hbm>> -> memref<81920xf32, #tpu.memory_space<hbm>>
      %dma_wait3A_784 = arith.constant 0 : i32
      %dma_wait3A_785 = tpu.memref_slice %arg6[%add3A, %dma_wait3A_784] : memref<32x81920xf32, #tpu.memory_space<hbm>> -> memref<1x81920xf32, #tpu.memory_space<hbm>>
      %dma_wait3A_786 = tpu.memref_squeeze %dma_wait3A_785 : memref<1x81920xf32, #tpu.memory_space<hbm>> -> memref<81920xf32, #tpu.memory_space<hbm>>
      tpu.wait_dma2 semaphore(%run_scoped3A : memref<!tpu.dma_semaphore, #tpu.memory_space<semaphore_mem>>) src(%arg7 : memref<81920xf32, #tpu.memory_space<vmem>>) dst(%dma_wait3A_786 : memref<81920xf32, #tpu.memory_space<hbm>>)
      tpu.yield
    }) : () -> ()
    return
  }
}

module attributes {stable_mosaic.version = 14 : i64} {
  func.func @_m0_body(%arg0: i32, %arg1: memref<1000x256xf32, #tpu.memory_space<vmem>>, %arg2: memref<256x256xf32, #tpu.memory_space<vmem>>, %arg3: memref<1x256xf32, #tpu.memory_space<vmem>>, %arg4: memref<1000x256xf32, #tpu.memory_space<vmem>>) attributes {dimension_semantics = [#tpu.dimension_semantics<arbitrary>], iteration_bounds = array<i64: 10>, scalar_prefetch = 0 : i64, scratch_operands = 0 : i64, tpu.core_type = #tpu.core_type<tc>, window_params = [{transform_indices = @transform_0, window_bounds = array<i64: 1000, 256>}, {pipeline_mode = #tpu.pipeline_mode<synchronous>, transform_indices = @transform_1, window_bounds = array<i64: 256, 256>}, {pipeline_mode = #tpu.pipeline_mode<synchronous>, transform_indices = @transform_2, window_bounds = array<i64: 1, 256>}, {transform_indices = @transform_3, window_bounds = array<i64: 1000, 256>}]} {
    %get3A = arith.constant 0 : index
    %get3A_0 = arith.constant 0 : index
    %get3A_1 = vector.load %arg1[%get3A, %get3A_0] : memref<1000x256xf32, #tpu.memory_space<vmem>>, vector<1000x256xf32>
    %get3A_2 = arith.constant 0 : index
    %get3A_3 = arith.constant 0 : index
    %get3A_4 = vector.load %arg2[%get3A_2, %get3A_3] : memref<256x256xf32, #tpu.memory_space<vmem>>, vector<256x256xf32>
    %dot_general3A = arith.constant dense<0.000000e+00> : vector<1000x256xf32>
    %dot_general3A_5 = tpu.matmul %get3A_1, %get3A_4, %dot_general3A {dimension_numbers = #tpu.dot_dimension_numbers<[1], [0], [0], [1], [0, 0, 1, 1], [], []>, precision = #tpu.contract_precision<fp32>, transpose_lhs_hint = false} : vector<1000x256xf32>, vector<256x256xf32>, vector<1000x256xf32> -> vector<1000x256xf32>
    %get3A_6 = arith.constant 0 : index
    %get3A_7 = arith.constant 0 : index
    %get3A_8 = vector.load %arg3[%get3A_6, %get3A_7] : memref<1x256xf32, #tpu.memory_space<vmem>>, vector<1x256xf32>
    %add3A = vector.broadcast %get3A_8 : vector<1x256xf32> to vector<1000x256xf32>
    %add3A_9 = arith.addf %dot_general3A_5, %add3A : vector<1000x256xf32>
    %swap3A = arith.constant 0 : index
    %swap3A_10 = arith.constant 0 : index
    %swap3A_11 = vector.load %arg4[%swap3A, %swap3A_10] : memref<1000x256xf32, #tpu.memory_space<vmem>>, vector<1000x256xf32>
    tpu.vector_store %arg4[%swap3A, %swap3A_10], %add3A_9 {strides = array<i32>} : memref<1000x256xf32, #tpu.memory_space<vmem>>, vector<1000x256xf32>,
    return
  }
  func.func @transform_0(%arg0: i32) -> (i32, i32) {
    %c0_i32 = arith.constant 0 : i32
    %c0_i32_0 = arith.constant 0 : i32
    return %arg0, %c0_i32 : i32, i32
  }
  func.func @transform_1(%arg0: i32) -> (i32, i32) {
    %c0_i32 = arith.constant 0 : i32
    %c0_i32_0 = arith.constant 0 : i32
    %c0_i32_1 = arith.constant 0 : i32
    return %c0_i32, %c0_i32_0 : i32, i32
  }
  func.func @transform_2(%arg0: i32) -> (i32, i32) {
    %c0_i32 = arith.constant 0 : i32
    %c0_i32_0 = arith.constant 0 : i32
    %c0_i32_1 = arith.constant 0 : i32
    return %c0_i32, %c0_i32_0 : i32, i32
  }
  func.func @transform_3(%arg0: i32) -> (i32, i32) {
    %c0_i32 = arith.constant 0 : i32
    %c0_i32_0 = arith.constant 0 : i32
    return %arg0, %c0_i32 : i32, i32
  }
}

module attributes {stable_mosaic.version = 14 : i64} {
  func.func @_out_body(%arg0: i32, %arg1: memref<1000x256xf32, #tpu.memory_space<vmem>>, %arg2: memref<1000x256xf32, #tpu.memory_space<vmem>>, %arg3: memref<256x256xf32, #tpu.memory_space<vmem>>, %arg4: memref<1000x256xf32, #tpu.memory_space<vmem>>) attributes {dimension_semantics = [#tpu.dimension_semantics<arbitrary>], iteration_bounds = array<i64: 10>, scalar_prefetch = 0 : i64, scratch_operands = 0 : i64, tpu.core_type = #tpu.core_type<tc>, window_params = [{transform_indices = @transform_0, window_bounds = array<i64: 1000, 256>}, {transform_indices = @transform_1, window_bounds = array<i64: 1000, 256>}, {pipeline_mode = #tpu.pipeline_mode<synchronous>, transform_indices = @transform_2, window_bounds = array<i64: 256, 256>}, {transform_indices = @transform_3, window_bounds = array<i64: 1000, 256>}]} {
    %get3A = arith.constant 0 : index
    %get3A_0 = arith.constant 0 : index
    %get3A_1 = vector.load %arg1[%get3A, %get3A_0] : memref<1000x256xf32, #tpu.memory_space<vmem>>, vector<1000x256xf32>
    %get3A_2 = arith.constant 0 : index
    %get3A_3 = arith.constant 0 : index
    %get3A_4 = vector.load %arg2[%get3A_2, %get3A_3] : memref<1000x256xf32, #tpu.memory_space<vmem>>, vector<1000x256xf32>
    %get3A_5 = arith.constant 0 : index
    %get3A_6 = arith.constant 0 : index
    %get3A_7 = vector.load %arg3[%get3A_5, %get3A_6] : memref<256x256xf32, #tpu.memory_space<vmem>>, vector<256x256xf32>
    %dot_general3A = arith.constant dense<0.000000e+00> : vector<1000x256xf32>
    %dot_general3A_8 = tpu.matmul %get3A_4, %get3A_7, %dot_general3A {dimension_numbers = #tpu.dot_dimension_numbers<[1], [0], [0], [1], [0, 0, 1, 1], [], []>, precision = #tpu.contract_precision<fp32>, transpose_lhs_hint = false} : vector<1000x256xf32>, vector<256x256xf32>, vector<1000x256xf32> -> vector<1000x256xf32>
    %add3A = arith.addf %get3A_1, %dot_general3A_8 : vector<1000x256xf32>
    %ge3A = arith.constant 0.000000e+00 : f32
    %ge3A_9 = vector.broadcast %ge3A : f32 to vector<1000x256xf32>
    %ge3A_10 = arith.cmpf oge, %add3A, %ge3A_9 : vector<1000x256xf32>
    %mul3A = arith.constant 0.00999999977 : f32
    %mul3A_11 = vector.broadcast %mul3A : f32 to vector<1000x256xf32>
    %mul3A_12 = arith.mulf %mul3A_11, %add3A : vector<1000x256xf32>
    %select_n3A = arith.select %ge3A_10, %add3A, %mul3A_12 : vector<1000x256xi1>, vector<1000x256xf32>
    %swap3A = arith.constant 0 : index
    %swap3A_13 = arith.constant 0 : index
    %swap3A_14 = vector.load %arg4[%swap3A, %swap3A_13] : memref<1000x256xf32, #tpu.memory_space<vmem>>, vector<1000x256xf32>
    tpu.vector_store %arg4[%swap3A, %swap3A_13], %select_n3A {strides = array<i32>} : memref<1000x256xf32, #tpu.memory_space<vmem>>, vector<1000x256xf32>,
    return
  }
  func.func @transform_0(%arg0: i32) -> (i32, i32) {
    %c0_i32 = arith.constant 0 : i32
    %c0_i32_0 = arith.constant 0 : i32
    return %arg0, %c0_i32 : i32, i32
  }
  func.func @transform_1(%arg0: i32) -> (i32, i32) {
    %c0_i32 = arith.constant 0 : i32
    %c0_i32_0 = arith.constant 0 : i32
    return %arg0, %c0_i32 : i32, i32
  }
  func.func @transform_2(%arg0: i32) -> (i32, i32) {
    %c0_i32 = arith.constant 0 : i32
    %c0_i32_0 = arith.constant 0 : i32
    %c0_i32_1 = arith.constant 0 : i32
    return %c0_i32, %c0_i32_0 : i32, i32
  }
  func.func @transform_3(%arg0: i32) -> (i32, i32) {
    %c0_i32 = arith.constant 0 : i32
    %c0_i32_0 = arith.constant 0 : i32
    return %arg0, %c0_i32 : i32, i32
  }
}

</mosaic_0001>

<sc_bundles>
// kernel: kernel.6.cloned.1.call-start
scs
__scs_entry_jumppad:
0x0: {  	(pc) =	sbr.rel $0x88, $3  }
0x1: {  	(tag) =	ssettag $0x0;
	lr =	simm.s32 $0x1  }
0x2: {  	[smem:$0x3F9B] =	sst lr;
	_ =	strace $0xD0000000  }
0x3: {  	_ = 	snop  }
0x4: {  	_ = 	snop  }
0x5: {  	_ = 	snop  }
0x6: {  	_ = 	snop  }
0x7: {  	_ = 	snop  }
__scs_overlays_trampoline_lowered:
0x8: {  	[smem:$0x3FAA] =	sst s0  }
0x9: {  	[smem:$0x3FAB] =	sst s1  }
0xa: {  	[smem:$0x3FAC] =	sst s2  }
0xb: {  	[smem:$0x3FAD] =	sst s3  }
0xc: {  	[smem:$0x3FAE] =	sst s4  }
0xd: {  	[smem:$0x3FAF] =	sst s5  }
0xe: {  	[smem:$0x3FB0] =	sst s6  }
0xf: {  	[smem:$0x3FB1] =	sst s7  }
0x10: {  	[smem:$0x3FB2] =	sst s8  }
0x11: {  	[smem:$0x3FB3] =	sst s9;
	s0 =	simm.s32 @!p0 $0x0  }
0x12: {  	s1 =	sld [smem:$0x3F99];
	s0 =	simm.s32 @p0 $0x1  }
0x13: {  	[smem:$0x3FB4] =	sst s0;
	s0 =	simm.s32 @!p1 $0x0  }
0x14: {  	s2 =	sld [smem:$0x3F98];
	s0 =	simm.s32 @p1 $0x1  }
0x15: {  	[smem:$0x3FB5] =	sst s0;
	s0 =	simm.s32 @!p2 $0x0  }
0x16: {  	s3 =	sld [smem:$0x3FDB];
	s0 =	simm.s32 @p2 $0x1  }
0x17: {  	s4 =	simm.s32 $0x1BF5;
	[smem:$0x3FB7] =	sst s0  }
0x18: {  	s0 =	sld [smem:$0x3F9A];
	_ =	swait.ge [sflag:s4], $0x0  }
0x19: {  	s7 =	sld [smem:$0x3F9B]  }
0x1a: {  	s8 =	sadd.s32 $0xFFFFE003, lr  }
0x1b: {  	s9 =	sadd.s32 $0xFFFFFEF7, lr;
	s5 =	simm.s32 $0xFFFFFFFF;
	p2 =	slt.u32 s8, $0xFFFFF086  }
0x1c: {  	p1 =	slt.u32 s9, $0xF7A;
	s5 =	simm.s32 @!p2 $0x0  }
0x1d: {  	s5 =	simm.s32 @p1 $0x1;
	p0 =	seq.s32 s7, s2  }
0x1e: {  	s7 =	smul.u32 @!p0 $0xF7A, s2;
	p2 =	seq.s32 @!p0 s5, $0x0  }
0x1f: {  	s9 =	smul.u32 $0xF7A, s1;
	s8 =	simm.s32 @!p0 $0x1BF5;
	p2 =	por !p2, p0  }
0x20: {  	[sflag:s8] =	ssyncset.s32 @!p0 $0xFFFFF086;
	s6 =	sadd.s32 @!p0 s3, s7;
	s7 =	simm.s32 @!p0 $0x108  }
0x21: {  	s3 =	sadd.s32 s3, s9;
	s6 =	sadd.s32 @!p0 $0x88, s6;
	s7 =	simm.s32 @p2 $0x1082  }
0x22: {  	[simem:s7], [sflag:s8] =	dma.local @!p0 [hbm:s6], $0xF7A  }
0x23: {  	s9 =	sor.u32 $0xD0000000, s2;
	s6 =	simm.s32 $0x108;
	_ =	swait.ge @!p0 [sflag:s8], $0x0  }
0x24: {  	s3 =	sadd.s32 $0x88, s3;
	s6 =	simm.s32 @!p1 $0x1082;
	[sflag:s4] =	ssyncset.s32 $0xFFFFF086  }
0x25: {  	[simem:s6], [sflag:s4] =	dma.local [hbm:s3], $0xF7A  }
0x26: {  	[smem:$0x3F9B] =	sst s1;
	(tag) =	ssettag s2;
	_ =	strace s9  }
0x27: {  	s1 =	sld [smem:$0x3FAB]  }
0x28: {  	s2 =	sld [smem:$0x3FAC]  }
0x29: {  	s4 =	sld [smem:$0x3FAE]  }
0x2a: {  	p0 =	seq.s32 s5, $0x0;
	s5 =	sld [smem:$0x3FAF]  }
0x2b: {  	s6 =	sld [smem:$0x3FB0]  }
0x2c: {  	s7 =	sld [smem:$0x3FB1]  }
0x2d: {  	s3 =	simm.s32 $0x108;
	s8 =	sld [smem:$0x3FB2]  }
0x2e: {  	s3 =	simm.s32 @!p0 $0x1082;
	s9 =	sld [smem:$0x3FB3]  }
0x2f: {  	lr =	sadd.s32 s0, s3;
	s0 =	sld [smem:$0x3FAA]  }
0x30: {  	s3 =	sld [smem:$0x3FAD]  }
0x31: {  	[smem:$0x3FB6] =	sst s10  }
0x32: {  	s10 =	sld [smem:$0x3FB4];
	_ =	sdelay $0x3  }
0x33: {  	p0 =	seq.s32 s10, $0x1;
	s10 =	sld [smem:$0x3FB6];
	_ =	sdelay $0x3  }
0x34: {  	[smem:$0x3FB6] =	sst s10  }
0x35: {  	s10 =	sld [smem:$0x3FB5];
	_ =	sdelay $0x3  }
0x36: {  	p1 =	seq.s32 s10, $0x1;
	s10 =	sld [smem:$0x3FB6];
	_ =	sdelay $0x3  }
0x37: {  	[smem:$0x3FB6] =	sst s10  }
0x38: {  	s10 =	sld [smem:$0x3FB7]  }
0x39: {  	_ = 	snop;
	(pc) =	sbr.ind lr, $3  }
0x3a: {  	_ = 	snop  }
0x3b: {  	_ = 	snop  }
0x3c: {  	p2 =	seq.s32 s10, $0x1;
	s10 =	sld [smem:$0x3FB6]  }
0x3d: {  	_ =	shalt  }
0x3e: {  	_ =	shalt  }
0x3f: {  	_ =	shalt  }
0x40: {  	_ =	shalt  }
0x41: {  	_ =	shalt  }
0x42: {  	_ =	shalt  }
0x43: {  	_ =	shalt  }
0x44: {  	_ =	shalt  }
0x45: {  	_ =	shalt  }
0x46: {  	_ =	shalt  }
0x47: {  	_ =	shalt  }
0x48: {  	_ =	shalt  }
0x49: {  	_ =	shalt  }
0x4a: {  	_ =	shalt  }
0x4b: {  	_ =	shalt  }
0x4c: {  	_ =	shalt  }
0x4d: {  	_ =	shalt  }
0x4e: {  	_ =	shalt  }
0x4f: {  	_ =	shalt  }
0x50: {  	_ =	shalt  }
0x51: {  	_ =	shalt  }
0x52: {  	_ =	shalt  }
0x53: {  	_ =	shalt  }
0x54: {  	_ =	shalt  }
0x55: {  	_ =	shalt  }
0x56: {  	_ =	shalt  }
0x57: {  	_ =	shalt  }
0x58: {  	_ =	shalt  }
0x59: {  	_ =	shalt  }
0x5a: {  	_ =	shalt  }
0x5b: {  	_ =	shalt  }
0x5c: {  	_ =	shalt  }
0x5d: {  	_ =	shalt  }
0x5e: {  	_ =	shalt  }
0x5f: {  	_ =	shalt  }
0x60: {  	_ =	shalt  }
0x61: {  	_ =	shalt  }
0x62: {  	_ =	shalt  }
0x63: {  	_ =	shalt  }
0x64: {  	_ =	shalt  }
0x65: {  	_ =	shalt  }
0x66: {  	_ =	shalt  }
0x67: {  	_ =	shalt  }
0x68: {  	_ =	shalt  }
0x69: {  	_ =	shalt  }
0x6a: {  	_ =	shalt  }
0x6b: {  	_ =	shalt  }
0x6c: {  	_ =	shalt  }
0x6d: {  	_ =	shalt  }
0x6e: {  	_ =	shalt  }
0x6f: {  	_ =	shalt  }
0x70: {  	_ =	shalt  }
0x71: {  	_ =	shalt  }
0x72: {  	_ =	shalt  }
0x73: {  	_ =	shalt  }
0x74: {  	_ =	shalt  }
0x75: {  	_ =	shalt  }
0x76: {  	_ =	shalt  }
0x77: {  	_ =	shalt  }
0x78: {  	_ =	shalt  }
0x79: {  	_ =	shalt  }
0x7a: {  	_ =	shalt  }
0x7b: {  	_ =	shalt  }
0x7c: {  	_ =	shalt  }
0x7d: {  	_ =	shalt  }
0x7e: {  	_ =	shalt  }
0x7f: {  	_ =	shalt  }
0x80: {  	_ =	shalt  }
0x81: {  	_ =	shalt  }
0x82: {  	_ =	shalt  }
0x83: {  	_ =	shalt  }
0x84: {  	_ =	shalt  }
0x85: {  	_ =	shalt  }
0x86: {  	_ =	shalt  }
0x87: {  	_ =	shalt  }
.Lfunc_end0:
.L_simem_size_0:
called_computation_lowered:
.L_overlay_start_0:
0x88: {  	s2 =	sld [smem:$0x3FD9]  }
0x89: {  	s3 =	sld [smem:$0x3FFE];
	_ =	sdelay $0x1  }
0x8a: {  	s1 =	srdreg.scid  }
0x8b: {  	s0 =	sand.u32 $0x1, s1  }
0x8c: {  	s16 =	sshll.u32 s0, $0xA;
	s2 =	sadd.s32 s3, s2  }
0x8d: {  	s2 =	sadd.s32 s2, s16  }
0x8e: {  	[smem:$0x3FC2] =	sst s2  }
0x8f: {  	_ = 	snop  }
0x90: {  	(tm) =	ssettm $0x1  }
0x91: {  	s17 =	sld [smem:$0x3FFB];
	_ =	sdelay $0x3  }
0x92: {  	_ =	strace s17  }
0x93: {  	s2 =	sld [smem:$0x3FFC];
	_ =	sdelay $0x3  }
0x94: {  	_ =	strace s2  }
0x95: {  	s2 =	sld [smem:$0x3FFD];
	_ =	sdelay $0x3  }
0x96: {  	_ =	strace s2  }
0x97: {  	_ =	strace $0x8FFFFFFF  }
0x98: {  	s18 =	sld [smem:$0x3FDB];
	_ =	sdelay $0x1  }
0x99: {  	s19 =	simm.s32 $_scs_section_size  }
0x9a: {  	s4 =	simm.s32 $_size__tile_overlayer_lowered;
	s5 =	simm.s32 $_tile_overlayer_lowered  }
0x9b: {  	s22 =	simm.s32 $0x1BFF;
	s21 =	sshll.u32 s5, $0x1;
	s2 =	sadd.s32 s19, s18  }
0x9c: {  	s6 =	simm.s32 $0x0;
	s20 =	sshll.u32 s4, $0x1;
	s4 =	sadd.s32 s21, s2  }
0x9d: {  	[timem:s6], [sflag:s22] =	dma.local [hbm:s4], s20  }
0x9e: {  	_ =	swait.ge [sflag:s22], s20  }
0x9f: {  	s3 =	ssub.s32 $0x0, s20;
	[sflag:s22] =	ssyncset.done $0x0  }
0xa0: {  	[sflag:s22] =	ssyncadd.s32 s3;
	_ =	sdelay $0x1  }
0xa1: {  	s23 =	simm.s32 $0x1B8B  }
0xa2: {  	_ =	swait.ge [sflag:s23], $0x1  }
0xa3: {  	[sflag:s23] =	ssyncset.done $0x0  }
0xa4: {  	s25 =	simm.s32 $0x1B8E;
	s24 =	sld [smem:$0x3FFE];
	[sflag:s23] =	ssyncadd.s32 $0xFFFFFFFF  }
0xa5: {  	s26 =	simm.s32 $execute0_lowered;
	[smem:$0x3FD2] =	sst s25  }
0xa6: {  	s4 =	sshll.u32 s26, $0x1;
	_ =	strace $0x80000046;
	[dreg:$0x1] =	wrdreg $0xFFFFFFFF  }
0xa7: {  	s28 =	simm.s32 $_size_execute0_lowered;
	s2 =	sadd.s32 s2, s4;
	[dreg:$0x0] =	wrdreg $0x0  }
0xa8: {  	s4 =	sshll.u32 s28, $0x1;
	[dreg:$0x2] =	wrdreg s2  }
0xa9: {  	[dreg:$0x3] =	wrdreg s4  }
0xaa: {  	[dreg:$0x4] =	wrdreg $0xC0  }
0xab: {  	_ =	task [dreg:s6], $0x5FFFF  }
0xac: {  	[dreg:$0x1] =	wrdreg $0xFFFFFFFF  }
0xad: {  	[dreg:$0x0] =	wrdreg $0x60  }
0xae: {  	[dreg:$0x2] =	wrdreg s24  }
0xaf: {  	[dreg:$0x3] =	wrdreg $0xCB000  }
0xb0: {  	[dreg:$0x4] =	wrdreg $0xF3000  }
0xb1: {  	[dreg:$0x5] =	wrdreg $0x9  }
0xb2: {  	_ =	task.clear_ibuf [dreg:s6], $0x6FFFF;
	_ =	strace $0x90000046  }
0xb3: {  	s29 =	simm.s32 $0x9;
	_ =	strace $0x80000048  }
0xb4: {  	_ =	swait.ge [sflag:s29], $0x1  }
0xb5: {  	[sflag:s29] =	ssyncadd.s32 $0xFFFFFFFF  }
0xb6: {  	_ =	strace $0x90000048  }
0xb7: {  	_ =	sfence  }
0xb8: {  	s30 =	sld [smem:$0x0];
	_ =	sdelay $0x2  }
0xb9: {  	s31 =	sshll.u32 s1, $0xD;
	s1 =	sshrl.u32 s1, $0x2  }
0xba: {  	s3 =	sand.u32 $0x4000, s31;
	s1 =	sadd.s32 s1, s30  }
0xbb: {  	s0 =	sor.u32 s3, s0;
	s1 =	sshll.u32 s1, $0x11  }
0xbc: {  	s0 =	sor.u32 s1, s0  }
0xbd: {  	s0 =	sadd.s32 $0x8F2B, s0  }
0xbe: {  	[sflag:s0] =	ssyncadd.remote.s32 $0x1  }
0xbf: {  	_ =	sfence.sel $0xFFFF  }
0xc0: {  	[dreg:$0x0] =	wrdreg $0xFFFFFFFF;
	(pc) =	sbr.abs _section_cstart, $3  }
0xc1: {  	[dreg:$0x1] =	wrdreg $0xFFFFFFFF  }
0xc2: {  	_ =	task.clear_ibuf [dreg:s6], $0x2FFFF;
	_ =	strace $0x9FFFFFFF  }
0xc3: {  	(tm) =	ssettm $0x7FFFFFFF  }
tec
execute0_lowered:
.L_overlay_start_1:
0x0: {  	(tag) =	ssettag $0x1  }
0x1: {  	s0 =	rddreg [dreg:$0x0]  }
0x2: {  	s2 =	rddreg [dreg:$0x1]  }
0x3: {  	s1 =	srdreg.scid;
	s12 =	rddreg [dreg:$0x2];
	s3 =	simm.s32 $0x0  }
0x4: {  	s11 =	stileid.u32;
	s1 =	sand.u32 $0x1, s1;
	[smem:$0x7FF] =	sst s3  }
0x5: {  	s5 =	sadd.s32 $0xAE00, s0;
	s7 =	smul.u32 $0x4F0, s11;
	s8 =	sadd.s32 $0x5E00, s0  }
0x6: {  	s6 =	smul.u32 $0xA000, s11;
	s9 =	sadd.s32 $0xE00, s0;
	s4 =	sshll.u32 s1, $0x4  }
0x7: {  	_ =	strace $0x80000047;
	s1 =	ssub.s32 $0x2, s1;
	s4 =	sor.u32 s11, s4  }
0x8: {  	s10 =	sshrl.u32 s1, $0x1;
	s11 =	smul.u32 $0x280, s11;
	s20 =	sadd.s32 s5, s7  }
0x9: {  	s21 =	sadd.s32 s8, s7;
	s22 =	sshrl.u32 s6, $0x2;
	[dreg:$0x4] =	wrdreg s20  }
0xa: {  	s7 =	sadd.s32 s9, s7;
	s4 =	smul.u32 $0x278, s4;
	[dreg:$0x5] =	wrdreg s21  }
0xb: {  	s1 =	ssub.s32 s1, s10;
	[dreg:$0x6] =	wrdreg s7;
	s7 =	simm.s32 $0xC880  }
0xc: {  	s6 =	sadd.s32 s11, s2;
	s2 =	sadd.s32 s22, s2;
	s19 =	sadd.s32 s11, s12  }
0xd: {  	s0 =	sadd.s32 s4, s0;
	[dreg:$0x7] =	wrdreg s2;
	s23 =	sadd.s32 $0x2800, s6  }
0xe: {  	s24 =	sadd.s32 $0x5000, s6;
	s25 =	sadd.s32 $0x7800, s6;
	s26 =	sadd.s32 $0xA000, s6  }
0xf: {  	s13 =	sadd.s32 $0xC800, s6;
	s14 =	sadd.s32 $0xF000, s6;
	s15 =	sadd.s32 $0x11800, s6  }
0x10: {  	s16 =	sadd.s32 $0x14000, s6;
	s17 =	sadd.s32 $0x16800, s6;
	s18 =	sadd.s32 $0x19000, s6  }
0x11: {  	s20 =	sadd.s32 s5, s4;
	s21 =	sadd.s32 s8, s4;
	s22 =	sadd.s32 s9, s4  }
0x12: {  	s28 =	sadd.s32 $0x1E000, s6;
	s29 =	sadd.s32 $0x20800, s6;
	[dreg:$0x8] =	wrdreg s23  }
0x13: {  	s30 =	sadd.s32 $0x23000, s6;
	s31 =	sadd.s32 $0x25800, s6;
	[dreg:$0x9] =	wrdreg s24  }
0x14: {  	s2 =	simm.s32 $0x4F00;
	s4 =	simm.s32 $0x9E00;
	[dreg:$0xa] =	wrdreg s25  }
0x15: {  	s5 =	simm.s32 $0xC600;
	s8 =	simm.s32 $0x0;
	[dreg:$0xb] =	wrdreg s26  }
0x16: {  	s23 =	sadd.s32 $0xFE00, s0;
	s24 =	sadd.s32 $0x14E00, s0;
	s25 =	smax.u32 s1, $0x1  }
0x17: {  	v0 =	vimm.f32 $0.0e+00;
	s26 =	sadd.s32 $0x1B800, s6;
	s0 =	simm.s32 $0x1;
	s1 =	simm.s32 $0x2780  }
.LBB2_1:
0x18: {  	s9 =	rddreg [dreg:$0x4]  }
0x19: {  	[tilespmem:s3], [sflag:$0x1] =	stream.linear.gather [hbm4b:s9+s3], $0x2780, $0x38;
	[tilespmem:$0xF580] =	vst v63  }
0x1a: {  	_ =	swait.ge [sflag:s0], $0x2780  }
0x1b: {  	[sflag:s0] =	ssyncset.done $0x0  }
0x1c: {  	s11 =	rddreg [dreg:$0x5];
	[sflag:s0] =	ssyncadd.s32 $0xFFFFD880  }
0x1d: {  	[tilespmem:s1], [sflag:$0x1] =	stream.linear.gather [hbm4b:s11+s3], $0x2780, $0x38;
	[tilespmem:$0xF580] =	vst v63  }
0x1e: {  	_ =	swait.ge [sflag:s0], $0x2780  }
0x1f: {  	[sflag:s0] =	ssyncset.done $0x0  }
0x20: {  	s12 =	rddreg [dreg:$0x6];
	[sflag:s0] =	ssyncadd.s32 $0xFFFFD880  }
0x21: {  	[tilespmem:s2], [sflag:$0x1] =	stream.linear.gather [hbm4b:s12+s3], $0x2780, $0x38;
	[tilespmem:$0xF580] =	vst v63  }
0x22: {  	_ =	swait.ge [sflag:s0], $0x2780  }
0x23: {  	[sflag:s0] =	ssyncset.done $0x0  }
0x24: {  	s10 =	simm.s32 $0x200;
	s9 =	simm.s32 $0x0;
	[sflag:s0] =	ssyncadd.s32 $0xFFFFD880  }
.LBB2_2:
0x25: {  	p0 =	sne.s32 s10, $0x9E00;
	[tilespmem:s9+$0x9E70] =	vst v0  }
0x26: {  	[tilespmem:s9+$0x9E00] =	vst v0  }
0x27: {  	[tilespmem:s9+$0x9E10] =	vst v0  }
.Ltmp0:
0x28: {  	[tilespmem:s9+$0x9E20] =	vst v0;
	(pc) =	sbr.rel @p0 .LBB2_2-.Ltmp0, $4  }
0x29: {  	[tilespmem:s9+$0x9E30] =	vst v0  }
0x2a: {  	[tilespmem:s9+$0x9E40] =	vst v0  }
0x2b: {  	[tilespmem:s9+$0x9E50] =	vst v0  }
0x2c: {  	[tilespmem:s9+$0x9E60] =	vst v0;
	s9 =	sshra.s32 s10, $0x2;
	s10 =	sadd.s32 $0x200, s10  }
0x2d: {  	[tilespmem:s9+$0x9E70] =	vst v0  }
0x2e: {  	[tilespmem:s9+$0x9E00] =	vst v0  }
0x2f: {  	[tilespmem:s9+$0x9E10] =	vst v0  }
0x30: {  	[tilespmem:s9+$0x9E20] =	vst v0  }
0x31: {  	[tilespmem:s9+$0x9E30] =	vst v0  }
0x32: {  	[tilespmem:s9+$0x9E40] =	vst v0  }
0x33: {  	[tilespmem:s9+$0x9E50] =	vst v0  }
0x34: {  	[tilespmem:s9+$0x9E60] =	vst v0;
	s10 =	simm.s32 $0x0;
	s9 =	simm.s32 $0x40  }
.LBB2_4:
0x35: {  	p0 =	sne.s32 s9, $0x9DC0;
	v1 =	vld [tilespmem:s10+$0x0]  }
0x36: {  	v2 =	vld [tilespmem:s10+$0x2780]  }
0x37: {  	v3 =	vld [tilespmem:s10+$0x4F00];
	_ =	sdelay $0x1  }
.Ltmp1:
0x38: {  	(pc) =	sbr.rel @p0 .LBB2_4-.Ltmp1, $4  }
0x39: {  	_ = 	snop  }
0x3a: {  	vm0 =	veq.s32 v1, v2  }
0x3b: {  	v2 =	vsel vm0, $0x0, v3  }
0x3c: {  	s10 =	sshra.s32 s9, $0x2;
	s9 =	sadd.s32 $0x40, s9;
	[tilespmem:v1+s4+$0x0] =	vst.idx.add.f32.msk $0xffff, v2  }
0x3d: {  	v1 =	vld [tilespmem:s10+$0x0]  }
0x3e: {  	v2 =	vld [tilespmem:s10+$0x2780]  }
0x3f: {  	v3 =	vld [tilespmem:s10+$0x4F00];
	_ =	sdelay $0x3  }
0x40: {  	vm0 =	veq.s32 v1, v2  }
0x41: {  	v2 =	vsel vm0, $0x0, v3  }
0x42: {  	s9 =	rddreg [dreg:$0x7];
	[tilespmem:v1+s4+$0x0] =	vst.idx.add.f32.msk $0xffff, v2  }
0x43: {  	[spmem:s9] =	stream.linear.scatter [tilespmem:s4], [sflag:$0x1], $0x2800, $0x38;
	[tilespmem:$0xF580] =	vst v63  }
0x44: {  	_ =	swait.ge [sflag:s0], $0x2800  }
0x45: {  	[sflag:s0] =	ssyncset.done $0x0  }
0x46: {  	[sflag:s0] =	ssyncadd.s32 $0xFFFFD800  }
0x47: {  	[bflag:$0x0] =	sbarrier.arrive $0xFFFF  }
0x48: {  	[tilespmem:s5], [sflag:$0x1] =	stream.linear.gather [spmem:s6], $0x280, $0x38;
	[tilespmem:$0xF580] =	vst v63  }
0x49: {  	_ =	swait.ge [sflag:s0], $0x280  }
0x4a: {  	[sflag:s0] =	ssyncset.done $0x0  }
0x4b: {  	s12 =	rddreg [dreg:$0x8];
	[sflag:s0] =	ssyncadd.s32 $0xFFFFFD80  }
0x4c: {  	[tilespmem:s7], [sflag:$0x1] =	stream.linear.gather [spmem:s12], $0x280, $0x38;
	[tilespmem:$0xF580] =	vst v63  }
0x4d: {  	_ =	swait.ge [sflag:s0], $0x280  }
0x4e: {  	[sflag:s0] =	ssyncset.done $0x0  }
0x4f: {  	s9 =	simm.s32 $0x0;
	[sflag:s0] =	ssyncadd.s32 $0xFFFFFD80  }
0x50: {  	s10 =	simm.s32 $0x40;
	v1 =	vld [tilespmem:s9+$0xC880]  }
.LBB2_6:
0x51: {  	p0 =	sne.s32 s10, $0x9C0;
	v2 =	vld [tilespmem:s9+$0xC600];
	_ =	sdelay $0x2  }
.Ltmp2:
0x52: {  	(pc) =	sbr.rel @p0 .LBB2_6-.Ltmp2, $4  }
0x53: {  	_ = 	snop  }
0x54: {  	v2 =	vadd.f32 v1, v2  }
0x55: {  	s11 =	sshra.s32 s10, $0x2  }
0x56: {  	s10 =	sadd.s32 $0x40, s10;
	v1 =	vld [tilespmem:s11+$0xC880];
	[tilespmem:s9+$0xC600] =	vst v2;
	s9 =	smov.u32 s11  }
0x57: {  	v2 =	vld [tilespmem:s9+$0xC600];
	_ =	sdelay $0x4  }
0x58: {  	v1 =	vadd.f32 v1, v2;
	_ =	sdelay $0x1  }
0x59: {  	s12 =	rddreg [dreg:$0x9];
	[tilespmem:s9+$0xC600] =	vst v1  }
0x5a: {  	[tilespmem:s7], [sflag:$0x1] =	stream.linear.gather [spmem:s12], $0x280, $0x38;
	[tilespmem:$0xF580] =	vst v63  }
0x5b: {  	_ =	swait.ge [sflag:s0], $0x280  }
0x5c: {  	[sflag:s0] =	ssyncset.done $0x0  }
0x5d: {  	s9 =	simm.s32 $0x0;
	[sflag:s0] =	ssyncadd.s32 $0xFFFFFD80  }
0x5e: {  	s10 =	simm.s32 $0x40;
	v1 =	vld [tilespmem:s9+$0xC880]  }
.LBB2_8:
0x5f: {  	p0 =	sne.s32 s10, $0x9C0;
	v2 =	vld [tilespmem:s9+$0xC600];
	_ =	sdelay $0x2  }
.Ltmp3:
0x60: {  	(pc) =	sbr.rel @p0 .LBB2_8-.Ltmp3, $4  }
0x61: {  	_ = 	snop  }
0x62: {  	v2 =	vadd.f32 v1, v2  }
0x63: {  	s11 =	sshra.s32 s10, $0x2  }
0x64: {  	s10 =	sadd.s32 $0x40, s10;
	v1 =	vld [tilespmem:s11+$0xC880];
	[tilespmem:s9+$0xC600] =	vst v2;
	s9 =	smov.u32 s11  }
0x65: {  	v2 =	vld [tilespmem:s9+$0xC600];
	_ =	sdelay $0x4  }
0x66: {  	v1 =	vadd.f32 v1, v2;
	_ =	sdelay $0x1  }
0x67: {  	s12 =	rddreg [dreg:$0xa];
	[tilespmem:s9+$0xC600] =	vst v1  }
0x68: {  	[tilespmem:s7], [sflag:$0x1] =	stream.linear.gather [spmem:s12], $0x280, $0x38;
	[tilespmem:$0xF580] =	vst v63  }
0x69: {  	_ =	swait.ge [sflag:s0], $0x280  }
0x6a: {  	[sflag:s0] =	ssyncset.done $0x0  }
0x6b: {  	s9 =	simm.s32 $0x0;
	[sflag:s0] =	ssyncadd.s32 $0xFFFFFD80  }
0x6c: {  	s10 =	simm.s32 $0x40;
	v1 =	vld [tilespmem:s9+$0xC880]  }
.LBB2_10:
0x6d: {  	p0 =	sne.s32 s10, $0x9C0;
	v2 =	vld [tilespmem:s9+$0xC600];
	_ =	sdelay $0x2  }
.Ltmp4:
0x6e: {  	(pc) =	sbr.rel @p0 .LBB2_10-.Ltmp4, $4  }
0x6f: {  	_ = 	snop  }
0x70: {  	v2 =	vadd.f32 v1, v2  }
0x71: {  	s11 =	sshra.s32 s10, $0x2  }
0x72: {  	s10 =	sadd.s32 $0x40, s10;
	v1 =	vld [tilespmem:s11+$0xC880];
	[tilespmem:s9+$0xC600] =	vst v2;
	s9 =	smov.u32 s11  }
0x73: {  	v2 =	vld [tilespmem:s9+$0xC600];
	_ =	sdelay $0x4  }
0x74: {  	v1 =	vadd.f32 v1, v2;
	_ =	sdelay $0x1  }
0x75: {  	s12 =	rddreg [dreg:$0xb];
	[tilespmem:s9+$0xC600] =	vst v1  }
0x76: {  	[tilespmem:s7], [sflag:$0x1] =	stream.linear.gather [spmem:s12], $0x280, $0x38;
	[tilespmem:$0xF580] =	vst v63  }
0x77: {  	_ =	swait.ge [sflag:s0], $0x280  }
0x78: {  	[sflag:s0] =	ssyncset.done $0x0  }
0x79: {  	s9 =	simm.s32 $0x0;
	[sflag:s0] =	ssyncadd.s32 $0xFFFFFD80  }
0x7a: {  	s10 =	simm.s32 $0x40;
	v1 =	vld [tilespmem:s9+$0xC880]  }
.LBB2_12:
0x7b: {  	p0 =	sne.s32 s10, $0x9C0;
	v2 =	vld [tilespmem:s9+$0xC600];
	_ =	sdelay $0x2  }
.Ltmp5:
0x7c: {  	(pc) =	sbr.rel @p0 .LBB2_12-.Ltmp5, $4  }
0x7d: {  	_ = 	snop  }
0x7e: {  	v2 =	vadd.f32 v1, v2  }
0x7f: {  	s11 =	sshra.s32 s10, $0x2  }
0x80: {  	s10 =	sadd.s32 $0x40, s10;
	v1 =	vld [tilespmem:s11+$0xC880];
	[tilespmem:s9+$0xC600] =	vst v2;
	s9 =	smov.u32 s11  }
0x81: {  	v2 =	vld [tilespmem:s9+$0xC600];
	_ =	sdelay $0x4  }
0x82: {  	v1 =	vadd.f32 v1, v2;
	_ =	sdelay $0x1  }
0x83: {  	[tilespmem:s9+$0xC600] =	vst v1  }
0x84: {  	[tilespmem:s7], [sflag:$0x1] =	stream.linear.gather [spmem:s13], $0x280, $0x38;
	[tilespmem:$0xF580] =	vst v63  }
0x85: {  	_ =	swait.ge [sflag:s0], $0x280  }
0x86: {  	[sflag:s0] =	ssyncset.done $0x0  }
0x87: {  	s9 =	simm.s32 $0x0;
	[sflag:s0] =	ssyncadd.s32 $0xFFFFFD80  }
0x88: {  	s10 =	simm.s32 $0x40;
	v1 =	vld [tilespmem:s9+$0xC880]  }
.LBB2_14:
0x89: {  	p0 =	sne.s32 s10, $0x9C0;
	v2 =	vld [tilespmem:s9+$0xC600];
	_ =	sdelay $0x2  }
.Ltmp6:
0x8a: {  	(pc) =	sbr.rel @p0 .LBB2_14-.Ltmp6, $4  }
0x8b: {  	_ = 	snop  }
0x8c: {  	v2 =	vadd.f32 v1, v2  }
0x8d: {  	s11 =	sshra.s32 s10, $0x2  }
0x8e: {  	s10 =	sadd.s32 $0x40, s10;
	v1 =	vld [tilespmem:s11+$0xC880];
	[tilespmem:s9+$0xC600] =	vst v2;
	s9 =	smov.u32 s11  }
0x8f: {  	v2 =	vld [tilespmem:s9+$0xC600];
	_ =	sdelay $0x4  }
0x90: {  	v1 =	vadd.f32 v1, v2;
	_ =	sdelay $0x1  }
0x91: {  	[tilespmem:s9+$0xC600] =	vst v1  }
0x92: {  	[tilespmem:s7], [sflag:$0x1] =	stream.linear.gather [spmem:s14], $0x280, $0x38;
	[tilespmem:$0xF580] =	vst v63  }
0x93: {  	_ =	swait.ge [sflag:s0], $0x280  }
0x94: {  	[sflag:s0] =	ssyncset.done $0x0  }
0x95: {  	s9 =	simm.s32 $0x0;
	[sflag:s0] =	ssyncadd.s32 $0xFFFFFD80  }
0x96: {  	s10 =	simm.s32 $0x40;
	v1 =	vld [tilespmem:s9+$0xC880]  }
.LBB2_16:
0x97: {  	p0 =	sne.s32 s10, $0x9C0;
	v2 =	vld [tilespmem:s9+$0xC600];
	_ =	sdelay $0x2  }
.Ltmp7:
0x98: {  	(pc) =	sbr.rel @p0 .LBB2_16-.Ltmp7, $4  }
0x99: {  	_ = 	snop  }
0x9a: {  	v2 =	vadd.f32 v1, v2  }
0x9b: {  	s11 =	sshra.s32 s10, $0x2  }
0x9c: {  	s10 =	sadd.s32 $0x40, s10;
	v1 =	vld [tilespmem:s11+$0xC880];
	[tilespmem:s9+$0xC600] =	vst v2;
	s9 =	smov.u32 s11  }
0x9d: {  	v2 =	vld [tilespmem:s9+$0xC600];
	_ =	sdelay $0x4  }
0x9e: {  	v1 =	vadd.f32 v1, v2;
	_ =	sdelay $0x1  }
0x9f: {  	[tilespmem:s9+$0xC600] =	vst v1  }
0xa0: {  	[tilespmem:s7], [sflag:$0x1] =	stream.linear.gather [spmem:s15], $0x280, $0x38;
	[tilespmem:$0xF580] =	vst v63  }
0xa1: {  	_ =	swait.ge [sflag:s0], $0x280  }
0xa2: {  	[sflag:s0] =	ssyncset.done $0x0  }
0xa3: {  	s9 =	simm.s32 $0x0;
	[sflag:s0] =	ssyncadd.s32 $0xFFFFFD80  }
0xa4: {  	s10 =	simm.s32 $0x40;
	v1 =	vld [tilespmem:s9+$0xC880]  }
.LBB2_18:
0xa5: {  	p0 =	sne.s32 s10, $0x9C0;
	v2 =	vld [tilespmem:s9+$0xC600];
	_ =	sdelay $0x2  }
.Ltmp8:
0xa6: {  	(pc) =	sbr.rel @p0 .LBB2_18-.Ltmp8, $4  }
0xa7: {  	_ = 	snop  }
0xa8: {  	v2 =	vadd.f32 v1, v2  }
0xa9: {  	s11 =	sshra.s32 s10, $0x2  }
0xaa: {  	s10 =	sadd.s32 $0x40, s10;
	v1 =	vld [tilespmem:s11+$0xC880];
	[tilespmem:s9+$0xC600] =	vst v2;
	s9 =	smov.u32 s11  }
0xab: {  	v2 =	vld [tilespmem:s9+$0xC600];
	_ =	sdelay $0x4  }
0xac: {  	v1 =	vadd.f32 v1, v2;
	_ =	sdelay $0x1  }
0xad: {  	[tilespmem:s9+$0xC600] =	vst v1  }
0xae: {  	[tilespmem:s7], [sflag:$0x1] =	stream.linear.gather [spmem:s16], $0x280, $0x38;
	[tilespmem:$0xF580] =	vst v63  }
0xaf: {  	_ =	swait.ge [sflag:s0], $0x280  }
0xb0: {  	[sflag:s0] =	ssyncset.done $0x0  }
0xb1: {  	s9 =	simm.s32 $0x0;
	[sflag:s0] =	ssyncadd.s32 $0xFFFFFD80  }
0xb2: {  	s10 =	simm.s32 $0x40;
	v1 =	vld [tilespmem:s9+$0xC880]  }
.LBB2_20:
0xb3: {  	p0 =	sne.s32 s10, $0x9C0;
	v2 =	vld [tilespmem:s9+$0xC600];
	_ =	sdelay $0x2  }
.Ltmp9:
0xb4: {  	(pc) =	sbr.rel @p0 .LBB2_20-.Ltmp9, $4  }
0xb5: {  	_ = 	snop  }
0xb6: {  	v2 =	vadd.f32 v1, v2  }
0xb7: {  	s11 =	sshra.s32 s10, $0x2  }
0xb8: {  	s10 =	sadd.s32 $0x40, s10;
	v1 =	vld [tilespmem:s11+$0xC880];
	[tilespmem:s9+$0xC600] =	vst v2;
	s9 =	smov.u32 s11  }
0xb9: {  	v2 =	vld [tilespmem:s9+$0xC600];
	_ =	sdelay $0x4  }
0xba: {  	v1 =	vadd.f32 v1, v2;
	_ =	sdelay $0x1  }
0xbb: {  	[tilespmem:s9+$0xC600] =	vst v1  }
0xbc: {  	[tilespmem:s7], [sflag:$0x1] =	stream.linear.gather [spmem:s17], $0x280, $0x38;
	[tilespmem:$0xF580] =	vst v63  }
0xbd: {  	_ =	swait.ge [sflag:s0], $0x280  }
0xbe: {  	[sflag:s0] =	ssyncset.done $0x0  }
0xbf: {  	s9 =	simm.s32 $0x0;
	[sflag:s0] =	ssyncadd.s32 $0xFFFFFD80  }
0xc0: {  	s10 =	simm.s32 $0x40;
	v1 =	vld [tilespmem:s9+$0xC880]  }
.LBB2_22:
0xc1: {  	p0 =	sne.s32 s10, $0x9C0;
	v2 =	vld [tilespmem:s9+$0xC600];
	_ =	sdelay $0x2  }
.Ltmp10:
0xc2: {  	(pc) =	sbr.rel @p0 .LBB2_22-.Ltmp10, $4  }
0xc3: {  	_ = 	snop  }
0xc4: {  	v2 =	vadd.f32 v1, v2  }
0xc5: {  	s11 =	sshra.s32 s10, $0x2  }
0xc6: {  	s10 =	sadd.s32 $0x40, s10;
	v1 =	vld [tilespmem:s11+$0xC880];
	[tilespmem:s9+$0xC600] =	vst v2;
	s9 =	smov.u32 s11  }
0xc7: {  	v2 =	vld [tilespmem:s9+$0xC600];
	_ =	sdelay $0x4  }
0xc8: {  	v1 =	vadd.f32 v1, v2;
	_ =	sdelay $0x1  }
0xc9: {  	[tilespmem:s9+$0xC600] =	vst v1  }
0xca: {  	[tilespmem:s7], [sflag:$0x1] =	stream.linear.gather [spmem:s18], $0x280, $0x38;
	[tilespmem:$0xF580] =	vst v63  }
0xcb: {  	_ =	swait.ge [sflag:s0], $0x280  }
0xcc: {  	[sflag:s0] =	ssyncset.done $0x0  }
0xcd: {  	s9 =	simm.s32 $0x0;
	[sflag:s0] =	ssyncadd.s32 $0xFFFFFD80  }
0xce: {  	s10 =	simm.s32 $0x40;
	v1 =	vld [tilespmem:s9+$0xC880]  }
.LBB2_24:
0xcf: {  	p0 =	sne.s32 s10, $0x9C0;
	v2 =	vld [tilespmem:s9+$0xC600];
	_ =	sdelay $0x2  }
.Ltmp11:
0xd0: {  	(pc) =	sbr.rel @p0 .LBB2_24-.Ltmp11, $4  }
0xd1: {  	_ = 	snop  }
0xd2: {  	v2 =	vadd.f32 v1, v2  }
0xd3: {  	s11 =	sshra.s32 s10, $0x2  }
0xd4: {  	s10 =	sadd.s32 $0x40, s10;
	v1 =	vld [tilespmem:s11+$0xC880];
	[tilespmem:s9+$0xC600] =	vst v2;
	s9 =	smov.u32 s11  }
0xd5: {  	v2 =	vld [tilespmem:s9+$0xC600];
	_ =	sdelay $0x4  }
0xd6: {  	v1 =	vadd.f32 v1, v2;
	_ =	sdelay $0x1  }
0xd7: {  	[tilespmem:s9+$0xC600] =	vst v1  }
0xd8: {  	[tilespmem:s7], [sflag:$0x1] =	stream.linear.gather [spmem:s26], $0x280, $0x38;
	[tilespmem:$0xF580] =	vst v63  }
0xd9: {  	_ =	swait.ge [sflag:s0], $0x280  }
0xda: {  	[sflag:s0] =	ssyncset.done $0x0  }
0xdb: {  	s9 =	simm.s32 $0x0;
	[sflag:s0] =	ssyncadd.s32 $0xFFFFFD80  }
0xdc: {  	s10 =	simm.s32 $0x40;
	v1 =	vld [tilespmem:s9+$0xC880]  }
.LBB2_26:
0xdd: {  	p0 =	sne.s32 s10, $0x9C0;
	v2 =	vld [tilespmem:s9+$0xC600];
	_ =	sdelay $0x2  }
.Ltmp12:
0xde: {  	(pc) =	sbr.rel @p0 .LBB2_26-.Ltmp12, $4  }
0xdf: {  	_ = 	snop  }
0xe0: {  	v2 =	vadd.f32 v1, v2  }
0xe1: {  	s11 =	sshra.s32 s10, $0x2  }
0xe2: {  	s10 =	sadd.s32 $0x40, s10;
	v1 =	vld [tilespmem:s11+$0xC880];
	[tilespmem:s9+$0xC600] =	vst v2;
	s9 =	smov.u32 s11  }
0xe3: {  	v2 =	vld [tilespmem:s9+$0xC600];
	_ =	sdelay $0x4  }
0xe4: {  	v1 =	vadd.f32 v1, v2;
	_ =	sdelay $0x1  }
0xe5: {  	[tilespmem:s9+$0xC600] =	vst v1  }
0xe6: {  	[tilespmem:s7], [sflag:$0x1] =	stream.linear.gather [spmem:s28], $0x280, $0x38;
	[tilespmem:$0xF580] =	vst v63  }
0xe7: {  	_ =	swait.ge [sflag:s0], $0x280  }
0xe8: {  	[sflag:s0] =	ssyncset.done $0x0  }
0xe9: {  	s9 =	simm.s32 $0x0;
	[sflag:s0] =	ssyncadd.s32 $0xFFFFFD80  }
0xea: {  	s10 =	simm.s32 $0x40;
	v1 =	vld [tilespmem:s9+$0xC880]  }
.LBB2_28:
0xeb: {  	p0 =	sne.s32 s10, $0x9C0;
	v2 =	vld [tilespmem:s9+$0xC600];
	_ =	sdelay $0x2  }
.Ltmp13:
0xec: {  	(pc) =	sbr.rel @p0 .LBB2_28-.Ltmp13, $4  }
0xed: {  	_ = 	snop  }
0xee: {  	v2 =	vadd.f32 v1, v2  }
0xef: {  	s11 =	sshra.s32 s10, $0x2  }
0xf0: {  	s10 =	sadd.s32 $0x40, s10;
	v1 =	vld [tilespmem:s11+$0xC880];
	[tilespmem:s9+$0xC600] =	vst v2;
	s9 =	smov.u32 s11  }
0xf1: {  	v2 =	vld [tilespmem:s9+$0xC600];
	_ =	sdelay $0x4  }
0xf2: {  	v1 =	vadd.f32 v1, v2;
	_ =	sdelay $0x1  }
0xf3: {  	[tilespmem:s9+$0xC600] =	vst v1  }
0xf4: {  	[tilespmem:s7], [sflag:$0x1] =	stream.linear.gather [spmem:s29], $0x280, $0x38;
	[tilespmem:$0xF580] =	vst v63  }
0xf5: {  	_ =	swait.ge [sflag:s0], $0x280  }
0xf6: {  	[sflag:s0] =	ssyncset.done $0x0  }
0xf7: {  	s9 =	simm.s32 $0x0;
	[sflag:s0] =	ssyncadd.s32 $0xFFFFFD80  }
0xf8: {  	s10 =	simm.s32 $0x40;
	v1 =	vld [tilespmem:s9+$0xC880]  }
.LBB2_30:
0xf9: {  	p0 =	sne.s32 s10, $0x9C0;
	v2 =	vld [tilespmem:s9+$0xC600];
	_ =	sdelay $0x2  }
.Ltmp14:
0xfa: {  	(pc) =	sbr.rel @p0 .LBB2_30-.Ltmp14, $4  }
0xfb: {  	_ = 	snop  }
0xfc: {  	v2 =	vadd.f32 v1, v2  }
0xfd: {  	s11 =	sshra.s32 s10, $0x2  }
0xfe: {  	s10 =	sadd.s32 $0x40, s10;
	v1 =	vld [tilespmem:s11+$0xC880];
	[tilespmem:s9+$0xC600] =	vst v2;
	s9 =	smov.u32 s11  }
0xff: {  	v2 =	vld [tilespmem:s9+$0xC600];
	_ =	sdelay $0x4  }
0x100: {  	v1 =	vadd.f32 v1, v2;
	_ =	sdelay $0x1  }
0x101: {  	[tilespmem:s9+$0xC600] =	vst v1  }
0x102: {  	[tilespmem:s7], [sflag:$0x1] =	stream.linear.gather [spmem:s30], $0x280, $0x38;
	[tilespmem:$0xF580] =	vst v63  }
0x103: {  	_ =	swait.ge [sflag:s0], $0x280  }
0x104: {  	[sflag:s0] =	ssyncset.done $0x0  }
0x105: {  	s9 =	simm.s32 $0x0;
	[sflag:s0] =	ssyncadd.s32 $0xFFFFFD80  }
0x106: {  	s10 =	simm.s32 $0x40;
	v1 =	vld [tilespmem:s9+$0xC880]  }
.LBB2_32:
0x107: {  	p0 =	sne.s32 s10, $0x9C0;
	v2 =	vld [tilespmem:s9+$0xC600];
	_ =	sdelay $0x2  }
.Ltmp15:
0x108: {  	(pc) =	sbr.rel @p0 .LBB2_32-.Ltmp15, $4  }
0x109: {  	_ = 	snop  }
0x10a: {  	v2 =	vadd.f32 v1, v2  }
0x10b: {  	s11 =	sshra.s32 s10, $0x2  }
0x10c: {  	s10 =	sadd.s32 $0x40, s10;
	v1 =	vld [tilespmem:s11+$0xC880];
	[tilespmem:s9+$0xC600] =	vst v2;
	s9 =	smov.u32 s11  }
0x10d: {  	v2 =	vld [tilespmem:s9+$0xC600];
	_ =	sdelay $0x4  }
0x10e: {  	v1 =	vadd.f32 v1, v2;
	_ =	sdelay $0x1  }
0x10f: {  	[tilespmem:s9+$0xC600] =	vst v1  }
0x110: {  	[tilespmem:s7], [sflag:$0x1] =	stream.linear.gather [spmem:s31], $0x280, $0x38;
	[tilespmem:$0xF580] =	vst v63  }
0x111: {  	_ =	swait.ge [sflag:s0], $0x280  }
0x112: {  	[sflag:s0] =	ssyncset.done $0x0  }
0x113: {  	s9 =	simm.s32 $0x0;
	[sflag:s0] =	ssyncadd.s32 $0xFFFFFD80  }
0x114: {  	s11 =	simm.s32 $0x40;
	s10 =	simm.s32 $0x0;
	v1 =	vld [tilespmem:s9+$0xC880]  }
.LBB2_34:
0x115: {  	p0 =	sne.s32 s11, $0x9C0;
	v2 =	vld [tilespmem:s10+$0xC600];
	_ =	sdelay $0x2  }
.Ltmp16:
0x116: {  	(pc) =	sbr.rel @p0 .LBB2_34-.Ltmp16, $4  }
0x117: {  	_ = 	snop  }
0x118: {  	v2 =	vadd.f32 v1, v2  }
0x119: {  	s12 =	sshra.s32 s11, $0x2  }
0x11a: {  	s11 =	sadd.s32 $0x40, s11;
	v1 =	vld [tilespmem:s12+$0xC880];
	[tilespmem:s10+$0xC600] =	vst v2;
	s10 =	smov.u32 s12  }
0x11b: {  	v2 =	vld [tilespmem:s10+$0xC600];
	_ =	sdelay $0x4  }
0x11c: {  	v1 =	vadd.f32 v1, v2;
	_ =	sdelay $0x1  }
0x11d: {  	[tilespmem:s10+$0xC600] =	vst v1;
	s10 =	simm.s32 $0x40  }
.LBB2_36:
0x11e: {  	p0 =	sne.s32 s10, $0x9C0;
	v1 =	vld [tilespmem:s9+$0xC600];
	_ =	sdelay $0x4  }
0x11f: {  	v2 =	vshra.s32 v1, $0x1;
	v3 =	vmul.f32 $5.000000000e-01, v1  }
0x120: {  	v2 =	vsub.s32 $0x5F3759DF, v2  }
0x121: {  	v4 =	vmul.f32 v2, v3;
	_ =	sdelay $0x1  }
0x122: {  	v4 =	vmul.f32 v2, v4;
	_ =	sdelay $0x1  }
0x123: {  	v4 =	vsub.f32 $1.500000000e+00, v4;
	_ =	sdelay $0x1  }
0x124: {  	v2 =	vmul.f32 v2, v4;
	_ =	sdelay $0x1  }
0x125: {  	v4 =	vmul.f32 v2, v3;
	_ =	sdelay $0x1  }
0x126: {  	v4 =	vmul.f32 v4, v2;
	_ =	sdelay $0x1  }
0x127: {  	v4 =	vsub.f32 $1.500000000e+00, v4;
	_ =	sdelay $0x1  }
0x128: {  	v2 =	vmul.f32 v4, v2;
	_ =	sdelay $0x1  }
0x129: {  	v3 =	vmul.f32 v2, v3;
	_ =	sdelay $0x1  }
0x12a: {  	v3 =	vmul.f32 v3, v2;
	_ =	sdelay $0x1  }
0x12b: {  	v3 =	vsub.f32 $1.500000000e+00, v3  }
.Ltmp17:
0x12c: {  	(pc) =	sbr.rel @p0 .LBB2_36-.Ltmp17, $4  }
0x12d: {  	v2 =	vmul.f32 v3, v2  }
0x12e: {  	vm0 =	vgt.f32 v1, $0.0e+00  }
0x12f: {  	v1 =	vnsel vm0, $0x0, v2  }
0x130: {  	[tilespmem:s9+$0xC600] =	vst v1;
	s9 =	sshra.s32 s10, $0x2;
	s10 =	sadd.s32 $0x40, s10  }
0x131: {  	v1 =	vld [tilespmem:s9+$0xC600];
	_ =	sdelay $0x4  }
0x132: {  	v2 =	vshra.s32 v1, $0x1;
	v3 =	vmul.f32 $5.000000000e-01, v1  }
0x133: {  	v2 =	vsub.s32 $0x5F3759DF, v2  }
0x134: {  	v4 =	vmul.f32 v2, v3;
	_ =	sdelay $0x1  }
0x135: {  	v4 =	vmul.f32 v2, v4;
	_ =	sdelay $0x1  }
0x136: {  	v4 =	vsub.f32 $1.500000000e+00, v4;
	_ =	sdelay $0x1  }
0x137: {  	v2 =	vmul.f32 v2, v4;
	_ =	sdelay $0x1  }
0x138: {  	v4 =	vmul.f32 v2, v3;
	_ =	sdelay $0x1  }
0x139: {  	v4 =	vmul.f32 v4, v2;
	_ =	sdelay $0x1  }
0x13a: {  	v4 =	vsub.f32 $1.500000000e+00, v4;
	_ =	sdelay $0x1  }
0x13b: {  	v2 =	vmul.f32 v4, v2;
	_ =	sdelay $0x1  }
0x13c: {  	v3 =	vmul.f32 v2, v3;
	_ =	sdelay $0x1  }
0x13d: {  	v3 =	vmul.f32 v3, v2;
	_ =	sdelay $0x1  }
0x13e: {  	v3 =	vsub.f32 $1.500000000e+00, v3;
	_ =	sdelay $0x1  }
0x13f: {  	v2 =	vmul.f32 v3, v2  }
0x140: {  	vm0 =	vgt.f32 v1, $0.0e+00  }
0x141: {  	v1 =	vnsel vm0, $0x0, v2  }
0x142: {  	[tilespmem:s9+$0xC600] =	vst v1  }
0x143: {  	[spmem:s19] =	stream.linear.scatter [tilespmem:s5], [sflag:$0x1], $0x280, $0x38;
	[tilespmem:$0xF580] =	vst v63  }
0x144: {  	_ =	swait.ge [sflag:s0], $0x280  }
0x145: {  	[sflag:s0] =	ssyncset.done $0x0  }
0x146: {  	[sflag:s0] =	ssyncadd.s32 $0xFFFFFD80  }
0x147: {  	[bflag:$0x0] =	sbarrier.arrive $0xFFFF  }
0x148: {  	s11 =	rddreg [dreg:$0x2]  }
0x149: {  	[tilespmem:s4], [sflag:$0x1] =	stream.linear.gather [spmem:s11], $0x2800, $0x38;
	[tilespmem:$0xF580] =	vst v63  }
0x14a: {  	_ =	swait.ge [sflag:s0], $0x2800  }
0x14b: {  	[sflag:s0] =	ssyncset.done $0x0  }
0x14c: {  	s12 =	simm.s32 $0x0;
	[sflag:s0] =	ssyncadd.s32 $0xFFFFD800  }
0x14d: {  	[tilespmem:s12], [sflag:$0x1] =	stream.linear.gather [hbm4b:s20+s12], $0x13C0, $0x38;
	[tilespmem:$0xF580] =	vst v63  }
0x14e: {  	_ =	swait.ge [sflag:s0], $0x13C0  }
0x14f: {  	[sflag:s0] =	ssyncset.done $0x0  }
0x150: {  	[sflag:s0] =	ssyncadd.s32 $0xFFFFEC40  }
0x151: {  	[tilespmem:s1], [sflag:$0x1] =	stream.linear.gather [hbm4b:s21+s12], $0x13C0, $0x38;
	[tilespmem:$0xF580] =	vst v63  }
0x152: {  	_ =	swait.ge [sflag:s0], $0x13C0  }
0x153: {  	[sflag:s0] =	ssyncset.done $0x0  }
0x154: {  	[sflag:s0] =	ssyncadd.s32 $0xFFFFEC40  }
0x155: {  	[tilespmem:s2], [sflag:$0x1] =	stream.linear.gather [hbm4b:s22+s12], $0x13C0, $0x38;
	[tilespmem:$0xF580] =	vst v63  }
0x156: {  	_ =	swait.ge [sflag:s0], $0x13C0  }
0x157: {  	[sflag:s0] =	ssyncset.done $0x0  }
0x158: {  	s9 =	simm.s32 $0x0;
	[sflag:s0] =	ssyncadd.s32 $0xFFFFEC40  }
0x159: {  	v4 =	vld [tilespmem:s9+$0x0];
	_ =	sdelay $0x1  }
0x15a: {  	v5 =	vld [tilespmem:s9+$0x2780];
	_ =	sdelay $0x4  }
0x15b: {  	v1 =	vld [tilespmem:s9+$0x4F00]  }
0x15c: {  	v2 =	vld.idx.msk [tilespmem:v4+s4+$0x0], $0xffff;
	_ =	sdelay $0x1  }
0x15d: {  	v6 =	vshll.u32 v5, $0x3;
	v3 =	vld.idx.msk [tilespmem:v5+s4+$0x0], $0xffff  }
0x15e: {  	s10 =	simm.s32 $0x10;
	s11 =	simm.s32 $0x80;
	vm0 =	veq.s32 v4, v5;
	[tilespmem:s9+$0x8A40] =	vst v6  }
.LBB2_38:
0x15f: {  	p0 =	sne.s32 s11, $0x4EC0;
	v4 =	vld [tilespmem:s10+$0x0];
	v1 =	vsel vm0, $0x0, v1  }
0x160: {  	v1 =	vmul.f32 v1, v2  }
0x161: {  	v5 =	vld [tilespmem:s10+$0x2780]  }
0x162: {  	v1 =	vmul.f32 v3, v1;
	_ =	sdelay $0x1  }
0x163: {  	v2 =	vsub.f32 $0.0e+00, v1;
	_ =	sdelay $0x1  }
0x164: {  	v1 =	vld [tilespmem:s10+$0x4F00];
	[tilespmem:s9+$0x7680] =	vst v2;
	s9 =	smov.u32 s10  }
.Ltmp18:
0x165: {  	v2 =	vld.idx.msk [tilespmem:v4+s4+$0x0], $0xffff;
	(pc) =	sbr.rel @p0 .LBB2_38-.Ltmp18, $3  }
0x166: {  	v6 =	vshll.u32 v5, $0x3  }
0x167: {  	v3 =	vld.idx.msk [tilespmem:v5+s4+$0x0], $0xffff;
	[tilespmem:s9+$0x8A40] =	vst v6;
	_ =	sdelay $0x1  }
0x168: {  	s10 =	sshra.s32 s11, $0x2;
	s11 =	sadd.s32 $0x40, s11;
	vm0 =	veq.s32 v4, v5  }
0x169: {  	v4 =	vld [tilespmem:s10+$0x0];
	v1 =	vsel vm0, $0x0, v1  }
0x16a: {  	v1 =	vmul.f32 v1, v2  }
0x16b: {  	v2 =	vld [tilespmem:s10+$0x2780]  }
0x16c: {  	v1 =	vmul.f32 v3, v1;
	_ =	sdelay $0x1  }
0x16d: {  	v1 =	vsub.f32 $0.0e+00, v1;
	_ =	sdelay $0x1  }
0x16e: {  	v3 =	vld [tilespmem:s10+$0x4F00];
	[tilespmem:s9+$0x7680] =	vst v1  }
0x16f: {  	v1 =	vld.idx.msk [tilespmem:v4+s4+$0x0], $0xffff;
	_ =	sdelay $0x1  }
0x170: {  	v5 =	vld.idx.msk [tilespmem:v2+s4+$0x0], $0xffff  }
0x171: {  	vm15 =	veq.s32 v4, v2  }
0x172: {  	v3 =	vsel vm15, $0x0, v3  }
0x173: {  	v1 =	vmul.f32 v3, v1;
	_ =	sdelay $0x1  }
0x174: {  	v1 =	vmul.f32 v5, v1;
	_ =	sdelay $0x1  }
0x175: {  	v2 =	vshll.u32 v2, $0x3;
	v1 =	vsub.f32 $0.0e+00, v1  }
0x176: {  	[tilespmem:s10+$0x8A40] =	vst v2  }
0x177: {  	s11 =	simm.s32 $0x7680;
	[tilespmem:s10+$0x7680] =	vst v1  }
0x178: {  	[hbm4b:s23+s3] =	stream.linear.scatter [tilespmem:s11], [sflag:$0x1], $0x13C0, $0x38;
	[tilespmem:$0xF580] =	vst v63  }
0x179: {  	s8 =	sadd.s32 $0x1, s8;
	_ =	swait.ge [sflag:s0], $0x13C0  }
0x17a: {  	p0 =	sne.s32 s8, s25;
	[sflag:s0] =	ssyncset.done $0x0  }
.Ltmp19:
0x17b: {  	s12 =	simm.s32 $0x8A40;
	[sflag:s0] =	ssyncadd.s32 $0xFFFFEC40;
	(pc) =	sbr.rel @p0 .LBB2_1-.Ltmp19, $4  }
0x17c: {  	[hbm4b:s24+s3] =	stream.linear.scatter [tilespmem:s12], [sflag:$0x1], $0x13C0, $0x38;
	[tilespmem:$0xF580] =	vst v63  }
0x17d: {  	_ =	swait.ge [sflag:s0], $0x13C0  }
0x17e: {  	[sflag:s0] =	ssyncset.done $0x0  }
0x17f: {  	[sflag:s0] =	ssyncadd.s32 $0xFFFFEC40  }
0x180: {  	_ =	sfence.sel $0x180000  }
0x181: {  	[bflag:$0x0] =	sbarrier.arrive $0xFFFF  }
0x182: {  	_ =	strace $0x90000047  }
0x183: {  	s0 =	stileid.u32;
	[bflag:$0x2] =	sbarrier.arrive $0xFFFF  }
0x184: {  	p0 =	sne.s32 s0, $0x0;
	s0 =	rddreg [dreg:$0x3]  }
0x185: {  	s0 =	sadd.s32 @!p0 $0x100000, s0  }
0x186: {  	[sflag:s0] =	ssyncadd.tile.s32 @!p0 $0x1;
	_ =	shalt  }
.Lfunc_end2:
_tile_overlayer_lowered:
.L_overlay_start_2:
0x187: {  	(tag) =	ssettag $0x2  }
0x188: {  	s0 =	rddreg [dreg:$0x0];
	s2 =	stileid.u32  }
0x189: {  	s1 =	rddreg [dreg:$0x1];
	p0 =	sne.s32 s2, $0x0  }
0x18a: {  	s3 =	rddreg [dreg:$0x2];
	[bflag:$0x3] =	sbarrier.arrive $0xFFFF;
	s2 =	simm.s32 @!p0 $0x1C01  }
0x18b: {  	[timem:s3], [sflag:s2] =	dma.local @!p0 [hbm:s0], s1  }
0x18c: {  	s0 =	simm.s32 @!p0 $0x1  }
0x18d: {  	_ =	swait.ge @!p0 [sflag:s0], s1  }
0x18e: {  	s1 =	ssub.s32 @!p0 $0x0, s1;
	[sflag:s0] =	ssyncset.done @!p0 $0x0  }
0x18f: {  	[sflag:s0] =	ssyncadd.s32 @!p0 s1  }
0x190: {  	[bflag:$0x3] =	sbarrier.arrive $0xFFFF  }
0x191: {  	_ =	shalt  }

// kernel: kernel.9.cloned.1.call-start
scs
__scs_entry_jumppad:
0x0: {  	(pc) =	sbr.rel $0x88, $3  }
0x1: {  	(tag) =	ssettag $0x0;
	lr =	simm.s32 $0x1  }
0x2: {  	[smem:$0x3F9B] =	sst lr;
	_ =	strace $0xD0000000  }
0x3: {  	_ = 	snop  }
0x4: {  	_ = 	snop  }
0x5: {  	_ = 	snop  }
0x6: {  	_ = 	snop  }
0x7: {  	_ = 	snop  }
__scs_overlays_trampoline_lowered:
0x8: {  	[smem:$0x3FAA] =	sst s0  }
0x9: {  	[smem:$0x3FAB] =	sst s1  }
0xa: {  	[smem:$0x3FAC] =	sst s2  }
0xb: {  	[smem:$0x3FAD] =	sst s3  }
0xc: {  	[smem:$0x3FAE] =	sst s4  }
0xd: {  	[smem:$0x3FAF] =	sst s5  }
0xe: {  	[smem:$0x3FB0] =	sst s6  }
0xf: {  	[smem:$0x3FB1] =	sst s7  }
0x10: {  	[smem:$0x3FB2] =	sst s8  }
0x11: {  	[smem:$0x3FB3] =	sst s9;
	s0 =	simm.s32 @!p0 $0x0  }
0x12: {  	s1 =	sld [smem:$0x3F99];
	s0 =	simm.s32 @p0 $0x1  }
0x13: {  	[smem:$0x3FB4] =	sst s0;
	s0 =	simm.s32 @!p1 $0x0  }
0x14: {  	s2 =	sld [smem:$0x3F98];
	s0 =	simm.s32 @p1 $0x1  }
0x15: {  	[smem:$0x3FB5] =	sst s0;
	s0 =	simm.s32 @!p2 $0x0  }
0x16: {  	s3 =	sld [smem:$0x3FDB];
	s0 =	simm.s32 @p2 $0x1  }
0x17: {  	s4 =	simm.s32 $0x1BF5;
	[smem:$0x3FB7] =	sst s0  }
0x18: {  	s0 =	sld [smem:$0x3F9A];
	_ =	swait.ge [sflag:s4], $0x0  }
0x19: {  	s7 =	sld [smem:$0x3F9B]  }
0x1a: {  	s8 =	sadd.s32 $0xFFFFE003, lr  }
0x1b: {  	s9 =	sadd.s32 $0xFFFFFEF7, lr;
	s5 =	simm.s32 $0xFFFFFFFF;
	p2 =	slt.u32 s8, $0xFFFFF086  }
0x1c: {  	p1 =	slt.u32 s9, $0xF7A;
	s5 =	simm.s32 @!p2 $0x0  }
0x1d: {  	s5 =	simm.s32 @p1 $0x1;
	p0 =	seq.s32 s7, s2  }
0x1e: {  	s7 =	smul.u32 @!p0 $0xF7A, s2;
	p2 =	seq.s32 @!p0 s5, $0x0  }
0x1f: {  	s9 =	smul.u32 $0xF7A, s1;
	s8 =	simm.s32 @!p0 $0x1BF5;
	p2 =	por !p2, p0  }
0x20: {  	[sflag:s8] =	ssyncset.s32 @!p0 $0xFFFFF086;
	s6 =	sadd.s32 @!p0 s3, s7;
	s7 =	simm.s32 @!p0 $0x108  }
0x21: {  	s3 =	sadd.s32 s3, s9;
	s6 =	sadd.s32 @!p0 $0x88, s6;
	s7 =	simm.s32 @p2 $0x1082  }
0x22: {  	[simem:s7], [sflag:s8] =	dma.local @!p0 [hbm:s6], $0xF7A  }
0x23: {  	s9 =	sor.u32 $0xD0000000, s2;
	s6 =	simm.s32 $0x108;
	_ =	swait.ge @!p0 [sflag:s8], $0x0  }
0x24: {  	s3 =	sadd.s32 $0x88, s3;
	s6 =	simm.s32 @!p1 $0x1082;
	[sflag:s4] =	ssyncset.s32 $0xFFFFF086  }
0x25: {  	[simem:s6], [sflag:s4] =	dma.local [hbm:s3], $0xF7A  }
0x26: {  	[smem:$0x3F9B] =	sst s1;
	(tag) =	ssettag s2;
	_ =	strace s9  }
0x27: {  	s1 =	sld [smem:$0x3FAB]  }
0x28: {  	s2 =	sld [smem:$0x3FAC]  }
0x29: {  	s4 =	sld [smem:$0x3FAE]  }
0x2a: {  	p0 =	seq.s32 s5, $0x0;
	s5 =	sld [smem:$0x3FAF]  }
0x2b: {  	s6 =	sld [smem:$0x3FB0]  }
0x2c: {  	s7 =	sld [smem:$0x3FB1]  }
0x2d: {  	s3 =	simm.s32 $0x108;
	s8 =	sld [smem:$0x3FB2]  }
0x2e: {  	s3 =	simm.s32 @!p0 $0x1082;
	s9 =	sld [smem:$0x3FB3]  }
0x2f: {  	lr =	sadd.s32 s0, s3;
	s0 =	sld [smem:$0x3FAA]  }
0x30: {  	s3 =	sld [smem:$0x3FAD]  }
0x31: {  	[smem:$0x3FB6] =	sst s10  }
0x32: {  	s10 =	sld [smem:$0x3FB4];
	_ =	sdelay $0x3  }
0x33: {  	p0 =	seq.s32 s10, $0x1;
	s10 =	sld [smem:$0x3FB6];
	_ =	sdelay $0x3  }
0x34: {  	[smem:$0x3FB6] =	sst s10  }
0x35: {  	s10 =	sld [smem:$0x3FB5];
	_ =	sdelay $0x3  }
0x36: {  	p1 =	seq.s32 s10, $0x1;
	s10 =	sld [smem:$0x3FB6];
	_ =	sdelay $0x3  }
0x37: {  	[smem:$0x3FB6] =	sst s10  }
0x38: {  	s10 =	sld [smem:$0x3FB7]  }
0x39: {  	_ = 	snop;
	(pc) =	sbr.ind lr, $3  }
0x3a: {  	_ = 	snop  }
0x3b: {  	_ = 	snop  }
0x3c: {  	p2 =	seq.s32 s10, $0x1;
	s10 =	sld [smem:$0x3FB6]  }
0x3d: {  	_ =	shalt  }
0x3e: {  	_ =	shalt  }
0x3f: {  	_ =	shalt  }
0x40: {  	_ =	shalt  }
0x41: {  	_ =	shalt  }
0x42: {  	_ =	shalt  }
0x43: {  	_ =	shalt  }
0x44: {  	_ =	shalt  }
0x45: {  	_ =	shalt  }
0x46: {  	_ =	shalt  }
0x47: {  	_ =	shalt  }
0x48: {  	_ =	shalt  }
0x49: {  	_ =	shalt  }
0x4a: {  	_ =	shalt  }
0x4b: {  	_ =	shalt  }
0x4c: {  	_ =	shalt  }
0x4d: {  	_ =	shalt  }
0x4e: {  	_ =	shalt  }
0x4f: {  	_ =	shalt  }
0x50: {  	_ =	shalt  }
0x51: {  	_ =	shalt  }
0x52: {  	_ =	shalt  }
0x53: {  	_ =	shalt  }
0x54: {  	_ =	shalt  }
0x55: {  	_ =	shalt  }
0x56: {  	_ =	shalt  }
0x57: {  	_ =	shalt  }
0x58: {  	_ =	shalt  }
0x59: {  	_ =	shalt  }
0x5a: {  	_ =	shalt  }
0x5b: {  	_ =	shalt  }
0x5c: {  	_ =	shalt  }
0x5d: {  	_ =	shalt  }
0x5e: {  	_ =	shalt  }
0x5f: {  	_ =	shalt  }
0x60: {  	_ =	shalt  }
0x61: {  	_ =	shalt  }
0x62: {  	_ =	shalt  }
0x63: {  	_ =	shalt  }
0x64: {  	_ =	shalt  }
0x65: {  	_ =	shalt  }
0x66: {  	_ =	shalt  }
0x67: {  	_ =	shalt  }
0x68: {  	_ =	shalt  }
0x69: {  	_ =	shalt  }
0x6a: {  	_ =	shalt  }
0x6b: {  	_ =	shalt  }
0x6c: {  	_ =	shalt  }
0x6d: {  	_ =	shalt  }
0x6e: {  	_ =	shalt  }
0x6f: {  	_ =	shalt  }
0x70: {  	_ =	shalt  }
0x71: {  	_ =	shalt  }
0x72: {  	_ =	shalt  }
0x73: {  	_ =	shalt  }
0x74: {  	_ =	shalt  }
0x75: {  	_ =	shalt  }
0x76: {  	_ =	shalt  }
0x77: {  	_ =	shalt  }
0x78: {  	_ =	shalt  }
0x79: {  	_ =	shalt  }
0x7a: {  	_ =	shalt  }
0x7b: {  	_ =	shalt  }
0x7c: {  	_ =	shalt  }
0x7d: {  	_ =	shalt  }
0x7e: {  	_ =	shalt  }
0x7f: {  	_ =	shalt  }
0x80: {  	_ =	shalt  }
0x81: {  	_ =	shalt  }
0x82: {  	_ =	shalt  }
0x83: {  	_ =	shalt  }
0x84: {  	_ =	shalt  }
0x85: {  	_ =	shalt  }
0x86: {  	_ =	shalt  }
0x87: {  	_ =	shalt  }
.Lfunc_end0:
.L_simem_size_0:
called_computation.1_lowered:
.L_overlay_start_0:
0x88: {  	s2 =	sld [smem:$0x3FD9]  }
0x89: {  	s3 =	sld [smem:$0x3FFE];
	_ =	sdelay $0x1  }
0x8a: {  	s1 =	srdreg.scid  }
0x8b: {  	s0 =	sand.u32 $0x1, s1  }
0x8c: {  	s17 =	sshll.u32 s0, $0xA;
	s2 =	sadd.s32 s3, s2  }
0x8d: {  	s2 =	sadd.s32 s2, s17  }
0x8e: {  	[smem:$0x3FC2] =	sst s2  }
0x8f: {  	_ = 	snop  }
0x90: {  	s2 =	sld [smem:$0x3FD0];
	(tm) =	ssettm $0x1  }
0x91: {  	s18 =	sld [smem:$0x3FFB];
	_ =	sdelay $0x3  }
0x92: {  	_ =	strace s18  }
0x93: {  	s3 =	sld [smem:$0x3FFC];
	_ =	sdelay $0x3  }
0x94: {  	_ =	strace s3  }
0x95: {  	s3 =	sld [smem:$0x3FFD];
	_ =	sdelay $0x3  }
0x96: {  	_ =	strace s3  }
0x97: {  	_ =	strace $0x8FFFFFFF  }
0x98: {  	s19 =	sld [smem:$0x3FDB];
	_ =	sdelay $0x1  }
0x99: {  	s4 =	simm.s32 $_scs_section_size  }
0x9a: {  	s5 =	simm.s32 $_size__tile_overlayer_lowered;
	s6 =	simm.s32 $_tile_overlayer_lowered  }
0x9b: {  	s22 =	simm.s32 $0x1BFF;
	s21 =	sshll.u32 s6, $0x1;
	s3 =	sadd.s32 s4, s19  }
0x9c: {  	s7 =	simm.s32 $0x0;
	s20 =	sshll.u32 s5, $0x1;
	s5 =	sadd.s32 s21, s3  }
0x9d: {  	[timem:s7], [sflag:s22] =	dma.local [hbm:s5], s20  }
0x9e: {  	_ =	swait.ge [sflag:s22], s20  }
0x9f: {  	s4 =	ssub.s32 $0x0, s20;
	[sflag:s22] =	ssyncset.done $0x0  }
0xa0: {  	[sflag:s22] =	ssyncadd.s32 s4;
	_ =	sdelay $0x1  }
0xa1: {  	s23 =	simm.s32 $0x1B8B  }
0xa2: {  	_ =	swait.ge [sflag:s23], $0x1  }
0xa3: {  	[sflag:s23] =	ssyncset.done $0x0  }
0xa4: {  	s25 =	simm.s32 $0x1B8E;
	s24 =	sld [smem:$0x3FFE];
	[sflag:s23] =	ssyncadd.s32 $0xFFFFFFFF  }
0xa5: {  	s26 =	simm.s32 $execute0_lowered;
	[smem:$0x3FD2] =	sst s25  }
0xa6: {  	s5 =	sshll.u32 s26, $0x1;
	_ =	strace $0x80000049;
	[dreg:$0x1] =	wrdreg $0xFFFFFFFF  }
0xa7: {  	s28 =	simm.s32 $_size_execute0_lowered;
	s3 =	sadd.s32 s3, s5;
	[dreg:$0x0] =	wrdreg $0x0  }
0xa8: {  	s5 =	sshll.u32 s28, $0x1;
	[dreg:$0x2] =	wrdreg s3  }
0xa9: {  	[dreg:$0x3] =	wrdreg s5  }
0xaa: {  	[dreg:$0x4] =	wrdreg $0xC0  }
0xab: {  	_ =	task [dreg:s7], $0x5FFFF  }
0xac: {  	[dreg:$0x1] =	wrdreg $0xFFFFFFFF  }
0xad: {  	[dreg:$0x0] =	wrdreg $0x60  }
0xae: {  	[dreg:$0x2] =	wrdreg s2  }
0xaf: {  	[dreg:$0x3] =	wrdreg s24  }
0xb0: {  	[dreg:$0x4] =	wrdreg $0x9  }
0xb1: {  	_ =	task.clear_ibuf [dreg:s7], $0x5FFFF;
	_ =	strace $0x90000049  }
0xb2: {  	s29 =	simm.s32 $0x9;
	_ =	strace $0x8000004B  }
0xb3: {  	_ =	swait.ge [sflag:s29], $0x1  }
0xb4: {  	[sflag:s29] =	ssyncadd.s32 $0xFFFFFFFF  }
0xb5: {  	_ =	strace $0x9000004B  }
0xb6: {  	_ =	sfence  }
0xb7: {  	s30 =	sld [smem:$0x0];
	_ =	sdelay $0x2  }
0xb8: {  	s31 =	sshll.u32 s1, $0xD;
	s1 =	sshrl.u32 s1, $0x2  }
0xb9: {  	s3 =	sand.u32 $0x4000, s31;
	s1 =	sadd.s32 s1, s30  }
0xba: {  	s0 =	sor.u32 s3, s0;
	s1 =	sshll.u32 s1, $0x11  }
0xbb: {  	s0 =	sor.u32 s1, s0  }
0xbc: {  	s0 =	sadd.s32 $0x8F2B, s0  }
0xbd: {  	[sflag:s0] =	ssyncadd.remote.s32 $0x1  }
0xbe: {  	_ =	sfence.sel $0xFFFF  }
0xbf: {  	[dreg:$0x0] =	wrdreg $0xFFFFFFFF;
	(pc) =	sbr.abs _section_cstart, $3  }
0xc0: {  	[dreg:$0x1] =	wrdreg $0xFFFFFFFF  }
0xc1: {  	_ =	task.clear_ibuf [dreg:s7], $0x2FFFF;
	_ =	strace $0x9FFFFFFF  }
0xc2: {  	(tm) =	ssettm $0x7FFFFFFF  }
0xc3: {  	_ =	shalt  }
tec
execute0_lowered:
.L_overlay_start_1:
0x0: {  	(tag) =	ssettag $0x1  }
0x1: {  	s1 =	rddreg [dreg:$0x0]  }
0x2: {  	s0 =	rddreg [dreg:$0x1]  }
0x3: {  	s2 =	srdreg.scid;
	s3 =	simm.s32 $0x0;
	s5 =	stileid.u32  }
0x4: {  	s12 =	simm.s32 $0x14000;
	s13 =	simm.s32 $0x14800;
	s14 =	simm.s32 $0x15000  }
0x5: {  	s15 =	simm.s32 $0x1;
	s16 =	simm.s32 $0x80;
	s17 =	simm.s32 $0x15800  }
0x6: {  	s10 =	simm.s32 $0x17800;
	s28 =	simm.s32 $0x14700;
	s29 =	simm.s32 $0x19000  }
0x7: {  	s30 =	simm.s32 $0x14780;
	s31 =	simm.s32 $0x19400;
	s20 =	simm.s32 $0x0  }
0x8: {  	s2 =	sand.u32 $0x1, s2;
	[smem:$0x7FF] =	sst s3;
	s6 =	sadd.s32 $0xFE00, s0  }
0x9: {  	s23 =	sadd.s32 $0xAE80, s0;
	s24 =	sadd.s32 $0x14E80, s0;
	s4 =	sshll.u32 s2, $0x4  }
0xa: {  	_ =	strace $0x8000004A;
	s2 =	ssub.s32 $0x2, s2;
	[dreg:$0x3] =	wrdreg s23  }
0xb: {  	[dreg:$0x4] =	wrdreg s24;
	s7 =	sor.u32 s5, s4;
	s4 =	sadd.s32 $0xAE00, s0  }
0xc: {  	s5 =	sadd.s32 $0x14E00, s0;
	s9 =	sshrl.u32 s2, $0x1;
	s8 =	smul.u32 $0x2800, s7  }
0xd: {  	s2 =	ssub.s32 s2, s9;
	s11 =	smul.u32 $0x2710, s7;
	s7 =	simm.s32 $0x14C00  }
.Ltmp0:
0xe: {  	s9 =	simm.s32 $0x2;
	s26 =	smax.u32 s2, $0x1;
	(pc) =	sbr.rel .LBB2_1-.Ltmp0, $4  }
0xf: {  	s2 =	simm.s32 $0x14400;
	s8 =	sadd.s32 s8, s0;
	s0 =	sadd.s32 $0xFE80, s0  }
0x10: {  	[dreg:$0x7] =	wrdreg s26;
	s26 =	simm.s32 $0x18C00;
	v0 =	vmov s11;
	s11 =	simm.s32 $0x4  }
0x11: {  	v3 =	vlaneseq.u32;
	[dreg:$0x5] =	wrdreg s0;
	s25 =	sadd.s32 $0x19E00, s8;
	s8 =	simm.s32 $0x15400  }
0x12: {  	v1 =	vimm.f32 $0.0e+00;
	v2 =	vshrl.u32 v3, $0x3;
	v3 =	vand.u32 $0x7, v3;
	s0 =	simm.s32 $0x3;
	[dreg:$0x6] =	wrdreg s25;
	s25 =	simm.s32 $0x14680  }
.LBB2_12:
0x13: {  	s18 =	rddreg [dreg:$0x6];
	s19 =	simm.s32 $0x5  }
0x14: {  	[hbm4b:s18+s3] =	stream.linear.scatter [tilespmem:s3], [sflag:$0x5], $0x14000, $0x38;
	[tilespmem:$0x19800] =	vst v63  }
0x15: {  	_ =	swait.ge [sflag:s19], $0x14000  }
0x16: {  	s20 =	rddreg [dreg:$0x8]  }
0x17: {  	s24 =	rddreg [dreg:$0x7];
	s20 =	sadd.s32 $0x1, s20  }
0x18: {  	p0 =	sne.s32 s20, s24  }
.Ltmp1:
0x19: {  	_ = 	snop;
	(pc) =	sbr.rel @!p0 .LBB2_13-.Ltmp1, $3  }
0x1a: {  	_ =	sdelay $0x1  }
0x1b: {  	[sflag:s19] =	ssyncset.done $0x0  }
0x1c: {  	[sflag:s19] =	ssyncadd.s32 $0xFFFEC000  }
.LBB2_1:
0x1d: {  	[dreg:$0x8] =	wrdreg s20;
	s18 =	simm.s32 $0x0;
	s19 =	simm.s32 $0x200  }
.LBB2_2:
0x1e: {  	p0 =	sne.s32 s19, $0x4FE00;
	[tilespmem:s18+$0x70] =	vst v1  }
0x1f: {  	[tilespmem:s18+$0x0] =	vst v1  }
0x20: {  	[tilespmem:s18+$0x10] =	vst v1  }
.Ltmp2:
0x21: {  	[tilespmem:s18+$0x20] =	vst v1;
	(pc) =	sbr.rel @p0 .LBB2_2-.Ltmp2, $4  }
0x22: {  	[tilespmem:s18+$0x30] =	vst v1  }
0x23: {  	[tilespmem:s18+$0x40] =	vst v1  }
0x24: {  	[tilespmem:s18+$0x50] =	vst v1  }
0x25: {  	[tilespmem:s18+$0x60] =	vst v1;
	s18 =	sshra.s32 s19, $0x2;
	s19 =	sadd.s32 $0x200, s19  }
0x26: {  	[tilespmem:s18+$0x70] =	vst v1  }
0x27: {  	[tilespmem:s18+$0x0] =	vst v1  }
0x28: {  	[tilespmem:s18+$0x10] =	vst v1  }
0x29: {  	[tilespmem:s18+$0x20] =	vst v1  }
0x2a: {  	[tilespmem:s18+$0x30] =	vst v1  }
0x2b: {  	[tilespmem:s18+$0x40] =	vst v1  }
0x2c: {  	[tilespmem:s18+$0x50] =	vst v1  }
0x2d: {  	[tilespmem:s18+$0x60] =	vst v1;
	s18 =	simm.s32 $0x0  }
0x2e: {  	[tilespmem:s12], [sflag:$0x1] =	stream.linear.gather [hbm4b:s4+s18], $0x400, $0x38;
	[tilespmem:$0x19800] =	vst v63  }
0x2f: {  	_ = 	snop  }
0x30: {  	[tilespmem:s13], [sflag:$0x1] =	stream.linear.gather [hbm4b:s5+s18], $0x400, $0x38;
	[tilespmem:$0x19800] =	vst v63  }
0x31: {  	_ = 	snop  }
0x32: {  	[tilespmem:s14], [sflag:$0x1] =	stream.linear.gather [hbm4b:s6+s18], $0x400, $0x38;
	[tilespmem:$0x19800] =	vst v63  }
0x33: {  	_ =	swait.ge [sflag:s15], $0x400  }
0x34: {  	[sflag:s15] =	ssyncset.done $0x0  }
0x35: {  	[sflag:s15] =	ssyncadd.s32 $0xFFFFFC00  }
0x36: {  	_ =	swait.ge [sflag:s15], $0x400  }
0x37: {  	[sflag:s15] =	ssyncset.done $0x0  }
0x38: {  	[sflag:s15] =	ssyncadd.s32 $0xFFFFFC00  }
0x39: {  	_ =	swait.ge [sflag:s15], $0x400  }
0x3a: {  	[sflag:s15] =	ssyncset.done $0x0  }
0x3b: {  	[sflag:s15] =	ssyncadd.s32 $0xFFFFFC00  }
0x3c: {  	v4 =	vld [tilespmem:$0x14000]  }
0x3d: {  	v5 =	vld [tilespmem:$0x14010]  }
0x3e: {  	v6 =	vld [tilespmem:$0x14020]  }
0x3f: {  	v7 =	vld [tilespmem:$0x14030]  }
0x40: {  	v8 =	vld [tilespmem:$0x14040]  }
0x41: {  	v9 =	vld [tilespmem:$0x14050];
	v4 =	vadd.s32 v0, v4  }
0x42: {  	[tilespmem:$0x14000] =	vst v4;
	v4 =	vadd.s32 v0, v5;
	v5 =	vld [tilespmem:$0x14060]  }
0x43: {  	v18 =	vld [tilespmem:$0x14070];
	[tilespmem:$0x14010] =	vst v4;
	v4 =	vadd.s32 v0, v6  }
0x44: {  	v19 =	vld [tilespmem:$0x14080];
	[tilespmem:$0x14020] =	vst v4;
	v4 =	vadd.s32 v0, v7  }
0x45: {  	v20 =	vld [tilespmem:$0x14090];
	[tilespmem:$0x14030] =	vst v4;
	v4 =	vadd.s32 v0, v8  }
0x46: {  	v21 =	vld [tilespmem:$0x140A0];
	[tilespmem:$0x14040] =	vst v4;
	v4 =	vadd.s32 v0, v9  }
0x47: {  	[tilespmem:$0x14050] =	vst v4;
	v4 =	vadd.s32 v0, v5;
	v5 =	vld [tilespmem:$0x140B0]  }
0x48: {  	v22 =	vld [tilespmem:$0x140C0];
	[tilespmem:$0x14060] =	vst v4;
	v4 =	vadd.s32 v0, v18  }
0x49: {  	v23 =	vld [tilespmem:$0x140D0];
	[tilespmem:$0x14070] =	vst v4;
	v4 =	vadd.s32 v0, v19  }
0x4a: {  	v24 =	vld [tilespmem:$0x140E0];
	[tilespmem:$0x14080] =	vst v4;
	v4 =	vadd.s32 v0, v20  }
0x4b: {  	v25 =	vld [tilespmem:$0x140F0];
	[tilespmem:$0x14090] =	vst v4;
	v4 =	vadd.s32 v0, v21  }
0x4c: {  	[tilespmem:$0x140A0] =	vst v4;
	v4 =	vadd.s32 v0, v5;
	v5 =	vld [tilespmem:$0x14100]  }
0x4d: {  	v26 =	vld [tilespmem:$0x14110];
	[tilespmem:$0x140B0] =	vst v4;
	v4 =	vadd.s32 v0, v22  }
0x4e: {  	v27 =	vld [tilespmem:$0x14120];
	[tilespmem:$0x140C0] =	vst v4;
	v4 =	vadd.s32 v0, v23  }
0x4f: {  	v28 =	vld [tilespmem:$0x14130];
	[tilespmem:$0x140D0] =	vst v4;
	v4 =	vadd.s32 v0, v24  }
0x50: {  	v29 =	vld [tilespmem:$0x14140];
	[tilespmem:$0x140E0] =	vst v4;
	v4 =	vadd.s32 v0, v25  }
0x51: {  	[tilespmem:$0x140F0] =	vst v4;
	v4 =	vadd.s32 v0, v5;
	v5 =	vld [tilespmem:$0x14150]  }
0x52: {  	v30 =	vld [tilespmem:$0x14160];
	[tilespmem:$0x14100] =	vst v4;
	v4 =	vadd.s32 v0, v26  }
0x53: {  	v31 =	vld [tilespmem:$0x14170];
	[tilespmem:$0x14110] =	vst v4;
	v4 =	vadd.s32 v0, v27  }
0x54: {  	v32 =	vld [tilespmem:$0x14180];
	[tilespmem:$0x14120] =	vst v4;
	v4 =	vadd.s32 v0, v28  }
0x55: {  	v33 =	vld [tilespmem:$0x14190];
	[tilespmem:$0x14130] =	vst v4;
	v4 =	vadd.s32 v0, v29  }
0x56: {  	[tilespmem:$0x14140] =	vst v4;
	v4 =	vadd.s32 v0, v5;
	v5 =	vld [tilespmem:$0x141A0]  }
0x57: {  	v34 =	vld [tilespmem:$0x141B0];
	[tilespmem:$0x14150] =	vst v4;
	v4 =	vadd.s32 v0, v30  }
0x58: {  	v35 =	vld [tilespmem:$0x141C0];
	[tilespmem:$0x14160] =	vst v4;
	v4 =	vadd.s32 v0, v31  }
0x59: {  	v36 =	vld [tilespmem:$0x141D0];
	[tilespmem:$0x14170] =	vst v4;
	v4 =	vadd.s32 v0, v32  }
0x5a: {  	v37 =	vld [tilespmem:$0x141E0];
	[tilespmem:$0x14180] =	vst v4;
	v4 =	vadd.s32 v0, v33  }
0x5b: {  	[tilespmem:$0x14190] =	vst v4;
	v4 =	vadd.s32 v0, v5;
	v5 =	vld [tilespmem:$0x141F0]  }
0x5c: {  	v38 =	vld [tilespmem:$0x14200];
	[tilespmem:$0x141A0] =	vst v4;
	v4 =	vadd.s32 v0, v34  }
0x5d: {  	v39 =	vld [tilespmem:$0x14210];
	[tilespmem:$0x141B0] =	vst v4;
	v4 =	vadd.s32 v0, v35  }
0x5e: {  	v40 =	vld [tilespmem:$0x14220];
	[tilespmem:$0x141C0] =	vst v4;
	v4 =	vadd.s32 v0, v36  }
0x5f: {  	v41 =	vld [tilespmem:$0x14230];
	[tilespmem:$0x141D0] =	vst v4;
	v4 =	vadd.s32 v0, v37  }
0x60: {  	[tilespmem:$0x141E0] =	vst v4;
	v4 =	vadd.s32 v0, v5;
	v5 =	vld [tilespmem:$0x14240]  }
0x61: {  	v42 =	vld [tilespmem:$0x14250];
	[tilespmem:$0x141F0] =	vst v4;
	v4 =	vadd.s32 v0, v38  }
0x62: {  	v43 =	vld [tilespmem:$0x14260];
	[tilespmem:$0x14200] =	vst v4;
	v4 =	vadd.s32 v0, v39  }
0x63: {  	v44 =	vld [tilespmem:$0x14270];
	[tilespmem:$0x14210] =	vst v4;
	v4 =	vadd.s32 v0, v40  }
0x64: {  	v45 =	vld [tilespmem:$0x14280];
	[tilespmem:$0x14220] =	vst v4;
	v4 =	vadd.s32 v0, v41  }
0x65: {  	[tilespmem:$0x14230] =	vst v4;
	v4 =	vadd.s32 v0, v5;
	v5 =	vld [tilespmem:$0x14290]  }
0x66: {  	v46 =	vld [tilespmem:$0x142A0];
	[tilespmem:$0x14240] =	vst v4;
	v4 =	vadd.s32 v0, v42  }
0x67: {  	v47 =	vld [tilespmem:$0x142B0];
	[tilespmem:$0x14250] =	vst v4;
	v4 =	vadd.s32 v0, v43  }
0x68: {  	v48 =	vld [tilespmem:$0x142C0];
	[tilespmem:$0x14260] =	vst v4;
	v4 =	vadd.s32 v0, v44  }
0x69: {  	v49 =	vld [tilespmem:$0x142D0];
	[tilespmem:$0x14270] =	vst v4;
	v4 =	vadd.s32 v0, v45  }
0x6a: {  	[tilespmem:$0x14280] =	vst v4;
	v4 =	vadd.s32 v0, v5;
	v5 =	vld [tilespmem:$0x142E0]  }
0x6b: {  	v50 =	vld [tilespmem:$0x142F0];
	[tilespmem:$0x14290] =	vst v4;
	v4 =	vadd.s32 v0, v46  }
0x6c: {  	v51 =	vld [tilespmem:$0x14300];
	[tilespmem:$0x142A0] =	vst v4;
	v4 =	vadd.s32 v0, v47  }
0x6d: {  	v52 =	vld [tilespmem:$0x14310];
	[tilespmem:$0x142B0] =	vst v4;
	v4 =	vadd.s32 v0, v48  }
0x6e: {  	v53 =	vld [tilespmem:$0x14320];
	[tilespmem:$0x142C0] =	vst v4;
	v4 =	vadd.s32 v0, v49  }
0x6f: {  	[tilespmem:$0x142D0] =	vst v4;
	v4 =	vadd.s32 v0, v5;
	v5 =	vld [tilespmem:$0x14330]  }
0x70: {  	v54 =	vld [tilespmem:$0x14340];
	[tilespmem:$0x142E0] =	vst v4;
	v4 =	vadd.s32 v0, v50  }
0x71: {  	v55 =	vld [tilespmem:$0x14350];
	[tilespmem:$0x142F0] =	vst v4;
	v4 =	vadd.s32 v0, v51  }
0x72: {  	v56 =	vld [tilespmem:$0x14360];
	[tilespmem:$0x14300] =	vst v4;
	v4 =	vadd.s32 v0, v52  }
0x73: {  	v57 =	vld [tilespmem:$0x14370];
	[tilespmem:$0x14310] =	vst v4;
	v4 =	vadd.s32 v0, v53  }
0x74: {  	[tilespmem:$0x14320] =	vst v4;
	v4 =	vadd.s32 v0, v5;
	v5 =	vld [tilespmem:$0x14380]  }
0x75: {  	v58 =	vld [tilespmem:$0x14390];
	[tilespmem:$0x14330] =	vst v4;
	v4 =	vadd.s32 v0, v54  }
0x76: {  	v59 =	vld [tilespmem:$0x143A0];
	[tilespmem:$0x14340] =	vst v4;
	v4 =	vadd.s32 v0, v55  }
0x77: {  	v60 =	vld [tilespmem:$0x143B0];
	[tilespmem:$0x14350] =	vst v4;
	v4 =	vadd.s32 v0, v56  }
0x78: {  	v61 =	vld [tilespmem:$0x143C0];
	[tilespmem:$0x14360] =	vst v4;
	v4 =	vadd.s32 v0, v57  }
0x79: {  	[tilespmem:$0x14370] =	vst v4;
	v4 =	vadd.s32 v0, v5;
	v5 =	vld [tilespmem:$0x143D0]  }
0x7a: {  	v62 =	vld [tilespmem:$0x143E0];
	[tilespmem:$0x14380] =	vst v4;
	v4 =	vadd.s32 v0, v58  }
0x7b: {  	v63 =	vld [tilespmem:$0x143F0];
	[tilespmem:$0x14390] =	vst v4;
	v4 =	vadd.s32 v0, v59  }
0x7c: {  	[tilespmem:$0x143A0] =	vst v4;
	v4 =	vadd.s32 v0, v60  }
0x7d: {  	[tilespmem:$0x143B0] =	vst v4;
	v4 =	vadd.s32 v0, v61  }
0x7e: {  	[tilespmem:$0x143C0] =	vst v4;
	v4 =	vadd.s32 v0, v5  }
0x7f: {  	[tilespmem:$0x143D0] =	vst v4;
	v4 =	vadd.s32 v0, v62  }
0x80: {  	[tilespmem:$0x143E0] =	vst v4;
	v4 =	vadd.s32 v0, v63  }
0x81: {  	[tilespmem:$0x143F0] =	vst v4  }
0x82: {  	[tilespmem:s17], [sflag:$0x3] =	stream.indirect.gather [hbm4b:s1+s16], $0x8, s12, s16, $0xb8;
	[tilespmem:$0x19800] =	vst v63  }
0x83: {  	s19 =	simm.s32 $0x14080;
	s20 =	simm.s32 $0x15C00  }
0x84: {  	[tilespmem:s20], [sflag:$0x3] =	stream.indirect.gather [hbm4b:s1+s16], $0x8, s19, s16, $0xb8;
	[tilespmem:$0x19800] =	vst v63  }
0x85: {  	s23 =	simm.s32 $0x14100;
	s24 =	simm.s32 $0x16000  }
0x86: {  	[tilespmem:s24], [sflag:$0x3] =	stream.indirect.gather [hbm4b:s1+s16], $0x8, s23, s16, $0xb8;
	[tilespmem:$0x19800] =	vst v63  }
0x87: {  	s21 =	simm.s32 $0x14180;
	s22 =	simm.s32 $0x16400  }
0x88: {  	[tilespmem:s22], [sflag:$0x3] =	stream.indirect.gather [hbm4b:s1+s16], $0x8, s21, s16, $0xb8;
	[tilespmem:$0x19800] =	vst v63  }
0x89: {  	s23 =	simm.s32 $0x14200;
	s24 =	simm.s32 $0x16800  }
0x8a: {  	[tilespmem:s24], [sflag:$0x3] =	stream.indirect.gather [hbm4b:s1+s16], $0x8, s23, s16, $0xb8;
	[tilespmem:$0x19800] =	vst v63  }
0x8b: {  	s21 =	simm.s32 $0x14280;
	s22 =	simm.s32 $0x16C00  }
0x8c: {  	[tilespmem:s22], [sflag:$0x3] =	stream.indirect.gather [hbm4b:s1+s16], $0x8, s21, s16, $0xb8;
	[tilespmem:$0x19800] =	vst v63  }
0x8d: {  	s23 =	simm.s32 $0x14300;
	s24 =	simm.s32 $0x17000  }
0x8e: {  	[tilespmem:s24], [sflag:$0x3] =	stream.indirect.gather [hbm4b:s1+s16], $0x8, s23, s16, $0xb8;
	[tilespmem:$0x19800] =	vst v63  }
0x8f: {  	s20 =	simm.s32 $0x14380;
	s21 =	simm.s32 $0x17400  }
0x90: {  	[tilespmem:s21], [sflag:$0x3] =	stream.indirect.gather [hbm4b:s1+s16], $0x8, s20, s16, $0xb8;
	[tilespmem:$0x19800] =	vst v63  }
0x91: {  	s22 =	rddreg [dreg:$0x3]  }
0x92: {  	[tilespmem:s2], [sflag:$0x2] =	stream.linear.gather [hbm4b:s22+s18], $0x400, $0x38;
	[tilespmem:$0x19800] =	vst v63  }
0x93: {  	s23 =	rddreg [dreg:$0x4]  }
0x94: {  	[tilespmem:s7], [sflag:$0x2] =	stream.linear.gather [hbm4b:s23+s18], $0x400, $0x38;
	[tilespmem:$0x19800] =	vst v63  }
0x95: {  	s24 =	rddreg [dreg:$0x5]  }
0x96: {  	[tilespmem:s8], [sflag:$0x2] =	stream.linear.gather [hbm4b:s24+s18], $0x400, $0x38;
	[tilespmem:$0x19800] =	vst v63  }
.LBB2_4:
0x97: {  	_ =	swait.ge [sflag:s9], $0x400  }
0x98: {  	[sflag:s9] =	ssyncset.done $0x0  }
0x99: {  	[sflag:s9] =	ssyncadd.s32 $0xFFFFFC00  }
0x9a: {  	_ =	swait.ge [sflag:s9], $0x400  }
0x9b: {  	[sflag:s9] =	ssyncset.done $0x0  }
0x9c: {  	[sflag:s9] =	ssyncadd.s32 $0xFFFFFC00  }
0x9d: {  	_ =	swait.ge [sflag:s9], $0x400  }
0x9e: {  	[sflag:s9] =	ssyncset.done $0x0  }
0x9f: {  	[sflag:s9] =	ssyncadd.s32 $0xFFFFFC00  }
0xa0: {  	v4 =	vld [tilespmem:$0x14400]  }
0xa1: {  	v5 =	vld [tilespmem:$0x14410]  }
0xa2: {  	v6 =	vld [tilespmem:$0x14420]  }
0xa3: {  	v7 =	vld [tilespmem:$0x14430]  }
0xa4: {  	v8 =	vld [tilespmem:$0x14440]  }
0xa5: {  	v9 =	vld [tilespmem:$0x14450];
	v4 =	vadd.s32 v0, v4  }
0xa6: {  	[tilespmem:$0x14400] =	vst v4;
	v4 =	vadd.s32 v0, v5;
	v5 =	vld [tilespmem:$0x14460]  }
0xa7: {  	[tilespmem:$0x14410] =	vst v4;
	v4 =	vadd.s32 v0, v6;
	v6 =	vld [tilespmem:$0x14470]  }
0xa8: {  	[tilespmem:$0x14420] =	vst v4;
	v4 =	vadd.s32 v0, v7;
	v7 =	vld [tilespmem:$0x14480]  }
0xa9: {  	[tilespmem:$0x14430] =	vst v4;
	v4 =	vadd.s32 v0, v8;
	v8 =	vld [tilespmem:$0x14490]  }
0xaa: {  	[tilespmem:$0x14440] =	vst v4;
	v4 =	vadd.s32 v0, v9;
	v9 =	vld [tilespmem:$0x144A0]  }
0xab: {  	[tilespmem:$0x14450] =	vst v4;
	v4 =	vadd.s32 v0, v5;
	v5 =	vld [tilespmem:$0x144B0]  }
0xac: {  	[tilespmem:$0x14460] =	vst v4;
	v4 =	vadd.s32 v0, v6;
	v6 =	vld [tilespmem:$0x144C0]  }
0xad: {  	[tilespmem:$0x14470] =	vst v4;
	v4 =	vadd.s32 v0, v7;
	v7 =	vld [tilespmem:$0x144D0]  }
0xae: {  	[tilespmem:$0x14480] =	vst v4;
	v4 =	vadd.s32 v0, v8;
	v8 =	vld [tilespmem:$0x144E0]  }
0xaf: {  	[tilespmem:$0x14490] =	vst v4;
	v4 =	vadd.s32 v0, v9;
	v9 =	vld [tilespmem:$0x144F0]  }
0xb0: {  	[tilespmem:$0x144A0] =	vst v4;
	v4 =	vadd.s32 v0, v5;
	v5 =	vld [tilespmem:$0x14500]  }
0xb1: {  	[tilespmem:$0x144B0] =	vst v4;
	v4 =	vadd.s32 v0, v6;
	v6 =	vld [tilespmem:$0x14510]  }
0xb2: {  	[tilespmem:$0x144C0] =	vst v4;
	v4 =	vadd.s32 v0, v7;
	v7 =	vld [tilespmem:$0x14520]  }
0xb3: {  	[tilespmem:$0x144D0] =	vst v4;
	v4 =	vadd.s32 v0, v8;
	v8 =	vld [tilespmem:$0x14530]  }
0xb4: {  	[tilespmem:$0x144E0] =	vst v4;
	v4 =	vadd.s32 v0, v9;
	v9 =	vld [tilespmem:$0x14540]  }
0xb5: {  	[tilespmem:$0x144F0] =	vst v4;
	v4 =	vadd.s32 v0, v5;
	v5 =	vld [tilespmem:$0x14550]  }
0xb6: {  	[tilespmem:$0x14500] =	vst v4;
	v4 =	vadd.s32 v0, v6;
	v6 =	vld [tilespmem:$0x14560]  }
0xb7: {  	[tilespmem:$0x14510] =	vst v4;
	v4 =	vadd.s32 v0, v7;
	v7 =	vld [tilespmem:$0x14570]  }
0xb8: {  	[tilespmem:$0x14520] =	vst v4;
	v4 =	vadd.s32 v0, v8;
	v8 =	vld [tilespmem:$0x14580]  }
0xb9: {  	[tilespmem:$0x14530] =	vst v4;
	v4 =	vadd.s32 v0, v9;
	v9 =	vld [tilespmem:$0x14590]  }
0xba: {  	[tilespmem:$0x14540] =	vst v4;
	v4 =	vadd.s32 v0, v5;
	v5 =	vld [tilespmem:$0x145A0]  }
0xbb: {  	[tilespmem:$0x14550] =	vst v4;
	v4 =	vadd.s32 v0, v6;
	v6 =	vld [tilespmem:$0x145B0]  }
0xbc: {  	[tilespmem:$0x14560] =	vst v4;
	v4 =	vadd.s32 v0, v7;
	v7 =	vld [tilespmem:$0x145C0]  }
0xbd: {  	[tilespmem:$0x14570] =	vst v4;
	v4 =	vadd.s32 v0, v8;
	v8 =	vld [tilespmem:$0x145D0]  }
0xbe: {  	[tilespmem:$0x14580] =	vst v4;
	v4 =	vadd.s32 v0, v9;
	v9 =	vld [tilespmem:$0x145E0]  }
0xbf: {  	[tilespmem:$0x14590] =	vst v4;
	v4 =	vadd.s32 v0, v5;
	v5 =	vld [tilespmem:$0x145F0]  }
0xc0: {  	[tilespmem:$0x145A0] =	vst v4;
	v4 =	vadd.s32 v0, v6;
	v6 =	vld [tilespmem:$0x14600]  }
0xc1: {  	[tilespmem:$0x145B0] =	vst v4;
	v4 =	vadd.s32 v0, v7;
	v7 =	vld [tilespmem:$0x14610]  }
0xc2: {  	[tilespmem:$0x145C0] =	vst v4;
	v4 =	vadd.s32 v0, v8;
	v8 =	vld [tilespmem:$0x14620]  }
0xc3: {  	[tilespmem:$0x145D0] =	vst v4;
	v4 =	vadd.s32 v0, v9;
	v9 =	vld [tilespmem:$0x14630]  }
0xc4: {  	[tilespmem:$0x145E0] =	vst v4;
	v4 =	vadd.s32 v0, v5;
	v5 =	vld [tilespmem:$0x14640]  }
0xc5: {  	[tilespmem:$0x145F0] =	vst v4;
	v4 =	vadd.s32 v0, v6;
	v6 =	vld [tilespmem:$0x14650]  }
0xc6: {  	[tilespmem:$0x14600] =	vst v4;
	v4 =	vadd.s32 v0, v7;
	v7 =	vld [tilespmem:$0x14660]  }
0xc7: {  	[tilespmem:$0x14610] =	vst v4;
	v4 =	vadd.s32 v0, v8;
	v8 =	vld [tilespmem:$0x14670]  }
0xc8: {  	[tilespmem:$0x14620] =	vst v4;
	v4 =	vadd.s32 v0, v9;
	v9 =	vld [tilespmem:$0x14680]  }
0xc9: {  	[tilespmem:$0x14630] =	vst v4;
	v4 =	vadd.s32 v0, v5;
	v5 =	vld [tilespmem:$0x14690]  }
0xca: {  	[tilespmem:$0x14640] =	vst v4;
	v4 =	vadd.s32 v0, v6;
	v6 =	vld [tilespmem:$0x146A0]  }
0xcb: {  	[tilespmem:$0x14650] =	vst v4;
	v4 =	vadd.s32 v0, v7;
	v7 =	vld [tilespmem:$0x146B0]  }
0xcc: {  	[tilespmem:$0x14660] =	vst v4;
	v4 =	vadd.s32 v0, v8;
	v8 =	vld [tilespmem:$0x146C0]  }
0xcd: {  	[tilespmem:$0x14670] =	vst v4;
	v4 =	vadd.s32 v0, v9;
	v9 =	vld [tilespmem:$0x146D0]  }
0xce: {  	[tilespmem:$0x14680] =	vst v4;
	v4 =	vadd.s32 v0, v5;
	v5 =	vld [tilespmem:$0x146E0]  }
0xcf: {  	[tilespmem:$0x14690] =	vst v4;
	v4 =	vadd.s32 v0, v6;
	v6 =	vld [tilespmem:$0x146F0]  }
0xd0: {  	[tilespmem:$0x146A0] =	vst v4;
	v4 =	vadd.s32 v0, v7;
	v7 =	vld [tilespmem:$0x14700]  }
0xd1: {  	[tilespmem:$0x146B0] =	vst v4;
	v4 =	vadd.s32 v0, v8;
	v8 =	vld [tilespmem:$0x14710]  }
0xd2: {  	[tilespmem:$0x146C0] =	vst v4;
	v4 =	vadd.s32 v0, v9;
	v9 =	vld [tilespmem:$0x14720]  }
0xd3: {  	[tilespmem:$0x146D0] =	vst v4;
	v4 =	vadd.s32 v0, v5;
	v5 =	vld [tilespmem:$0x14730]  }
0xd4: {  	[tilespmem:$0x146E0] =	vst v4;
	v4 =	vadd.s32 v0, v6;
	v6 =	vld [tilespmem:$0x14740]  }
0xd5: {  	[tilespmem:$0x146F0] =	vst v4;
	v4 =	vadd.s32 v0, v7;
	v7 =	vld [tilespmem:$0x14750]  }
0xd6: {  	[tilespmem:$0x14700] =	vst v4;
	v4 =	vadd.s32 v0, v8;
	v8 =	vld [tilespmem:$0x14760]  }
0xd7: {  	[tilespmem:$0x14710] =	vst v4;
	v4 =	vadd.s32 v0, v9;
	v9 =	vld [tilespmem:$0x14770]  }
0xd8: {  	[tilespmem:$0x14720] =	vst v4;
	v4 =	vadd.s32 v0, v5;
	v5 =	vld [tilespmem:$0x14780]  }
0xd9: {  	[tilespmem:$0x14730] =	vst v4;
	v4 =	vadd.s32 v0, v6;
	v6 =	vld [tilespmem:$0x14790]  }
0xda: {  	[tilespmem:$0x14740] =	vst v4;
	v4 =	vadd.s32 v0, v7;
	v7 =	vld [tilespmem:$0x147A0]  }
0xdb: {  	[tilespmem:$0x14750] =	vst v4;
	v4 =	vadd.s32 v0, v8;
	v8 =	vld [tilespmem:$0x147B0]  }
0xdc: {  	[tilespmem:$0x14760] =	vst v4;
	v4 =	vadd.s32 v0, v9;
	v9 =	vld [tilespmem:$0x147C0]  }
0xdd: {  	[tilespmem:$0x14770] =	vst v4;
	v4 =	vadd.s32 v0, v5;
	v5 =	vld [tilespmem:$0x147D0]  }
0xde: {  	[tilespmem:$0x14780] =	vst v4;
	v4 =	vadd.s32 v0, v6;
	v6 =	vld [tilespmem:$0x147E0]  }
0xdf: {  	[tilespmem:$0x14790] =	vst v4;
	v4 =	vadd.s32 v0, v7;
	v7 =	vld [tilespmem:$0x147F0]  }
0xe0: {  	[tilespmem:$0x147A0] =	vst v4;
	v4 =	vadd.s32 v0, v8  }
0xe1: {  	[tilespmem:$0x147B0] =	vst v4;
	v4 =	vadd.s32 v0, v9  }
0xe2: {  	[tilespmem:$0x147C0] =	vst v4;
	v4 =	vadd.s32 v0, v5  }
0xe3: {  	[tilespmem:$0x147D0] =	vst v4;
	v4 =	vadd.s32 v0, v6  }
0xe4: {  	[tilespmem:$0x147E0] =	vst v4;
	v4 =	vadd.s32 v0, v7  }
0xe5: {  	[tilespmem:$0x147F0] =	vst v4  }
0xe6: {  	[tilespmem:s10], [sflag:$0x4] =	stream.indirect.gather [hbm4b:s1+s16], $0x8, s2, s16, $0xb8;
	[tilespmem:$0x19800] =	vst v63  }
0xe7: {  	s19 =	simm.s32 $0x14480;
	s20 =	simm.s32 $0x17C00  }
0xe8: {  	[tilespmem:s20], [sflag:$0x4] =	stream.indirect.gather [hbm4b:s1+s16], $0x8, s19, s16, $0xb8;
	[tilespmem:$0x19800] =	vst v63  }
0xe9: {  	s21 =	simm.s32 $0x14500;
	s22 =	simm.s32 $0x18000  }
0xea: {  	[tilespmem:s22], [sflag:$0x4] =	stream.indirect.gather [hbm4b:s1+s16], $0x8, s21, s16, $0xb8;
	[tilespmem:$0x19800] =	vst v63  }
0xeb: {  	s23 =	simm.s32 $0x14580;
	s24 =	simm.s32 $0x18400  }
0xec: {  	[tilespmem:s24], [sflag:$0x4] =	stream.indirect.gather [hbm4b:s1+s16], $0x8, s23, s16, $0xb8;
	[tilespmem:$0x19800] =	vst v63  }
0xed: {  	s21 =	simm.s32 $0x14600;
	s22 =	simm.s32 $0x18800  }
0xee: {  	[tilespmem:s22], [sflag:$0x4] =	stream.indirect.gather [hbm4b:s1+s16], $0x8, s21, s16, $0xb8;
	[tilespmem:$0x19800] =	vst v63  }
0xef: {  	_ = 	snop  }
0xf0: {  	[tilespmem:s26], [sflag:$0x4] =	stream.indirect.gather [hbm4b:s1+s16], $0x8, s25, s16, $0xb8;
	[tilespmem:$0x19800] =	vst v63  }
0xf1: {  	s23 =	simm.s32 $0xE  }
0xf2: {  	[tilespmem:s29], [sflag:$0x4] =	stream.indirect.gather [hbm4b:s1+s16], $0x8, s28, s16, $0xb8;
	[tilespmem:$0x19800] =	vst v63  }
0xf3: {  	s24 =	simm.s32 $0xC;
	v4 =	vor.u32 s23, v2;
	s21 =	simm.s32 $0x2  }
0xf4: {  	v5 =	vor.u32 s24, v2;
	[tilespmem:s31], [sflag:$0x4] =	stream.indirect.gather [hbm4b:s1+s16], $0x8, s30, s16, $0xb8;
	[tilespmem:$0x19800] =	vst v63  }
0xf5: {  	v6 =	vor.u32 s21, v2;
	_ =	swait.ge [sflag:s0], $0x2000  }
0xf6: {  	s22 =	simm.s32 $0x0;
	v7 =	vshll.u32 v5, $0x3;
	[sflag:s0] =	ssyncset.done $0x0  }
0xf7: {  	v8 =	vor.u32 s22, v2;
	v7 =	vor.u32 v3, v7;
	[sflag:s0] =	ssyncadd.s32 $0xFFFFE000  }
0xf8: {  	s23 =	simm.s32 $0x4;
	v9 =	vshll.u32 v8, $0x3;
	v10 =	vld.idx.msk [tilespmem:v4+s14+$0x0], $0xffff  }
0xf9: {  	s24 =	simm.s32 $0x6;
	v12 =	vor.u32 s23, v2;
	v11 =	vshll.u32 v6, $0x3;
	v9 =	vor.u32 v3, v9;
	v13 =	vld.idx.msk [tilespmem:v5+s13+$0x0], $0xffff  }
0xfa: {  	s20 =	simm.s32 $0x8;
	v14 =	vor.u32 s24, v2;
	v15 =	vshll.u32 v12, $0x3;
	v11 =	vor.u32 v3, v11;
	v16 =	vld.idx.msk [tilespmem:v6+s14+$0x0], $0xffff  }
0xfb: {  	v17 =	vor.u32 s20, v2;
	v18 =	vshll.u32 v14, $0x3;
	v15 =	vor.u32 v3, v15;
	v5 =	vld.idx.msk [tilespmem:v5+s14+$0x0], $0xffff  }
0xfc: {  	v20 =	vshll.u32 v17, $0x3;
	v18 =	vor.u32 v3, v18;
	v7 =	vld.idx.msk [tilespmem:v7+s17+$0x0], $0xffff  }
0xfd: {  	v20 =	vor.u32 v3, v20;
	v22 =	vld.idx.msk [tilespmem:v8+s14+$0x0], $0xffff  }
0xfe: {  	v9 =	vld.idx.msk [tilespmem:v9+s17+$0x0], $0xffff  }
0xff: {  	v11 =	vld.idx.msk [tilespmem:v11+s17+$0x0], $0xffff  }
0x100: {  	s21 =	simm.s32 $0xA;
	v15 =	vld.idx.msk [tilespmem:v15+s17+$0x0], $0xffff  }
0x101: {  	v19 =	vor.u32 s21, v2;
	v18 =	vld.idx.msk [tilespmem:v18+s17+$0x0], $0xffff  }
0x102: {  	v21 =	vshll.u32 v19, $0x3;
	v20 =	vld.idx.msk [tilespmem:v20+s17+$0x0], $0xffff  }
0x103: {  	v21 =	vor.u32 v3, v21;
	v8 =	vld.idx.msk [tilespmem:v8+s13+$0x0], $0xffff  }
0x104: {  	s23 =	simm.s32 $0x1C;
	v6 =	vld.idx.msk [tilespmem:v6+s13+$0x0], $0xffff  }
0x105: {  	v23 =	vshll.u32 v4, $0x3;
	v25 =	vld.idx.msk [tilespmem:v4+s13+$0x0], $0xffff;
	v4 =	vor.u32 s23, v2;
	s23 =	simm.s32 $0x18  }
0x106: {  	v24 =	vld.idx.msk [tilespmem:v19+s14+$0x0], $0xffff;
	v29 =	vor.u32 s23, v2  }
0x107: {  	v19 =	vld.idx.msk [tilespmem:v19+s13+$0x0], $0xffff;
	v32 =	vshll.u32 v29, $0x3  }
0x108: {  	v32 =	vor.u32 v3, v32;
	v5 =	vmul.f32 v5, v7;
	v7 =	vld.idx.msk [tilespmem:v21+s17+$0x0], $0xffff  }
0x109: {  	v13 =	vor.u32 v3, v13;
	v21 =	vld.idx.msk [tilespmem:v14+s14+$0x0], $0xffff  }
0x10a: {  	v23 =	vor.u32 v3, v23;
	v14 =	vld.idx.msk [tilespmem:v14+s13+$0x0], $0xffff  }
0x10b: {  	v11 =	vmul.f32 v16, v11;
	v16 =	vld.idx.msk [tilespmem:v4+s13+$0x0], $0xffff  }
0x10c: {  	v38 =	vld.idx.msk [tilespmem:v29+s14+$0x0], $0xffff  }
0x10d: {  	v32 =	vld.idx.msk [tilespmem:v32+s17+$0x0], $0xffff  }
0x10e: {  	[tilespmem:v13+s3+$0x0] =	vst.idx.add.f32.msk $0xffff, v5  }
0x10f: {  	s22 =	simm.s32 $0x1E;
	v6 =	vor.u32 v3, v6;
	v5 =	vld.idx.msk [tilespmem:v23+s17+$0x0], $0xffff  }
0x110: {  	v8 =	vor.u32 v3, v8;
	v9 =	vmul.f32 v22, v9;
	v22 =	vor.u32 s22, v2;
	s22 =	simm.s32 $0x16;
	v13 =	vld.idx.msk [tilespmem:v12+s14+$0x0], $0xffff  }
0x111: {  	v26 =	vor.u32 s22, v2;
	v12 =	vld.idx.msk [tilespmem:v12+s13+$0x0], $0xffff  }
0x112: {  	v30 =	vshll.u32 v26, $0x3;
	v23 =	vld.idx.msk [tilespmem:v17+s14+$0x0], $0xffff  }
0x113: {  	s20 =	simm.s32 $0x10;
	v30 =	vor.u32 v3, v30;
	v17 =	vld.idx.msk [tilespmem:v17+s13+$0x0], $0xffff  }
0x114: {  	[tilespmem:v6+s3+$0x0] =	vst.idx.add.f32.msk $0xffff, v11;
	v6 =	vor.u32 s20, v2  }
0x115: {  	[tilespmem:v8+s3+$0x0] =	vst.idx.add.f32.msk $0xffff, v9  }
0x116: {  	v8 =	vshll.u32 v4, $0x3;
	v4 =	vld.idx.msk [tilespmem:v4+s14+$0x0], $0xffff  }
0x117: {  	v42 =	vor.u32 v3, v14;
	v37 =	vld.idx.msk [tilespmem:v26+s14+$0x0], $0xffff  }
0x118: {  	v8 =	vor.u32 v3, v8;
	v9 =	vshll.u32 v6, $0x3;
	v30 =	vld.idx.msk [tilespmem:v30+s17+$0x0], $0xffff  }
0x119: {  	v9 =	vor.u32 v3, v9;
	v34 =	vld.idx.msk [tilespmem:v6+s14+$0x0], $0xffff  }
0x11a: {  	v18 =	vmul.f32 v21, v18;
	v12 =	vor.u32 v3, v12;
	v40 =	vld.idx.msk [tilespmem:v6+s13+$0x0], $0xffff  }
0x11b: {  	s24 =	simm.s32 $0x12;
	v23 =	vmul.f32 v23, v20;
	v20 =	vld.idx.msk [tilespmem:v26+s13+$0x0], $0xffff  }
0x11c: {  	v13 =	vmul.f32 v13, v15;
	v15 =	vor.u32 s24, v2;
	[tilespmem:v42+s3+$0x0] =	vst.idx.add.f32.msk $0xffff, v18  }
0x11d: {  	v8 =	vld.idx.msk [tilespmem:v8+s17+$0x0], $0xffff  }
0x11e: {  	s24 =	simm.s32 $0x1A;
	v63 =	vor.u32 v3, v17;
	v9 =	vld.idx.msk [tilespmem:v9+s17+$0x0], $0xffff  }
0x11f: {  	v11 =	vshll.u32 v15, $0x3;
	v31 =	vor.u32 s24, v2;
	[tilespmem:v12+s3+$0x0] =	vst.idx.add.f32.msk $0xffff, v13  }
0x120: {  	v11 =	vor.u32 v3, v11;
	v33 =	vshll.u32 v31, $0x3;
	v12 =	vld.idx.msk [tilespmem:v22+s14+$0x0], $0xffff  }
0x121: {  	s21 =	simm.s32 $0x14;
	v33 =	vor.u32 v3, v33;
	v28 =	vld.idx.msk [tilespmem:v15+s14+$0x0], $0xffff  }
0x122: {  	v13 =	vor.u32 s21, v2;
	v41 =	vld.idx.msk [tilespmem:v15+s13+$0x0], $0xffff  }
0x123: {  	[tilespmem:v63+s3+$0x0] =	vst.idx.add.f32.msk $0xffff, v23;
	v27 =	vshll.u32 v13, $0x3  }
0x124: {  	v35 =	vshll.u32 v22, $0x3;
	v39 =	vld.idx.msk [tilespmem:v31+s14+$0x0], $0xffff;
	v27 =	vor.u32 v3, v27  }
0x125: {  	v36 =	vld.idx.msk [tilespmem:v11+s17+$0x0], $0xffff;
	v11 =	vor.u32 v3, v16;
	v16 =	vor.u32 v3, v35  }
0x126: {  	v33 =	vld.idx.msk [tilespmem:v33+s17+$0x0], $0xffff  }
0x127: {  	v62 =	vld.idx.msk [tilespmem:v13+s14+$0x0], $0xffff  }
0x128: {  	v43 =	vld.idx.msk [tilespmem:v13+s13+$0x0], $0xffff  }
0x129: {  	v4 =	vmul.f32 v4, v8;
	v27 =	vld.idx.msk [tilespmem:v27+s17+$0x0], $0xffff  }
0x12a: {  	v16 =	vld.idx.msk [tilespmem:v16+s17+$0x0], $0xffff  }
0x12b: {  	v6 =	vmul.f32 v37, v30;
	v13 =	vor.u32 v3, v19;
	[tilespmem:v11+s3+$0x0] =	vst.idx.add.f32.msk $0xffff, v4  }
0x12c: {  	v4 =	vmul.f32 v10, v5;
	v5 =	vmul.f32 v24, v7;
	v10 =	vor.u32 v3, v25  }
0x12d: {  	v14 =	vld.idx.msk [tilespmem:v22+s13+$0x0], $0xffff;
	v19 =	vor.u32 v3, v40;
	v11 =	vmul.f32 v34, v9;
	v8 =	vmul.f32 v28, v36  }
0x12e: {  	v18 =	vor.u32 v3, v41;
	v9 =	vld.idx.msk [tilespmem:v29+s13+$0x0], $0xffff;
	v7 =	vmul.f32 v38, v32;
	v21 =	vmul.f32 v39, v33  }
0x12f: {  	s19 =	simm.s32 $0x8;
	s20 =	simm.s32 $0x2E;
	v17 =	vor.u32 v3, v43;
	v16 =	vmul.f32 v12, v16;
	v15 =	vmul.f32 v62, v27;
	v12 =	vld.idx.msk [tilespmem:v31+s13+$0x0], $0xffff  }
.LBB2_5:
0x130: {  	s21 =	sadd.s32 $0xFFFFFFF4, s20;
	s22 =	sadd.s32 $0xFFFFFFFE, s20;
	v22 =	vor.u32 s20, v2;
	s19 =	sadd.s32 $0x8, s19;
	v23 =	vor.u32 v3, v20;
	[tilespmem:v13+s3+$0x0] =	vst.idx.add.f32.msk $0xffff, v5;
	v5 =	vmov v21  }
0x131: {  	s23 =	sadd.s32 $0xFFFFFFF8, s20;
	v20 =	vor.u32 s21, v2;
	s21 =	sadd.s32 $0xFFFFFFF6, s20;
	v13 =	vor.u32 s22, v2;
	v21 =	vshll.u32 v22, $0x3;
	p0 =	slt.u32 s19, $0x1F8;
	[tilespmem:v10+s3+$0x0] =	vst.idx.add.f32.msk $0xffff, v4;
	v4 =	vmovc v16  }
0x132: {  	s22 =	sadd.s32 $0xFFFFFFF2, s20;
	v25 =	vor.u32 s23, v2;
	s23 =	sadd.s32 $0xFFFFFFFC, s20;
	v10 =	vshll.u32 v20, $0x3;
	v24 =	vor.u32 s21, v2;
	s21 =	sadd.s32 $0xFFFFFFFA, s20;
	[tilespmem:v19+s3+$0x0] =	vst.idx.add.f32.msk $0xffff, v11  }
0x133: {  	v16 =	vor.u32 s22, v2;
	v11 =	vshll.u32 v13, $0x3;
	v19 =	vor.u32 s21, v2;
	[tilespmem:v18+s3+$0x0] =	vst.idx.add.f32.msk $0xffff, v8  }
0x134: {  	v8 =	vshll.u32 v16, $0x3;
	v18 =	vor.u32 s23, v2;
	v11 =	vor.u32 v3, v11;
	[tilespmem:v17+s3+$0x0] =	vst.idx.add.f32.msk $0xffff, v15  }
0x135: {  	v15 =	vshll.u32 v24, $0x3;
	v17 =	vshll.u32 v25, $0x3;
	v26 =	vshll.u32 v19, $0x3;
	v27 =	vld.idx.msk [tilespmem:v22+s14+$0x0], $0xffff  }
0x136: {  	v28 =	vor.u32 v3, v10;
	v8 =	vor.u32 v3, v8;
	v10 =	vshll.u32 v18, $0x3;
	v29 =	vld.idx.msk [tilespmem:v13+s13+$0x0], $0xffff  }
0x137: {  	v15 =	vor.u32 v3, v15;
	v17 =	vor.u32 v3, v17;
	v26 =	vor.u32 v3, v26;
	v30 =	vld.idx.msk [tilespmem:v20+s14+$0x0], $0xffff  }
0x138: {  	v33 =	vor.u32 v3, v9;
	v21 =	vor.u32 v3, v21;
	v31 =	vor.u32 v3, v10;
	v32 =	vld.idx.msk [tilespmem:v13+s14+$0x0], $0xffff  }
0x139: {  	v10 =	vor.u32 v3, v14;
	v13 =	vor.u32 v3, v12;
	v9 =	vld.idx.msk [tilespmem:v11+s17+$0x0], $0xffff  }
0x13a: {  	v11 =	vld.idx.msk [tilespmem:v16+s14+$0x0], $0xffff  }
0x13b: {  	v8 =	vld.idx.msk [tilespmem:v8+s17+$0x0], $0xffff  }
0x13c: {  	v14 =	vor.u32 v3, v29;
	v12 =	vld.idx.msk [tilespmem:v28+s17+$0x0], $0xffff  }
0x13d: {  	v15 =	vld.idx.msk [tilespmem:v15+s17+$0x0], $0xffff  }
0x13e: {  	v17 =	vld.idx.msk [tilespmem:v17+s17+$0x0], $0xffff  }
0x13f: {  	v9 =	vmul.f32 v32, v9;
	v26 =	vld.idx.msk [tilespmem:v26+s17+$0x0], $0xffff  }
0x140: {  	v28 =	vld.idx.msk [tilespmem:v31+s17+$0x0], $0xffff  }
0x141: {  	v11 =	vmul.f32 v11, v8;
	[tilespmem:v14+s3+$0x0] =	vst.idx.add.f32.msk $0xffff, v9  }
0x142: {  	v8 =	vmul.f32 v30, v12;
	v9 =	vld.idx.msk [tilespmem:v21+s17+$0x0], $0xffff  }
0x143: {  	v12 =	vld.idx.msk [tilespmem:v24+s14+$0x0], $0xffff  }
0x144: {  	v14 =	vld.idx.msk [tilespmem:v25+s14+$0x0], $0xffff  }
0x145: {  	v21 =	vld.idx.msk [tilespmem:v19+s14+$0x0], $0xffff  }
0x146: {  	v29 =	vld.idx.msk [tilespmem:v18+s14+$0x0], $0xffff  }
0x147: {  	v30 =	vld.idx.msk [tilespmem:v16+s13+$0x0], $0xffff  }
0x148: {  	v16 =	vmul.f32 v27, v9;
	v31 =	vld.idx.msk [tilespmem:v20+s13+$0x0], $0xffff  }
0x149: {  	v15 =	vmul.f32 v12, v15;
	v24 =	vld.idx.msk [tilespmem:v24+s13+$0x0], $0xffff  }
0x14a: {  	v17 =	vmul.f32 v14, v17;
	v20 =	vld.idx.msk [tilespmem:v25+s13+$0x0], $0xffff  }
.Ltmp3:
0x14b: {  	v25 =	vmul.f32 v21, v26;
	v9 =	vld.idx.msk [tilespmem:v19+s13+$0x0], $0xffff;
	(pc) =	sbr.rel @p0 .LBB2_5-.Ltmp3, $4  }
0x14c: {  	v21 =	vmul.f32 v29, v28;
	v12 =	vld.idx.msk [tilespmem:v18+s13+$0x0], $0xffff  }
0x14d: {  	v19 =	vor.u32 v3, v30;
	v14 =	vld.idx.msk [tilespmem:v22+s13+$0x0], $0xffff  }
0x14e: {  	v18 =	vor.u32 v3, v31;
	[tilespmem:v23+s3+$0x0] =	vst.idx.add.f32.msk $0xffff, v6;
	v6 =	vmov v17  }
0x14f: {  	s20 =	sadd.s32 $0x10, s20;
	v17 =	vor.u32 v3, v24;
	[tilespmem:v33+s3+$0x0] =	vst.idx.add.f32.msk $0xffff, v7;
	v7 =	vmov v25  }
0x150: {  	_ =	sdelay $0x3  }
0x151: {  	v20 =	vor.u32 v3, v20;
	[tilespmem:v13+s3+$0x0] =	vst.idx.add.f32.msk $0xffff, v5  }
0x152: {  	[tilespmem:v10+s3+$0x0] =	vst.idx.add.f32.msk $0xffff, v4;
	v4 =	vor.u32 v3, v9  }
0x153: {  	[tilespmem:v19+s3+$0x0] =	vst.idx.add.f32.msk $0xffff, v11;
	v5 =	vor.u32 v3, v12  }
0x154: {  	[tilespmem:v18+s3+$0x0] =	vst.idx.add.f32.msk $0xffff, v8;
	p0 =	seq.s32 s18, $0x4E;
	v63 =	vor.u32 v3, v14  }
.Ltmp4:
0x155: {  	[tilespmem:v17+s3+$0x0] =	vst.idx.add.f32.msk $0xffff, v15;
	(pc) =	sbr.rel @p0 .LBB2_8-.Ltmp4, $4  }
0x156: {  	[tilespmem:v20+s3+$0x0] =	vst.idx.add.f32.msk $0xffff, v6  }
0x157: {  	[tilespmem:v4+s3+$0x0] =	vst.idx.add.f32.msk $0xffff, v7  }
0x158: {  	[tilespmem:v5+s3+$0x0] =	vst.idx.add.f32.msk $0xffff, v21  }
0x159: {  	s19 =	sshll.u32 s18, $0x8;
	[tilespmem:v63+s3+$0x0] =	vst.idx.add.f32.msk $0xffff, v16  }
0x15a: {  	s20 =	sadd.s32 $0x100, s19  }
0x15b: {  	s21 =	sadd.s32 s4, s20  }
0x15c: {  	[tilespmem:s12], [sflag:$0x1] =	stream.linear.gather [hbm4b:s21+s3], $0x400, $0x38;
	[tilespmem:$0x19800] =	vst v63  }
0x15d: {  	s22 =	sadd.s32 s5, s20  }
0x15e: {  	[tilespmem:s13], [sflag:$0x1] =	stream.linear.gather [hbm4b:s22+s3], $0x400, $0x38;
	[tilespmem:$0x19800] =	vst v63  }
0x15f: {  	s20 =	sadd.s32 s6, s20  }
0x160: {  	[tilespmem:s14], [sflag:$0x1] =	stream.linear.gather [hbm4b:s20+s3], $0x400, $0x38;
	[tilespmem:$0x19800] =	vst v63  }
0x161: {  	_ =	swait.ge [sflag:s15], $0x400  }
0x162: {  	[sflag:s15] =	ssyncset.done $0x0  }
0x163: {  	[sflag:s15] =	ssyncadd.s32 $0xFFFFFC00  }
0x164: {  	_ =	swait.ge [sflag:s15], $0x400  }
0x165: {  	[sflag:s15] =	ssyncset.done $0x0  }
0x166: {  	[sflag:s15] =	ssyncadd.s32 $0xFFFFFC00  }
0x167: {  	_ =	swait.ge [sflag:s15], $0x400  }
0x168: {  	[sflag:s15] =	ssyncset.done $0x0  }
0x169: {  	[sflag:s15] =	ssyncadd.s32 $0xFFFFFC00  }
0x16a: {  	v4 =	vld [tilespmem:$0x14000]  }
0x16b: {  	v5 =	vld [tilespmem:$0x14010]  }
0x16c: {  	v6 =	vld [tilespmem:$0x14020]  }
0x16d: {  	v7 =	vld [tilespmem:$0x14030]  }
0x16e: {  	v8 =	vld [tilespmem:$0x14040]  }
0x16f: {  	v9 =	vld [tilespmem:$0x14050];
	v4 =	vadd.s32 v0, v4  }
0x170: {  	[tilespmem:$0x14000] =	vst v4;
	v4 =	vadd.s32 v0, v5;
	v5 =	vld [tilespmem:$0x14060]  }
0x171: {  	v18 =	vld [tilespmem:$0x14070];
	[tilespmem:$0x14010] =	vst v4;
	v4 =	vadd.s32 v0, v6  }
0x172: {  	v19 =	vld [tilespmem:$0x14080];
	[tilespmem:$0x14020] =	vst v4;
	v4 =	vadd.s32 v0, v7  }
0x173: {  	v20 =	vld [tilespmem:$0x14090];
	[tilespmem:$0x14030] =	vst v4;
	v4 =	vadd.s32 v0, v8  }
0x174: {  	v21 =	vld [tilespmem:$0x140A0];
	[tilespmem:$0x14040] =	vst v4;
	v4 =	vadd.s32 v0, v9  }
0x175: {  	[tilespmem:$0x14050] =	vst v4;
	v4 =	vadd.s32 v0, v5;
	v5 =	vld [tilespmem:$0x140B0]  }
0x176: {  	v22 =	vld [tilespmem:$0x140C0];
	[tilespmem:$0x14060] =	vst v4;
	v4 =	vadd.s32 v0, v18  }
0x177: {  	v23 =	vld [tilespmem:$0x140D0];
	[tilespmem:$0x14070] =	vst v4;
	v4 =	vadd.s32 v0, v19  }
0x178: {  	v24 =	vld [tilespmem:$0x140E0];
	[tilespmem:$0x14080] =	vst v4;
	v4 =	vadd.s32 v0, v20  }
0x179: {  	v25 =	vld [tilespmem:$0x140F0];
	[tilespmem:$0x14090] =	vst v4;
	v4 =	vadd.s32 v0, v21  }
0x17a: {  	[tilespmem:$0x140A0] =	vst v4;
	v4 =	vadd.s32 v0, v5;
	v5 =	vld [tilespmem:$0x14100]  }
0x17b: {  	v26 =	vld [tilespmem:$0x14110];
	[tilespmem:$0x140B0] =	vst v4;
	v4 =	vadd.s32 v0, v22  }
0x17c: {  	v27 =	vld [tilespmem:$0x14120];
	[tilespmem:$0x140C0] =	vst v4;
	v4 =	vadd.s32 v0, v23  }
0x17d: {  	v28 =	vld [tilespmem:$0x14130];
	[tilespmem:$0x140D0] =	vst v4;
	v4 =	vadd.s32 v0, v24  }
0x17e: {  	v29 =	vld [tilespmem:$0x14140];
	[tilespmem:$0x140E0] =	vst v4;
	v4 =	vadd.s32 v0, v25  }
0x17f: {  	[tilespmem:$0x140F0] =	vst v4;
	v4 =	vadd.s32 v0, v5;
	v5 =	vld [tilespmem:$0x14150]  }
0x180: {  	v30 =	vld [tilespmem:$0x14160];
	[tilespmem:$0x14100] =	vst v4;
	v4 =	vadd.s32 v0, v26  }
0x181: {  	v31 =	vld [tilespmem:$0x14170];
	[tilespmem:$0x14110] =	vst v4;
	v4 =	vadd.s32 v0, v27  }
0x182: {  	v32 =	vld [tilespmem:$0x14180];
	[tilespmem:$0x14120] =	vst v4;
	v4 =	vadd.s32 v0, v28  }
0x183: {  	v33 =	vld [tilespmem:$0x14190];
	[tilespmem:$0x14130] =	vst v4;
	v4 =	vadd.s32 v0, v29  }
0x184: {  	[tilespmem:$0x14140] =	vst v4;
	v4 =	vadd.s32 v0, v5;
	v5 =	vld [tilespmem:$0x141A0]  }
0x185: {  	v34 =	vld [tilespmem:$0x141B0];
	[tilespmem:$0x14150] =	vst v4;
	v4 =	vadd.s32 v0, v30  }
0x186: {  	v35 =	vld [tilespmem:$0x141C0];
	[tilespmem:$0x14160] =	vst v4;
	v4 =	vadd.s32 v0, v31  }
0x187: {  	v36 =	vld [tilespmem:$0x141D0];
	[tilespmem:$0x14170] =	vst v4;
	v4 =	vadd.s32 v0, v32  }
0x188: {  	v37 =	vld [tilespmem:$0x141E0];
	[tilespmem:$0x14180] =	vst v4;
	v4 =	vadd.s32 v0, v33  }
0x189: {  	[tilespmem:$0x14190] =	vst v4;
	v4 =	vadd.s32 v0, v5;
	v5 =	vld [tilespmem:$0x141F0]  }
0x18a: {  	v38 =	vld [tilespmem:$0x14200];
	[tilespmem:$0x141A0] =	vst v4;
	v4 =	vadd.s32 v0, v34  }
0x18b: {  	v39 =	vld [tilespmem:$0x14210];
	[tilespmem:$0x141B0] =	vst v4;
	v4 =	vadd.s32 v0, v35  }
0x18c: {  	v40 =	vld [tilespmem:$0x14220];
	[tilespmem:$0x141C0] =	vst v4;
	v4 =	vadd.s32 v0, v36  }
0x18d: {  	v41 =	vld [tilespmem:$0x14230];
	[tilespmem:$0x141D0] =	vst v4;
	v4 =	vadd.s32 v0, v37  }
0x18e: {  	[tilespmem:$0x141E0] =	vst v4;
	v4 =	vadd.s32 v0, v5;
	v5 =	vld [tilespmem:$0x14240]  }
0x18f: {  	v42 =	vld [tilespmem:$0x14250];
	[tilespmem:$0x141F0] =	vst v4;
	v4 =	vadd.s32 v0, v38  }
0x190: {  	v43 =	vld [tilespmem:$0x14260];
	[tilespmem:$0x14200] =	vst v4;
	v4 =	vadd.s32 v0, v39  }
0x191: {  	v44 =	vld [tilespmem:$0x14270];
	[tilespmem:$0x14210] =	vst v4;
	v4 =	vadd.s32 v0, v40  }
0x192: {  	v45 =	vld [tilespmem:$0x14280];
	[tilespmem:$0x14220] =	vst v4;
	v4 =	vadd.s32 v0, v41  }
0x193: {  	[tilespmem:$0x14230] =	vst v4;
	v4 =	vadd.s32 v0, v5;
	v5 =	vld [tilespmem:$0x14290]  }
0x194: {  	v46 =	vld [tilespmem:$0x142A0];
	[tilespmem:$0x14240] =	vst v4;
	v4 =	vadd.s32 v0, v42  }
0x195: {  	v47 =	vld [tilespmem:$0x142B0];
	[tilespmem:$0x14250] =	vst v4;
	v4 =	vadd.s32 v0, v43  }
0x196: {  	v48 =	vld [tilespmem:$0x142C0];
	[tilespmem:$0x14260] =	vst v4;
	v4 =	vadd.s32 v0, v44  }
0x197: {  	v49 =	vld [tilespmem:$0x142D0];
	[tilespmem:$0x14270] =	vst v4;
	v4 =	vadd.s32 v0, v45  }
0x198: {  	[tilespmem:$0x14280] =	vst v4;
	v4 =	vadd.s32 v0, v5;
	v5 =	vld [tilespmem:$0x142E0]  }
0x199: {  	v50 =	vld [tilespmem:$0x142F0];
	[tilespmem:$0x14290] =	vst v4;
	v4 =	vadd.s32 v0, v46  }
0x19a: {  	v51 =	vld [tilespmem:$0x14300];
	[tilespmem:$0x142A0] =	vst v4;
	v4 =	vadd.s32 v0, v47  }
0x19b: {  	v52 =	vld [tilespmem:$0x14310];
	[tilespmem:$0x142B0] =	vst v4;
	v4 =	vadd.s32 v0, v48  }
0x19c: {  	v53 =	vld [tilespmem:$0x14320];
	[tilespmem:$0x142C0] =	vst v4;
	v4 =	vadd.s32 v0, v49  }
0x19d: {  	[tilespmem:$0x142D0] =	vst v4;
	v4 =	vadd.s32 v0, v5;
	v5 =	vld [tilespmem:$0x14330]  }
0x19e: {  	v54 =	vld [tilespmem:$0x14340];
	[tilespmem:$0x142E0] =	vst v4;
	v4 =	vadd.s32 v0, v50  }
0x19f: {  	v55 =	vld [tilespmem:$0x14350];
	[tilespmem:$0x142F0] =	vst v4;
	v4 =	vadd.s32 v0, v51  }
0x1a0: {  	v56 =	vld [tilespmem:$0x14360];
	[tilespmem:$0x14300] =	vst v4;
	v4 =	vadd.s32 v0, v52  }
0x1a1: {  	v57 =	vld [tilespmem:$0x14370];
	[tilespmem:$0x14310] =	vst v4;
	v4 =	vadd.s32 v0, v53  }
0x1a2: {  	[tilespmem:$0x14320] =	vst v4;
	v4 =	vadd.s32 v0, v5;
	v5 =	vld [tilespmem:$0x14380]  }
0x1a3: {  	v58 =	vld [tilespmem:$0x14390];
	[tilespmem:$0x14330] =	vst v4;
	v4 =	vadd.s32 v0, v54  }
0x1a4: {  	v59 =	vld [tilespmem:$0x143A0];
	[tilespmem:$0x14340] =	vst v4;
	v4 =	vadd.s32 v0, v55  }
0x1a5: {  	v60 =	vld [tilespmem:$0x143B0];
	[tilespmem:$0x14350] =	vst v4;
	v4 =	vadd.s32 v0, v56  }
0x1a6: {  	v61 =	vld [tilespmem:$0x143C0];
	[tilespmem:$0x14360] =	vst v4;
	v4 =	vadd.s32 v0, v57  }
0x1a7: {  	[tilespmem:$0x14370] =	vst v4;
	v4 =	vadd.s32 v0, v5;
	v5 =	vld [tilespmem:$0x143D0]  }
0x1a8: {  	v62 =	vld [tilespmem:$0x143E0];
	[tilespmem:$0x14380] =	vst v4;
	v4 =	vadd.s32 v0, v58  }
0x1a9: {  	v63 =	vld [tilespmem:$0x143F0];
	[tilespmem:$0x14390] =	vst v4;
	v4 =	vadd.s32 v0, v59  }
0x1aa: {  	[tilespmem:$0x143A0] =	vst v4;
	v4 =	vadd.s32 v0, v60  }
0x1ab: {  	[tilespmem:$0x143B0] =	vst v4;
	v4 =	vadd.s32 v0, v61  }
0x1ac: {  	[tilespmem:$0x143C0] =	vst v4;
	v4 =	vadd.s32 v0, v5  }
0x1ad: {  	[tilespmem:$0x143D0] =	vst v4;
	v4 =	vadd.s32 v0, v62  }
0x1ae: {  	[tilespmem:$0x143E0] =	vst v4;
	v4 =	vadd.s32 v0, v63  }
0x1af: {  	[tilespmem:$0x143F0] =	vst v4  }
0x1b0: {  	[tilespmem:s17], [sflag:$0x3] =	stream.indirect.gather [hbm4b:s1+s16], $0x8, s12, s16, $0xb8;
	[tilespmem:$0x19800] =	vst v63  }
0x1b1: {  	s23 =	simm.s32 $0x14080;
	s24 =	simm.s32 $0x15C00  }
0x1b2: {  	[tilespmem:s24], [sflag:$0x3] =	stream.indirect.gather [hbm4b:s1+s16], $0x8, s23, s16, $0xb8;
	[tilespmem:$0x19800] =	vst v63  }
0x1b3: {  	s21 =	simm.s32 $0x14100;
	s22 =	simm.s32 $0x16000  }
0x1b4: {  	[tilespmem:s22], [sflag:$0x3] =	stream.indirect.gather [hbm4b:s1+s16], $0x8, s21, s16, $0xb8;
	[tilespmem:$0x19800] =	vst v63  }
0x1b5: {  	s23 =	simm.s32 $0x14180;
	s24 =	simm.s32 $0x16400  }
0x1b6: {  	[tilespmem:s24], [sflag:$0x3] =	stream.indirect.gather [hbm4b:s1+s16], $0x8, s23, s16, $0xb8;
	[tilespmem:$0x19800] =	vst v63  }
0x1b7: {  	s21 =	simm.s32 $0x14200;
	s22 =	simm.s32 $0x16800  }
0x1b8: {  	[tilespmem:s22], [sflag:$0x3] =	stream.indirect.gather [hbm4b:s1+s16], $0x8, s21, s16, $0xb8;
	[tilespmem:$0x19800] =	vst v63  }
0x1b9: {  	s23 =	simm.s32 $0x14280;
	s24 =	simm.s32 $0x16C00  }
0x1ba: {  	[tilespmem:s24], [sflag:$0x3] =	stream.indirect.gather [hbm4b:s1+s16], $0x8, s23, s16, $0xb8;
	[tilespmem:$0x19800] =	vst v63  }
0x1bb: {  	s21 =	simm.s32 $0x14300;
	s22 =	simm.s32 $0x17000  }
0x1bc: {  	[tilespmem:s22], [sflag:$0x3] =	stream.indirect.gather [hbm4b:s1+s16], $0x8, s21, s16, $0xb8;
	[tilespmem:$0x19800] =	vst v63  }
0x1bd: {  	s23 =	simm.s32 $0x14380;
	s24 =	simm.s32 $0x17400  }
0x1be: {  	[tilespmem:s24], [sflag:$0x3] =	stream.indirect.gather [hbm4b:s1+s16], $0x8, s23, s16, $0xb8;
	[tilespmem:$0x19800] =	vst v63  }
.LBB2_8:
0x1bf: {  	s20 =	simm.s32 $0xE  }
0x1c0: {  	s21 =	simm.s32 $0xC;
	v4 =	vor.u32 s20, v2  }
0x1c1: {  	s23 =	simm.s32 $0x2;
	v5 =	vor.u32 s21, v2  }
0x1c2: {  	_ =	swait.ge [sflag:s11], $0x2000;
	v6 =	vor.u32 s23, v2  }
0x1c3: {  	s24 =	simm.s32 $0x0;
	[sflag:s11] =	ssyncset.done $0x0  }
0x1c4: {  	v8 =	vor.u32 s24, v2;
	[sflag:s11] =	ssyncadd.s32 $0xFFFFE000  }
0x1c5: {  	v10 =	vld.idx.msk [tilespmem:v4+s8+$0x0], $0xffff  }
0x1c6: {  	v13 =	vld.idx.msk [tilespmem:v5+s7+$0x0], $0xffff  }
0x1c7: {  	s24 =	simm.s32 $0xA;
	v16 =	vld.idx.msk [tilespmem:v6+s8+$0x0], $0xffff  }
0x1c8: {  	v7 =	vshll.u32 v5, $0x3;
	v19 =	vor.u32 s24, v2;
	v5 =	vld.idx.msk [tilespmem:v5+s8+$0x0], $0xffff  }
0x1c9: {  	v22 =	vld.idx.msk [tilespmem:v8+s8+$0x0], $0xffff  }
0x1ca: {  	s22 =	simm.s32 $0x6;
	v9 =	vshll.u32 v8, $0x3;
	v7 =	vor.u32 v3, v7;
	v8 =	vld.idx.msk [tilespmem:v8+s7+$0x0], $0xffff  }
0x1cb: {  	s21 =	simm.s32 $0x4;
	v14 =	vor.u32 s22, v2;
	v11 =	vshll.u32 v6, $0x3;
	v9 =	vor.u32 v3, v9;
	v6 =	vld.idx.msk [tilespmem:v6+s7+$0x0], $0xffff  }
0x1cc: {  	s23 =	simm.s32 $0x8;
	v12 =	vor.u32 s21, v2;
	v18 =	vshll.u32 v14, $0x3;
	v11 =	vor.u32 v3, v11;
	v25 =	vld.idx.msk [tilespmem:v4+s7+$0x0], $0xffff  }
0x1cd: {  	v17 =	vor.u32 s23, v2;
	v15 =	vshll.u32 v12, $0x3;
	v18 =	vor.u32 v3, v18;
	v24 =	vld.idx.msk [tilespmem:v19+s8+$0x0], $0xffff  }
0x1ce: {  	s22 =	simm.s32 $0x1C;
	v20 =	vshll.u32 v17, $0x3;
	v21 =	vshll.u32 v19, $0x3;
	v15 =	vor.u32 v3, v15;
	v19 =	vld.idx.msk [tilespmem:v19+s7+$0x0], $0xffff  }
0x1cf: {  	v23 =	vshll.u32 v4, $0x3;
	v20 =	vor.u32 v3, v20;
	v4 =	vor.u32 s22, v2;
	s22 =	simm.s32 $0x16;
	v7 =	vld.idx.msk [tilespmem:v7+s10+$0x0], $0xffff  }
0x1d0: {  	v26 =	vor.u32 s22, v2;
	v9 =	vld.idx.msk [tilespmem:v9+s10+$0x0], $0xffff  }
0x1d1: {  	v21 =	vor.u32 v3, v21;
	v11 =	vld.idx.msk [tilespmem:v11+s10+$0x0], $0xffff  }
0x1d2: {  	v18 =	vld.idx.msk [tilespmem:v18+s10+$0x0], $0xffff  }
0x1d3: {  	v15 =	vld.idx.msk [tilespmem:v15+s10+$0x0], $0xffff  }
0x1d4: {  	v30 =	vshll.u32 v26, $0x3;
	v20 =	vld.idx.msk [tilespmem:v20+s10+$0x0], $0xffff  }
0x1d5: {  	v30 =	vor.u32 v3, v30;
	v37 =	vld.idx.msk [tilespmem:v26+s8+$0x0], $0xffff  }
0x1d6: {  	v13 =	vor.u32 v3, v13;
	v5 =	vmul.f32 v5, v7;
	v7 =	vld.idx.msk [tilespmem:v21+s10+$0x0], $0xffff  }
0x1d7: {  	v23 =	vor.u32 v3, v23;
	v21 =	vld.idx.msk [tilespmem:v14+s8+$0x0], $0xffff  }
0x1d8: {  	v14 =	vld.idx.msk [tilespmem:v14+s7+$0x0], $0xffff  }
0x1d9: {  	v11 =	vmul.f32 v16, v11;
	v16 =	vld.idx.msk [tilespmem:v4+s7+$0x0], $0xffff  }
0x1da: {  	v6 =	vor.u32 v3, v6;
	v30 =	vld.idx.msk [tilespmem:v30+s10+$0x0], $0xffff  }
0x1db: {  	[tilespmem:v13+s3+$0x0] =	vst.idx.add.f32.msk $0xffff, v5  }
0x1dc: {  	v8 =	vor.u32 v3, v8;
	v5 =	vld.idx.msk [tilespmem:v23+s10+$0x0], $0xffff  }
0x1dd: {  	v13 =	vld.idx.msk [tilespmem:v12+s8+$0x0], $0xffff  }
0x1de: {  	s24 =	simm.s32 $0x10;
	v12 =	vld.idx.msk [tilespmem:v12+s7+$0x0], $0xffff  }
0x1df: {  	v9 =	vmul.f32 v22, v9;
	[tilespmem:v6+s3+$0x0] =	vst.idx.add.f32.msk $0xffff, v11;
	v6 =	vor.u32 s24, v2  }
0x1e0: {  	v23 =	vld.idx.msk [tilespmem:v17+s8+$0x0], $0xffff  }
0x1e1: {  	[tilespmem:v8+s3+$0x0] =	vst.idx.add.f32.msk $0xffff, v9;
	v8 =	vshll.u32 v4, $0x3  }
0x1e2: {  	v17 =	vld.idx.msk [tilespmem:v17+s7+$0x0], $0xffff;
	s24 =	simm.s32 $0x1A;
	v8 =	vor.u32 v3, v8  }
0x1e3: {  	v4 =	vld.idx.msk [tilespmem:v4+s8+$0x0], $0xffff;
	v9 =	vshll.u32 v6, $0x3;
	v31 =	vor.u32 s24, v2  }
0x1e4: {  	v9 =	vor.u32 v3, v9;
	v34 =	vld.idx.msk [tilespmem:v6+s8+$0x0], $0xffff  }
0x1e5: {  	v33 =	vshll.u32 v31, $0x3;
	v42 =	vor.u32 v3, v14;
	v40 =	vld.idx.msk [tilespmem:v6+s7+$0x0], $0xffff  }
0x1e6: {  	v33 =	vor.u32 v3, v33;
	v23 =	vmul.f32 v23, v20;
	v20 =	vld.idx.msk [tilespmem:v26+s7+$0x0], $0xffff  }
0x1e7: {  	s21 =	simm.s32 $0x1E;
	v12 =	vor.u32 v3, v12;
	v8 =	vld.idx.msk [tilespmem:v8+s10+$0x0], $0xffff  }
0x1e8: {  	s23 =	simm.s32 $0x12;
	v22 =	vor.u32 s21, v2;
	v18 =	vmul.f32 v21, v18;
	v39 =	vld.idx.msk [tilespmem:v31+s8+$0x0], $0xffff  }
0x1e9: {  	v13 =	vmul.f32 v13, v15;
	v15 =	vor.u32 s23, v2;
	v9 =	vld.idx.msk [tilespmem:v9+s10+$0x0], $0xffff  }
0x1ea: {  	s23 =	simm.s32 $0x18;
	[tilespmem:v42+s3+$0x0] =	vst.idx.add.f32.msk $0xffff, v18  }
0x1eb: {  	v11 =	vshll.u32 v15, $0x3;
	v29 =	vor.u32 s23, v2;
	v33 =	vld.idx.msk [tilespmem:v33+s10+$0x0], $0xffff  }
0x1ec: {  	v11 =	vor.u32 v3, v11;
	v32 =	vshll.u32 v29, $0x3;
	[tilespmem:v12+s3+$0x0] =	vst.idx.add.f32.msk $0xffff, v13  }
0x1ed: {  	s21 =	simm.s32 $0x14;
	v32 =	vor.u32 v3, v32;
	v12 =	vld.idx.msk [tilespmem:v22+s8+$0x0], $0xffff  }
0x1ee: {  	v13 =	vor.u32 s21, v2;
	v28 =	vld.idx.msk [tilespmem:v15+s8+$0x0], $0xffff  }
0x1ef: {  	v41 =	vld.idx.msk [tilespmem:v15+s7+$0x0], $0xffff;
	v27 =	vshll.u32 v13, $0x3  }
0x1f0: {  	v35 =	vshll.u32 v22, $0x3;
	v38 =	vld.idx.msk [tilespmem:v29+s8+$0x0], $0xffff;
	v27 =	vor.u32 v3, v27  }
0x1f1: {  	v36 =	vld.idx.msk [tilespmem:v11+s10+$0x0], $0xffff;
	v11 =	vor.u32 v3, v16;
	v16 =	vor.u32 v3, v35  }
0x1f2: {  	v63 =	vor.u32 v3, v17;
	v32 =	vld.idx.msk [tilespmem:v32+s10+$0x0], $0xffff  }
0x1f3: {  	v62 =	vld.idx.msk [tilespmem:v13+s8+$0x0], $0xffff  }
0x1f4: {  	v43 =	vld.idx.msk [tilespmem:v13+s7+$0x0], $0xffff  }
0x1f5: {  	v27 =	vld.idx.msk [tilespmem:v27+s10+$0x0], $0xffff  }
0x1f6: {  	v6 =	vmul.f32 v37, v30;
	v4 =	vmul.f32 v4, v8;
	v16 =	vld.idx.msk [tilespmem:v16+s10+$0x0], $0xffff  }
0x1f7: {  	[tilespmem:v63+s3+$0x0] =	vst.idx.add.f32.msk $0xffff, v23;
	v21 =	vmul.f32 v39, v33;
	v13 =	vor.u32 v3, v19  }
0x1f8: {  	[tilespmem:v11+s3+$0x0] =	vst.idx.add.f32.msk $0xffff, v4;
	v4 =	vmul.f32 v10, v5;
	v10 =	vor.u32 v3, v25  }
0x1f9: {  	v14 =	vld.idx.msk [tilespmem:v22+s7+$0x0], $0xffff;
	v19 =	vor.u32 v3, v40;
	v5 =	vmul.f32 v24, v7;
	v11 =	vmul.f32 v34, v9  }
0x1fa: {  	v18 =	vor.u32 v3, v41;
	v8 =	vmul.f32 v28, v36;
	v9 =	vld.idx.msk [tilespmem:v29+s7+$0x0], $0xffff;
	v7 =	vmul.f32 v38, v32  }
0x1fb: {  	s20 =	simm.s32 $0x8;
	s21 =	simm.s32 $0x2E;
	v17 =	vor.u32 v3, v43;
	v16 =	vmul.f32 v12, v16;
	v15 =	vmul.f32 v62, v27;
	v12 =	vld.idx.msk [tilespmem:v31+s7+$0x0], $0xffff  }
.LBB2_9:
0x1fc: {  	s22 =	sadd.s32 $0xFFFFFFF4, s21;
	s23 =	sadd.s32 $0xFFFFFFFE, s21;
	v22 =	vor.u32 s21, v2;
	s20 =	sadd.s32 $0x8, s20;
	v23 =	vor.u32 v3, v20;
	[tilespmem:v13+s3+$0x0] =	vst.idx.add.f32.msk $0xffff, v5;
	v5 =	vmov v21  }
0x1fd: {  	s24 =	sadd.s32 $0xFFFFFFF8, s21;
	v20 =	vor.u32 s22, v2;
	s22 =	sadd.s32 $0xFFFFFFF6, s21;
	v13 =	vor.u32 s23, v2;
	v21 =	vshll.u32 v22, $0x3;
	p1 =	slt.u32 s20, $0x1F8;
	[tilespmem:v10+s3+$0x0] =	vst.idx.add.f32.msk $0xffff, v4;
	v4 =	vmovc v16  }
0x1fe: {  	s23 =	sadd.s32 $0xFFFFFFF2, s21;
	v25 =	vor.u32 s24, v2;
	s24 =	sadd.s32 $0xFFFFFFFC, s21;
	v10 =	vshll.u32 v20, $0x3;
	v24 =	vor.u32 s22, v2;
	s22 =	sadd.s32 $0xFFFFFFFA, s21;
	[tilespmem:v19+s3+$0x0] =	vst.idx.add.f32.msk $0xffff, v11  }
0x1ff: {  	v16 =	vor.u32 s23, v2;
	v11 =	vshll.u32 v13, $0x3;
	v19 =	vor.u32 s22, v2;
	[tilespmem:v18+s3+$0x0] =	vst.idx.add.f32.msk $0xffff, v8  }
0x200: {  	v8 =	vshll.u32 v16, $0x3;
	v18 =	vor.u32 s24, v2;
	v11 =	vor.u32 v3, v11;
	[tilespmem:v17+s3+$0x0] =	vst.idx.add.f32.msk $0xffff, v15  }
0x201: {  	v15 =	vshll.u32 v24, $0x3;
	v17 =	vshll.u32 v25, $0x3;
	v26 =	vshll.u32 v19, $0x3;
	v27 =	vld.idx.msk [tilespmem:v22+s8+$0x0], $0xffff  }
0x202: {  	v28 =	vor.u32 v3, v10;
	v8 =	vor.u32 v3, v8;
	v10 =	vshll.u32 v18, $0x3;
	v29 =	vld.idx.msk [tilespmem:v13+s7+$0x0], $0xffff  }
0x203: {  	v15 =	vor.u32 v3, v15;
	v17 =	vor.u32 v3, v17;
	v26 =	vor.u32 v3, v26;
	v30 =	vld.idx.msk [tilespmem:v20+s8+$0x0], $0xffff  }
0x204: {  	v33 =	vor.u32 v3, v9;
	v21 =	vor.u32 v3, v21;
	v31 =	vor.u32 v3, v10;
	v32 =	vld.idx.msk [tilespmem:v13+s8+$0x0], $0xffff  }
0x205: {  	v10 =	vor.u32 v3, v14;
	v13 =	vor.u32 v3, v12;
	v9 =	vld.idx.msk [tilespmem:v11+s10+$0x0], $0xffff  }
0x206: {  	v11 =	vld.idx.msk [tilespmem:v16+s8+$0x0], $0xffff  }
0x207: {  	v8 =	vld.idx.msk [tilespmem:v8+s10+$0x0], $0xffff  }
0x208: {  	v14 =	vor.u32 v3, v29;
	v12 =	vld.idx.msk [tilespmem:v28+s10+$0x0], $0xffff  }
0x209: {  	v15 =	vld.idx.msk [tilespmem:v15+s10+$0x0], $0xffff  }
0x20a: {  	v17 =	vld.idx.msk [tilespmem:v17+s10+$0x0], $0xffff  }
0x20b: {  	v9 =	vmul.f32 v32, v9;
	v26 =	vld.idx.msk [tilespmem:v26+s10+$0x0], $0xffff  }
0x20c: {  	v28 =	vld.idx.msk [tilespmem:v31+s10+$0x0], $0xffff  }
0x20d: {  	v11 =	vmul.f32 v11, v8;
	[tilespmem:v14+s3+$0x0] =	vst.idx.add.f32.msk $0xffff, v9  }
0x20e: {  	v8 =	vmul.f32 v30, v12;
	v9 =	vld.idx.msk [tilespmem:v21+s10+$0x0], $0xffff  }
0x20f: {  	v12 =	vld.idx.msk [tilespmem:v24+s8+$0x0], $0xffff  }
0x210: {  	v14 =	vld.idx.msk [tilespmem:v25+s8+$0x0], $0xffff  }
0x211: {  	v21 =	vld.idx.msk [tilespmem:v19+s8+$0x0], $0xffff  }
0x212: {  	v29 =	vld.idx.msk [tilespmem:v18+s8+$0x0], $0xffff  }
0x213: {  	v30 =	vld.idx.msk [tilespmem:v16+s7+$0x0], $0xffff  }
0x214: {  	v16 =	vmul.f32 v27, v9;
	v31 =	vld.idx.msk [tilespmem:v20+s7+$0x0], $0xffff  }
0x215: {  	v15 =	vmul.f32 v12, v15;
	v24 =	vld.idx.msk [tilespmem:v24+s7+$0x0], $0xffff  }
0x216: {  	v17 =	vmul.f32 v14, v17;
	v20 =	vld.idx.msk [tilespmem:v25+s7+$0x0], $0xffff  }
.Ltmp5:
0x217: {  	v25 =	vmul.f32 v21, v26;
	v9 =	vld.idx.msk [tilespmem:v19+s7+$0x0], $0xffff;
	(pc) =	sbr.rel @p1 .LBB2_9-.Ltmp5, $4  }
0x218: {  	v21 =	vmul.f32 v29, v28;
	v12 =	vld.idx.msk [tilespmem:v18+s7+$0x0], $0xffff  }
0x219: {  	v19 =	vor.u32 v3, v30;
	v14 =	vld.idx.msk [tilespmem:v22+s7+$0x0], $0xffff  }
0x21a: {  	v18 =	vor.u32 v3, v31;
	[tilespmem:v23+s3+$0x0] =	vst.idx.add.f32.msk $0xffff, v6;
	v6 =	vmov v17  }
0x21b: {  	s21 =	sadd.s32 $0x10, s21;
	v17 =	vor.u32 v3, v24;
	[tilespmem:v33+s3+$0x0] =	vst.idx.add.f32.msk $0xffff, v7;
	v7 =	vmov v25  }
0x21c: {  	_ =	sdelay $0x3  }
0x21d: {  	v20 =	vor.u32 v3, v20;
	[tilespmem:v13+s3+$0x0] =	vst.idx.add.f32.msk $0xffff, v5  }
0x21e: {  	[tilespmem:v10+s3+$0x0] =	vst.idx.add.f32.msk $0xffff, v4;
	v4 =	vor.u32 v3, v9  }
0x21f: {  	[tilespmem:v19+s3+$0x0] =	vst.idx.add.f32.msk $0xffff, v11;
	v5 =	vor.u32 v3, v12  }
0x220: {  	[tilespmem:v18+s3+$0x0] =	vst.idx.add.f32.msk $0xffff, v8;
	v63 =	vor.u32 v3, v14  }
.Ltmp6:
0x221: {  	[tilespmem:v17+s3+$0x0] =	vst.idx.add.f32.msk $0xffff, v15;
	(pc) =	sbr.rel @p0 .LBB2_12-.Ltmp6, $4  }
0x222: {  	[tilespmem:v20+s3+$0x0] =	vst.idx.add.f32.msk $0xffff, v6  }
0x223: {  	[tilespmem:v4+s3+$0x0] =	vst.idx.add.f32.msk $0xffff, v7  }
0x224: {  	[tilespmem:v5+s3+$0x0] =	vst.idx.add.f32.msk $0xffff, v21  }
0x225: {  	[tilespmem:v63+s3+$0x0] =	vst.idx.add.f32.msk $0xffff, v16  }
0x226: {  	s19 =	sadd.s32 $0x180, s19  }
0x227: {  	s20 =	sadd.s32 s4, s19  }
0x228: {  	[tilespmem:s2], [sflag:$0x2] =	stream.linear.gather [hbm4b:s20+s3], $0x400, $0x38;
	[tilespmem:$0x19800] =	vst v63  }
.Ltmp7:
0x229: {  	_ = 	snop;
	(pc) =	sbr.rel .LBB2_4-.Ltmp7, $4  }
0x22a: {  	s24 =	sadd.s32 s5, s19  }
0x22b: {  	[tilespmem:s7], [sflag:$0x2] =	stream.linear.gather [hbm4b:s24+s3], $0x400, $0x38;
	[tilespmem:$0x19800] =	vst v63  }
0x22c: {  	s18 =	sadd.s32 $0x1, s18;
	s19 =	sadd.s32 s6, s19  }
0x22d: {  	[tilespmem:s8], [sflag:$0x2] =	stream.linear.gather [hbm4b:s19+s3], $0x400, $0x38;
	[tilespmem:$0x19800] =	vst v63  }
.LBB2_13:
0x22e: {  	_ =	sfence.sel $0x180000  }
0x22f: {  	[bflag:$0x0] =	sbarrier.arrive $0xFFFF  }
0x230: {  	_ =	strace $0x9000004A  }
0x231: {  	s0 =	stileid.u32;
	[bflag:$0x2] =	sbarrier.arrive $0xFFFF  }
0x232: {  	p0 =	sne.s32 s0, $0x0;
	s0 =	rddreg [dreg:$0x2]  }
0x233: {  	s0 =	sadd.s32 @!p0 $0x100000, s0  }
0x234: {  	[sflag:s0] =	ssyncadd.tile.s32 @!p0 $0x1;
	_ =	shalt  }
.Lfunc_end2:
_tile_overlayer_lowered:
.L_overlay_start_2:
0x235: {  	(tag) =	ssettag $0x2  }
0x236: {  	s0 =	rddreg [dreg:$0x0];
	s2 =	stileid.u32  }
0x237: {  	s1 =	rddreg [dreg:$0x1];
	p0 =	sne.s32 s2, $0x0  }
0x238: {  	s3 =	rddreg [dreg:$0x2];
	[bflag:$0x3] =	sbarrier.arrive $0xFFFF;
	s2 =	simm.s32 @!p0 $0x1C05  }
0x239: {  	[timem:s3], [sflag:s2] =	dma.local @!p0 [hbm:s0], s1  }
0x23a: {  	s0 =	simm.s32 @!p0 $0x5  }
0x23b: {  	_ =	swait.ge @!p0 [sflag:s0], s1  }
0x23c: {  	s1 =	ssub.s32 @!p0 $0x0, s1;
	[sflag:s0] =	ssyncset.done @!p0 $0x0  }
0x23d: {  	[sflag:s0] =	ssyncadd.s32 @!p0 s1  }
0x23e: {  	[bflag:$0x3] =	sbarrier.arrive $0xFFFF  }
0x23f: {  	_ =	shalt  }

</sc_bundles>
